<compile_context>
chip_gen: v7x
topology: tpu7x:2x2x1
jax: 0.10.2.dev20260603
libtpu: 0.0.44.dev20260713+nightly
codegen_flags: <defaults>
</compile_context>

<pallas_src>
import jax
import jax.numpy as jnp
from jax import lax
from jax.experimental import pallas as pl
from jax.experimental.pallas import tpu as pltpu
from jax.experimental.pallas import tpu_sc as plsc

N = 10000
E = 160000
H = 128
F_IN = 256
NC = 2
NS = 16
K1, K2, K3 = 8000, 6400, 5120
NPAD = 10240
BR = NPAD // 128

def _mesh():
    return plsc.VectorSubcoreMesh(
        core_axis_name="c", subcore_axis_name="s",
        num_cores=NC, num_subcores=NS)



ECH = 80
NCHK = E // NS // ECH
NHALF = NPAD // 2
TRASH = 256
AROWS = NHALF + TRASH
ZR = AROWS // NS
WR = NHALF // NS


def _edge_pass(c, s, x_hbm, out_hbm, zero_hbm, src_v, dst_v, dstm, bufs,
               agg_s, gsems, ssems):
    pltpu.sync_copy(zero_hbm.at[pl.ds(s * ZR, ZR)],
                    agg_s.at[pl.ds(s * ZR, ZR)])
    plsc.subcore_barrier()
    base = c * NHALF

    def remap(j, dref):
        for g in range(ECH // 16):
            d = dst_v[j, pl.ds(g * 16, 16)]
            idx = d - base
            ok = (idx >= 0) & (idx < NHALF)
            trash = NHALF + (d & (TRASH - 1))
            dref[pl.ds(g * 16, 16)] = jnp.where(ok, idx, trash)

    def gfire(sl, j):
        pltpu.async_copy(x_hbm.at[src_v.at[j]], bufs[sl], gsems[sl])

    def gwait(sl, j):
        pltpu.make_async_copy(x_hbm.at[src_v.at[j]], bufs[sl],
                              gsems[sl]).wait()

    def sfire(sl):
        pltpu.async_copy(bufs[sl], agg_s.at[dstm[sl]], ssems[sl], add=True)

    def swait(sl):
        pltpu.make_async_copy(bufs[sl], agg_s.at[dstm[sl]], ssems[sl]).wait()

    gfire(0, 0)
    gfire(1, 1)

    def group(i, carry):
        q0 = 4 * i
        for sl in range(4):
            q = q0 + sl
            sl2 = (sl + 2) % 4
            gwait(sl, q)
            remap(q, dstm[sl])
            sfire(sl)

            @pl.when(jnp.logical_and(q >= 2, q + 2 < NCHK))
            def _():
                swait(sl2)

            @pl.when(q + 2 < NCHK)
            def _():
                gfire(sl2, q + 2)
        return carry

    lax.fori_loop(0, NCHK // 4, group, 0)
    gwait(0, NCHK - 1)
    remap(NCHK - 1, dstm[0])
    sfire(0)
    for sl in range(4):
        swait(sl)
    plsc.subcore_barrier()
    pltpu.sync_copy(agg_s.at[pl.ds(s * WR, WR)],
                    out_hbm.at[pl.ds(c * NHALF + s * WR, WR)])
    plsc.subcore_barrier()


def _edge_l1_body(x0_hbm, x1_hbm, src_hbm, dst_hbm, zero_hbm,
                  a0_hbm, a1_hbm, src_v, dst_v,
                  dstm0, dstm1, dstm2, dstm3, buf0, buf1, buf2, buf3,
                  agg_s, g0, g1, g2, g3, s0, s1, s2, s3):
    c = lax.axis_index("c")
    s = lax.axis_index("s")
    pltpu.sync_copy(src_hbm.at[s], src_v)
    pltpu.sync_copy(dst_hbm.at[s], dst_v)
    dstm = (dstm0, dstm1, dstm2, dstm3)
    bufs = (buf0, buf1, buf2, buf3)
    gsems = (g0, g1, g2, g3)
    ssems = (s0, s1, s2, s3)
    _edge_pass(c, s, x0_hbm, a0_hbm, zero_hbm, src_v, dst_v, dstm, bufs,
               agg_s, gsems, ssems)
    _edge_pass(c, s, x1_hbm, a1_hbm, zero_hbm, src_v, dst_v, dstm, bufs,
               agg_s, gsems, ssems)


def _edge_l23_body(x_hbm, src_hbm, dst_hbm, zero_hbm, a_hbm,
                   src_v, dst_v,
                   dstm0, dstm1, dstm2, dstm3, buf0, buf1, buf2, buf3,
                   agg_s, g0, g1, g2, g3, s0, s1, s2, s3):
    c = lax.axis_index("c")
    s = lax.axis_index("s")
    pltpu.sync_copy(src_hbm.at[s], src_v)
    pltpu.sync_copy(dst_hbm.at[s], dst_v)
    dstm = (dstm0, dstm1, dstm2, dstm3)
    bufs = (buf0, buf1, buf2, buf3)
    gsems = (g0, g1, g2, g3)
    ssems = (s0, s1, s2, s3)
    _edge_pass(c, s, x_hbm, a_hbm, zero_hbm, src_v, dst_v, dstm, bufs,
               agg_s, gsems, ssems)


def _edge_scratch():
    return ([
        pltpu.VMEM((NCHK, ECH), jnp.int32),
        pltpu.VMEM((NCHK, ECH), jnp.int32),
    ] + [pltpu.VMEM((ECH,), jnp.int32) for _ in range(4)]
      + [pltpu.VMEM((ECH, H), jnp.float32) for _ in range(4)]
      + [pltpu.VMEM_SHARED((AROWS, H), jnp.float32)]
      + [pltpu.SemaphoreType.DMA for _ in range(8)])


def _edge_l1(x0, x1, src3, dst3, zeros):
    f = pl.kernel(
        _edge_l1_body,
        out_type=(jax.ShapeDtypeStruct((NPAD, H), jnp.float32),
                  jax.ShapeDtypeStruct((NPAD, H), jnp.float32)),
        mesh=_mesh(),
        scratch_types=_edge_scratch(),
    )
    return f(x0, x1, src3, dst3, zeros)


def _edge_l23(x, src3, dst3, zeros):
    f = pl.kernel(
        _edge_l23_body,
        out_type=jax.ShapeDtypeStruct((NPAD, H), jnp.float32),
        mesh=_mesh(),
        scratch_types=_edge_scratch(),
    )
    return f(x, src3, dst3, zeros)



def _monokey(score):
    s = score + 0.0
    u = lax.bitcast_convert_type(s, jnp.uint32)
    neg = (u >> 31) == jnp.uint32(1)
    return jnp.where(neg, ~u, u | jnp.uint32(0x80000000))


def _combine1_kernel(a0_ref, a1_ref, x_ref, wrelt_ref,
                     wroott_ref, b_ref, p_ref, h_ref, score_ref, key_ref):
    agg = jnp.concatenate([a0_ref[0:N, :], a1_ref[0:N, :]], axis=1)
    a = jnp.dot(agg, wrelt_ref[...], preferred_element_type=jnp.float32)
    h = jnp.maximum(
        a + b_ref[...] + jnp.dot(x_ref[...], wroott_ref[...],
                                 preferred_element_type=jnp.float32), 0.0)
    h_ref[...] = h
    p = p_ref[...]
    nrm = jnp.sqrt(jnp.sum(p * p)) + 1e-16
    sr = jnp.dot(h, jnp.reshape(p, (H, 1)),
                 preferred_element_type=jnp.float32)
    score = jnp.tanh(sr / nrm)
    score_ref[...] = score
    key_ref[...] = _monokey(score)


def _combine23_kernel(a_ref, hm_ref, wrelt_ref, wroott_ref,
                      b_ref, p_ref, alive_ref, h_ref, score_ref, key_ref):
    agg = a_ref[0:N, :]
    h = jnp.maximum(
        jnp.dot(agg, wrelt_ref[...], preferred_element_type=jnp.float32)
        + b_ref[...]
        + jnp.dot(hm_ref[...], wroott_ref[...],
                  preferred_element_type=jnp.float32), 0.0)
    h_ref[...] = h
    p = p_ref[...]
    nrm = jnp.sqrt(jnp.sum(p * p)) + 1e-16
    sr = jnp.dot(h, jnp.reshape(p, (H, 1)),
                 preferred_element_type=jnp.float32)
    score = jnp.tanh(sr / nrm)
    score_ref[...] = score
    key_ref[...] = jnp.where(alive_ref[...] > 0.0, _monokey(score),
                             jnp.uint32(0))


def _bisect_theta(u2d, eq2, m):
    def body(_, lohi):
        lo, hi = lohi
        mid = lo + ((hi - lo) >> 1)
        c = jnp.sum((eq2 & (u2d > mid)).astype(jnp.int32))
        sel = c <= (m - 1)
        return (jnp.where(sel, lo, mid + 1), jnp.where(sel, mid, hi))
    lo, hi = lax.fori_loop(
        0, 32, body, (jnp.uint32(0), jnp.uint32(0xFFFFFFFF)))
    return hi


def _make_pool_kernel(k, nlevels):
    def kern(*refs):
        h_ref = refs[0]
        score_ref = refs[1]
        keyn = refs[2:2 + nlevels]
        key2 = refs[2 + nlevels:2 + 2 * nlevels]
        hm_ref, alive_ref, ro_ref = refs[2 + 2 * nlevels:]

        eq2 = jnp.ones((BR, 128), bool)
        m = jnp.int32(k)
        thetas = []
        for u_ref in key2:
            u2d = u_ref[...]
            theta = _bisect_theta(u2d, eq2, m)
            gt = eq2 & (u2d > theta)
            m = m - jnp.sum(gt.astype(jnp.int32))
            eq2 = eq2 & (u2d == theta)
            thetas.append(theta)

        idx2 = (lax.broadcasted_iota(jnp.int32, (BR, 128), 0) * 128
                + lax.broadcasted_iota(jnp.int32, (BR, 128), 1))

        def ibody(_, lohi):
            lo, hi = lohi
            mid = lo + ((hi - lo) >> 1)
            c = jnp.sum((eq2 & (idx2 < mid)).astype(jnp.int32))
            sel = c >= m
            return (jnp.where(sel, lo, mid + 1), jnp.where(sel, mid, hi))
        _, cut = lax.fori_loop(0, 15, ibody, (jnp.int32(0), jnp.int32(16384)))

        Mn = jnp.zeros((N, 1), bool)
        eqn = jnp.ones((N, 1), bool)
        for u_ref, theta in zip(keyn, thetas):
            un = u_ref[...]
            Mn = Mn | (eqn & (un > theta))
            eqn = eqn & (un == theta)
        idxn = lax.broadcasted_iota(jnp.int32, (N, 1), 0)
        Mn = Mn | (eqn & (idxn < cut))

        hm = (h_ref[...] * score_ref[...]) * Mn.astype(jnp.float32)
        hm_ref[...] = hm
        alive_ref[...] = Mn.astype(jnp.float32)
        rmax = jnp.max(jnp.where(Mn, hm, -jnp.inf), axis=0, keepdims=True)
        rmean = jnp.sum(hm, axis=0, keepdims=True) / k
        ro_ref[...] = jnp.concatenate([rmax, rmean], axis=1)
    return kern


def _pool(h, score, keyn_list, key2_list, k):
    nlevels = len(keyn_list)
    f = pl.pallas_call(
        _make_pool_kernel(k, nlevels),
        out_shape=(jax.ShapeDtypeStruct((N, H), jnp.float32),
                   jax.ShapeDtypeStruct((N, 1), jnp.float32),
                   jax.ShapeDtypeStruct((1, 2 * H), jnp.float32)),
    )
    return f(h, score, *keyn_list, *key2_list)


def _mlp_kernel(ro1_ref, ro2_ref, ro3_ref, wl1t_ref, bl1_ref, wl2t_ref,
                bl2_ref, wl3t_ref, bl3_ref, logits_ref, prob_ref, yhat_ref):
    z = ro1_ref[...] + ro2_ref[...] + ro3_ref[...]
    z = jnp.maximum(jnp.dot(z, wl1t_ref[...],
                            preferred_element_type=jnp.float32)
                    + bl1_ref[...], 0.0)
    z = jnp.maximum(jnp.dot(z, wl2t_ref[...],
                            preferred_element_type=jnp.float32)
                    + bl2_ref[...], 0.0)
    logits = jnp.dot(z, wl3t_ref[...],
                     preferred_element_type=jnp.float32) + bl3_ref[...]
    logits_ref[...] = logits
    mx = jnp.max(logits, axis=1, keepdims=True)
    ex = jnp.exp(logits - mx)
    prob_ref[...] = ex / jnp.sum(ex, axis=1, keepdims=True)
    yhat_ref[...] = (logits[:, 1:2] > logits[:, 0:1]).astype(jnp.int32)


def _mlp(ro1, ro2, ro3, wl1t, bl1, wl2t, bl2, wl3t, bl3):
    f = pl.pallas_call(
        _mlp_kernel,
        out_shape=(jax.ShapeDtypeStruct((1, 2), jnp.float32),
                   jax.ShapeDtypeStruct((1, 2), jnp.float32),
                   jax.ShapeDtypeStruct((1, 1), jnp.int32)),
    )
    return f(ro1, ro2, ro3, wl1t, bl1, wl2t, bl2, wl3t, bl3)


def _combine1(a0, a1, x, wrelt, wroott, b, p):
    f = pl.pallas_call(
        _combine1_kernel,
        out_shape=(jax.ShapeDtypeStruct((N, H), jnp.float32),
                   jax.ShapeDtypeStruct((N, 1), jnp.float32),
                   jax.ShapeDtypeStruct((N, 1), jnp.uint32)),
    )
    return f(a0, a1, x, wrelt, wroott, b, p)


def _combine23(a, hm, wrelt, wroott, b, p, alive):
    f = pl.pallas_call(
        _combine23_kernel,
        out_shape=(jax.ShapeDtypeStruct((N, H), jnp.float32),
                   jax.ShapeDtypeStruct((N, 1), jnp.float32),
                   jax.ShapeDtypeStruct((N, 1), jnp.uint32)),
    )
    return f(a, hm, wrelt, wroott, b, p, alive)


def _to2d(key):
    v = jnp.pad(jnp.reshape(key, (N,)), (0, NPAD - N))
    return jnp.reshape(v, (BR, 128))


def kernel(x, adj, Wrel1, Wroot1, b1, p1, Wrel2, Wroot2, b2, p2,
           Wrel3, Wroot3, b3, p3, Wl1, bl1, Wl2, bl2, Wl3, bl3):
    src = adj[0].astype(jnp.int32)
    dst = adj[1].astype(jnp.int32)
    zeros = jnp.zeros((AROWS, H), jnp.float32)

    src16 = jnp.reshape(src, (NS, NCHK, ECH))
    dst16 = jnp.reshape(dst, (NS, NCHK, ECH))

    a0, a1 = _edge_l1(x[:, 0:H], x[:, H:F_IN], src16, dst16, zeros)
    h, score, key1 = _combine1(a0, a1, x, Wrel1.T, Wroot1.T,
                               jnp.reshape(b1, (1, H)), jnp.reshape(p1, (1, H)))
    hm, alive, ro1 = _pool(h, score, [key1], [_to2d(key1)], K1)

    a = _edge_l23(hm, src16, dst16, zeros)
    h, score, key2 = _combine23(a, hm, Wrel2.T, Wroot2.T,
                                jnp.reshape(b2, (1, H)),
                                jnp.reshape(p2, (1, H)), alive)
    hm, alive, ro2 = _pool(h, score, [key2, key1],
                           [_to2d(key2), _to2d(key1)], K2)

    a = _edge_l23(hm, src16, dst16, zeros)
    h, score, key3 = _combine23(a, hm, Wrel3.T, Wroot3.T,
                                jnp.reshape(b3, (1, H)),
                                jnp.reshape(p3, (1, H)), alive)
    hm, alive, ro3 = _pool(h, score, [key3, key2, key1],
                           [_to2d(key3), _to2d(key2), _to2d(key1)], K3)

    logits, prob, yhat = _mlp(ro1, ro2, ro3, Wl1.T, jnp.reshape(bl1, (1, 128)),
                              Wl2.T, jnp.reshape(bl2, (1, 64)),
                              Wl3.T, jnp.reshape(bl3, (1, 2)))
    return (logits, prob, yhat)

# --- scband reference (transcript-rebuilt; emitter-appended) ---
"""Pipeline reference for scband-graph-model-72103910965361 (READ-ONLY COPY).

The authoritative reference and input builder live on the scoring server;
editing this copy changes nothing except your own understanding.
"""

import jax, jax.numpy as jnp
import numpy as np

N = 10000
E = 160000
F_IN = 256
H = 128
RATIO = 0.8

def _graph_conv(x, src, dst, mask, Wrel, Wroot, b):
    # PyG GraphConv: out = lin_rel(sum_{j in N(i)} x_j) + lin_root(x_i)
    msg = x[src] * mask[:, None].astype(x.dtype)
    agg = jax.ops.segment_sum(msg, dst, num_segments=x.shape[0])
    return agg @ Wrel.T + b + x @ Wroot.T

def _topk_pool(x, src, dst, mask, p):
    # PyG TopKPooling (single graph, batch=None): score = tanh(x.p/||p||), keep top ceil(ratio*n)
    n = x.shape[0]
    score = jnp.tanh((x @ p) / (jnp.linalg.norm(p) + 1e-16))
    k = int(np.ceil(RATIO * n))
    _, perm = jax.lax.top_k(score, k)
    x_new = x[perm] * score[perm][:, None]
    new_idx = jnp.full((n,), -1, dtype=jnp.int32).at[perm].set(jnp.arange(k, dtype=jnp.int32))
    ns = new_idx[src]
    nd = new_idx[dst]
    valid = mask & (ns >= 0) & (nd >= 0)
    # keep static edge count; invalid edges remapped to node 0 and zeroed via mask
    return x_new, jnp.where(valid, ns, 0), jnp.where(valid, nd, 0), valid

def _readout(h):
    # cat([global_max_pool, global_mean_pool]) for a single graph
    return jnp.concatenate([jnp.max(h, axis=0, keepdims=True), jnp.mean(h, axis=0, keepdims=True)], axis=1)

def setup_inputs(seed: int = 0):
    key = jax.random.key(seed)
    ks = jax.random.split(key, 24)
    s = 0.05
    inp = {
        "x": jax.random.normal(ks[0], (N, F_IN), dtype=jnp.float32),
        "adj": jax.random.randint(ks[1], (2, E), 0, N),
        "Wrel1": jax.random.normal(ks[2], (H, F_IN), dtype=jnp.float32) * s,
        "Wroot1": jax.random.normal(ks[3], (H, F_IN), dtype=jnp.float32) * s,
        "b1": jnp.zeros((H,), dtype=jnp.float32),
        "p1": jax.random.normal(ks[4], (H,), dtype=jnp.float32),
        "Wrel2": jax.random.normal(ks[5], (H, H), dtype=jnp.float32) * s,
        "Wroot2": jax.random.normal(ks[6], (H, H), dtype=jnp.float32) * s,
        "b2": jnp.zeros((H,), dtype=jnp.float32),
        "p2": jax.random.normal(ks[7], (H,), dtype=jnp.float32),
        "Wrel3": jax.random.normal(ks[8], (H, H), dtype=jnp.float32) * s,
        "Wroot3": jax.random.normal(ks[9], (H, H), dtype=jnp.float32) * s,
        "b3": jnp.zeros((H,), dtype=jnp.float32),
        "p3": jax.random.normal(ks[10], (H,), dtype=jnp.float32),
        "Wl1": jax.random.normal(ks[11], (128, 256), dtype=jnp.float32) * s,
        "bl1": jnp.zeros((128,), dtype=jnp.float32),
        "Wl2": jax.random.normal(ks[12], (64, 128), dtype=jnp.float32) * s,
        "bl2": jnp.zeros((64,), dtype=jnp.float32),
        "Wl3": jax.random.normal(ks[13], (2, 64), dtype=jnp.float32) * s,
        "bl3": jnp.zeros((2,), dtype=jnp.float32),
    }
    return inp

def reference(x, adj, Wrel1, Wroot1, b1, p1, Wrel2, Wroot2, b2, p2, Wrel3, Wroot3, b3, p3, Wl1, bl1, Wl2, bl2, Wl3, bl3):
    src, dst = adj[0], adj[1]
    mask = jnp.ones((src.shape[0],), dtype=bool)
    h = jax.nn.relu(_graph_conv(x, src, dst, mask, Wrel1, Wroot1, b1))
    h, src, dst, mask = _topk_pool(h, src, dst, mask, p1)
    x1 = _readout(h)
    h = jax.nn.relu(_graph_conv(h, src, dst, mask, Wrel2, Wroot2, b2))
    h, src, dst, mask = _topk_pool(h, src, dst, mask, p2)
    x2 = _readout(h)
    h = jax.nn.relu(_graph_conv(h, src, dst, mask, Wrel3, Wroot3, b3))
    h, src, dst, mask = _topk_pool(h, src, dst, mask, p3)
    x3 = _readout(h)
    z = x1 + x2 + x3
    # dropout with training=False is identity
    z = jax.nn.relu(z @ Wl1.T + bl1)
    z = jax.nn.relu(z @ Wl2.T + bl2)
    logits = z @ Wl3.T + bl3
    Y_prob = jax.nn.softmax(logits, axis=1)
    Y_hat = jnp.argmax(logits, axis=1)[:, None]
    return (logits, Y_prob, Y_hat)

if __name__ == "__main__":
    import jax
    _d = setup_inputs()
    print(jax.jit(kernel)(*tuple(_d.values())))

</pallas_src>

<mosaic_0001>
#map = affine_map<(d0, d1) -> (0, 0)>
#map1 = affine_map<(d0, d1) -> (0, 0, 0)>
module attributes {stable_mosaic.version = 14 : i64} {
  func.func @_edge_l1_body(%arg0: i32, %arg1: i32, %arg2: memref<10000x128xf32, #tpu.memory_space<hbm>>, %arg3: memref<10000x128xf32, #tpu.memory_space<hbm>>, %arg4: memref<16x125x80xi32, #tpu.memory_space<hbm>>, %arg5: memref<16x125x80xi32, #tpu.memory_space<hbm>>, %arg6: memref<5376x128xf32, #tpu.memory_space<hbm>>, %arg7: memref<10240x128xf32, #tpu.memory_space<hbm>>, %arg8: memref<10240x128xf32, #tpu.memory_space<hbm>>, %arg9: memref<125x80xi32, #tpu.memory_space<vmem>>, %arg10: memref<125x80xi32, #tpu.memory_space<vmem>>, %arg11: memref<80xi32, #tpu.memory_space<vmem>>, %arg12: memref<80xi32, #tpu.memory_space<vmem>>, %arg13: memref<80xi32, #tpu.memory_space<vmem>>, %arg14: memref<80xi32, #tpu.memory_space<vmem>>, %arg15: memref<80x128xf32, #tpu.memory_space<vmem>>, %arg16: memref<80x128xf32, #tpu.memory_space<vmem>>, %arg17: memref<80x128xf32, #tpu.memory_space<vmem>>, %arg18: memref<80x128xf32, #tpu.memory_space<vmem>>, %arg19: memref<5376x128xf32, #tpu.memory_space<vmem_shared>>, %arg20: memref<!tpu.dma_semaphore, #tpu.memory_space<semaphore_mem>>, %arg21: memref<!tpu.dma_semaphore, #tpu.memory_space<semaphore_mem>>, %arg22: memref<!tpu.dma_semaphore, #tpu.memory_space<semaphore_mem>>, %arg23: memref<!tpu.dma_semaphore, #tpu.memory_space<semaphore_mem>>, %arg24: memref<!tpu.dma_semaphore, #tpu.memory_space<semaphore_mem>>, %arg25: memref<!tpu.dma_semaphore, #tpu.memory_space<semaphore_mem>>, %arg26: memref<!tpu.dma_semaphore, #tpu.memory_space<semaphore_mem>>, %arg27: memref<!tpu.dma_semaphore, #tpu.memory_space<semaphore_mem>>) attributes {dimension_semantics = [#tpu.dimension_semantics<core_parallel>, #tpu.dimension_semantics<subcore_parallel>], iteration_bounds = array<i64: 2, 16>, scalar_prefetch = 0 : i64, scratch_operands = 19 : i64, tpu.core_type = #tpu.core_type<sc_vector_subcore>, window_params = [{transform_indices = #map}, {transform_indices = #map}, {transform_indices = #map1}, {transform_indices = #map1}, {transform_indices = #map}, {transform_indices = #map}, {transform_indices = #map}]} {
    "tpu.region"() ({
      %run_scoped3A = tpu.sem_alloc : memref<!tpu.dma_semaphore, #tpu.memory_space<semaphore_mem>>
      %dma_start3A_353 = arith.constant 0 : i32
      %dma_start3A_354 = arith.constant 0 : i32
      %dma_start3A_355 = tpu.memref_slice %arg4[%arg1, %dma_start3A_353, %dma_start3A_354] : memref<16x125x80xi32, #tpu.memory_space<hbm>> -> memref<1x125x80xi32, #tpu.memory_space<hbm>>
      %dma_start3A_356 = tpu.memref_squeeze %dma_start3A_355 : memref<1x125x80xi32, #tpu.memory_space<hbm>> -> memref<125x80xi32, #tpu.memory_space<hbm>>
      %dma_start3A_357 = arith.constant 0 : i32
      %dma_start3A_358 = arith.constant 0 : i32
      %dma_start3A_359 = tpu.memref_slice %arg4[%arg1, %dma_start3A_357, %dma_start3A_358] : memref<16x125x80xi32, #tpu.memory_space<hbm>> -> memref<1x125x80xi32, #tpu.memory_space<hbm>>
      %dma_start3A_360 = tpu.memref_squeeze %dma_start3A_359 : memref<1x125x80xi32, #tpu.memory_space<hbm>> -> memref<125x80xi32, #tpu.memory_space<hbm>>
      tpu.enqueue_dma source(%dma_start3A_360 : memref<125x80xi32, #tpu.memory_space<hbm>>) target(%arg9 : memref<125x80xi32, #tpu.memory_space<vmem>>) target_semaphore(%run_scoped3A : memref<!tpu.dma_semaphore, #tpu.memory_space<semaphore_mem>>)
      %dma_wait3A_361 = arith.constant 0 : i32
      %dma_wait3A_362 = arith.constant 0 : i32
      %dma_wait3A_363 = tpu.memref_slice %arg4[%arg1, %dma_wait3A_361, %dma_wait3A_362] : memref<16x125x80xi32, #tpu.memory_space<hbm>> -> memref<1x125x80xi32, #tpu.memory_space<hbm>>
      %dma_wait3A_364 = tpu.memref_squeeze %dma_wait3A_363 : memref<1x125x80xi32, #tpu.memory_space<hbm>> -> memref<125x80xi32, #tpu.memory_space<hbm>>
      %dma_wait3A_365 = arith.constant 0 : i32
      %dma_wait3A_366 = arith.constant 0 : i32
      %dma_wait3A_367 = tpu.memref_slice %arg4[%arg1, %dma_wait3A_365, %dma_wait3A_366] : memref<16x125x80xi32, #tpu.memory_space<hbm>> -> memref<1x125x80xi32, #tpu.memory_space<hbm>>
      %dma_wait3A_368 = tpu.memref_squeeze %dma_wait3A_367 : memref<1x125x80xi32, #tpu.memory_space<hbm>> -> memref<125x80xi32, #tpu.memory_space<hbm>>
      tpu.wait_dma2 semaphore(%run_scoped3A : memref<!tpu.dma_semaphore, #tpu.memory_space<semaphore_mem>>) src(%dma_wait3A_368 : memref<125x80xi32, #tpu.memory_space<hbm>>) dst(%arg9 : memref<125x80xi32, #tpu.memory_space<vmem>>)
      tpu.yield
    }) : () -> ()
    "tpu.region"() ({
      %run_scoped3A = tpu.sem_alloc : memref<!tpu.dma_semaphore, #tpu.memory_space<semaphore_mem>>
      %dma_start3A_353 = arith.constant 0 : i32
      %dma_start3A_354 = arith.constant 0 : i32
      %dma_start3A_355 = tpu.memref_slice %arg5[%arg1, %dma_start3A_353, %dma_start3A_354] : memref<16x125x80xi32, #tpu.memory_space<hbm>> -> memref<1x125x80xi32, #tpu.memory_space<hbm>>
      %dma_start3A_356 = tpu.memref_squeeze %dma_start3A_355 : memref<1x125x80xi32, #tpu.memory_space<hbm>> -> memref<125x80xi32, #tpu.memory_space<hbm>>
      %dma_start3A_357 = arith.constant 0 : i32
      %dma_start3A_358 = arith.constant 0 : i32
      %dma_start3A_359 = tpu.memref_slice %arg5[%arg1, %dma_start3A_357, %dma_start3A_358] : memref<16x125x80xi32, #tpu.memory_space<hbm>> -> memref<1x125x80xi32, #tpu.memory_space<hbm>>
      %dma_start3A_360 = tpu.memref_squeeze %dma_start3A_359 : memref<1x125x80xi32, #tpu.memory_space<hbm>> -> memref<125x80xi32, #tpu.memory_space<hbm>>
      tpu.enqueue_dma source(%dma_start3A_360 : memref<125x80xi32, #tpu.memory_space<hbm>>) target(%arg10 : memref<125x80xi32, #tpu.memory_space<vmem>>) target_semaphore(%run_scoped3A : memref<!tpu.dma_semaphore, #tpu.memory_space<semaphore_mem>>)
      %dma_wait3A_361 = arith.constant 0 : i32
      %dma_wait3A_362 = arith.constant 0 : i32
      %dma_wait3A_363 = tpu.memref_slice %arg5[%arg1, %dma_wait3A_361, %dma_wait3A_362] : memref<16x125x80xi32, #tpu.memory_space<hbm>> -> memref<1x125x80xi32, #tpu.memory_space<hbm>>
      %dma_wait3A_364 = tpu.memref_squeeze %dma_wait3A_363 : memref<1x125x80xi32, #tpu.memory_space<hbm>> -> memref<125x80xi32, #tpu.memory_space<hbm>>
      %dma_wait3A_365 = arith.constant 0 : i32
      %dma_wait3A_366 = arith.constant 0 : i32
      %dma_wait3A_367 = tpu.memref_slice %arg5[%arg1, %dma_wait3A_365, %dma_wait3A_366] : memref<16x125x80xi32, #tpu.memory_space<hbm>> -> memref<1x125x80xi32, #tpu.memory_space<hbm>>
      %dma_wait3A_368 = tpu.memref_squeeze %dma_wait3A_367 : memref<1x125x80xi32, #tpu.memory_space<hbm>> -> memref<125x80xi32, #tpu.memory_space<hbm>>
      tpu.wait_dma2 semaphore(%run_scoped3A : memref<!tpu.dma_semaphore, #tpu.memory_space<semaphore_mem>>) src(%dma_wait3A_368 : memref<125x80xi32, #tpu.memory_space<hbm>>) dst(%arg10 : memref<125x80xi32, #tpu.memory_space<vmem>>)
      tpu.yield
    }) : () -> ()
    %mul3A = arith.constant 336 : i32
    %mul3A_0 = arith.muli %arg1, %mul3A : i32
    %mul3A_1 = arith.constant 336 : i32
    %mul3A_2 = arith.muli %arg1, %mul3A_1 : i32
    "tpu.region"() ({
      %run_scoped3A = tpu.sem_alloc : memref<!tpu.dma_semaphore, #tpu.memory_space<semaphore_mem>>
      %dma_start3A_353 = arith.constant 0 : i32
      %dma_start3A_354 = tpu.memref_slice %arg19[%mul3A_2, %dma_start3A_353] : memref<5376x128xf32, #tpu.memory_space<vmem_shared>> -> memref<336x128xf32, #tpu.memory_space<vmem_shared>>
      %dma_start3A_355 = arith.constant 0 : i32
      %dma_start3A_356 = tpu.memref_slice %arg6[%mul3A_0, %dma_start3A_355] : memref<5376x128xf32, #tpu.memory_space<hbm>> -> memref<336x128xf32, #tpu.memory_space<hbm>>
      tpu.enqueue_dma source(%dma_start3A_356 : memref<336x128xf32, #tpu.memory_space<hbm>>) target(%dma_start3A_354 : memref<336x128xf32, #tpu.memory_space<vmem_shared>>) target_semaphore(%run_scoped3A : memref<!tpu.dma_semaphore, #tpu.memory_space<semaphore_mem>>)
      %dma_wait3A_357 = arith.constant 0 : i32
      %dma_wait3A_358 = tpu.memref_slice %arg19[%mul3A_2, %dma_wait3A_357] : memref<5376x128xf32, #tpu.memory_space<vmem_shared>> -> memref<336x128xf32, #tpu.memory_space<vmem_shared>>
      %dma_wait3A_359 = arith.constant 0 : i32
      %dma_wait3A_360 = tpu.memref_slice %arg6[%mul3A_0, %dma_wait3A_359] : memref<5376x128xf32, #tpu.memory_space<hbm>> -> memref<336x128xf32, #tpu.memory_space<hbm>>
      tpu.wait_dma2 semaphore(%run_scoped3A : memref<!tpu.dma_semaphore, #tpu.memory_space<semaphore_mem>>) src(%dma_wait3A_360 : memref<336x128xf32, #tpu.memory_space<hbm>>) dst(%dma_wait3A_358 : memref<336x128xf32, #tpu.memory_space<vmem_shared>>)
      tpu.yield
    }) : () -> ()
    %barrier3A = arith.constant 0 : index
    tpu.barrier barrier_id(%barrier3A)
    %mul3A_3 = arith.constant 5120 : i32
    %mul3A_4 = arith.muli %arg0, %mul3A_3 : i32
    %dma_start3A = arith.constant 0 : i32
    %dma_start3A_5 = arith.constant 0 : i32
    %dma_start3A_6 = tpu.memref_slice %arg9[%dma_start3A, %dma_start3A_5] : memref<125x80xi32, #tpu.memory_space<vmem>> -> memref<1x80xi32, #tpu.memory_space<vmem>>
    %dma_start3A_7 = tpu.memref_squeeze %dma_start3A_6 : memref<1x80xi32, #tpu.memory_space<vmem>> -> memref<80xi32, #tpu.memory_space<vmem>>
    %dma_start3A_8 = arith.constant 0 : i32
    %dma_start3A_9 = arith.constant 0 : i32
    %dma_start3A_10 = tpu.memref_slice %arg2[%dma_start3A_8, %dma_start3A_9] : memref<10000x128xf32, #tpu.memory_space<hbm>> -> memref<10000x128xf32, #tpu.memory_space<hbm>>
    tpu.enqueue_indirect_dma source(%dma_start3A_10 : memref<10000x128xf32, #tpu.memory_space<hbm>>) target(%arg15 : memref<80x128xf32, #tpu.memory_space<vmem>>) offsets(%dma_start3A_7 : memref<80xi32, #tpu.memory_space<vmem>>) semaphore(%arg20 : memref<!tpu.dma_semaphore, #tpu.memory_space<semaphore_mem>>)
    %dma_start3A_11 = arith.constant 1 : i32
    %dma_start3A_12 = arith.constant 0 : i32
    %dma_start3A_13 = tpu.memref_slice %arg9[%dma_start3A_11, %dma_start3A_12] : memref<125x80xi32, #tpu.memory_space<vmem>> -> memref<1x80xi32, #tpu.memory_space<vmem>>
    %dma_start3A_14 = tpu.memref_squeeze %dma_start3A_13 : memref<1x80xi32, #tpu.memory_space<vmem>> -> memref<80xi32, #tpu.memory_space<vmem>>
    %dma_start3A_15 = arith.constant 0 : i32
    %dma_start3A_16 = arith.constant 0 : i32
    %dma_start3A_17 = tpu.memref_slice %arg2[%dma_start3A_15, %dma_start3A_16] : memref<10000x128xf32, #tpu.memory_space<hbm>> -> memref<10000x128xf32, #tpu.memory_space<hbm>>
    tpu.enqueue_indirect_dma source(%dma_start3A_17 : memref<10000x128xf32, #tpu.memory_space<hbm>>) target(%arg16 : memref<80x128xf32, #tpu.memory_space<vmem>>) offsets(%dma_start3A_14 : memref<80xi32, #tpu.memory_space<vmem>>) semaphore(%arg21 : memref<!tpu.dma_semaphore, #tpu.memory_space<semaphore_mem>>)
    %scan3A = arith.constant 0 : i32
    %scan3A_18 = arith.constant 0 : i32
    %scan3A_19 = arith.constant 31 : i32
    %scan3A_20 = arith.addi %scan3A_18, %scan3A_19 : i32
    %scan3A_21 = arith.constant 1 : i32
    scf.for %scan3A_353 = %scan3A_18 to %scan3A_20 step %scan3A_21  : i32 {
      %mul3A_354 = arith.constant 4 : i32
      %mul3A_355 = arith.muli %mul3A_354, %scan3A_353 : i32
      %add3A_356 = arith.constant 0 : i32
      %add3A_357 = arith.addi %mul3A_355, %add3A_356 : i32
      %dma_wait3A_358 = arith.constant 0 : i32
      %dma_wait3A_359 = tpu.memref_slice %arg9[%add3A_357, %dma_wait3A_358] : memref<125x80xi32, #tpu.memory_space<vmem>> -> memref<1x80xi32, #tpu.memory_space<vmem>>
      %dma_wait3A_360 = tpu.memref_squeeze %dma_wait3A_359 : memref<1x80xi32, #tpu.memory_space<vmem>> -> memref<80xi32, #tpu.memory_space<vmem>>
      %dma_wait3A_361 = arith.constant 0 : i32
      %dma_wait3A_362 = arith.constant 0 : i32
      %dma_wait3A_363 = tpu.memref_slice %arg2[%dma_wait3A_361, %dma_wait3A_362] : memref<10000x128xf32, #tpu.memory_space<hbm>> -> memref<10000x128xf32, #tpu.memory_space<hbm>>
      tpu.wait_indirect_dma semaphore(%arg20 : memref<!tpu.dma_semaphore, #tpu.memory_space<semaphore_mem>>) src(%dma_wait3A_363 : memref<10000x128xf32, #tpu.memory_space<hbm>>) dst(%arg15 : memref<80x128xf32, #tpu.memory_space<vmem>>)
      %get3A_364 = arith.index_cast %add3A_357 : i32 to index
      %get3A_365 = arith.constant 0 : index
      %get3A_366 = tpu.vector_load %arg10[%get3A_364, %get3A_365] {strides = array<i32>} : memref<125x80xi32, #tpu.memory_space<vmem>>, vector<1x16xi32>,
      %get3A_367 = vector.shape_cast %get3A_366 : vector<1x16xi32> to vector<16xi32>
      %sub3A_368 = vector.broadcast %mul3A_4 : i32 to vector<16xi32>
      %sub3A_369 = arith.subi %get3A_367, %sub3A_368 : vector<16xi32>
      %ge3A_370 = arith.constant 0 : i32
      %ge3A_371 = vector.broadcast %ge3A_370 : i32 to vector<16xi32>
      %ge3A_372 = arith.cmpi sge, %sub3A_369, %ge3A_371 : vector<16xi32>
      %lt3A_373 = arith.constant 5120 : i32
      %lt3A_374 = vector.broadcast %lt3A_373 : i32 to vector<16xi32>
      %lt3A_375 = arith.cmpi slt, %sub3A_369, %lt3A_374 : vector<16xi32>
      %and3A_376 = arith.andi %ge3A_372, %lt3A_375 : vector<16xi1>
      %and3A_377 = arith.constant 255 : i32
      %and3A_378 = vector.broadcast %and3A_377 : i32 to vector<16xi32>
      %and3A_379 = arith.andi %get3A_367, %and3A_378 : vector<16xi32>
      %add3A_380 = arith.constant 5120 : i32
      %add3A_381 = vector.broadcast %add3A_380 : i32 to vector<16xi32>
      %add3A_382 = arith.addi %add3A_381, %and3A_379 : vector<16xi32>
      %select_n3A_383 = arith.select %and3A_376, %sub3A_369, %add3A_382 : vector<16xi1>, vector<16xi32>
      %swap3A_384 = arith.constant 0 : index
      %swap3A_385 = tpu.vector_load %arg11[%swap3A_384] {strides = array<i32>} : memref<80xi32, #tpu.memory_space<vmem>>, vector<16xi32>,
      %swap3A_386 = vector.shape_cast %swap3A_385 : vector<16xi32> to vector<16xi32>
      %swap3A_387 = vector.shape_cast %select_n3A_383 : vector<16xi32> to vector<16xi32>
      tpu.vector_store %arg11[%swap3A_384], %swap3A_387 {strides = array<i32>} : memref<80xi32, #tpu.memory_space<vmem>>, vector<16xi32>,
      %get3A_388 = arith.index_cast %add3A_357 : i32 to index
      %get3A_389 = arith.constant 16 : index
      %get3A_390 = tpu.vector_load %arg10[%get3A_388, %get3A_389] {strides = array<i32>} : memref<125x80xi32, #tpu.memory_space<vmem>>, vector<1x16xi32>,
      %get3A_391 = vector.shape_cast %get3A_390 : vector<1x16xi32> to vector<16xi32>
      %sub3A_392 = vector.broadcast %mul3A_4 : i32 to vector<16xi32>
      %sub3A_393 = arith.subi %get3A_391, %sub3A_392 : vector<16xi32>
      %ge3A_394 = arith.constant 0 : i32
      %ge3A_395 = vector.broadcast %ge3A_394 : i32 to vector<16xi32>
      %ge3A_396 = arith.cmpi sge, %sub3A_393, %ge3A_395 : vector<16xi32>
      %lt3A_397 = arith.constant 5120 : i32
      %lt3A_398 = vector.broadcast %lt3A_397 : i32 to vector<16xi32>
      %lt3A_399 = arith.cmpi slt, %sub3A_393, %lt3A_398 : vector<16xi32>
      %and3A_400 = arith.andi %ge3A_396, %lt3A_399 : vector<16xi1>
      %and3A_401 = arith.constant 255 : i32
      %and3A_402 = vector.broadcast %and3A_401 : i32 to vector<16xi32>
      %and3A_403 = arith.andi %get3A_391, %and3A_402 : vector<16xi32>
      %add3A_404 = arith.constant 5120 : i32
      %add3A_405 = vector.broadcast %add3A_404 : i32 to vector<16xi32>
      %add3A_406 = arith.addi %add3A_405, %and3A_403 : vector<16xi32>
      %select_n3A_407 = arith.select %and3A_400, %sub3A_393, %add3A_406 : vector<16xi1>, vector<16xi32>
      %swap3A_408 = arith.constant 16 : index
      %swap3A_409 = tpu.vector_load %arg11[%swap3A_408] {strides = array<i32>} : memref<80xi32, #tpu.memory_space<vmem>>, vector<16xi32>,
      %swap3A_410 = vector.shape_cast %swap3A_409 : vector<16xi32> to vector<16xi32>
      %swap3A_411 = vector.shape_cast %select_n3A_407 : vector<16xi32> to vector<16xi32>
      tpu.vector_store %arg11[%swap3A_408], %swap3A_411 {strides = array<i32>} : memref<80xi32, #tpu.memory_space<vmem>>, vector<16xi32>,
      %get3A_412 = arith.index_cast %add3A_357 : i32 to index
      %get3A_413 = arith.constant 32 : index
      %get3A_414 = tpu.vector_load %arg10[%get3A_412, %get3A_413] {strides = array<i32>} : memref<125x80xi32, #tpu.memory_space<vmem>>, vector<1x16xi32>,
      %get3A_415 = vector.shape_cast %get3A_414 : vector<1x16xi32> to vector<16xi32>
      %sub3A_416 = vector.broadcast %mul3A_4 : i32 to vector<16xi32>
      %sub3A_417 = arith.subi %get3A_415, %sub3A_416 : vector<16xi32>
      %ge3A_418 = arith.constant 0 : i32
      %ge3A_419 = vector.broadcast %ge3A_418 : i32 to vector<16xi32>
      %ge3A_420 = arith.cmpi sge, %sub3A_417, %ge3A_419 : vector<16xi32>
      %lt3A_421 = arith.constant 5120 : i32
      %lt3A_422 = vector.broadcast %lt3A_421 : i32 to vector<16xi32>
      %lt3A_423 = arith.cmpi slt, %sub3A_417, %lt3A_422 : vector<16xi32>
      %and3A_424 = arith.andi %ge3A_420, %lt3A_423 : vector<16xi1>
      %and3A_425 = arith.constant 255 : i32
      %and3A_426 = vector.broadcast %and3A_425 : i32 to vector<16xi32>
      %and3A_427 = arith.andi %get3A_415, %and3A_426 : vector<16xi32>
      %add3A_428 = arith.constant 5120 : i32
      %add3A_429 = vector.broadcast %add3A_428 : i32 to vector<16xi32>
      %add3A_430 = arith.addi %add3A_429, %and3A_427 : vector<16xi32>
      %select_n3A_431 = arith.select %and3A_424, %sub3A_417, %add3A_430 : vector<16xi1>, vector<16xi32>
      %swap3A_432 = arith.constant 32 : index
      %swap3A_433 = tpu.vector_load %arg11[%swap3A_432] {strides = array<i32>} : memref<80xi32, #tpu.memory_space<vmem>>, vector<16xi32>,
      %swap3A_434 = vector.shape_cast %swap3A_433 : vector<16xi32> to vector<16xi32>
      %swap3A_435 = vector.shape_cast %select_n3A_431 : vector<16xi32> to vector<16xi32>
      tpu.vector_store %arg11[%swap3A_432], %swap3A_435 {strides = array<i32>} : memref<80xi32, #tpu.memory_space<vmem>>, vector<16xi32>,
      %get3A_436 = arith.index_cast %add3A_357 : i32 to index
      %get3A_437 = arith.constant 48 : index
      %get3A_438 = tpu.vector_load %arg10[%get3A_436, %get3A_437] {strides = array<i32>} : memref<125x80xi32, #tpu.memory_space<vmem>>, vector<1x16xi32>,
      %get3A_439 = vector.shape_cast %get3A_438 : vector<1x16xi32> to vector<16xi32>
      %sub3A_440 = vector.broadcast %mul3A_4 : i32 to vector<16xi32>
      %sub3A_441 = arith.subi %get3A_439, %sub3A_440 : vector<16xi32>
      %ge3A_442 = arith.constant 0 : i32
      %ge3A_443 = vector.broadcast %ge3A_442 : i32 to vector<16xi32>
      %ge3A_444 = arith.cmpi sge, %sub3A_441, %ge3A_443 : vector<16xi32>
      %lt3A_445 = arith.constant 5120 : i32
      %lt3A_446 = vector.broadcast %lt3A_445 : i32 to vector<16xi32>
      %lt3A_447 = arith.cmpi slt, %sub3A_441, %lt3A_446 : vector<16xi32>
      %and3A_448 = arith.andi %ge3A_444, %lt3A_447 : vector<16xi1>
      %and3A_449 = arith.constant 255 : i32
      %and3A_450 = vector.broadcast %and3A_449 : i32 to vector<16xi32>
      %and3A_451 = arith.andi %get3A_439, %and3A_450 : vector<16xi32>
      %add3A_452 = arith.constant 5120 : i32
      %add3A_453 = vector.broadcast %add3A_452 : i32 to vector<16xi32>
      %add3A_454 = arith.addi %add3A_453, %and3A_451 : vector<16xi32>
      %select_n3A_455 = arith.select %and3A_448, %sub3A_441, %add3A_454 : vector<16xi1>, vector<16xi32>
      %swap3A_456 = arith.constant 48 : index
      %swap3A_457 = tpu.vector_load %arg11[%swap3A_456] {strides = array<i32>} : memref<80xi32, #tpu.memory_space<vmem>>, vector<16xi32>,
      %swap3A_458 = vector.shape_cast %swap3A_457 : vector<16xi32> to vector<16xi32>
      %swap3A_459 = vector.shape_cast %select_n3A_455 : vector<16xi32> to vector<16xi32>
      tpu.vector_store %arg11[%swap3A_456], %swap3A_459 {strides = array<i32>} : memref<80xi32, #tpu.memory_space<vmem>>, vector<16xi32>,
      %get3A_460 = arith.index_cast %add3A_357 : i32 to index
      %get3A_461 = arith.constant 64 : index
      %get3A_462 = tpu.vector_load %arg10[%get3A_460, %get3A_461] {strides = array<i32>} : memref<125x80xi32, #tpu.memory_space<vmem>>, vector<1x16xi32>,
      %get3A_463 = vector.shape_cast %get3A_462 : vector<1x16xi32> to vector<16xi32>
      %sub3A_464 = vector.broadcast %mul3A_4 : i32 to vector<16xi32>
      %sub3A_465 = arith.subi %get3A_463, %sub3A_464 : vector<16xi32>
      %ge3A_466 = arith.constant 0 : i32
      %ge3A_467 = vector.broadcast %ge3A_466 : i32 to vector<16xi32>
      %ge3A_468 = arith.cmpi sge, %sub3A_465, %ge3A_467 : vector<16xi32>
      %lt3A_469 = arith.constant 5120 : i32
      %lt3A_470 = vector.broadcast %lt3A_469 : i32 to vector<16xi32>
      %lt3A_471 = arith.cmpi slt, %sub3A_465, %lt3A_470 : vector<16xi32>
      %and3A_472 = arith.andi %ge3A_468, %lt3A_471 : vector<16xi1>
      %and3A_473 = arith.constant 255 : i32
      %and3A_474 = vector.broadcast %and3A_473 : i32 to vector<16xi32>
      %and3A_475 = arith.andi %get3A_463, %and3A_474 : vector<16xi32>
      %add3A_476 = arith.constant 5120 : i32
      %add3A_477 = vector.broadcast %add3A_476 : i32 to vector<16xi32>
      %add3A_478 = arith.addi %add3A_477, %and3A_475 : vector<16xi32>
      %select_n3A_479 = arith.select %and3A_472, %sub3A_465, %add3A_478 : vector<16xi1>, vector<16xi32>
      %swap3A_480 = arith.constant 64 : index
      %swap3A_481 = tpu.vector_load %arg11[%swap3A_480] {strides = array<i32>} : memref<80xi32, #tpu.memory_space<vmem>>, vector<16xi32>,
      %swap3A_482 = vector.shape_cast %swap3A_481 : vector<16xi32> to vector<16xi32>
      %swap3A_483 = vector.shape_cast %select_n3A_479 : vector<16xi32> to vector<16xi32>
      tpu.vector_store %arg11[%swap3A_480], %swap3A_483 {strides = array<i32>} : memref<80xi32, #tpu.memory_space<vmem>>, vector<16xi32>,
      %dma_start3A_484 = arith.constant 0 : i32
      %dma_start3A_485 = arith.constant 0 : i32
      %dma_start3A_486 = tpu.memref_slice %arg19[%dma_start3A_484, %dma_start3A_485] : memref<5376x128xf32, #tpu.memory_space<vmem_shared>> -> memref<5376x128xf32, #tpu.memory_space<vmem_shared>>
      tpu.enqueue_indirect_dma source(%arg15 : memref<80x128xf32, #tpu.memory_space<vmem>>) target(%dma_start3A_486 : memref<5376x128xf32, #tpu.memory_space<vmem_shared>>) offsets(%arg11 : memref<80xi32, #tpu.memory_space<vmem>>) semaphore(%arg24 : memref<!tpu.dma_semaphore, #tpu.memory_space<semaphore_mem>>) {add = true}
      %ge3A_487 = arith.constant 2 : i32
      %ge3A_488 = arith.cmpi sge, %add3A_357, %ge3A_487 : i32
      %add3A_489 = arith.constant 2 : i32
      %add3A_490 = arith.addi %add3A_357, %add3A_489 : i32
      %lt3A_491 = arith.constant 125 : i32
      %lt3A_492 = arith.cmpi slt, %add3A_490, %lt3A_491 : i32
      %and3A_493 = arith.andi %ge3A_488, %lt3A_492 : i1
      %convert_element_type3A = arith.extui %and3A_493 : i1 to i32
      %cond3A = arith.constant 0 : i32
      %cond3A_494 = arith.cmpi ne, %convert_element_type3A, %cond3A : i32
      scf.if %cond3A_494 {
        %dma_wait3A_946 = arith.constant 0 : i32
        %dma_wait3A_947 = arith.constant 0 : i32
        %dma_wait3A_948 = tpu.memref_slice %arg19[%dma_wait3A_946, %dma_wait3A_947] : memref<5376x128xf32, #tpu.memory_space<vmem_shared>> -> memref<5376x128xf32, #tpu.memory_space<vmem_shared>>
        tpu.wait_indirect_dma semaphore(%arg26 : memref<!tpu.dma_semaphore, #tpu.memory_space<semaphore_mem>>) src(%arg17 : memref<80x128xf32, #tpu.memory_space<vmem>>) dst(%dma_wait3A_948 : memref<5376x128xf32, #tpu.memory_space<vmem_shared>>)
      } else {
      }
      %add3A_495 = arith.constant 2 : i32
      %add3A_496 = arith.addi %add3A_357, %add3A_495 : i32
      %lt3A_497 = arith.constant 125 : i32
      %lt3A_498 = arith.cmpi slt, %add3A_496, %lt3A_497 : i32
      %convert_element_type3A_499 = arith.extui %lt3A_498 : i1 to i32
      %cond3A_500 = arith.constant 0 : i32
      %cond3A_501 = arith.cmpi ne, %convert_element_type3A_499, %cond3A_500 : i32
      scf.if %cond3A_501 {
        %add3A_946 = arith.constant 2 : i32
        %add3A_947 = arith.addi %add3A_357, %add3A_946 : i32
        %dma_start3A_948 = arith.constant 0 : i32
        %dma_start3A_949 = tpu.memref_slice %arg9[%add3A_947, %dma_start3A_948] : memref<125x80xi32, #tpu.memory_space<vmem>> -> memref<1x80xi32, #tpu.memory_space<vmem>>
        %dma_start3A_950 = tpu.memref_squeeze %dma_start3A_949 : memref<1x80xi32, #tpu.memory_space<vmem>> -> memref<80xi32, #tpu.memory_space<vmem>>
        %dma_start3A_951 = arith.constant 0 : i32
        %dma_start3A_952 = arith.constant 0 : i32
        %dma_start3A_953 = tpu.memref_slice %arg2[%dma_start3A_951, %dma_start3A_952] : memref<10000x128xf32, #tpu.memory_space<hbm>> -> memref<10000x128xf32, #tpu.memory_space<hbm>>
        tpu.enqueue_indirect_dma source(%dma_start3A_953 : memref<10000x128xf32, #tpu.memory_space<hbm>>) target(%arg17 : memref<80x128xf32, #tpu.memory_space<vmem>>) offsets(%dma_start3A_950 : memref<80xi32, #tpu.memory_space<vmem>>) semaphore(%arg22 : memref<!tpu.dma_semaphore, #tpu.memory_space<semaphore_mem>>)
      } else {
      }
      %add3A_502 = arith.constant 1 : i32
      %add3A_503 = arith.addi %mul3A_355, %add3A_502 : i32
      %dma_wait3A_504 = arith.constant 0 : i32
      %dma_wait3A_505 = tpu.memref_slice %arg9[%add3A_503, %dma_wait3A_504] : memref<125x80xi32, #tpu.memory_space<vmem>> -> memref<1x80xi32, #tpu.memory_space<vmem>>
      %dma_wait3A_506 = tpu.memref_squeeze %dma_wait3A_505 : memref<1x80xi32, #tpu.memory_space<vmem>> -> memref<80xi32, #tpu.memory_space<vmem>>
      %dma_wait3A_507 = arith.constant 0 : i32
      %dma_wait3A_508 = arith.constant 0 : i32
      %dma_wait3A_509 = tpu.memref_slice %arg2[%dma_wait3A_507, %dma_wait3A_508] : memref<10000x128xf32, #tpu.memory_space<hbm>> -> memref<10000x128xf32, #tpu.memory_space<hbm>>
      tpu.wait_indirect_dma semaphore(%arg21 : memref<!tpu.dma_semaphore, #tpu.memory_space<semaphore_mem>>) src(%dma_wait3A_509 : memref<10000x128xf32, #tpu.memory_space<hbm>>) dst(%arg16 : memref<80x128xf32, #tpu.memory_space<vmem>>)
      %get3A_510 = arith.index_cast %add3A_503 : i32 to index
      %get3A_511 = arith.constant 0 : index
      %get3A_512 = tpu.vector_load %arg10[%get3A_510, %get3A_511] {strides = array<i32>} : memref<125x80xi32, #tpu.memory_space<vmem>>, vector<1x16xi32>,
      %get3A_513 = vector.shape_cast %get3A_512 : vector<1x16xi32> to vector<16xi32>
      %sub3A_514 = vector.broadcast %mul3A_4 : i32 to vector<16xi32>
      %sub3A_515 = arith.subi %get3A_513, %sub3A_514 : vector<16xi32>
      %ge3A_516 = arith.constant 0 : i32
      %ge3A_517 = vector.broadcast %ge3A_516 : i32 to vector<16xi32>
      %ge3A_518 = arith.cmpi sge, %sub3A_515, %ge3A_517 : vector<16xi32>
      %lt3A_519 = arith.constant 5120 : i32
      %lt3A_520 = vector.broadcast %lt3A_519 : i32 to vector<16xi32>
      %lt3A_521 = arith.cmpi slt, %sub3A_515, %lt3A_520 : vector<16xi32>
      %and3A_522 = arith.andi %ge3A_518, %lt3A_521 : vector<16xi1>
      %and3A_523 = arith.constant 255 : i32
      %and3A_524 = vector.broadcast %and3A_523 : i32 to vector<16xi32>
      %and3A_525 = arith.andi %get3A_513, %and3A_524 : vector<16xi32>
      %add3A_526 = arith.constant 5120 : i32
      %add3A_527 = vector.broadcast %add3A_526 : i32 to vector<16xi32>
      %add3A_528 = arith.addi %add3A_527, %and3A_525 : vector<16xi32>
      %select_n3A_529 = arith.select %and3A_522, %sub3A_515, %add3A_528 : vector<16xi1>, vector<16xi32>
      %swap3A_530 = arith.constant 0 : index
      %swap3A_531 = tpu.vector_load %arg12[%swap3A_530] {strides = array<i32>} : memref<80xi32, #tpu.memory_space<vmem>>, vector<16xi32>,
      %swap3A_532 = vector.shape_cast %swap3A_531 : vector<16xi32> to vector<16xi32>
      %swap3A_533 = vector.shape_cast %select_n3A_529 : vector<16xi32> to vector<16xi32>
      tpu.vector_store %arg12[%swap3A_530], %swap3A_533 {strides = array<i32>} : memref<80xi32, #tpu.memory_space<vmem>>, vector<16xi32>,
      %get3A_534 = arith.index_cast %add3A_503 : i32 to index
      %get3A_535 = arith.constant 16 : index
      %get3A_536 = tpu.vector_load %arg10[%get3A_534, %get3A_535] {strides = array<i32>} : memref<125x80xi32, #tpu.memory_space<vmem>>, vector<1x16xi32>,
      %get3A_537 = vector.shape_cast %get3A_536 : vector<1x16xi32> to vector<16xi32>
      %sub3A_538 = vector.broadcast %mul3A_4 : i32 to vector<16xi32>
      %sub3A_539 = arith.subi %get3A_537, %sub3A_538 : vector<16xi32>
      %ge3A_540 = arith.constant 0 : i32
      %ge3A_541 = vector.broadcast %ge3A_540 : i32 to vector<16xi32>
      %ge3A_542 = arith.cmpi sge, %sub3A_539, %ge3A_541 : vector<16xi32>
      %lt3A_543 = arith.constant 5120 : i32
      %lt3A_544 = vector.broadcast %lt3A_543 : i32 to vector<16xi32>
      %lt3A_545 = arith.cmpi slt, %sub3A_539, %lt3A_544 : vector<16xi32>
      %and3A_546 = arith.andi %ge3A_542, %lt3A_545 : vector<16xi1>
      %and3A_547 = arith.constant 255 : i32
      %and3A_548 = vector.broadcast %and3A_547 : i32 to vector<16xi32>
      %and3A_549 = arith.andi %get3A_537, %and3A_548 : vector<16xi32>
      %add3A_550 = arith.constant 5120 : i32
      %add3A_551 = vector.broadcast %add3A_550 : i32 to vector<16xi32>
      %add3A_552 = arith.addi %add3A_551, %and3A_549 : vector<16xi32>
      %select_n3A_553 = arith.select %and3A_546, %sub3A_539, %add3A_552 : vector<16xi1>, vector<16xi32>
      %swap3A_554 = arith.constant 16 : index
      %swap3A_555 = tpu.vector_load %arg12[%swap3A_554] {strides = array<i32>} : memref<80xi32, #tpu.memory_space<vmem>>, vector<16xi32>,
      %swap3A_556 = vector.shape_cast %swap3A_555 : vector<16xi32> to vector<16xi32>
      %swap3A_557 = vector.shape_cast %select_n3A_553 : vector<16xi32> to vector<16xi32>
      tpu.vector_store %arg12[%swap3A_554], %swap3A_557 {strides = array<i32>} : memref<80xi32, #tpu.memory_space<vmem>>, vector<16xi32>,
      %get3A_558 = arith.index_cast %add3A_503 : i32 to index
      %get3A_559 = arith.constant 32 : index
      %get3A_560 = tpu.vector_load %arg10[%get3A_558, %get3A_559] {strides = array<i32>} : memref<125x80xi32, #tpu.memory_space<vmem>>, vector<1x16xi32>,
      %get3A_561 = vector.shape_cast %get3A_560 : vector<1x16xi32> to vector<16xi32>
      %sub3A_562 = vector.broadcast %mul3A_4 : i32 to vector<16xi32>
      %sub3A_563 = arith.subi %get3A_561, %sub3A_562 : vector<16xi32>
      %ge3A_564 = arith.constant 0 : i32
      %ge3A_565 = vector.broadcast %ge3A_564 : i32 to vector<16xi32>
      %ge3A_566 = arith.cmpi sge, %sub3A_563, %ge3A_565 : vector<16xi32>
      %lt3A_567 = arith.constant 5120 : i32
      %lt3A_568 = vector.broadcast %lt3A_567 : i32 to vector<16xi32>
      %lt3A_569 = arith.cmpi slt, %sub3A_563, %lt3A_568 : vector<16xi32>
      %and3A_570 = arith.andi %ge3A_566, %lt3A_569 : vector<16xi1>
      %and3A_571 = arith.constant 255 : i32
      %and3A_572 = vector.broadcast %and3A_571 : i32 to vector<16xi32>
      %and3A_573 = arith.andi %get3A_561, %and3A_572 : vector<16xi32>
      %add3A_574 = arith.constant 5120 : i32
      %add3A_575 = vector.broadcast %add3A_574 : i32 to vector<16xi32>
      %add3A_576 = arith.addi %add3A_575, %and3A_573 : vector<16xi32>
      %select_n3A_577 = arith.select %and3A_570, %sub3A_563, %add3A_576 : vector<16xi1>, vector<16xi32>
      %swap3A_578 = arith.constant 32 : index
      %swap3A_579 = tpu.vector_load %arg12[%swap3A_578] {strides = array<i32>} : memref<80xi32, #tpu.memory_space<vmem>>, vector<16xi32>,
      %swap3A_580 = vector.shape_cast %swap3A_579 : vector<16xi32> to vector<16xi32>
      %swap3A_581 = vector.shape_cast %select_n3A_577 : vector<16xi32> to vector<16xi32>
      tpu.vector_store %arg12[%swap3A_578], %swap3A_581 {strides = array<i32>} : memref<80xi32, #tpu.memory_space<vmem>>, vector<16xi32>,
      %get3A_582 = arith.index_cast %add3A_503 : i32 to index
      %get3A_583 = arith.constant 48 : index
      %get3A_584 = tpu.vector_load %arg10[%get3A_582, %get3A_583] {strides = array<i32>} : memref<125x80xi32, #tpu.memory_space<vmem>>, vector<1x16xi32>,
      %get3A_585 = vector.shape_cast %get3A_584 : vector<1x16xi32> to vector<16xi32>
      %sub3A_586 = vector.broadcast %mul3A_4 : i32 to vector<16xi32>
      %sub3A_587 = arith.subi %get3A_585, %sub3A_586 : vector<16xi32>
      %ge3A_588 = arith.constant 0 : i32
      %ge3A_589 = vector.broadcast %ge3A_588 : i32 to vector<16xi32>
      %ge3A_590 = arith.cmpi sge, %sub3A_587, %ge3A_589 : vector<16xi32>
      %lt3A_591 = arith.constant 5120 : i32
      %lt3A_592 = vector.broadcast %lt3A_591 : i32 to vector<16xi32>
      %lt3A_593 = arith.cmpi slt, %sub3A_587, %lt3A_592 : vector<16xi32>
      %and3A_594 = arith.andi %ge3A_590, %lt3A_593 : vector<16xi1>
      %and3A_595 = arith.constant 255 : i32
      %and3A_596 = vector.broadcast %and3A_595 : i32 to vector<16xi32>
      %and3A_597 = arith.andi %get3A_585, %and3A_596 : vector<16xi32>
      %add3A_598 = arith.constant 5120 : i32
      %add3A_599 = vector.broadcast %add3A_598 : i32 to vector<16xi32>
      %add3A_600 = arith.addi %add3A_599, %and3A_597 : vector<16xi32>
      %select_n3A_601 = arith.select %and3A_594, %sub3A_587, %add3A_600 : vector<16xi1>, vector<16xi32>
      %swap3A_602 = arith.constant 48 : index
      %swap3A_603 = tpu.vector_load %arg12[%swap3A_602] {strides = array<i32>} : memref<80xi32, #tpu.memory_space<vmem>>, vector<16xi32>,
      %swap3A_604 = vector.shape_cast %swap3A_603 : vector<16xi32> to vector<16xi32>
      %swap3A_605 = vector.shape_cast %select_n3A_601 : vector<16xi32> to vector<16xi32>
      tpu.vector_store %arg12[%swap3A_602], %swap3A_605 {strides = array<i32>} : memref<80xi32, #tpu.memory_space<vmem>>, vector<16xi32>,
      %get3A_606 = arith.index_cast %add3A_503 : i32 to index
      %get3A_607 = arith.constant 64 : index
      %get3A_608 = tpu.vector_load %arg10[%get3A_606, %get3A_607] {strides = array<i32>} : memref<125x80xi32, #tpu.memory_space<vmem>>, vector<1x16xi32>,
      %get3A_609 = vector.shape_cast %get3A_608 : vector<1x16xi32> to vector<16xi32>
      %sub3A_610 = vector.broadcast %mul3A_4 : i32 to vector<16xi32>
      %sub3A_611 = arith.subi %get3A_609, %sub3A_610 : vector<16xi32>
      %ge3A_612 = arith.constant 0 : i32
      %ge3A_613 = vector.broadcast %ge3A_612 : i32 to vector<16xi32>
      %ge3A_614 = arith.cmpi sge, %sub3A_611, %ge3A_613 : vector<16xi32>
      %lt3A_615 = arith.constant 5120 : i32
      %lt3A_616 = vector.broadcast %lt3A_615 : i32 to vector<16xi32>
      %lt3A_617 = arith.cmpi slt, %sub3A_611, %lt3A_616 : vector<16xi32>
      %and3A_618 = arith.andi %ge3A_614, %lt3A_617 : vector<16xi1>
      %and3A_619 = arith.constant 255 : i32
      %and3A_620 = vector.broadcast %and3A_619 : i32 to vector<16xi32>
      %and3A_621 = arith.andi %get3A_609, %and3A_620 : vector<16xi32>
      %add3A_622 = arith.constant 5120 : i32
      %add3A_623 = vector.broadcast %add3A_622 : i32 to vector<16xi32>
      %add3A_624 = arith.addi %add3A_623, %and3A_621 : vector<16xi32>
      %select_n3A_625 = arith.select %and3A_618, %sub3A_611, %add3A_624 : vector<16xi1>, vector<16xi32>
      %swap3A_626 = arith.constant 64 : index
      %swap3A_627 = tpu.vector_load %arg12[%swap3A_626] {strides = array<i32>} : memref<80xi32, #tpu.memory_space<vmem>>, vector<16xi32>,
      %swap3A_628 = vector.shape_cast %swap3A_627 : vector<16xi32> to vector<16xi32>
      %swap3A_629 = vector.shape_cast %select_n3A_625 : vector<16xi32> to vector<16xi32>
      tpu.vector_store %arg12[%swap3A_626], %swap3A_629 {strides = array<i32>} : memref<80xi32, #tpu.memory_space<vmem>>, vector<16xi32>,
      %dma_start3A_630 = arith.constant 0 : i32
      %dma_start3A_631 = arith.constant 0 : i32
      %dma_start3A_632 = tpu.memref_slice %arg19[%dma_start3A_630, %dma_start3A_631] : memref<5376x128xf32, #tpu.memory_space<vmem_shared>> -> memref<5376x128xf32, #tpu.memory_space<vmem_shared>>
      tpu.enqueue_indirect_dma source(%arg16 : memref<80x128xf32, #tpu.memory_space<vmem>>) target(%dma_start3A_632 : memref<5376x128xf32, #tpu.memory_space<vmem_shared>>) offsets(%arg12 : memref<80xi32, #tpu.memory_space<vmem>>) semaphore(%arg25 : memref<!tpu.dma_semaphore, #tpu.memory_space<semaphore_mem>>) {add = true}
      %ge3A_633 = arith.constant 2 : i32
      %ge3A_634 = arith.cmpi sge, %add3A_503, %ge3A_633 : i32
      %add3A_635 = arith.constant 2 : i32
      %add3A_636 = arith.addi %add3A_503, %add3A_635 : i32
      %lt3A_637 = arith.constant 125 : i32
      %lt3A_638 = arith.cmpi slt, %add3A_636, %lt3A_637 : i32
      %and3A_639 = arith.andi %ge3A_634, %lt3A_638 : i1
      %convert_element_type3A_640 = arith.extui %and3A_639 : i1 to i32
      %cond3A_641 = arith.constant 0 : i32
      %cond3A_642 = arith.cmpi ne, %convert_element_type3A_640, %cond3A_641 : i32
      scf.if %cond3A_642 {
        %dma_wait3A_946 = arith.constant 0 : i32
        %dma_wait3A_947 = arith.constant 0 : i32
        %dma_wait3A_948 = tpu.memref_slice %arg19[%dma_wait3A_946, %dma_wait3A_947] : memref<5376x128xf32, #tpu.memory_space<vmem_shared>> -> memref<5376x128xf32, #tpu.memory_space<vmem_shared>>
        tpu.wait_indirect_dma semaphore(%arg27 : memref<!tpu.dma_semaphore, #tpu.memory_space<semaphore_mem>>) src(%arg18 : memref<80x128xf32, #tpu.memory_space<vmem>>) dst(%dma_wait3A_948 : memref<5376x128xf32, #tpu.memory_space<vmem_shared>>)
      } else {
      }
      %add3A_643 = arith.constant 2 : i32
      %add3A_644 = arith.addi %add3A_503, %add3A_643 : i32
      %lt3A_645 = arith.constant 125 : i32
      %lt3A_646 = arith.cmpi slt, %add3A_644, %lt3A_645 : i32
      %convert_element_type3A_647 = arith.extui %lt3A_646 : i1 to i32
      %cond3A_648 = arith.constant 0 : i32
      %cond3A_649 = arith.cmpi ne, %convert_element_type3A_647, %cond3A_648 : i32
      scf.if %cond3A_649 {
        %add3A_946 = arith.constant 2 : i32
        %add3A_947 = arith.addi %add3A_503, %add3A_946 : i32
        %dma_start3A_948 = arith.constant 0 : i32
        %dma_start3A_949 = tpu.memref_slice %arg9[%add3A_947, %dma_start3A_948] : memref<125x80xi32, #tpu.memory_space<vmem>> -> memref<1x80xi32, #tpu.memory_space<vmem>>
        %dma_start3A_950 = tpu.memref_squeeze %dma_start3A_949 : memref<1x80xi32, #tpu.memory_space<vmem>> -> memref<80xi32, #tpu.memory_space<vmem>>
        %dma_start3A_951 = arith.constant 0 : i32
        %dma_start3A_952 = arith.constant 0 : i32
        %dma_start3A_953 = tpu.memref_slice %arg2[%dma_start3A_951, %dma_start3A_952] : memref<10000x128xf32, #tpu.memory_space<hbm>> -> memref<10000x128xf32, #tpu.memory_space<hbm>>
        tpu.enqueue_indirect_dma source(%dma_start3A_953 : memref<10000x128xf32, #tpu.memory_space<hbm>>) target(%arg18 : memref<80x128xf32, #tpu.memory_space<vmem>>) offsets(%dma_start3A_950 : memref<80xi32, #tpu.memory_space<vmem>>) semaphore(%arg23 : memref<!tpu.dma_semaphore, #tpu.memory_space<semaphore_mem>>)
      } else {
      }
      %add3A_650 = arith.constant 2 : i32
      %add3A_651 = arith.addi %mul3A_355, %add3A_650 : i32
      %dma_wait3A_652 = arith.constant 0 : i32
      %dma_wait3A_653 = tpu.memref_slice %arg9[%add3A_651, %dma_wait3A_652] : memref<125x80xi32, #tpu.memory_space<vmem>> -> memref<1x80xi32, #tpu.memory_space<vmem>>
      %dma_wait3A_654 = tpu.memref_squeeze %dma_wait3A_653 : memref<1x80xi32, #tpu.memory_space<vmem>> -> memref<80xi32, #tpu.memory_space<vmem>>
      %dma_wait3A_655 = arith.constant 0 : i32
      %dma_wait3A_656 = arith.constant 0 : i32
      %dma_wait3A_657 = tpu.memref_slice %arg2[%dma_wait3A_655, %dma_wait3A_656] : memref<10000x128xf32, #tpu.memory_space<hbm>> -> memref<10000x128xf32, #tpu.memory_space<hbm>>
      tpu.wait_indirect_dma semaphore(%arg22 : memref<!tpu.dma_semaphore, #tpu.memory_space<semaphore_mem>>) src(%dma_wait3A_657 : memref<10000x128xf32, #tpu.memory_space<hbm>>) dst(%arg17 : memref<80x128xf32, #tpu.memory_space<vmem>>)
      %get3A_658 = arith.index_cast %add3A_651 : i32 to index
      %get3A_659 = arith.constant 0 : index
      %get3A_660 = tpu.vector_load %arg10[%get3A_658, %get3A_659] {strides = array<i32>} : memref<125x80xi32, #tpu.memory_space<vmem>>, vector<1x16xi32>,
      %get3A_661 = vector.shape_cast %get3A_660 : vector<1x16xi32> to vector<16xi32>
      %sub3A_662 = vector.broadcast %mul3A_4 : i32 to vector<16xi32>
      %sub3A_663 = arith.subi %get3A_661, %sub3A_662 : vector<16xi32>
      %ge3A_664 = arith.constant 0 : i32
      %ge3A_665 = vector.broadcast %ge3A_664 : i32 to vector<16xi32>
      %ge3A_666 = arith.cmpi sge, %sub3A_663, %ge3A_665 : vector<16xi32>
      %lt3A_667 = arith.constant 5120 : i32
      %lt3A_668 = vector.broadcast %lt3A_667 : i32 to vector<16xi32>
      %lt3A_669 = arith.cmpi slt, %sub3A_663, %lt3A_668 : vector<16xi32>
      %and3A_670 = arith.andi %ge3A_666, %lt3A_669 : vector<16xi1>
      %and3A_671 = arith.constant 255 : i32
      %and3A_672 = vector.broadcast %and3A_671 : i32 to vector<16xi32>
      %and3A_673 = arith.andi %get3A_661, %and3A_672 : vector<16xi32>
      %add3A_674 = arith.constant 5120 : i32
      %add3A_675 = vector.broadcast %add3A_674 : i32 to vector<16xi32>
      %add3A_676 = arith.addi %add3A_675, %and3A_673 : vector<16xi32>
      %select_n3A_677 = arith.select %and3A_670, %sub3A_663, %add3A_676 : vector<16xi1>, vector<16xi32>
      %swap3A_678 = arith.constant 0 : index
      %swap3A_679 = tpu.vector_load %arg13[%swap3A_678] {strides = array<i32>} : memref<80xi32, #tpu.memory_space<vmem>>, vector<16xi32>,
      %swap3A_680 = vector.shape_cast %swap3A_679 : vector<16xi32> to vector<16xi32>
      %swap3A_681 = vector.shape_cast %select_n3A_677 : vector<16xi32> to vector<16xi32>
      tpu.vector_store %arg13[%swap3A_678], %swap3A_681 {strides = array<i32>} : memref<80xi32, #tpu.memory_space<vmem>>, vector<16xi32>,
      %get3A_682 = arith.index_cast %add3A_651 : i32 to index
      %get3A_683 = arith.constant 16 : index
      %get3A_684 = tpu.vector_load %arg10[%get3A_682, %get3A_683] {strides = array<i32>} : memref<125x80xi32, #tpu.memory_space<vmem>>, vector<1x16xi32>,
      %get3A_685 = vector.shape_cast %get3A_684 : vector<1x16xi32> to vector<16xi32>
      %sub3A_686 = vector.broadcast %mul3A_4 : i32 to vector<16xi32>
      %sub3A_687 = arith.subi %get3A_685, %sub3A_686 : vector<16xi32>
      %ge3A_688 = arith.constant 0 : i32
      %ge3A_689 = vector.broadcast %ge3A_688 : i32 to vector<16xi32>
      %ge3A_690 = arith.cmpi sge, %sub3A_687, %ge3A_689 : vector<16xi32>
      %lt3A_691 = arith.constant 5120 : i32
      %lt3A_692 = vector.broadcast %lt3A_691 : i32 to vector<16xi32>
      %lt3A_693 = arith.cmpi slt, %sub3A_687, %lt3A_692 : vector<16xi32>
      %and3A_694 = arith.andi %ge3A_690, %lt3A_693 : vector<16xi1>
      %and3A_695 = arith.constant 255 : i32
      %and3A_696 = vector.broadcast %and3A_695 : i32 to vector<16xi32>
      %and3A_697 = arith.andi %get3A_685, %and3A_696 : vector<16xi32>
      %add3A_698 = arith.constant 5120 : i32
      %add3A_699 = vector.broadcast %add3A_698 : i32 to vector<16xi32>
      %add3A_700 = arith.addi %add3A_699, %and3A_697 : vector<16xi32>
      %select_n3A_701 = arith.select %and3A_694, %sub3A_687, %add3A_700 : vector<16xi1>, vector<16xi32>
      %swap3A_702 = arith.constant 16 : index
      %swap3A_703 = tpu.vector_load %arg13[%swap3A_702] {strides = array<i32>} : memref<80xi32, #tpu.memory_space<vmem>>, vector<16xi32>,
      %swap3A_704 = vector.shape_cast %swap3A_703 : vector<16xi32> to vector<16xi32>
      %swap3A_705 = vector.shape_cast %select_n3A_701 : vector<16xi32> to vector<16xi32>
      tpu.vector_store %arg13[%swap3A_702], %swap3A_705 {strides = array<i32>} : memref<80xi32, #tpu.memory_space<vmem>>, vector<16xi32>,
      %get3A_706 = arith.index_cast %add3A_651 : i32 to index
      %get3A_707 = arith.constant 32 : index
      %get3A_708 = tpu.vector_load %arg10[%get3A_706, %get3A_707] {strides = array<i32>} : memref<125x80xi32, #tpu.memory_space<vmem>>, vector<1x16xi32>,
      %get3A_709 = vector.shape_cast %get3A_708 : vector<1x16xi32> to vector<16xi32>
      %sub3A_710 = vector.broadcast %mul3A_4 : i32 to vector<16xi32>
      %sub3A_711 = arith.subi %get3A_709, %sub3A_710 : vector<16xi32>
      %ge3A_712 = arith.constant 0 : i32
      %ge3A_713 = vector.broadcast %ge3A_712 : i32 to vector<16xi32>
      %ge3A_714 = arith.cmpi sge, %sub3A_711, %ge3A_713 : vector<16xi32>
      %lt3A_715 = arith.constant 5120 : i32
      %lt3A_716 = vector.broadcast %lt3A_715 : i32 to vector<16xi32>
      %lt3A_717 = arith.cmpi slt, %sub3A_711, %lt3A_716 : vector<16xi32>
      %and3A_718 = arith.andi %ge3A_714, %lt3A_717 : vector<16xi1>
      %and3A_719 = arith.constant 255 : i32
      %and3A_720 = vector.broadcast %and3A_719 : i32 to vector<16xi32>
      %and3A_721 = arith.andi %get3A_709, %and3A_720 : vector<16xi32>
      %add3A_722 = arith.constant 5120 : i32
      %add3A_723 = vector.broadcast %add3A_722 : i32 to vector<16xi32>
      %add3A_724 = arith.addi %add3A_723, %and3A_721 : vector<16xi32>
      %select_n3A_725 = arith.select %and3A_718, %sub3A_711, %add3A_724 : vector<16xi1>, vector<16xi32>
      %swap3A_726 = arith.constant 32 : index
      %swap3A_727 = tpu.vector_load %arg13[%swap3A_726] {strides = array<i32>} : memref<80xi32, #tpu.memory_space<vmem>>, vector<16xi32>,
      %swap3A_728 = vector.shape_cast %swap3A_727 : vector<16xi32> to vector<16xi32>
      %swap3A_729 = vector.shape_cast %select_n3A_725 : vector<16xi32> to vector<16xi32>
      tpu.vector_store %arg13[%swap3A_726], %swap3A_729 {strides = array<i32>} : memref<80xi32, #tpu.memory_space<vmem>>, vector<16xi32>,
      %get3A_730 = arith.index_cast %add3A_651 : i32 to index
      %get3A_731 = arith.constant 48 : index
      %get3A_732 = tpu.vector_load %arg10[%get3A_730, %get3A_731] {strides = array<i32>} : memref<125x80xi32, #tpu.memory_space<vmem>>, vector<1x16xi32>,
      %get3A_733 = vector.shape_cast %get3A_732 : vector<1x16xi32> to vector<16xi32>
      %sub3A_734 = vector.broadcast %mul3A_4 : i32 to vector<16xi32>
      %sub3A_735 = arith.subi %get3A_733, %sub3A_734 : vector<16xi32>
      %ge3A_736 = arith.constant 0 : i32
      %ge3A_737 = vector.broadcast %ge3A_736 : i32 to vector<16xi32>
      %ge3A_738 = arith.cmpi sge, %sub3A_735, %ge3A_737 : vector<16xi32>
      %lt3A_739 = arith.constant 5120 : i32
      %lt3A_740 = vector.broadcast %lt3A_739 : i32 to vector<16xi32>
      %lt3A_741 = arith.cmpi slt, %sub3A_735, %lt3A_740 : vector<16xi32>
      %and3A_742 = arith.andi %ge3A_738, %lt3A_741 : vector<16xi1>
      %and3A_743 = arith.constant 255 : i32
      %and3A_744 = vector.broadcast %and3A_743 : i32 to vector<16xi32>
      %and3A_745 = arith.andi %get3A_733, %and3A_744 : vector<16xi32>
      %add3A_746 = arith.constant 5120 : i32
      %add3A_747 = vector.broadcast %add3A_746 : i32 to vector<16xi32>
      %add3A_748 = arith.addi %add3A_747, %and3A_745 : vector<16xi32>
      %select_n3A_749 = arith.select %and3A_742, %sub3A_735, %add3A_748 : vector<16xi1>, vector<16xi32>
      %swap3A_750 = arith.constant 48 : index
      %swap3A_751 = tpu.vector_load %arg13[%swap3A_750] {strides = array<i32>} : memref<80xi32, #tpu.memory_space<vmem>>, vector<16xi32>,
      %swap3A_752 = vector.shape_cast %swap3A_751 : vector<16xi32> to vector<16xi32>
      %swap3A_753 = vector.shape_cast %select_n3A_749 : vector<16xi32> to vector<16xi32>
      tpu.vector_store %arg13[%swap3A_750], %swap3A_753 {strides = array<i32>} : memref<80xi32, #tpu.memory_space<vmem>>, vector<16xi32>,
      %get3A_754 = arith.index_cast %add3A_651 : i32 to index
      %get3A_755 = arith.constant 64 : index
      %get3A_756 = tpu.vector_load %arg10[%get3A_754, %get3A_755] {strides = array<i32>} : memref<125x80xi32, #tpu.memory_space<vmem>>, vector<1x16xi32>,
      %get3A_757 = vector.shape_cast %get3A_756 : vector<1x16xi32> to vector<16xi32>
      %sub3A_758 = vector.broadcast %mul3A_4 : i32 to vector<16xi32>
      %sub3A_759 = arith.subi %get3A_757, %sub3A_758 : vector<16xi32>
      %ge3A_760 = arith.constant 0 : i32
      %ge3A_761 = vector.broadcast %ge3A_760 : i32 to vector<16xi32>
      %ge3A_762 = arith.cmpi sge, %sub3A_759, %ge3A_761 : vector<16xi32>
      %lt3A_763 = arith.constant 5120 : i32
      %lt3A_764 = vector.broadcast %lt3A_763 : i32 to vector<16xi32>
      %lt3A_765 = arith.cmpi slt, %sub3A_759, %lt3A_764 : vector<16xi32>
      %and3A_766 = arith.andi %ge3A_762, %lt3A_765 : vector<16xi1>
      %and3A_767 = arith.constant 255 : i32
      %and3A_768 = vector.broadcast %and3A_767 : i32 to vector<16xi32>
      %and3A_769 = arith.andi %get3A_757, %and3A_768 : vector<16xi32>
      %add3A_770 = arith.constant 5120 : i32
      %add3A_771 = vector.broadcast %add3A_770 : i32 to vector<16xi32>
      %add3A_772 = arith.addi %add3A_771, %and3A_769 : vector<16xi32>
      %select_n3A_773 = arith.select %and3A_766, %sub3A_759, %add3A_772 : vector<16xi1>, vector<16xi32>
      %swap3A_774 = arith.constant 64 : index
      %swap3A_775 = tpu.vector_load %arg13[%swap3A_774] {strides = array<i32>} : memref<80xi32, #tpu.memory_space<vmem>>, vector<16xi32>,
      %swap3A_776 = vector.shape_cast %swap3A_775 : vector<16xi32> to vector<16xi32>
      %swap3A_777 = vector.shape_cast %select_n3A_773 : vector<16xi32> to vector<16xi32>
      tpu.vector_store %arg13[%swap3A_774], %swap3A_777 {strides = array<i32>} : memref<80xi32, #tpu.memory_space<vmem>>, vector<16xi32>,
      %dma_start3A_778 = arith.constant 0 : i32
      %dma_start3A_779 = arith.constant 0 : i32
      %dma_start3A_780 = tpu.memref_slice %arg19[%dma_start3A_778, %dma_start3A_779] : memref<5376x128xf32, #tpu.memory_space<vmem_shared>> -> memref<5376x128xf32, #tpu.memory_space<vmem_shared>>
      tpu.enqueue_indirect_dma source(%arg17 : memref<80x128xf32, #tpu.memory_space<vmem>>) target(%dma_start3A_780 : memref<5376x128xf32, #tpu.memory_space<vmem_shared>>) offsets(%arg13 : memref<80xi32, #tpu.memory_space<vmem>>) semaphore(%arg26 : memref<!tpu.dma_semaphore, #tpu.memory_space<semaphore_mem>>) {add = true}
      %ge3A_781 = arith.constant 2 : i32
      %ge3A_782 = arith.cmpi sge, %add3A_651, %ge3A_781 : i32
      %add3A_783 = arith.constant 2 : i32
      %add3A_784 = arith.addi %add3A_651, %add3A_783 : i32
      %lt3A_785 = arith.constant 125 : i32
      %lt3A_786 = arith.cmpi slt, %add3A_784, %lt3A_785 : i32
      %and3A_787 = arith.andi %ge3A_782, %lt3A_786 : i1
      %convert_element_type3A_788 = arith.extui %and3A_787 : i1 to i32
      %cond3A_789 = arith.constant 0 : i32
      %cond3A_790 = arith.cmpi ne, %convert_element_type3A_788, %cond3A_789 : i32
      scf.if %cond3A_790 {
        %dma_wait3A_946 = arith.constant 0 : i32
        %dma_wait3A_947 = arith.constant 0 : i32
        %dma_wait3A_948 = tpu.memref_slice %arg19[%dma_wait3A_946, %dma_wait3A_947] : memref<5376x128xf32, #tpu.memory_space<vmem_shared>> -> memref<5376x128xf32, #tpu.memory_space<vmem_shared>>
        tpu.wait_indirect_dma semaphore(%arg24 : memref<!tpu.dma_semaphore, #tpu.memory_space<semaphore_mem>>) src(%arg15 : memref<80x128xf32, #tpu.memory_space<vmem>>) dst(%dma_wait3A_948 : memref<5376x128xf32, #tpu.memory_space<vmem_shared>>)
      } else {
      }
      %add3A_791 = arith.constant 2 : i32
      %add3A_792 = arith.addi %add3A_651, %add3A_791 : i32
      %lt3A_793 = arith.constant 125 : i32
      %lt3A_794 = arith.cmpi slt, %add3A_792, %lt3A_793 : i32
      %convert_element_type3A_795 = arith.extui %lt3A_794 : i1 to i32
      %cond3A_796 = arith.constant 0 : i32
      %cond3A_797 = arith.cmpi ne, %convert_element_type3A_795, %cond3A_796 : i32
      scf.if %cond3A_797 {
        %add3A_946 = arith.constant 2 : i32
        %add3A_947 = arith.addi %add3A_651, %add3A_946 : i32
        %dma_start3A_948 = arith.constant 0 : i32
        %dma_start3A_949 = tpu.memref_slice %arg9[%add3A_947, %dma_start3A_948] : memref<125x80xi32, #tpu.memory_space<vmem>> -> memref<1x80xi32, #tpu.memory_space<vmem>>
        %dma_start3A_950 = tpu.memref_squeeze %dma_start3A_949 : memref<1x80xi32, #tpu.memory_space<vmem>> -> memref<80xi32, #tpu.memory_space<vmem>>
        %dma_start3A_951 = arith.constant 0 : i32
        %dma_start3A_952 = arith.constant 0 : i32
        %dma_start3A_953 = tpu.memref_slice %arg2[%dma_start3A_951, %dma_start3A_952] : memref<10000x128xf32, #tpu.memory_space<hbm>> -> memref<10000x128xf32, #tpu.memory_space<hbm>>
        tpu.enqueue_indirect_dma source(%dma_start3A_953 : memref<10000x128xf32, #tpu.memory_space<hbm>>) target(%arg15 : memref<80x128xf32, #tpu.memory_space<vmem>>) offsets(%dma_start3A_950 : memref<80xi32, #tpu.memory_space<vmem>>) semaphore(%arg20 : memref<!tpu.dma_semaphore, #tpu.memory_space<semaphore_mem>>)
      } else {
      }
      %add3A_798 = arith.constant 3 : i32
      %add3A_799 = arith.addi %mul3A_355, %add3A_798 : i32
      %dma_wait3A_800 = arith.constant 0 : i32
      %dma_wait3A_801 = tpu.memref_slice %arg9[%add3A_799, %dma_wait3A_800] : memref<125x80xi32, #tpu.memory_space<vmem>> -> memref<1x80xi32, #tpu.memory_space<vmem>>
      %dma_wait3A_802 = tpu.memref_squeeze %dma_wait3A_801 : memref<1x80xi32, #tpu.memory_space<vmem>> -> memref<80xi32, #tpu.memory_space<vmem>>
      %dma_wait3A_803 = arith.constant 0 : i32
      %dma_wait3A_804 = arith.constant 0 : i32
      %dma_wait3A_805 = tpu.memref_slice %arg2[%dma_wait3A_803, %dma_wait3A_804] : memref<10000x128xf32, #tpu.memory_space<hbm>> -> memref<10000x128xf32, #tpu.memory_space<hbm>>
      tpu.wait_indirect_dma semaphore(%arg23 : memref<!tpu.dma_semaphore, #tpu.memory_space<semaphore_mem>>) src(%dma_wait3A_805 : memref<10000x128xf32, #tpu.memory_space<hbm>>) dst(%arg18 : memref<80x128xf32, #tpu.memory_space<vmem>>)
      %get3A_806 = arith.index_cast %add3A_799 : i32 to index
      %get3A_807 = arith.constant 0 : index
      %get3A_808 = tpu.vector_load %arg10[%get3A_806, %get3A_807] {strides = array<i32>} : memref<125x80xi32, #tpu.memory_space<vmem>>, vector<1x16xi32>,
      %get3A_809 = vector.shape_cast %get3A_808 : vector<1x16xi32> to vector<16xi32>
      %sub3A_810 = vector.broadcast %mul3A_4 : i32 to vector<16xi32>
      %sub3A_811 = arith.subi %get3A_809, %sub3A_810 : vector<16xi32>
      %ge3A_812 = arith.constant 0 : i32
      %ge3A_813 = vector.broadcast %ge3A_812 : i32 to vector<16xi32>
      %ge3A_814 = arith.cmpi sge, %sub3A_811, %ge3A_813 : vector<16xi32>
      %lt3A_815 = arith.constant 5120 : i32
      %lt3A_816 = vector.broadcast %lt3A_815 : i32 to vector<16xi32>
      %lt3A_817 = arith.cmpi slt, %sub3A_811, %lt3A_816 : vector<16xi32>
      %and3A_818 = arith.andi %ge3A_814, %lt3A_817 : vector<16xi1>
      %and3A_819 = arith.constant 255 : i32
      %and3A_820 = vector.broadcast %and3A_819 : i32 to vector<16xi32>
      %and3A_821 = arith.andi %get3A_809, %and3A_820 : vector<16xi32>
      %add3A_822 = arith.constant 5120 : i32
      %add3A_823 = vector.broadcast %add3A_822 : i32 to vector<16xi32>
      %add3A_824 = arith.addi %add3A_823, %and3A_821 : vector<16xi32>
      %select_n3A_825 = arith.select %and3A_818, %sub3A_811, %add3A_824 : vector<16xi1>, vector<16xi32>
      %swap3A_826 = arith.constant 0 : index
      %swap3A_827 = tpu.vector_load %arg14[%swap3A_826] {strides = array<i32>} : memref<80xi32, #tpu.memory_space<vmem>>, vector<16xi32>,
      %swap3A_828 = vector.shape_cast %swap3A_827 : vector<16xi32> to vector<16xi32>
      %swap3A_829 = vector.shape_cast %select_n3A_825 : vector<16xi32> to vector<16xi32>
      tpu.vector_store %arg14[%swap3A_826], %swap3A_829 {strides = array<i32>} : memref<80xi32, #tpu.memory_space<vmem>>, vector<16xi32>,
      %get3A_830 = arith.index_cast %add3A_799 : i32 to index
      %get3A_831 = arith.constant 16 : index
      %get3A_832 = tpu.vector_load %arg10[%get3A_830, %get3A_831] {strides = array<i32>} : memref<125x80xi32, #tpu.memory_space<vmem>>, vector<1x16xi32>,
      %get3A_833 = vector.shape_cast %get3A_832 : vector<1x16xi32> to vector<16xi32>
      %sub3A_834 = vector.broadcast %mul3A_4 : i32 to vector<16xi32>
      %sub3A_835 = arith.subi %get3A_833, %sub3A_834 : vector<16xi32>
      %ge3A_836 = arith.constant 0 : i32
      %ge3A_837 = vector.broadcast %ge3A_836 : i32 to vector<16xi32>
      %ge3A_838 = arith.cmpi sge, %sub3A_835, %ge3A_837 : vector<16xi32>
      %lt3A_839 = arith.constant 5120 : i32
      %lt3A_840 = vector.broadcast %lt3A_839 : i32 to vector<16xi32>
      %lt3A_841 = arith.cmpi slt, %sub3A_835, %lt3A_840 : vector<16xi32>
      %and3A_842 = arith.andi %ge3A_838, %lt3A_841 : vector<16xi1>
      %and3A_843 = arith.constant 255 : i32
      %and3A_844 = vector.broadcast %and3A_843 : i32 to vector<16xi32>
      %and3A_845 = arith.andi %get3A_833, %and3A_844 : vector<16xi32>
      %add3A_846 = arith.constant 5120 : i32
      %add3A_847 = vector.broadcast %add3A_846 : i32 to vector<16xi32>
      %add3A_848 = arith.addi %add3A_847, %and3A_845 : vector<16xi32>
      %select_n3A_849 = arith.select %and3A_842, %sub3A_835, %add3A_848 : vector<16xi1>, vector<16xi32>
      %swap3A_850 = arith.constant 16 : index
      %swap3A_851 = tpu.vector_load %arg14[%swap3A_850] {strides = array<i32>} : memref<80xi32, #tpu.memory_space<vmem>>, vector<16xi32>,
      %swap3A_852 = vector.shape_cast %swap3A_851 : vector<16xi32> to vector<16xi32>
      %swap3A_853 = vector.shape_cast %select_n3A_849 : vector<16xi32> to vector<16xi32>
      tpu.vector_store %arg14[%swap3A_850], %swap3A_853 {strides = array<i32>} : memref<80xi32, #tpu.memory_space<vmem>>, vector<16xi32>,
      %get3A_854 = arith.index_cast %add3A_799 : i32 to index
      %get3A_855 = arith.constant 32 : index
      %get3A_856 = tpu.vector_load %arg10[%get3A_854, %get3A_855] {strides = array<i32>} : memref<125x80xi32, #tpu.memory_space<vmem>>, vector<1x16xi32>,
      %get3A_857 = vector.shape_cast %get3A_856 : vector<1x16xi32> to vector<16xi32>
      %sub3A_858 = vector.broadcast %mul3A_4 : i32 to vector<16xi32>
      %sub3A_859 = arith.subi %get3A_857, %sub3A_858 : vector<16xi32>
      %ge3A_860 = arith.constant 0 : i32
      %ge3A_861 = vector.broadcast %ge3A_860 : i32 to vector<16xi32>
      %ge3A_862 = arith.cmpi sge, %sub3A_859, %ge3A_861 : vector<16xi32>
      %lt3A_863 = arith.constant 5120 : i32
      %lt3A_864 = vector.broadcast %lt3A_863 : i32 to vector<16xi32>
      %lt3A_865 = arith.cmpi slt, %sub3A_859, %lt3A_864 : vector<16xi32>
      %and3A_866 = arith.andi %ge3A_862, %lt3A_865 : vector<16xi1>
      %and3A_867 = arith.constant 255 : i32
      %and3A_868 = vector.broadcast %and3A_867 : i32 to vector<16xi32>
      %and3A_869 = arith.andi %get3A_857, %and3A_868 : vector<16xi32>
      %add3A_870 = arith.constant 5120 : i32
      %add3A_871 = vector.broadcast %add3A_870 : i32 to vector<16xi32>
      %add3A_872 = arith.addi %add3A_871, %and3A_869 : vector<16xi32>
      %select_n3A_873 = arith.select %and3A_866, %sub3A_859, %add3A_872 : vector<16xi1>, vector<16xi32>
      %swap3A_874 = arith.constant 32 : index
      %swap3A_875 = tpu.vector_load %arg14[%swap3A_874] {strides = array<i32>} : memref<80xi32, #tpu.memory_space<vmem>>, vector<16xi32>,
      %swap3A_876 = vector.shape_cast %swap3A_875 : vector<16xi32> to vector<16xi32>
      %swap3A_877 = vector.shape_cast %select_n3A_873 : vector<16xi32> to vector<16xi32>
      tpu.vector_store %arg14[%swap3A_874], %swap3A_877 {strides = array<i32>} : memref<80xi32, #tpu.memory_space<vmem>>, vector<16xi32>,
      %get3A_878 = arith.index_cast %add3A_799 : i32 to index
      %get3A_879 = arith.constant 48 : index
      %get3A_880 = tpu.vector_load %arg10[%get3A_878, %get3A_879] {strides = array<i32>} : memref<125x80xi32, #tpu.memory_space<vmem>>, vector<1x16xi32>,
      %get3A_881 = vector.shape_cast %get3A_880 : vector<1x16xi32> to vector<16xi32>
      %sub3A_882 = vector.broadcast %mul3A_4 : i32 to vector<16xi32>
      %sub3A_883 = arith.subi %get3A_881, %sub3A_882 : vector<16xi32>
      %ge3A_884 = arith.constant 0 : i32
      %ge3A_885 = vector.broadcast %ge3A_884 : i32 to vector<16xi32>
      %ge3A_886 = arith.cmpi sge, %sub3A_883, %ge3A_885 : vector<16xi32>
      %lt3A_887 = arith.constant 5120 : i32
      %lt3A_888 = vector.broadcast %lt3A_887 : i32 to vector<16xi32>
      %lt3A_889 = arith.cmpi slt, %sub3A_883, %lt3A_888 : vector<16xi32>
      %and3A_890 = arith.andi %ge3A_886, %lt3A_889 : vector<16xi1>
      %and3A_891 = arith.constant 255 : i32
      %and3A_892 = vector.broadcast %and3A_891 : i32 to vector<16xi32>
      %and3A_893 = arith.andi %get3A_881, %and3A_892 : vector<16xi32>
      %add3A_894 = arith.constant 5120 : i32
      %add3A_895 = vector.broadcast %add3A_894 : i32 to vector<16xi32>
      %add3A_896 = arith.addi %add3A_895, %and3A_893 : vector<16xi32>
      %select_n3A_897 = arith.select %and3A_890, %sub3A_883, %add3A_896 : vector<16xi1>, vector<16xi32>
      %swap3A_898 = arith.constant 48 : index
      %swap3A_899 = tpu.vector_load %arg14[%swap3A_898] {strides = array<i32>} : memref<80xi32, #tpu.memory_space<vmem>>, vector<16xi32>,
      %swap3A_900 = vector.shape_cast %swap3A_899 : vector<16xi32> to vector<16xi32>
      %swap3A_901 = vector.shape_cast %select_n3A_897 : vector<16xi32> to vector<16xi32>
      tpu.vector_store %arg14[%swap3A_898], %swap3A_901 {strides = array<i32>} : memref<80xi32, #tpu.memory_space<vmem>>, vector<16xi32>,
      %get3A_902 = arith.index_cast %add3A_799 : i32 to index
      %get3A_903 = arith.constant 64 : index
      %get3A_904 = tpu.vector_load %arg10[%get3A_902, %get3A_903] {strides = array<i32>} : memref<125x80xi32, #tpu.memory_space<vmem>>, vector<1x16xi32>,
      %get3A_905 = vector.shape_cast %get3A_904 : vector<1x16xi32> to vector<16xi32>
      %sub3A_906 = vector.broadcast %mul3A_4 : i32 to vector<16xi32>
      %sub3A_907 = arith.subi %get3A_905, %sub3A_906 : vector<16xi32>
      %ge3A_908 = arith.constant 0 : i32
      %ge3A_909 = vector.broadcast %ge3A_908 : i32 to vector<16xi32>
      %ge3A_910 = arith.cmpi sge, %sub3A_907, %ge3A_909 : vector<16xi32>
      %lt3A_911 = arith.constant 5120 : i32
      %lt3A_912 = vector.broadcast %lt3A_911 : i32 to vector<16xi32>
      %lt3A_913 = arith.cmpi slt, %sub3A_907, %lt3A_912 : vector<16xi32>
      %and3A_914 = arith.andi %ge3A_910, %lt3A_913 : vector<16xi1>
      %and3A_915 = arith.constant 255 : i32
      %and3A_916 = vector.broadcast %and3A_915 : i32 to vector<16xi32>
      %and3A_917 = arith.andi %get3A_905, %and3A_916 : vector<16xi32>
      %add3A_918 = arith.constant 5120 : i32
      %add3A_919 = vector.broadcast %add3A_918 : i32 to vector<16xi32>
      %add3A_920 = arith.addi %add3A_919, %and3A_917 : vector<16xi32>
      %select_n3A_921 = arith.select %and3A_914, %sub3A_907, %add3A_920 : vector<16xi1>, vector<16xi32>
      %swap3A_922 = arith.constant 64 : index
      %swap3A_923 = tpu.vector_load %arg14[%swap3A_922] {strides = array<i32>} : memref<80xi32, #tpu.memory_space<vmem>>, vector<16xi32>,
      %swap3A_924 = vector.shape_cast %swap3A_923 : vector<16xi32> to vector<16xi32>
      %swap3A_925 = vector.shape_cast %select_n3A_921 : vector<16xi32> to vector<16xi32>
      tpu.vector_store %arg14[%swap3A_922], %swap3A_925 {strides = array<i32>} : memref<80xi32, #tpu.memory_space<vmem>>, vector<16xi32>,
      %dma_start3A_926 = arith.constant 0 : i32
      %dma_start3A_927 = arith.constant 0 : i32
      %dma_start3A_928 = tpu.memref_slice %arg19[%dma_start3A_926, %dma_start3A_927] : memref<5376x128xf32, #tpu.memory_space<vmem_shared>> -> memref<5376x128xf32, #tpu.memory_space<vmem_shared>>
      tpu.enqueue_indirect_dma source(%arg18 : memref<80x128xf32, #tpu.memory_space<vmem>>) target(%dma_start3A_928 : memref<5376x128xf32, #tpu.memory_space<vmem_shared>>) offsets(%arg14 : memref<80xi32, #tpu.memory_space<vmem>>) semaphore(%arg27 : memref<!tpu.dma_semaphore, #tpu.memory_space<semaphore_mem>>) {add = true}
      %ge3A_929 = arith.constant 2 : i32
      %ge3A_930 = arith.cmpi sge, %add3A_799, %ge3A_929 : i32
      %add3A_931 = arith.constant 2 : i32
      %add3A_932 = arith.addi %add3A_799, %add3A_931 : i32
      %lt3A_933 = arith.constant 125 : i32
      %lt3A_934 = arith.cmpi slt, %add3A_932, %lt3A_933 : i32
      %and3A_935 = arith.andi %ge3A_930, %lt3A_934 : i1
      %convert_element_type3A_936 = arith.extui %and3A_935 : i1 to i32
      %cond3A_937 = arith.constant 0 : i32
      %cond3A_938 = arith.cmpi ne, %convert_element_type3A_936, %cond3A_937 : i32
      scf.if %cond3A_938 {
        %dma_wait3A_946 = arith.constant 0 : i32
        %dma_wait3A_947 = arith.constant 0 : i32
        %dma_wait3A_948 = tpu.memref_slice %arg19[%dma_wait3A_946, %dma_wait3A_947] : memref<5376x128xf32, #tpu.memory_space<vmem_shared>> -> memref<5376x128xf32, #tpu.memory_space<vmem_shared>>
        tpu.wait_indirect_dma semaphore(%arg25 : memref<!tpu.dma_semaphore, #tpu.memory_space<semaphore_mem>>) src(%arg16 : memref<80x128xf32, #tpu.memory_space<vmem>>) dst(%dma_wait3A_948 : memref<5376x128xf32, #tpu.memory_space<vmem_shared>>)
      } else {
      }
      %add3A_939 = arith.constant 2 : i32
      %add3A_940 = arith.addi %add3A_799, %add3A_939 : i32
      %lt3A_941 = arith.constant 125 : i32
      %lt3A_942 = arith.cmpi slt, %add3A_940, %lt3A_941 : i32
      %convert_element_type3A_943 = arith.extui %lt3A_942 : i1 to i32
      %cond3A_944 = arith.constant 0 : i32
      %cond3A_945 = arith.cmpi ne, %convert_element_type3A_943, %cond3A_944 : i32
      scf.if %cond3A_945 {
        %add3A_946 = arith.constant 2 : i32
        %add3A_947 = arith.addi %add3A_799, %add3A_946 : i32
        %dma_start3A_948 = arith.constant 0 : i32
        %dma_start3A_949 = tpu.memref_slice %arg9[%add3A_947, %dma_start3A_948] : memref<125x80xi32, #tpu.memory_space<vmem>> -> memref<1x80xi32, #tpu.memory_space<vmem>>
        %dma_start3A_950 = tpu.memref_squeeze %dma_start3A_949 : memref<1x80xi32, #tpu.memory_space<vmem>> -> memref<80xi32, #tpu.memory_space<vmem>>
        %dma_start3A_951 = arith.constant 0 : i32
        %dma_start3A_952 = arith.constant 0 : i32
        %dma_start3A_953 = tpu.memref_slice %arg2[%dma_start3A_951, %dma_start3A_952] : memref<10000x128xf32, #tpu.memory_space<hbm>> -> memref<10000x128xf32, #tpu.memory_space<hbm>>
        tpu.enqueue_indirect_dma source(%dma_start3A_953 : memref<10000x128xf32, #tpu.memory_space<hbm>>) target(%arg16 : memref<80x128xf32, #tpu.memory_space<vmem>>) offsets(%dma_start3A_950 : memref<80xi32, #tpu.memory_space<vmem>>) semaphore(%arg21 : memref<!tpu.dma_semaphore, #tpu.memory_space<semaphore_mem>>)
      } else {
      }
    }
    %scan3A_22 = arith.constant 31 : i32
    %dma_wait3A = arith.constant 124 : i32
    %dma_wait3A_23 = arith.constant 0 : i32
    %dma_wait3A_24 = tpu.memref_slice %arg9[%dma_wait3A, %dma_wait3A_23] : memref<125x80xi32, #tpu.memory_space<vmem>> -> memref<1x80xi32, #tpu.memory_space<vmem>>
    %dma_wait3A_25 = tpu.memref_squeeze %dma_wait3A_24 : memref<1x80xi32, #tpu.memory_space<vmem>> -> memref<80xi32, #tpu.memory_space<vmem>>
    %dma_wait3A_26 = arith.constant 0 : i32
    %dma_wait3A_27 = arith.constant 0 : i32
    %dma_wait3A_28 = tpu.memref_slice %arg2[%dma_wait3A_26, %dma_wait3A_27] : memref<10000x128xf32, #tpu.memory_space<hbm>> -> memref<10000x128xf32, #tpu.memory_space<hbm>>
    tpu.wait_indirect_dma semaphore(%arg20 : memref<!tpu.dma_semaphore, #tpu.memory_space<semaphore_mem>>) src(%dma_wait3A_28 : memref<10000x128xf32, #tpu.memory_space<hbm>>) dst(%arg15 : memref<80x128xf32, #tpu.memory_space<vmem>>)
    %get3A = arith.constant 124 : i32
    %get3A_29 = arith.index_cast %get3A : i32 to index
    %get3A_30 = arith.constant 0 : index
    %get3A_31 = tpu.vector_load %arg10[%get3A_29, %get3A_30] {strides = array<i32>} : memref<125x80xi32, #tpu.memory_space<vmem>>, vector<1x16xi32>,
    %get3A_32 = vector.shape_cast %get3A_31 : vector<1x16xi32> to vector<16xi32>
    %sub3A = vector.broadcast %mul3A_4 : i32 to vector<16xi32>
    %sub3A_33 = arith.subi %get3A_32, %sub3A : vector<16xi32>
    %ge3A = arith.constant 0 : i32
    %ge3A_34 = vector.broadcast %ge3A : i32 to vector<16xi32>
    %ge3A_35 = arith.cmpi sge, %sub3A_33, %ge3A_34 : vector<16xi32>
    %lt3A = arith.constant 5120 : i32
    %lt3A_36 = vector.broadcast %lt3A : i32 to vector<16xi32>
    %lt3A_37 = arith.cmpi slt, %sub3A_33, %lt3A_36 : vector<16xi32>
    %and3A = arith.andi %ge3A_35, %lt3A_37 : vector<16xi1>
    %and3A_38 = arith.constant 255 : i32
    %and3A_39 = vector.broadcast %and3A_38 : i32 to vector<16xi32>
    %and3A_40 = arith.andi %get3A_32, %and3A_39 : vector<16xi32>
    %add3A = arith.constant 5120 : i32
    %add3A_41 = vector.broadcast %add3A : i32 to vector<16xi32>
    %add3A_42 = arith.addi %add3A_41, %and3A_40 : vector<16xi32>
    %select_n3A = arith.select %and3A, %sub3A_33, %add3A_42 : vector<16xi1>, vector<16xi32>
    %swap3A = arith.constant 0 : index
    %swap3A_43 = tpu.vector_load %arg11[%swap3A] {strides = array<i32>} : memref<80xi32, #tpu.memory_space<vmem>>, vector<16xi32>,
    %swap3A_44 = vector.shape_cast %swap3A_43 : vector<16xi32> to vector<16xi32>
    %swap3A_45 = vector.shape_cast %select_n3A : vector<16xi32> to vector<16xi32>
    tpu.vector_store %arg11[%swap3A], %swap3A_45 {strides = array<i32>} : memref<80xi32, #tpu.memory_space<vmem>>, vector<16xi32>,
    %get3A_46 = arith.constant 124 : i32
    %get3A_47 = arith.index_cast %get3A_46 : i32 to index
    %get3A_48 = arith.constant 16 : index
    %get3A_49 = tpu.vector_load %arg10[%get3A_47, %get3A_48] {strides = array<i32>} : memref<125x80xi32, #tpu.memory_space<vmem>>, vector<1x16xi32>,
    %get3A_50 = vector.shape_cast %get3A_49 : vector<1x16xi32> to vector<16xi32>
    %sub3A_51 = vector.broadcast %mul3A_4 : i32 to vector<16xi32>
    %sub3A_52 = arith.subi %get3A_50, %sub3A_51 : vector<16xi32>
    %ge3A_53 = arith.constant 0 : i32
    %ge3A_54 = vector.broadcast %ge3A_53 : i32 to vector<16xi32>
    %ge3A_55 = arith.cmpi sge, %sub3A_52, %ge3A_54 : vector<16xi32>
    %lt3A_56 = arith.constant 5120 : i32
    %lt3A_57 = vector.broadcast %lt3A_56 : i32 to vector<16xi32>
    %lt3A_58 = arith.cmpi slt, %sub3A_52, %lt3A_57 : vector<16xi32>
    %and3A_59 = arith.andi %ge3A_55, %lt3A_58 : vector<16xi1>
    %and3A_60 = arith.constant 255 : i32
    %and3A_61 = vector.broadcast %and3A_60 : i32 to vector<16xi32>
    %and3A_62 = arith.andi %get3A_50, %and3A_61 : vector<16xi32>
    %add3A_63 = arith.constant 5120 : i32
    %add3A_64 = vector.broadcast %add3A_63 : i32 to vector<16xi32>
    %add3A_65 = arith.addi %add3A_64, %and3A_62 : vector<16xi32>
    %select_n3A_66 = arith.select %and3A_59, %sub3A_52, %add3A_65 : vector<16xi1>, vector<16xi32>
    %swap3A_67 = arith.constant 16 : index
    %swap3A_68 = tpu.vector_load %arg11[%swap3A_67] {strides = array<i32>} : memref<80xi32, #tpu.memory_space<vmem>>, vector<16xi32>,
    %swap3A_69 = vector.shape_cast %swap3A_68 : vector<16xi32> to vector<16xi32>
    %swap3A_70 = vector.shape_cast %select_n3A_66 : vector<16xi32> to vector<16xi32>
    tpu.vector_store %arg11[%swap3A_67], %swap3A_70 {strides = array<i32>} : memref<80xi32, #tpu.memory_space<vmem>>, vector<16xi32>,
    %get3A_71 = arith.constant 124 : i32
    %get3A_72 = arith.index_cast %get3A_71 : i32 to index
    %get3A_73 = arith.constant 32 : index
    %get3A_74 = tpu.vector_load %arg10[%get3A_72, %get3A_73] {strides = array<i32>} : memref<125x80xi32, #tpu.memory_space<vmem>>, vector<1x16xi32>,
    %get3A_75 = vector.shape_cast %get3A_74 : vector<1x16xi32> to vector<16xi32>
    %sub3A_76 = vector.broadcast %mul3A_4 : i32 to vector<16xi32>
    %sub3A_77 = arith.subi %get3A_75, %sub3A_76 : vector<16xi32>
    %ge3A_78 = arith.constant 0 : i32
    %ge3A_79 = vector.broadcast %ge3A_78 : i32 to vector<16xi32>
    %ge3A_80 = arith.cmpi sge, %sub3A_77, %ge3A_79 : vector<16xi32>
    %lt3A_81 = arith.constant 5120 : i32
    %lt3A_82 = vector.broadcast %lt3A_81 : i32 to vector<16xi32>
    %lt3A_83 = arith.cmpi slt, %sub3A_77, %lt3A_82 : vector<16xi32>
    %and3A_84 = arith.andi %ge3A_80, %lt3A_83 : vector<16xi1>
    %and3A_85 = arith.constant 255 : i32
    %and3A_86 = vector.broadcast %and3A_85 : i32 to vector<16xi32>
    %and3A_87 = arith.andi %get3A_75, %and3A_86 : vector<16xi32>
    %add3A_88 = arith.constant 5120 : i32
    %add3A_89 = vector.broadcast %add3A_88 : i32 to vector<16xi32>
    %add3A_90 = arith.addi %add3A_89, %and3A_87 : vector<16xi32>
    %select_n3A_91 = arith.select %and3A_84, %sub3A_77, %add3A_90 : vector<16xi1>, vector<16xi32>
    %swap3A_92 = arith.constant 32 : index
    %swap3A_93 = tpu.vector_load %arg11[%swap3A_92] {strides = array<i32>} : memref<80xi32, #tpu.memory_space<vmem>>, vector<16xi32>,
    %swap3A_94 = vector.shape_cast %swap3A_93 : vector<16xi32> to vector<16xi32>
    %swap3A_95 = vector.shape_cast %select_n3A_91 : vector<16xi32> to vector<16xi32>
    tpu.vector_store %arg11[%swap3A_92], %swap3A_95 {strides = array<i32>} : memref<80xi32, #tpu.memory_space<vmem>>, vector<16xi32>,
    %get3A_96 = arith.constant 124 : i32
    %get3A_97 = arith.index_cast %get3A_96 : i32 to index
    %get3A_98 = arith.constant 48 : index
    %get3A_99 = tpu.vector_load %arg10[%get3A_97, %get3A_98] {strides = array<i32>} : memref<125x80xi32, #tpu.memory_space<vmem>>, vector<1x16xi32>,
    %get3A_100 = vector.shape_cast %get3A_99 : vector<1x16xi32> to vector<16xi32>
    %sub3A_101 = vector.broadcast %mul3A_4 : i32 to vector<16xi32>
    %sub3A_102 = arith.subi %get3A_100, %sub3A_101 : vector<16xi32>
    %ge3A_103 = arith.constant 0 : i32
    %ge3A_104 = vector.broadcast %ge3A_103 : i32 to vector<16xi32>
    %ge3A_105 = arith.cmpi sge, %sub3A_102, %ge3A_104 : vector<16xi32>
    %lt3A_106 = arith.constant 5120 : i32
    %lt3A_107 = vector.broadcast %lt3A_106 : i32 to vector<16xi32>
    %lt3A_108 = arith.cmpi slt, %sub3A_102, %lt3A_107 : vector<16xi32>
    %and3A_109 = arith.andi %ge3A_105, %lt3A_108 : vector<16xi1>
    %and3A_110 = arith.constant 255 : i32
    %and3A_111 = vector.broadcast %and3A_110 : i32 to vector<16xi32>
    %and3A_112 = arith.andi %get3A_100, %and3A_111 : vector<16xi32>
    %add3A_113 = arith.constant 5120 : i32
    %add3A_114 = vector.broadcast %add3A_113 : i32 to vector<16xi32>
    %add3A_115 = arith.addi %add3A_114, %and3A_112 : vector<16xi32>
    %select_n3A_116 = arith.select %and3A_109, %sub3A_102, %add3A_115 : vector<16xi1>, vector<16xi32>
    %swap3A_117 = arith.constant 48 : index
    %swap3A_118 = tpu.vector_load %arg11[%swap3A_117] {strides = array<i32>} : memref<80xi32, #tpu.memory_space<vmem>>, vector<16xi32>,
    %swap3A_119 = vector.shape_cast %swap3A_118 : vector<16xi32> to vector<16xi32>
    %swap3A_120 = vector.shape_cast %select_n3A_116 : vector<16xi32> to vector<16xi32>
    tpu.vector_store %arg11[%swap3A_117], %swap3A_120 {strides = array<i32>} : memref<80xi32, #tpu.memory_space<vmem>>, vector<16xi32>,
    %get3A_121 = arith.constant 124 : i32
    %get3A_122 = arith.index_cast %get3A_121 : i32 to index
    %get3A_123 = arith.constant 64 : index
    %get3A_124 = tpu.vector_load %arg10[%get3A_122, %get3A_123] {strides = array<i32>} : memref<125x80xi32, #tpu.memory_space<vmem>>, vector<1x16xi32>,
    %get3A_125 = vector.shape_cast %get3A_124 : vector<1x16xi32> to vector<16xi32>
    %sub3A_126 = vector.broadcast %mul3A_4 : i32 to vector<16xi32>
    %sub3A_127 = arith.subi %get3A_125, %sub3A_126 : vector<16xi32>
    %ge3A_128 = arith.constant 0 : i32
    %ge3A_129 = vector.broadcast %ge3A_128 : i32 to vector<16xi32>
    %ge3A_130 = arith.cmpi sge, %sub3A_127, %ge3A_129 : vector<16xi32>
    %lt3A_131 = arith.constant 5120 : i32
    %lt3A_132 = vector.broadcast %lt3A_131 : i32 to vector<16xi32>
    %lt3A_133 = arith.cmpi slt, %sub3A_127, %lt3A_132 : vector<16xi32>
    %and3A_134 = arith.andi %ge3A_130, %lt3A_133 : vector<16xi1>
    %and3A_135 = arith.constant 255 : i32
    %and3A_136 = vector.broadcast %and3A_135 : i32 to vector<16xi32>
    %and3A_137 = arith.andi %get3A_125, %and3A_136 : vector<16xi32>
    %add3A_138 = arith.constant 5120 : i32
    %add3A_139 = vector.broadcast %add3A_138 : i32 to vector<16xi32>
    %add3A_140 = arith.addi %add3A_139, %and3A_137 : vector<16xi32>
    %select_n3A_141 = arith.select %and3A_134, %sub3A_127, %add3A_140 : vector<16xi1>, vector<16xi32>
    %swap3A_142 = arith.constant 64 : index
    %swap3A_143 = tpu.vector_load %arg11[%swap3A_142] {strides = array<i32>} : memref<80xi32, #tpu.memory_space<vmem>>, vector<16xi32>,
    %swap3A_144 = vector.shape_cast %swap3A_143 : vector<16xi32> to vector<16xi32>
    %swap3A_145 = vector.shape_cast %select_n3A_141 : vector<16xi32> to vector<16xi32>
    tpu.vector_store %arg11[%swap3A_142], %swap3A_145 {strides = array<i32>} : memref<80xi32, #tpu.memory_space<vmem>>, vector<16xi32>,
    %dma_start3A_146 = arith.constant 0 : i32
    %dma_start3A_147 = arith.constant 0 : i32
    %dma_start3A_148 = tpu.memref_slice %arg19[%dma_start3A_146, %dma_start3A_147] : memref<5376x128xf32, #tpu.memory_space<vmem_shared>> -> memref<5376x128xf32, #tpu.memory_space<vmem_shared>>
    tpu.enqueue_indirect_dma source(%arg15 : memref<80x128xf32, #tpu.memory_space<vmem>>) target(%dma_start3A_148 : memref<5376x128xf32, #tpu.memory_space<vmem_shared>>) offsets(%arg11 : memref<80xi32, #tpu.memory_space<vmem>>) semaphore(%arg24 : memref<!tpu.dma_semaphore, #tpu.memory_space<semaphore_mem>>) {add = true}
    %dma_wait3A_149 = arith.constant 0 : i32
    %dma_wait3A_150 = arith.constant 0 : i32
    %dma_wait3A_151 = tpu.memref_slice %arg19[%dma_wait3A_149, %dma_wait3A_150] : memref<5376x128xf32, #tpu.memory_space<vmem_shared>> -> memref<5376x128xf32, #tpu.memory_space<vmem_shared>>
    tpu.wait_indirect_dma semaphore(%arg24 : memref<!tpu.dma_semaphore, #tpu.memory_space<semaphore_mem>>) src(%arg15 : memref<80x128xf32, #tpu.memory_space<vmem>>) dst(%dma_wait3A_151 : memref<5376x128xf32, #tpu.memory_space<vmem_shared>>)
    %dma_wait3A_152 = arith.constant 0 : i32
    %dma_wait3A_153 = arith.constant 0 : i32
    %dma_wait3A_154 = tpu.memref_slice %arg19[%dma_wait3A_152, %dma_wait3A_153] : memref<5376x128xf32, #tpu.memory_space<vmem_shared>> -> memref<5376x128xf32, #tpu.memory_space<vmem_shared>>
    tpu.wait_indirect_dma semaphore(%arg25 : memref<!tpu.dma_semaphore, #tpu.memory_space<semaphore_mem>>) src(%arg16 : memref<80x128xf32, #tpu.memory_space<vmem>>) dst(%dma_wait3A_154 : memref<5376x128xf32, #tpu.memory_space<vmem_shared>>)
    %dma_wait3A_155 = arith.constant 0 : i32
    %dma_wait3A_156 = arith.constant 0 : i32
    %dma_wait3A_157 = tpu.memref_slice %arg19[%dma_wait3A_155, %dma_wait3A_156] : memref<5376x128xf32, #tpu.memory_space<vmem_shared>> -> memref<5376x128xf32, #tpu.memory_space<vmem_shared>>
    tpu.wait_indirect_dma semaphore(%arg26 : memref<!tpu.dma_semaphore, #tpu.memory_space<semaphore_mem>>) src(%arg17 : memref<80x128xf32, #tpu.memory_space<vmem>>) dst(%dma_wait3A_157 : memref<5376x128xf32, #tpu.memory_space<vmem_shared>>)
    %dma_wait3A_158 = arith.constant 0 : i32
    %dma_wait3A_159 = arith.constant 0 : i32
    %dma_wait3A_160 = tpu.memref_slice %arg19[%dma_wait3A_158, %dma_wait3A_159] : memref<5376x128xf32, #tpu.memory_space<vmem_shared>> -> memref<5376x128xf32, #tpu.memory_space<vmem_shared>>
    tpu.wait_indirect_dma semaphore(%arg27 : memref<!tpu.dma_semaphore, #tpu.memory_space<semaphore_mem>>) src(%arg18 : memref<80x128xf32, #tpu.memory_space<vmem>>) dst(%dma_wait3A_160 : memref<5376x128xf32, #tpu.memory_space<vmem_shared>>)
    %barrier3A_161 = arith.constant 0 : index
    tpu.barrier barrier_id(%barrier3A_161)
    %mul3A_162 = arith.constant 320 : i32
    %mul3A_163 = arith.muli %arg1, %mul3A_162 : i32
    %mul3A_164 = arith.constant 5120 : i32
    %mul3A_165 = arith.muli %arg0, %mul3A_164 : i32
    %mul3A_166 = arith.constant 320 : i32
    %mul3A_167 = arith.muli %arg1, %mul3A_166 : i32
    %add3A_168 = arith.addi %mul3A_165, %mul3A_167 : i32
    "tpu.region"() ({
      %run_scoped3A = tpu.sem_alloc : memref<!tpu.dma_semaphore, #tpu.memory_space<semaphore_mem>>
      %dma_start3A_353 = arith.constant 0 : i32
      %dma_start3A_354 = tpu.memref_slice %arg7[%add3A_168, %dma_start3A_353] : memref<10240x128xf32, #tpu.memory_space<hbm>> -> memref<320x128xf32, #tpu.memory_space<hbm>>
      %dma_start3A_355 = arith.constant 0 : i32
      %dma_start3A_356 = tpu.memref_slice %arg19[%mul3A_163, %dma_start3A_355] : memref<5376x128xf32, #tpu.memory_space<vmem_shared>> -> memref<320x128xf32, #tpu.memory_space<vmem_shared>>
      tpu.enqueue_dma source(%dma_start3A_356 : memref<320x128xf32, #tpu.memory_space<vmem_shared>>) target(%dma_start3A_354 : memref<320x128xf32, #tpu.memory_space<hbm>>) target_semaphore(%run_scoped3A : memref<!tpu.dma_semaphore, #tpu.memory_space<semaphore_mem>>)
      %dma_wait3A_357 = arith.constant 0 : i32
      %dma_wait3A_358 = tpu.memref_slice %arg7[%add3A_168, %dma_wait3A_357] : memref<10240x128xf32, #tpu.memory_space<hbm>> -> memref<320x128xf32, #tpu.memory_space<hbm>>
      %dma_wait3A_359 = arith.constant 0 : i32
      %dma_wait3A_360 = tpu.memref_slice %arg19[%mul3A_163, %dma_wait3A_359] : memref<5376x128xf32, #tpu.memory_space<vmem_shared>> -> memref<320x128xf32, #tpu.memory_space<vmem_shared>>
      tpu.wait_dma2 semaphore(%run_scoped3A : memref<!tpu.dma_semaphore, #tpu.memory_space<semaphore_mem>>) src(%dma_wait3A_360 : memref<320x128xf32, #tpu.memory_space<vmem_shared>>) dst(%dma_wait3A_358 : memref<320x128xf32, #tpu.memory_space<hbm>>)
      tpu.yield
    }) : () -> ()
    %barrier3A_169 = arith.constant 0 : index
    tpu.barrier barrier_id(%barrier3A_169)
    %mul3A_170 = arith.constant 336 : i32
    %mul3A_171 = arith.muli %arg1, %mul3A_170 : i32
    %mul3A_172 = arith.constant 336 : i32
    %mul3A_173 = arith.muli %arg1, %mul3A_172 : i32
    "tpu.region"() ({
      %run_scoped3A = tpu.sem_alloc : memref<!tpu.dma_semaphore, #tpu.memory_space<semaphore_mem>>
      %dma_start3A_353 = arith.constant 0 : i32
      %dma_start3A_354 = tpu.memref_slice %arg19[%mul3A_173, %dma_start3A_353] : memref<5376x128xf32, #tpu.memory_space<vmem_shared>> -> memref<336x128xf32, #tpu.memory_space<vmem_shared>>
      %dma_start3A_355 = arith.constant 0 : i32
      %dma_start3A_356 = tpu.memref_slice %arg6[%mul3A_171, %dma_start3A_355] : memref<5376x128xf32, #tpu.memory_space<hbm>> -> memref<336x128xf32, #tpu.memory_space<hbm>>
      tpu.enqueue_dma source(%dma_start3A_356 : memref<336x128xf32, #tpu.memory_space<hbm>>) target(%dma_start3A_354 : memref<336x128xf32, #tpu.memory_space<vmem_shared>>) target_semaphore(%run_scoped3A : memref<!tpu.dma_semaphore, #tpu.memory_space<semaphore_mem>>)
      %dma_wait3A_357 = arith.constant 0 : i32
      %dma_wait3A_358 = tpu.memref_slice %arg19[%mul3A_173, %dma_wait3A_357] : memref<5376x128xf32, #tpu.memory_space<vmem_shared>> -> memref<336x128xf32, #tpu.memory_space<vmem_shared>>
      %dma_wait3A_359 = arith.constant 0 : i32
      %dma_wait3A_360 = tpu.memref_slice %arg6[%mul3A_171, %dma_wait3A_359] : memref<5376x128xf32, #tpu.memory_space<hbm>> -> memref<336x128xf32, #tpu.memory_space<hbm>>
      tpu.wait_dma2 semaphore(%run_scoped3A : memref<!tpu.dma_semaphore, #tpu.memory_space<semaphore_mem>>) src(%dma_wait3A_360 : memref<336x128xf32, #tpu.memory_space<hbm>>) dst(%dma_wait3A_358 : memref<336x128xf32, #tpu.memory_space<vmem_shared>>)
      tpu.yield
    }) : () -> ()
    %barrier3A_174 = arith.constant 0 : index
    tpu.barrier barrier_id(%barrier3A_174)
    %mul3A_175 = arith.constant 5120 : i32
    %mul3A_176 = arith.muli %arg0, %mul3A_175 : i32
    %dma_start3A_177 = arith.constant 0 : i32
    %dma_start3A_178 = arith.constant 0 : i32
    %dma_start3A_179 = tpu.memref_slice %arg9[%dma_start3A_177, %dma_start3A_178] : memref<125x80xi32, #tpu.memory_space<vmem>> -> memref<1x80xi32, #tpu.memory_space<vmem>>
    %dma_start3A_180 = tpu.memref_squeeze %dma_start3A_179 : memref<1x80xi32, #tpu.memory_space<vmem>> -> memref<80xi32, #tpu.memory_space<vmem>>
    %dma_start3A_181 = arith.constant 0 : i32
    %dma_start3A_182 = arith.constant 0 : i32
    %dma_start3A_183 = tpu.memref_slice %arg3[%dma_start3A_181, %dma_start3A_182] : memref<10000x128xf32, #tpu.memory_space<hbm>> -> memref<10000x128xf32, #tpu.memory_space<hbm>>
    tpu.enqueue_indirect_dma source(%dma_start3A_183 : memref<10000x128xf32, #tpu.memory_space<hbm>>) target(%arg15 : memref<80x128xf32, #tpu.memory_space<vmem>>) offsets(%dma_start3A_180 : memref<80xi32, #tpu.memory_space<vmem>>) semaphore(%arg20 : memref<!tpu.dma_semaphore, #tpu.memory_space<semaphore_mem>>)
    %dma_start3A_184 = arith.constant 1 : i32
    %dma_start3A_185 = arith.constant 0 : i32
    %dma_start3A_186 = tpu.memref_slice %arg9[%dma_start3A_184, %dma_start3A_185] : memref<125x80xi32, #tpu.memory_space<vmem>> -> memref<1x80xi32, #tpu.memory_space<vmem>>
    %dma_start3A_187 = tpu.memref_squeeze %dma_start3A_186 : memref<1x80xi32, #tpu.memory_space<vmem>> -> memref<80xi32, #tpu.memory_space<vmem>>
    %dma_start3A_188 = arith.constant 0 : i32
    %dma_start3A_189 = arith.constant 0 : i32
    %dma_start3A_190 = tpu.memref_slice %arg3[%dma_start3A_188, %dma_start3A_189] : memref<10000x128xf32, #tpu.memory_space<hbm>> -> memref<10000x128xf32, #tpu.memory_space<hbm>>
    tpu.enqueue_indirect_dma source(%dma_start3A_190 : memref<10000x128xf32, #tpu.memory_space<hbm>>) target(%arg16 : memref<80x128xf32, #tpu.memory_space<vmem>>) offsets(%dma_start3A_187 : memref<80xi32, #tpu.memory_space<vmem>>) semaphore(%arg21 : memref<!tpu.dma_semaphore, #tpu.memory_space<semaphore_mem>>)
    %scan3A_191 = arith.constant 0 : i32
    %scan3A_192 = arith.constant 0 : i32
    %scan3A_193 = arith.constant 31 : i32
    %scan3A_194 = arith.addi %scan3A_192, %scan3A_193 : i32
    %scan3A_195 = arith.constant 1 : i32
    scf.for %scan3A_353 = %scan3A_192 to %scan3A_194 step %scan3A_195  : i32 {
      %mul3A_354 = arith.constant 4 : i32
      %mul3A_355 = arith.muli %mul3A_354, %scan3A_353 : i32
      %add3A_356 = arith.constant 0 : i32
      %add3A_357 = arith.addi %mul3A_355, %add3A_356 : i32
      %dma_wait3A_358 = arith.constant 0 : i32
      %dma_wait3A_359 = tpu.memref_slice %arg9[%add3A_357, %dma_wait3A_358] : memref<125x80xi32, #tpu.memory_space<vmem>> -> memref<1x80xi32, #tpu.memory_space<vmem>>
      %dma_wait3A_360 = tpu.memref_squeeze %dma_wait3A_359 : memref<1x80xi32, #tpu.memory_space<vmem>> -> memref<80xi32, #tpu.memory_space<vmem>>
      %dma_wait3A_361 = arith.constant 0 : i32
      %dma_wait3A_362 = arith.constant 0 : i32
      %dma_wait3A_363 = tpu.memref_slice %arg3[%dma_wait3A_361, %dma_wait3A_362] : memref<10000x128xf32, #tpu.memory_space<hbm>> -> memref<10000x128xf32, #tpu.memory_space<hbm>>
      tpu.wait_indirect_dma semaphore(%arg20 : memref<!tpu.dma_semaphore, #tpu.memory_space<semaphore_mem>>) src(%dma_wait3A_363 : memref<10000x128xf32, #tpu.memory_space<hbm>>) dst(%arg15 : memref<80x128xf32, #tpu.memory_space<vmem>>)
      %get3A_364 = arith.index_cast %add3A_357 : i32 to index
      %get3A_365 = arith.constant 0 : index
      %get3A_366 = tpu.vector_load %arg10[%get3A_364, %get3A_365] {strides = array<i32>} : memref<125x80xi32, #tpu.memory_space<vmem>>, vector<1x16xi32>,
      %get3A_367 = vector.shape_cast %get3A_366 : vector<1x16xi32> to vector<16xi32>
      %sub3A_368 = vector.broadcast %mul3A_176 : i32 to vector<16xi32>
      %sub3A_369 = arith.subi %get3A_367, %sub3A_368 : vector<16xi32>
      %ge3A_370 = arith.constant 0 : i32
      %ge3A_371 = vector.broadcast %ge3A_370 : i32 to vector<16xi32>
      %ge3A_372 = arith.cmpi sge, %sub3A_369, %ge3A_371 : vector<16xi32>
      %lt3A_373 = arith.constant 5120 : i32
      %lt3A_374 = vector.broadcast %lt3A_373 : i32 to vector<16xi32>
      %lt3A_375 = arith.cmpi slt, %sub3A_369, %lt3A_374 : vector<16xi32>
      %and3A_376 = arith.andi %ge3A_372, %lt3A_375 : vector<16xi1>
      %and3A_377 = arith.constant 255 : i32
      %and3A_378 = vector.broadcast %and3A_377 : i32 to vector<16xi32>
      %and3A_379 = arith.andi %get3A_367, %and3A_378 : vector<16xi32>
      %add3A_380 = arith.constant 5120 : i32
      %add3A_381 = vector.broadcast %add3A_380 : i32 to vector<16xi32>
      %add3A_382 = arith.addi %add3A_381, %and3A_379 : vector<16xi32>
      %select_n3A_383 = arith.select %and3A_376, %sub3A_369, %add3A_382 : vector<16xi1>, vector<16xi32>
      %swap3A_384 = arith.constant 0 : index
      %swap3A_385 = tpu.vector_load %arg11[%swap3A_384] {strides = array<i32>} : memref<80xi32, #tpu.memory_space<vmem>>, vector<16xi32>,
      %swap3A_386 = vector.shape_cast %swap3A_385 : vector<16xi32> to vector<16xi32>
      %swap3A_387 = vector.shape_cast %select_n3A_383 : vector<16xi32> to vector<16xi32>
      tpu.vector_store %arg11[%swap3A_384], %swap3A_387 {strides = array<i32>} : memref<80xi32, #tpu.memory_space<vmem>>, vector<16xi32>,
      %get3A_388 = arith.index_cast %add3A_357 : i32 to index
      %get3A_389 = arith.constant 16 : index
      %get3A_390 = tpu.vector_load %arg10[%get3A_388, %get3A_389] {strides = array<i32>} : memref<125x80xi32, #tpu.memory_space<vmem>>, vector<1x16xi32>,
      %get3A_391 = vector.shape_cast %get3A_390 : vector<1x16xi32> to vector<16xi32>
      %sub3A_392 = vector.broadcast %mul3A_176 : i32 to vector<16xi32>
      %sub3A_393 = arith.subi %get3A_391, %sub3A_392 : vector<16xi32>
      %ge3A_394 = arith.constant 0 : i32
      %ge3A_395 = vector.broadcast %ge3A_394 : i32 to vector<16xi32>
      %ge3A_396 = arith.cmpi sge, %sub3A_393, %ge3A_395 : vector<16xi32>
      %lt3A_397 = arith.constant 5120 : i32
      %lt3A_398 = vector.broadcast %lt3A_397 : i32 to vector<16xi32>
      %lt3A_399 = arith.cmpi slt, %sub3A_393, %lt3A_398 : vector<16xi32>
      %and3A_400 = arith.andi %ge3A_396, %lt3A_399 : vector<16xi1>
      %and3A_401 = arith.constant 255 : i32
      %and3A_402 = vector.broadcast %and3A_401 : i32 to vector<16xi32>
      %and3A_403 = arith.andi %get3A_391, %and3A_402 : vector<16xi32>
      %add3A_404 = arith.constant 5120 : i32
      %add3A_405 = vector.broadcast %add3A_404 : i32 to vector<16xi32>
      %add3A_406 = arith.addi %add3A_405, %and3A_403 : vector<16xi32>
      %select_n3A_407 = arith.select %and3A_400, %sub3A_393, %add3A_406 : vector<16xi1>, vector<16xi32>
      %swap3A_408 = arith.constant 16 : index
      %swap3A_409 = tpu.vector_load %arg11[%swap3A_408] {strides = array<i32>} : memref<80xi32, #tpu.memory_space<vmem>>, vector<16xi32>,
      %swap3A_410 = vector.shape_cast %swap3A_409 : vector<16xi32> to vector<16xi32>
      %swap3A_411 = vector.shape_cast %select_n3A_407 : vector<16xi32> to vector<16xi32>
      tpu.vector_store %arg11[%swap3A_408], %swap3A_411 {strides = array<i32>} : memref<80xi32, #tpu.memory_space<vmem>>, vector<16xi32>,
      %get3A_412 = arith.index_cast %add3A_357 : i32 to index
      %get3A_413 = arith.constant 32 : index
      %get3A_414 = tpu.vector_load %arg10[%get3A_412, %get3A_413] {strides = array<i32>} : memref<125x80xi32, #tpu.memory_space<vmem>>, vector<1x16xi32>,
      %get3A_415 = vector.shape_cast %get3A_414 : vector<1x16xi32> to vector<16xi32>
      %sub3A_416 = vector.broadcast %mul3A_176 : i32 to vector<16xi32>
      %sub3A_417 = arith.subi %get3A_415, %sub3A_416 : vector<16xi32>
      %ge3A_418 = arith.constant 0 : i32
      %ge3A_419 = vector.broadcast %ge3A_418 : i32 to vector<16xi32>
      %ge3A_420 = arith.cmpi sge, %sub3A_417, %ge3A_419 : vector<16xi32>
      %lt3A_421 = arith.constant 5120 : i32
      %lt3A_422 = vector.broadcast %lt3A_421 : i32 to vector<16xi32>
      %lt3A_423 = arith.cmpi slt, %sub3A_417, %lt3A_422 : vector<16xi32>
      %and3A_424 = arith.andi %ge3A_420, %lt3A_423 : vector<16xi1>
      %and3A_425 = arith.constant 255 : i32
      %and3A_426 = vector.broadcast %and3A_425 : i32 to vector<16xi32>
      %and3A_427 = arith.andi %get3A_415, %and3A_426 : vector<16xi32>
      %add3A_428 = arith.constant 5120 : i32
      %add3A_429 = vector.broadcast %add3A_428 : i32 to vector<16xi32>
      %add3A_430 = arith.addi %add3A_429, %and3A_427 : vector<16xi32>
      %select_n3A_431 = arith.select %and3A_424, %sub3A_417, %add3A_430 : vector<16xi1>, vector<16xi32>
      %swap3A_432 = arith.constant 32 : index
      %swap3A_433 = tpu.vector_load %arg11[%swap3A_432] {strides = array<i32>} : memref<80xi32, #tpu.memory_space<vmem>>, vector<16xi32>,
      %swap3A_434 = vector.shape_cast %swap3A_433 : vector<16xi32> to vector<16xi32>
      %swap3A_435 = vector.shape_cast %select_n3A_431 : vector<16xi32> to vector<16xi32>
      tpu.vector_store %arg11[%swap3A_432], %swap3A_435 {strides = array<i32>} : memref<80xi32, #tpu.memory_space<vmem>>, vector<16xi32>,
      %get3A_436 = arith.index_cast %add3A_357 : i32 to index
      %get3A_437 = arith.constant 48 : index
      %get3A_438 = tpu.vector_load %arg10[%get3A_436, %get3A_437] {strides = array<i32>} : memref<125x80xi32, #tpu.memory_space<vmem>>, vector<1x16xi32>,
      %get3A_439 = vector.shape_cast %get3A_438 : vector<1x16xi32> to vector<16xi32>
      %sub3A_440 = vector.broadcast %mul3A_176 : i32 to vector<16xi32>
      %sub3A_441 = arith.subi %get3A_439, %sub3A_440 : vector<16xi32>
      %ge3A_442 = arith.constant 0 : i32
      %ge3A_443 = vector.broadcast %ge3A_442 : i32 to vector<16xi32>
      %ge3A_444 = arith.cmpi sge, %sub3A_441, %ge3A_443 : vector<16xi32>
      %lt3A_445 = arith.constant 5120 : i32
      %lt3A_446 = vector.broadcast %lt3A_445 : i32 to vector<16xi32>
      %lt3A_447 = arith.cmpi slt, %sub3A_441, %lt3A_446 : vector<16xi32>
      %and3A_448 = arith.andi %ge3A_444, %lt3A_447 : vector<16xi1>
      %and3A_449 = arith.constant 255 : i32
      %and3A_450 = vector.broadcast %and3A_449 : i32 to vector<16xi32>
      %and3A_451 = arith.andi %get3A_439, %and3A_450 : vector<16xi32>
      %add3A_452 = arith.constant 5120 : i32
      %add3A_453 = vector.broadcast %add3A_452 : i32 to vector<16xi32>
      %add3A_454 = arith.addi %add3A_453, %and3A_451 : vector<16xi32>
      %select_n3A_455 = arith.select %and3A_448, %sub3A_441, %add3A_454 : vector<16xi1>, vector<16xi32>
      %swap3A_456 = arith.constant 48 : index
      %swap3A_457 = tpu.vector_load %arg11[%swap3A_456] {strides = array<i32>} : memref<80xi32, #tpu.memory_space<vmem>>, vector<16xi32>,
      %swap3A_458 = vector.shape_cast %swap3A_457 : vector<16xi32> to vector<16xi32>
      %swap3A_459 = vector.shape_cast %select_n3A_455 : vector<16xi32> to vector<16xi32>
      tpu.vector_store %arg11[%swap3A_456], %swap3A_459 {strides = array<i32>} : memref<80xi32, #tpu.memory_space<vmem>>, vector<16xi32>,
      %get3A_460 = arith.index_cast %add3A_357 : i32 to index
      %get3A_461 = arith.constant 64 : index
      %get3A_462 = tpu.vector_load %arg10[%get3A_460, %get3A_461] {strides = array<i32>} : memref<125x80xi32, #tpu.memory_space<vmem>>, vector<1x16xi32>,
      %get3A_463 = vector.shape_cast %get3A_462 : vector<1x16xi32> to vector<16xi32>
      %sub3A_464 = vector.broadcast %mul3A_176 : i32 to vector<16xi32>
      %sub3A_465 = arith.subi %get3A_463, %sub3A_464 : vector<16xi32>
      %ge3A_466 = arith.constant 0 : i32
      %ge3A_467 = vector.broadcast %ge3A_466 : i32 to vector<16xi32>
      %ge3A_468 = arith.cmpi sge, %sub3A_465, %ge3A_467 : vector<16xi32>
      %lt3A_469 = arith.constant 5120 : i32
      %lt3A_470 = vector.broadcast %lt3A_469 : i32 to vector<16xi32>
      %lt3A_471 = arith.cmpi slt, %sub3A_465, %lt3A_470 : vector<16xi32>
      %and3A_472 = arith.andi %ge3A_468, %lt3A_471 : vector<16xi1>
      %and3A_473 = arith.constant 255 : i32
      %and3A_474 = vector.broadcast %and3A_473 : i32 to vector<16xi32>
      %and3A_475 = arith.andi %get3A_463, %and3A_474 : vector<16xi32>
      %add3A_476 = arith.constant 5120 : i32
      %add3A_477 = vector.broadcast %add3A_476 : i32 to vector<16xi32>
      %add3A_478 = arith.addi %add3A_477, %and3A_475 : vector<16xi32>
      %select_n3A_479 = arith.select %and3A_472, %sub3A_465, %add3A_478 : vector<16xi1>, vector<16xi32>
      %swap3A_480 = arith.constant 64 : index
      %swap3A_481 = tpu.vector_load %arg11[%swap3A_480] {strides = array<i32>} : memref<80xi32, #tpu.memory_space<vmem>>, vector<16xi32>,
      %swap3A_482 = vector.shape_cast %swap3A_481 : vector<16xi32> to vector<16xi32>
      %swap3A_483 = vector.shape_cast %select_n3A_479 : vector<16xi32> to vector<16xi32>
      tpu.vector_store %arg11[%swap3A_480], %swap3A_483 {strides = array<i32>} : memref<80xi32, #tpu.memory_space<vmem>>, vector<16xi32>,
      %dma_start3A_484 = arith.constant 0 : i32
      %dma_start3A_485 = arith.constant 0 : i32
      %dma_start3A_486 = tpu.memref_slice %arg19[%dma_start3A_484, %dma_start3A_485] : memref<5376x128xf32, #tpu.memory_space<vmem_shared>> -> memref<5376x128xf32, #tpu.memory_space<vmem_shared>>
      tpu.enqueue_indirect_dma source(%arg15 : memref<80x128xf32, #tpu.memory_space<vmem>>) target(%dma_start3A_486 : memref<5376x128xf32, #tpu.memory_space<vmem_shared>>) offsets(%arg11 : memref<80xi32, #tpu.memory_space<vmem>>) semaphore(%arg24 : memref<!tpu.dma_semaphore, #tpu.memory_space<semaphore_mem>>) {add = true}
      %ge3A_487 = arith.constant 2 : i32
      %ge3A_488 = arith.cmpi sge, %add3A_357, %ge3A_487 : i32
      %add3A_489 = arith.constant 2 : i32
      %add3A_490 = arith.addi %add3A_357, %add3A_489 : i32
      %lt3A_491 = arith.constant 125 : i32
      %lt3A_492 = arith.cmpi slt, %add3A_490, %lt3A_491 : i32
      %and3A_493 = arith.andi %ge3A_488, %lt3A_492 : i1
      %convert_element_type3A = arith.extui %and3A_493 : i1 to i32
      %cond3A = arith.constant 0 : i32
      %cond3A_494 = arith.cmpi ne, %convert_element_type3A, %cond3A : i32
      scf.if %cond3A_494 {
        %dma_wait3A_946 = arith.constant 0 : i32
        %dma_wait3A_947 = arith.constant 0 : i32
        %dma_wait3A_948 = tpu.memref_slice %arg19[%dma_wait3A_946, %dma_wait3A_947] : memref<5376x128xf32, #tpu.memory_space<vmem_shared>> -> memref<5376x128xf32, #tpu.memory_space<vmem_shared>>
        tpu.wait_indirect_dma semaphore(%arg26 : memref<!tpu.dma_semaphore, #tpu.memory_space<semaphore_mem>>) src(%arg17 : memref<80x128xf32, #tpu.memory_space<vmem>>) dst(%dma_wait3A_948 : memref<5376x128xf32, #tpu.memory_space<vmem_shared>>)
      } else {
      }
      %add3A_495 = arith.constant 2 : i32
      %add3A_496 = arith.addi %add3A_357, %add3A_495 : i32
      %lt3A_497 = arith.constant 125 : i32
      %lt3A_498 = arith.cmpi slt, %add3A_496, %lt3A_497 : i32
      %convert_element_type3A_499 = arith.extui %lt3A_498 : i1 to i32
      %cond3A_500 = arith.constant 0 : i32
      %cond3A_501 = arith.cmpi ne, %convert_element_type3A_499, %cond3A_500 : i32
      scf.if %cond3A_501 {
        %add3A_946 = arith.constant 2 : i32
        %add3A_947 = arith.addi %add3A_357, %add3A_946 : i32
        %dma_start3A_948 = arith.constant 0 : i32
        %dma_start3A_949 = tpu.memref_slice %arg9[%add3A_947, %dma_start3A_948] : memref<125x80xi32, #tpu.memory_space<vmem>> -> memref<1x80xi32, #tpu.memory_space<vmem>>
        %dma_start3A_950 = tpu.memref_squeeze %dma_start3A_949 : memref<1x80xi32, #tpu.memory_space<vmem>> -> memref<80xi32, #tpu.memory_space<vmem>>
        %dma_start3A_951 = arith.constant 0 : i32
        %dma_start3A_952 = arith.constant 0 : i32
        %dma_start3A_953 = tpu.memref_slice %arg3[%dma_start3A_951, %dma_start3A_952] : memref<10000x128xf32, #tpu.memory_space<hbm>> -> memref<10000x128xf32, #tpu.memory_space<hbm>>
        tpu.enqueue_indirect_dma source(%dma_start3A_953 : memref<10000x128xf32, #tpu.memory_space<hbm>>) target(%arg17 : memref<80x128xf32, #tpu.memory_space<vmem>>) offsets(%dma_start3A_950 : memref<80xi32, #tpu.memory_space<vmem>>) semaphore(%arg22 : memref<!tpu.dma_semaphore, #tpu.memory_space<semaphore_mem>>)
      } else {
      }
      %add3A_502 = arith.constant 1 : i32
      %add3A_503 = arith.addi %mul3A_355, %add3A_502 : i32
      %dma_wait3A_504 = arith.constant 0 : i32
      %dma_wait3A_505 = tpu.memref_slice %arg9[%add3A_503, %dma_wait3A_504] : memref<125x80xi32, #tpu.memory_space<vmem>> -> memref<1x80xi32, #tpu.memory_space<vmem>>
      %dma_wait3A_506 = tpu.memref_squeeze %dma_wait3A_505 : memref<1x80xi32, #tpu.memory_space<vmem>> -> memref<80xi32, #tpu.memory_space<vmem>>
      %dma_wait3A_507 = arith.constant 0 : i32
      %dma_wait3A_508 = arith.constant 0 : i32
      %dma_wait3A_509 = tpu.memref_slice %arg3[%dma_wait3A_507, %dma_wait3A_508] : memref<10000x128xf32, #tpu.memory_space<hbm>> -> memref<10000x128xf32, #tpu.memory_space<hbm>>
      tpu.wait_indirect_dma semaphore(%arg21 : memref<!tpu.dma_semaphore, #tpu.memory_space<semaphore_mem>>) src(%dma_wait3A_509 : memref<10000x128xf32, #tpu.memory_space<hbm>>) dst(%arg16 : memref<80x128xf32, #tpu.memory_space<vmem>>)
      %get3A_510 = arith.index_cast %add3A_503 : i32 to index
      %get3A_511 = arith.constant 0 : index
      %get3A_512 = tpu.vector_load %arg10[%get3A_510, %get3A_511] {strides = array<i32>} : memref<125x80xi32, #tpu.memory_space<vmem>>, vector<1x16xi32>,
      %get3A_513 = vector.shape_cast %get3A_512 : vector<1x16xi32> to vector<16xi32>
      %sub3A_514 = vector.broadcast %mul3A_176 : i32 to vector<16xi32>
      %sub3A_515 = arith.subi %get3A_513, %sub3A_514 : vector<16xi32>
      %ge3A_516 = arith.constant 0 : i32
      %ge3A_517 = vector.broadcast %ge3A_516 : i32 to vector<16xi32>
      %ge3A_518 = arith.cmpi sge, %sub3A_515, %ge3A_517 : vector<16xi32>
      %lt3A_519 = arith.constant 5120 : i32
      %lt3A_520 = vector.broadcast %lt3A_519 : i32 to vector<16xi32>
      %lt3A_521 = arith.cmpi slt, %sub3A_515, %lt3A_520 : vector<16xi32>
      %and3A_522 = arith.andi %ge3A_518, %lt3A_521 : vector<16xi1>
      %and3A_523 = arith.constant 255 : i32
      %and3A_524 = vector.broadcast %and3A_523 : i32 to vector<16xi32>
      %and3A_525 = arith.andi %get3A_513, %and3A_524 : vector<16xi32>
      %add3A_526 = arith.constant 5120 : i32
      %add3A_527 = vector.broadcast %add3A_526 : i32 to vector<16xi32>
      %add3A_528 = arith.addi %add3A_527, %and3A_525 : vector<16xi32>
      %select_n3A_529 = arith.select %and3A_522, %sub3A_515, %add3A_528 : vector<16xi1>, vector<16xi32>
      %swap3A_530 = arith.constant 0 : index
      %swap3A_531 = tpu.vector_load %arg12[%swap3A_530] {strides = array<i32>} : memref<80xi32, #tpu.memory_space<vmem>>, vector<16xi32>,
      %swap3A_532 = vector.shape_cast %swap3A_531 : vector<16xi32> to vector<16xi32>
      %swap3A_533 = vector.shape_cast %select_n3A_529 : vector<16xi32> to vector<16xi32>
      tpu.vector_store %arg12[%swap3A_530], %swap3A_533 {strides = array<i32>} : memref<80xi32, #tpu.memory_space<vmem>>, vector<16xi32>,
      %get3A_534 = arith.index_cast %add3A_503 : i32 to index
      %get3A_535 = arith.constant 16 : index
      %get3A_536 = tpu.vector_load %arg10[%get3A_534, %get3A_535] {strides = array<i32>} : memref<125x80xi32, #tpu.memory_space<vmem>>, vector<1x16xi32>,
      %get3A_537 = vector.shape_cast %get3A_536 : vector<1x16xi32> to vector<16xi32>
      %sub3A_538 = vector.broadcast %mul3A_176 : i32 to vector<16xi32>
      %sub3A_539 = arith.subi %get3A_537, %sub3A_538 : vector<16xi32>
      %ge3A_540 = arith.constant 0 : i32
      %ge3A_541 = vector.broadcast %ge3A_540 : i32 to vector<16xi32>
      %ge3A_542 = arith.cmpi sge, %sub3A_539, %ge3A_541 : vector<16xi32>
      %lt3A_543 = arith.constant 5120 : i32
      %lt3A_544 = vector.broadcast %lt3A_543 : i32 to vector<16xi32>
      %lt3A_545 = arith.cmpi slt, %sub3A_539, %lt3A_544 : vector<16xi32>
      %and3A_546 = arith.andi %ge3A_542, %lt3A_545 : vector<16xi1>
      %and3A_547 = arith.constant 255 : i32
      %and3A_548 = vector.broadcast %and3A_547 : i32 to vector<16xi32>
      %and3A_549 = arith.andi %get3A_537, %and3A_548 : vector<16xi32>
      %add3A_550 = arith.constant 5120 : i32
      %add3A_551 = vector.broadcast %add3A_550 : i32 to vector<16xi32>
      %add3A_552 = arith.addi %add3A_551, %and3A_549 : vector<16xi32>
      %select_n3A_553 = arith.select %and3A_546, %sub3A_539, %add3A_552 : vector<16xi1>, vector<16xi32>
      %swap3A_554 = arith.constant 16 : index
      %swap3A_555 = tpu.vector_load %arg12[%swap3A_554] {strides = array<i32>} : memref<80xi32, #tpu.memory_space<vmem>>, vector<16xi32>,
      %swap3A_556 = vector.shape_cast %swap3A_555 : vector<16xi32> to vector<16xi32>
      %swap3A_557 = vector.shape_cast %select_n3A_553 : vector<16xi32> to vector<16xi32>
      tpu.vector_store %arg12[%swap3A_554], %swap3A_557 {strides = array<i32>} : memref<80xi32, #tpu.memory_space<vmem>>, vector<16xi32>,
      %get3A_558 = arith.index_cast %add3A_503 : i32 to index
      %get3A_559 = arith.constant 32 : index
      %get3A_560 = tpu.vector_load %arg10[%get3A_558, %get3A_559] {strides = array<i32>} : memref<125x80xi32, #tpu.memory_space<vmem>>, vector<1x16xi32>,
      %get3A_561 = vector.shape_cast %get3A_560 : vector<1x16xi32> to vector<16xi32>
      %sub3A_562 = vector.broadcast %mul3A_176 : i32 to vector<16xi32>
      %sub3A_563 = arith.subi %get3A_561, %sub3A_562 : vector<16xi32>
      %ge3A_564 = arith.constant 0 : i32
      %ge3A_565 = vector.broadcast %ge3A_564 : i32 to vector<16xi32>
      %ge3A_566 = arith.cmpi sge, %sub3A_563, %ge3A_565 : vector<16xi32>
      %lt3A_567 = arith.constant 5120 : i32
      %lt3A_568 = vector.broadcast %lt3A_567 : i32 to vector<16xi32>
      %lt3A_569 = arith.cmpi slt, %sub3A_563, %lt3A_568 : vector<16xi32>
      %and3A_570 = arith.andi %ge3A_566, %lt3A_569 : vector<16xi1>
      %and3A_571 = arith.constant 255 : i32
      %and3A_572 = vector.broadcast %and3A_571 : i32 to vector<16xi32>
      %and3A_573 = arith.andi %get3A_561, %and3A_572 : vector<16xi32>
      %add3A_574 = arith.constant 5120 : i32
      %add3A_575 = vector.broadcast %add3A_574 : i32 to vector<16xi32>
      %add3A_576 = arith.addi %add3A_575, %and3A_573 : vector<16xi32>
      %select_n3A_577 = arith.select %and3A_570, %sub3A_563, %add3A_576 : vector<16xi1>, vector<16xi32>
      %swap3A_578 = arith.constant 32 : index
      %swap3A_579 = tpu.vector_load %arg12[%swap3A_578] {strides = array<i32>} : memref<80xi32, #tpu.memory_space<vmem>>, vector<16xi32>,
      %swap3A_580 = vector.shape_cast %swap3A_579 : vector<16xi32> to vector<16xi32>
      %swap3A_581 = vector.shape_cast %select_n3A_577 : vector<16xi32> to vector<16xi32>
      tpu.vector_store %arg12[%swap3A_578], %swap3A_581 {strides = array<i32>} : memref<80xi32, #tpu.memory_space<vmem>>, vector<16xi32>,
      %get3A_582 = arith.index_cast %add3A_503 : i32 to index
      %get3A_583 = arith.constant 48 : index
      %get3A_584 = tpu.vector_load %arg10[%get3A_582, %get3A_583] {strides = array<i32>} : memref<125x80xi32, #tpu.memory_space<vmem>>, vector<1x16xi32>,
      %get3A_585 = vector.shape_cast %get3A_584 : vector<1x16xi32> to vector<16xi32>
      %sub3A_586 = vector.broadcast %mul3A_176 : i32 to vector<16xi32>
      %sub3A_587 = arith.subi %get3A_585, %sub3A_586 : vector<16xi32>
      %ge3A_588 = arith.constant 0 : i32
      %ge3A_589 = vector.broadcast %ge3A_588 : i32 to vector<16xi32>
      %ge3A_590 = arith.cmpi sge, %sub3A_587, %ge3A_589 : vector<16xi32>
      %lt3A_591 = arith.constant 5120 : i32
      %lt3A_592 = vector.broadcast %lt3A_591 : i32 to vector<16xi32>
      %lt3A_593 = arith.cmpi slt, %sub3A_587, %lt3A_592 : vector<16xi32>
      %and3A_594 = arith.andi %ge3A_590, %lt3A_593 : vector<16xi1>
      %and3A_595 = arith.constant 255 : i32
      %and3A_596 = vector.broadcast %and3A_595 : i32 to vector<16xi32>
      %and3A_597 = arith.andi %get3A_585, %and3A_596 : vector<16xi32>
      %add3A_598 = arith.constant 5120 : i32
      %add3A_599 = vector.broadcast %add3A_598 : i32 to vector<16xi32>
      %add3A_600 = arith.addi %add3A_599, %and3A_597 : vector<16xi32>
      %select_n3A_601 = arith.select %and3A_594, %sub3A_587, %add3A_600 : vector<16xi1>, vector<16xi32>
      %swap3A_602 = arith.constant 48 : index
      %swap3A_603 = tpu.vector_load %arg12[%swap3A_602] {strides = array<i32>} : memref<80xi32, #tpu.memory_space<vmem>>, vector<16xi32>,
      %swap3A_604 = vector.shape_cast %swap3A_603 : vector<16xi32> to vector<16xi32>
      %swap3A_605 = vector.shape_cast %select_n3A_601 : vector<16xi32> to vector<16xi32>
      tpu.vector_store %arg12[%swap3A_602], %swap3A_605 {strides = array<i32>} : memref<80xi32, #tpu.memory_space<vmem>>, vector<16xi32>,
      %get3A_606 = arith.index_cast %add3A_503 : i32 to index
      %get3A_607 = arith.constant 64 : index
      %get3A_608 = tpu.vector_load %arg10[%get3A_606, %get3A_607] {strides = array<i32>} : memref<125x80xi32, #tpu.memory_space<vmem>>, vector<1x16xi32>,
      %get3A_609 = vector.shape_cast %get3A_608 : vector<1x16xi32> to vector<16xi32>
      %sub3A_610 = vector.broadcast %mul3A_176 : i32 to vector<16xi32>
      %sub3A_611 = arith.subi %get3A_609, %sub3A_610 : vector<16xi32>
      %ge3A_612 = arith.constant 0 : i32
      %ge3A_613 = vector.broadcast %ge3A_612 : i32 to vector<16xi32>
      %ge3A_614 = arith.cmpi sge, %sub3A_611, %ge3A_613 : vector<16xi32>
      %lt3A_615 = arith.constant 5120 : i32
      %lt3A_616 = vector.broadcast %lt3A_615 : i32 to vector<16xi32>
      %lt3A_617 = arith.cmpi slt, %sub3A_611, %lt3A_616 : vector<16xi32>
      %and3A_618 = arith.andi %ge3A_614, %lt3A_617 : vector<16xi1>
      %and3A_619 = arith.constant 255 : i32
      %and3A_620 = vector.broadcast %and3A_619 : i32 to vector<16xi32>
      %and3A_621 = arith.andi %get3A_609, %and3A_620 : vector<16xi32>
      %add3A_622 = arith.constant 5120 : i32
      %add3A_623 = vector.broadcast %add3A_622 : i32 to vector<16xi32>
      %add3A_624 = arith.addi %add3A_623, %and3A_621 : vector<16xi32>
      %select_n3A_625 = arith.select %and3A_618, %sub3A_611, %add3A_624 : vector<16xi1>, vector<16xi32>
      %swap3A_626 = arith.constant 64 : index
      %swap3A_627 = tpu.vector_load %arg12[%swap3A_626] {strides = array<i32>} : memref<80xi32, #tpu.memory_space<vmem>>, vector<16xi32>,
      %swap3A_628 = vector.shape_cast %swap3A_627 : vector<16xi32> to vector<16xi32>
      %swap3A_629 = vector.shape_cast %select_n3A_625 : vector<16xi32> to vector<16xi32>
      tpu.vector_store %arg12[%swap3A_626], %swap3A_629 {strides = array<i32>} : memref<80xi32, #tpu.memory_space<vmem>>, vector<16xi32>,
      %dma_start3A_630 = arith.constant 0 : i32
      %dma_start3A_631 = arith.constant 0 : i32
      %dma_start3A_632 = tpu.memref_slice %arg19[%dma_start3A_630, %dma_start3A_631] : memref<5376x128xf32, #tpu.memory_space<vmem_shared>> -> memref<5376x128xf32, #tpu.memory_space<vmem_shared>>
      tpu.enqueue_indirect_dma source(%arg16 : memref<80x128xf32, #tpu.memory_space<vmem>>) target(%dma_start3A_632 : memref<5376x128xf32, #tpu.memory_space<vmem_shared>>) offsets(%arg12 : memref<80xi32, #tpu.memory_space<vmem>>) semaphore(%arg25 : memref<!tpu.dma_semaphore, #tpu.memory_space<semaphore_mem>>) {add = true}
      %ge3A_633 = arith.constant 2 : i32
      %ge3A_634 = arith.cmpi sge, %add3A_503, %ge3A_633 : i32
      %add3A_635 = arith.constant 2 : i32
      %add3A_636 = arith.addi %add3A_503, %add3A_635 : i32
      %lt3A_637 = arith.constant 125 : i32
      %lt3A_638 = arith.cmpi slt, %add3A_636, %lt3A_637 : i32
      %and3A_639 = arith.andi %ge3A_634, %lt3A_638 : i1
      %convert_element_type3A_640 = arith.extui %and3A_639 : i1 to i32
      %cond3A_641 = arith.constant 0 : i32
      %cond3A_642 = arith.cmpi ne, %convert_element_type3A_640, %cond3A_641 : i32
      scf.if %cond3A_642 {
        %dma_wait3A_946 = arith.constant 0 : i32
        %dma_wait3A_947 = arith.constant 0 : i32
        %dma_wait3A_948 = tpu.memref_slice %arg19[%dma_wait3A_946, %dma_wait3A_947] : memref<5376x128xf32, #tpu.memory_space<vmem_shared>> -> memref<5376x128xf32, #tpu.memory_space<vmem_shared>>
        tpu.wait_indirect_dma semaphore(%arg27 : memref<!tpu.dma_semaphore, #tpu.memory_space<semaphore_mem>>) src(%arg18 : memref<80x128xf32, #tpu.memory_space<vmem>>) dst(%dma_wait3A_948 : memref<5376x128xf32, #tpu.memory_space<vmem_shared>>)
      } else {
      }
      %add3A_643 = arith.constant 2 : i32
      %add3A_644 = arith.addi %add3A_503, %add3A_643 : i32
      %lt3A_645 = arith.constant 125 : i32
      %lt3A_646 = arith.cmpi slt, %add3A_644, %lt3A_645 : i32
      %convert_element_type3A_647 = arith.extui %lt3A_646 : i1 to i32
      %cond3A_648 = arith.constant 0 : i32
      %cond3A_649 = arith.cmpi ne, %convert_element_type3A_647, %cond3A_648 : i32
      scf.if %cond3A_649 {
        %add3A_946 = arith.constant 2 : i32
        %add3A_947 = arith.addi %add3A_503, %add3A_946 : i32
        %dma_start3A_948 = arith.constant 0 : i32
        %dma_start3A_949 = tpu.memref_slice %arg9[%add3A_947, %dma_start3A_948] : memref<125x80xi32, #tpu.memory_space<vmem>> -> memref<1x80xi32, #tpu.memory_space<vmem>>
        %dma_start3A_950 = tpu.memref_squeeze %dma_start3A_949 : memref<1x80xi32, #tpu.memory_space<vmem>> -> memref<80xi32, #tpu.memory_space<vmem>>
        %dma_start3A_951 = arith.constant 0 : i32
        %dma_start3A_952 = arith.constant 0 : i32
        %dma_start3A_953 = tpu.memref_slice %arg3[%dma_start3A_951, %dma_start3A_952] : memref<10000x128xf32, #tpu.memory_space<hbm>> -> memref<10000x128xf32, #tpu.memory_space<hbm>>
        tpu.enqueue_indirect_dma source(%dma_start3A_953 : memref<10000x128xf32, #tpu.memory_space<hbm>>) target(%arg18 : memref<80x128xf32, #tpu.memory_space<vmem>>) offsets(%dma_start3A_950 : memref<80xi32, #tpu.memory_space<vmem>>) semaphore(%arg23 : memref<!tpu.dma_semaphore, #tpu.memory_space<semaphore_mem>>)
      } else {
      }
      %add3A_650 = arith.constant 2 : i32
      %add3A_651 = arith.addi %mul3A_355, %add3A_650 : i32
      %dma_wait3A_652 = arith.constant 0 : i32
      %dma_wait3A_653 = tpu.memref_slice %arg9[%add3A_651, %dma_wait3A_652] : memref<125x80xi32, #tpu.memory_space<vmem>> -> memref<1x80xi32, #tpu.memory_space<vmem>>
      %dma_wait3A_654 = tpu.memref_squeeze %dma_wait3A_653 : memref<1x80xi32, #tpu.memory_space<vmem>> -> memref<80xi32, #tpu.memory_space<vmem>>
      %dma_wait3A_655 = arith.constant 0 : i32
      %dma_wait3A_656 = arith.constant 0 : i32
      %dma_wait3A_657 = tpu.memref_slice %arg3[%dma_wait3A_655, %dma_wait3A_656] : memref<10000x128xf32, #tpu.memory_space<hbm>> -> memref<10000x128xf32, #tpu.memory_space<hbm>>
      tpu.wait_indirect_dma semaphore(%arg22 : memref<!tpu.dma_semaphore, #tpu.memory_space<semaphore_mem>>) src(%dma_wait3A_657 : memref<10000x128xf32, #tpu.memory_space<hbm>>) dst(%arg17 : memref<80x128xf32, #tpu.memory_space<vmem>>)
      %get3A_658 = arith.index_cast %add3A_651 : i32 to index
      %get3A_659 = arith.constant 0 : index
      %get3A_660 = tpu.vector_load %arg10[%get3A_658, %get3A_659] {strides = array<i32>} : memref<125x80xi32, #tpu.memory_space<vmem>>, vector<1x16xi32>,
      %get3A_661 = vector.shape_cast %get3A_660 : vector<1x16xi32> to vector<16xi32>
      %sub3A_662 = vector.broadcast %mul3A_176 : i32 to vector<16xi32>
      %sub3A_663 = arith.subi %get3A_661, %sub3A_662 : vector<16xi32>
      %ge3A_664 = arith.constant 0 : i32
      %ge3A_665 = vector.broadcast %ge3A_664 : i32 to vector<16xi32>
      %ge3A_666 = arith.cmpi sge, %sub3A_663, %ge3A_665 : vector<16xi32>
      %lt3A_667 = arith.constant 5120 : i32
      %lt3A_668 = vector.broadcast %lt3A_667 : i32 to vector<16xi32>
      %lt3A_669 = arith.cmpi slt, %sub3A_663, %lt3A_668 : vector<16xi32>
      %and3A_670 = arith.andi %ge3A_666, %lt3A_669 : vector<16xi1>
      %and3A_671 = arith.constant 255 : i32
      %and3A_672 = vector.broadcast %and3A_671 : i32 to vector<16xi32>
      %and3A_673 = arith.andi %get3A_661, %and3A_672 : vector<16xi32>
      %add3A_674 = arith.constant 5120 : i32
      %add3A_675 = vector.broadcast %add3A_674 : i32 to vector<16xi32>
      %add3A_676 = arith.addi %add3A_675, %and3A_673 : vector<16xi32>
      %select_n3A_677 = arith.select %and3A_670, %sub3A_663, %add3A_676 : vector<16xi1>, vector<16xi32>
      %swap3A_678 = arith.constant 0 : index
      %swap3A_679 = tpu.vector_load %arg13[%swap3A_678] {strides = array<i32>} : memref<80xi32, #tpu.memory_space<vmem>>, vector<16xi32>,
      %swap3A_680 = vector.shape_cast %swap3A_679 : vector<16xi32> to vector<16xi32>
      %swap3A_681 = vector.shape_cast %select_n3A_677 : vector<16xi32> to vector<16xi32>
      tpu.vector_store %arg13[%swap3A_678], %swap3A_681 {strides = array<i32>} : memref<80xi32, #tpu.memory_space<vmem>>, vector<16xi32>,
      %get3A_682 = arith.index_cast %add3A_651 : i32 to index
      %get3A_683 = arith.constant 16 : index
      %get3A_684 = tpu.vector_load %arg10[%get3A_682, %get3A_683] {strides = array<i32>} : memref<125x80xi32, #tpu.memory_space<vmem>>, vector<1x16xi32>,
      %get3A_685 = vector.shape_cast %get3A_684 : vector<1x16xi32> to vector<16xi32>
      %sub3A_686 = vector.broadcast %mul3A_176 : i32 to vector<16xi32>
      %sub3A_687 = arith.subi %get3A_685, %sub3A_686 : vector<16xi32>
      %ge3A_688 = arith.constant 0 : i32
      %ge3A_689 = vector.broadcast %ge3A_688 : i32 to vector<16xi32>
      %ge3A_690 = arith.cmpi sge, %sub3A_687, %ge3A_689 : vector<16xi32>
      %lt3A_691 = arith.constant 5120 : i32
      %lt3A_692 = vector.broadcast %lt3A_691 : i32 to vector<16xi32>
      %lt3A_693 = arith.cmpi slt, %sub3A_687, %lt3A_692 : vector<16xi32>
      %and3A_694 = arith.andi %ge3A_690, %lt3A_693 : vector<16xi1>
      %and3A_695 = arith.constant 255 : i32
      %and3A_696 = vector.broadcast %and3A_695 : i32 to vector<16xi32>
      %and3A_697 = arith.andi %get3A_685, %and3A_696 : vector<16xi32>
      %add3A_698 = arith.constant 5120 : i32
      %add3A_699 = vector.broadcast %add3A_698 : i32 to vector<16xi32>
      %add3A_700 = arith.addi %add3A_699, %and3A_697 : vector<16xi32>
      %select_n3A_701 = arith.select %and3A_694, %sub3A_687, %add3A_700 : vector<16xi1>, vector<16xi32>
      %swap3A_702 = arith.constant 16 : index
      %swap3A_703 = tpu.vector_load %arg13[%swap3A_702] {strides = array<i32>} : memref<80xi32, #tpu.memory_space<vmem>>, vector<16xi32>,
      %swap3A_704 = vector.shape_cast %swap3A_703 : vector<16xi32> to vector<16xi32>
      %swap3A_705 = vector.shape_cast %select_n3A_701 : vector<16xi32> to vector<16xi32>
      tpu.vector_store %arg13[%swap3A_702], %swap3A_705 {strides = array<i32>} : memref<80xi32, #tpu.memory_space<vmem>>, vector<16xi32>,
      %get3A_706 = arith.index_cast %add3A_651 : i32 to index
      %get3A_707 = arith.constant 32 : index
      %get3A_708 = tpu.vector_load %arg10[%get3A_706, %get3A_707] {strides = array<i32>} : memref<125x80xi32, #tpu.memory_space<vmem>>, vector<1x16xi32>,
      %get3A_709 = vector.shape_cast %get3A_708 : vector<1x16xi32> to vector<16xi32>
      %sub3A_710 = vector.broadcast %mul3A_176 : i32 to vector<16xi32>
      %sub3A_711 = arith.subi %get3A_709, %sub3A_710 : vector<16xi32>
      %ge3A_712 = arith.constant 0 : i32
      %ge3A_713 = vector.broadcast %ge3A_712 : i32 to vector<16xi32>
      %ge3A_714 = arith.cmpi sge, %sub3A_711, %ge3A_713 : vector<16xi32>
      %lt3A_715 = arith.constant 5120 : i32
      %lt3A_716 = vector.broadcast %lt3A_715 : i32 to vector<16xi32>
      %lt3A_717 = arith.cmpi slt, %sub3A_711, %lt3A_716 : vector<16xi32>
      %and3A_718 = arith.andi %ge3A_714, %lt3A_717 : vector<16xi1>
      %and3A_719 = arith.constant 255 : i32
      %and3A_720 = vector.broadcast %and3A_719 : i32 to vector<16xi32>
      %and3A_721 = arith.andi %get3A_709, %and3A_720 : vector<16xi32>
      %add3A_722 = arith.constant 5120 : i32
      %add3A_723 = vector.broadcast %add3A_722 : i32 to vector<16xi32>
      %add3A_724 = arith.addi %add3A_723, %and3A_721 : vector<16xi32>
      %select_n3A_725 = arith.select %and3A_718, %sub3A_711, %add3A_724 : vector<16xi1>, vector<16xi32>
      %swap3A_726 = arith.constant 32 : index
      %swap3A_727 = tpu.vector_load %arg13[%swap3A_726] {strides = array<i32>} : memref<80xi32, #tpu.memory_space<vmem>>, vector<16xi32>,
      %swap3A_728 = vector.shape_cast %swap3A_727 : vector<16xi32> to vector<16xi32>
      %swap3A_729 = vector.shape_cast %select_n3A_725 : vector<16xi32> to vector<16xi32>
      tpu.vector_store %arg13[%swap3A_726], %swap3A_729 {strides = array<i32>} : memref<80xi32, #tpu.memory_space<vmem>>, vector<16xi32>,
      %get3A_730 = arith.index_cast %add3A_651 : i32 to index
      %get3A_731 = arith.constant 48 : index
      %get3A_732 = tpu.vector_load %arg10[%get3A_730, %get3A_731] {strides = array<i32>} : memref<125x80xi32, #tpu.memory_space<vmem>>, vector<1x16xi32>,
      %get3A_733 = vector.shape_cast %get3A_732 : vector<1x16xi32> to vector<16xi32>
      %sub3A_734 = vector.broadcast %mul3A_176 : i32 to vector<16xi32>
      %sub3A_735 = arith.subi %get3A_733, %sub3A_734 : vector<16xi32>
      %ge3A_736 = arith.constant 0 : i32
      %ge3A_737 = vector.broadcast %ge3A_736 : i32 to vector<16xi32>
      %ge3A_738 = arith.cmpi sge, %sub3A_735, %ge3A_737 : vector<16xi32>
      %lt3A_739 = arith.constant 5120 : i32
      %lt3A_740 = vector.broadcast %lt3A_739 : i32 to vector<16xi32>
      %lt3A_741 = arith.cmpi slt, %sub3A_735, %lt3A_740 : vector<16xi32>
      %and3A_742 = arith.andi %ge3A_738, %lt3A_741 : vector<16xi1>
      %and3A_743 = arith.constant 255 : i32
      %and3A_744 = vector.broadcast %and3A_743 : i32 to vector<16xi32>
      %and3A_745 = arith.andi %get3A_733, %and3A_744 : vector<16xi32>
      %add3A_746 = arith.constant 5120 : i32
      %add3A_747 = vector.broadcast %add3A_746 : i32 to vector<16xi32>
      %add3A_748 = arith.addi %add3A_747, %and3A_745 : vector<16xi32>
      %select_n3A_749 = arith.select %and3A_742, %sub3A_735, %add3A_748 : vector<16xi1>, vector<16xi32>
      %swap3A_750 = arith.constant 48 : index
      %swap3A_751 = tpu.vector_load %arg13[%swap3A_750] {strides = array<i32>} : memref<80xi32, #tpu.memory_space<vmem>>, vector<16xi32>,
      %swap3A_752 = vector.shape_cast %swap3A_751 : vector<16xi32> to vector<16xi32>
      %swap3A_753 = vector.shape_cast %select_n3A_749 : vector<16xi32> to vector<16xi32>
      tpu.vector_store %arg13[%swap3A_750], %swap3A_753 {strides = array<i32>} : memref<80xi32, #tpu.memory_space<vmem>>, vector<16xi32>,
      %get3A_754 = arith.index_cast %add3A_651 : i32 to index
      %get3A_755 = arith.constant 64 : index
      %get3A_756 = tpu.vector_load %arg10[%get3A_754, %get3A_755] {strides = array<i32>} : memref<125x80xi32, #tpu.memory_space<vmem>>, vector<1x16xi32>,
      %get3A_757 = vector.shape_cast %get3A_756 : vector<1x16xi32> to vector<16xi32>
      %sub3A_758 = vector.broadcast %mul3A_176 : i32 to vector<16xi32>
      %sub3A_759 = arith.subi %get3A_757, %sub3A_758 : vector<16xi32>
      %ge3A_760 = arith.constant 0 : i32
      %ge3A_761 = vector.broadcast %ge3A_760 : i32 to vector<16xi32>
      %ge3A_762 = arith.cmpi sge, %sub3A_759, %ge3A_761 : vector<16xi32>
      %lt3A_763 = arith.constant 5120 : i32
      %lt3A_764 = vector.broadcast %lt3A_763 : i32 to vector<16xi32>
      %lt3A_765 = arith.cmpi slt, %sub3A_759, %lt3A_764 : vector<16xi32>
      %and3A_766 = arith.andi %ge3A_762, %lt3A_765 : vector<16xi1>
      %and3A_767 = arith.constant 255 : i32
      %and3A_768 = vector.broadcast %and3A_767 : i32 to vector<16xi32>
      %and3A_769 = arith.andi %get3A_757, %and3A_768 : vector<16xi32>
      %add3A_770 = arith.constant 5120 : i32
      %add3A_771 = vector.broadcast %add3A_770 : i32 to vector<16xi32>
      %add3A_772 = arith.addi %add3A_771, %and3A_769 : vector<16xi32>
      %select_n3A_773 = arith.select %and3A_766, %sub3A_759, %add3A_772 : vector<16xi1>, vector<16xi32>
      %swap3A_774 = arith.constant 64 : index
      %swap3A_775 = tpu.vector_load %arg13[%swap3A_774] {strides = array<i32>} : memref<80xi32, #tpu.memory_space<vmem>>, vector<16xi32>,
      %swap3A_776 = vector.shape_cast %swap3A_775 : vector<16xi32> to vector<16xi32>
      %swap3A_777 = vector.shape_cast %select_n3A_773 : vector<16xi32> to vector<16xi32>
      tpu.vector_store %arg13[%swap3A_774], %swap3A_777 {strides = array<i32>} : memref<80xi32, #tpu.memory_space<vmem>>, vector<16xi32>,
      %dma_start3A_778 = arith.constant 0 : i32
      %dma_start3A_779 = arith.constant 0 : i32
      %dma_start3A_780 = tpu.memref_slice %arg19[%dma_start3A_778, %dma_start3A_779] : memref<5376x128xf32, #tpu.memory_space<vmem_shared>> -> memref<5376x128xf32, #tpu.memory_space<vmem_shared>>
      tpu.enqueue_indirect_dma source(%arg17 : memref<80x128xf32, #tpu.memory_space<vmem>>) target(%dma_start3A_780 : memref<5376x128xf32, #tpu.memory_space<vmem_shared>>) offsets(%arg13 : memref<80xi32, #tpu.memory_space<vmem>>) semaphore(%arg26 : memref<!tpu.dma_semaphore, #tpu.memory_space<semaphore_mem>>) {add = true}
      %ge3A_781 = arith.constant 2 : i32
      %ge3A_782 = arith.cmpi sge, %add3A_651, %ge3A_781 : i32
      %add3A_783 = arith.constant 2 : i32
      %add3A_784 = arith.addi %add3A_651, %add3A_783 : i32
      %lt3A_785 = arith.constant 125 : i32
      %lt3A_786 = arith.cmpi slt, %add3A_784, %lt3A_785 : i32
      %and3A_787 = arith.andi %ge3A_782, %lt3A_786 : i1
      %convert_element_type3A_788 = arith.extui %and3A_787 : i1 to i32
      %cond3A_789 = arith.constant 0 : i32
      %cond3A_790 = arith.cmpi ne, %convert_element_type3A_788, %cond3A_789 : i32
      scf.if %cond3A_790 {
        %dma_wait3A_946 = arith.constant 0 : i32
        %dma_wait3A_947 = arith.constant 0 : i32
        %dma_wait3A_948 = tpu.memref_slice %arg19[%dma_wait3A_946, %dma_wait3A_947] : memref<5376x128xf32, #tpu.memory_space<vmem_shared>> -> memref<5376x128xf32, #tpu.memory_space<vmem_shared>>
        tpu.wait_indirect_dma semaphore(%arg24 : memref<!tpu.dma_semaphore, #tpu.memory_space<semaphore_mem>>) src(%arg15 : memref<80x128xf32, #tpu.memory_space<vmem>>) dst(%dma_wait3A_948 : memref<5376x128xf32, #tpu.memory_space<vmem_shared>>)
      } else {
      }
      %add3A_791 = arith.constant 2 : i32
      %add3A_792 = arith.addi %add3A_651, %add3A_791 : i32
      %lt3A_793 = arith.constant 125 : i32
      %lt3A_794 = arith.cmpi slt, %add3A_792, %lt3A_793 : i32
      %convert_element_type3A_795 = arith.extui %lt3A_794 : i1 to i32
      %cond3A_796 = arith.constant 0 : i32
      %cond3A_797 = arith.cmpi ne, %convert_element_type3A_795, %cond3A_796 : i32
      scf.if %cond3A_797 {
        %add3A_946 = arith.constant 2 : i32
        %add3A_947 = arith.addi %add3A_651, %add3A_946 : i32
        %dma_start3A_948 = arith.constant 0 : i32
        %dma_start3A_949 = tpu.memref_slice %arg9[%add3A_947, %dma_start3A_948] : memref<125x80xi32, #tpu.memory_space<vmem>> -> memref<1x80xi32, #tpu.memory_space<vmem>>
        %dma_start3A_950 = tpu.memref_squeeze %dma_start3A_949 : memref<1x80xi32, #tpu.memory_space<vmem>> -> memref<80xi32, #tpu.memory_space<vmem>>
        %dma_start3A_951 = arith.constant 0 : i32
        %dma_start3A_952 = arith.constant 0 : i32
        %dma_start3A_953 = tpu.memref_slice %arg3[%dma_start3A_951, %dma_start3A_952] : memref<10000x128xf32, #tpu.memory_space<hbm>> -> memref<10000x128xf32, #tpu.memory_space<hbm>>
        tpu.enqueue_indirect_dma source(%dma_start3A_953 : memref<10000x128xf32, #tpu.memory_space<hbm>>) target(%arg15 : memref<80x128xf32, #tpu.memory_space<vmem>>) offsets(%dma_start3A_950 : memref<80xi32, #tpu.memory_space<vmem>>) semaphore(%arg20 : memref<!tpu.dma_semaphore, #tpu.memory_space<semaphore_mem>>)
      } else {
      }
      %add3A_798 = arith.constant 3 : i32
      %add3A_799 = arith.addi %mul3A_355, %add3A_798 : i32
      %dma_wait3A_800 = arith.constant 0 : i32
      %dma_wait3A_801 = tpu.memref_slice %arg9[%add3A_799, %dma_wait3A_800] : memref<125x80xi32, #tpu.memory_space<vmem>> -> memref<1x80xi32, #tpu.memory_space<vmem>>
      %dma_wait3A_802 = tpu.memref_squeeze %dma_wait3A_801 : memref<1x80xi32, #tpu.memory_space<vmem>> -> memref<80xi32, #tpu.memory_space<vmem>>
      %dma_wait3A_803 = arith.constant 0 : i32
      %dma_wait3A_804 = arith.constant 0 : i32
      %dma_wait3A_805 = tpu.memref_slice %arg3[%dma_wait3A_803, %dma_wait3A_804] : memref<10000x128xf32, #tpu.memory_space<hbm>> -> memref<10000x128xf32, #tpu.memory_space<hbm>>
      tpu.wait_indirect_dma semaphore(%arg23 : memref<!tpu.dma_semaphore, #tpu.memory_space<semaphore_mem>>) src(%dma_wait3A_805 : memref<10000x128xf32, #tpu.memory_space<hbm>>) dst(%arg18 : memref<80x128xf32, #tpu.memory_space<vmem>>)
      %get3A_806 = arith.index_cast %add3A_799 : i32 to index
      %get3A_807 = arith.constant 0 : index
      %get3A_808 = tpu.vector_load %arg10[%get3A_806, %get3A_807] {strides = array<i32>} : memref<125x80xi32, #tpu.memory_space<vmem>>, vector<1x16xi32>,
      %get3A_809 = vector.shape_cast %get3A_808 : vector<1x16xi32> to vector<16xi32>
      %sub3A_810 = vector.broadcast %mul3A_176 : i32 to vector<16xi32>
      %sub3A_811 = arith.subi %get3A_809, %sub3A_810 : vector<16xi32>
      %ge3A_812 = arith.constant 0 : i32
      %ge3A_813 = vector.broadcast %ge3A_812 : i32 to vector<16xi32>
      %ge3A_814 = arith.cmpi sge, %sub3A_811, %ge3A_813 : vector<16xi32>
      %lt3A_815 = arith.constant 5120 : i32
      %lt3A_816 = vector.broadcast %lt3A_815 : i32 to vector<16xi32>
      %lt3A_817 = arith.cmpi slt, %sub3A_811, %lt3A_816 : vector<16xi32>
      %and3A_818 = arith.andi %ge3A_814, %lt3A_817 : vector<16xi1>
      %and3A_819 = arith.constant 255 : i32
      %and3A_820 = vector.broadcast %and3A_819 : i32 to vector<16xi32>
      %and3A_821 = arith.andi %get3A_809, %and3A_820 : vector<16xi32>
      %add3A_822 = arith.constant 5120 : i32
      %add3A_823 = vector.broadcast %add3A_822 : i32 to vector<16xi32>
      %add3A_824 = arith.addi %add3A_823, %and3A_821 : vector<16xi32>
      %select_n3A_825 = arith.select %and3A_818, %sub3A_811, %add3A_824 : vector<16xi1>, vector<16xi32>
      %swap3A_826 = arith.constant 0 : index
      %swap3A_827 = tpu.vector_load %arg14[%swap3A_826] {strides = array<i32>} : memref<80xi32, #tpu.memory_space<vmem>>, vector<16xi32>,
      %swap3A_828 = vector.shape_cast %swap3A_827 : vector<16xi32> to vector<16xi32>
      %swap3A_829 = vector.shape_cast %select_n3A_825 : vector<16xi32> to vector<16xi32>
      tpu.vector_store %arg14[%swap3A_826], %swap3A_829 {strides = array<i32>} : memref<80xi32, #tpu.memory_space<vmem>>, vector<16xi32>,
      %get3A_830 = arith.index_cast %add3A_799 : i32 to index
      %get3A_831 = arith.constant 16 : index
      %get3A_832 = tpu.vector_load %arg10[%get3A_830, %get3A_831] {strides = array<i32>} : memref<125x80xi32, #tpu.memory_space<vmem>>, vector<1x16xi32>,
      %get3A_833 = vector.shape_cast %get3A_832 : vector<1x16xi32> to vector<16xi32>
      %sub3A_834 = vector.broadcast %mul3A_176 : i32 to vector<16xi32>
      %sub3A_835 = arith.subi %get3A_833, %sub3A_834 : vector<16xi32>
      %ge3A_836 = arith.constant 0 : i32
      %ge3A_837 = vector.broadcast %ge3A_836 : i32 to vector<16xi32>
      %ge3A_838 = arith.cmpi sge, %sub3A_835, %ge3A_837 : vector<16xi32>
      %lt3A_839 = arith.constant 5120 : i32
      %lt3A_840 = vector.broadcast %lt3A_839 : i32 to vector<16xi32>
      %lt3A_841 = arith.cmpi slt, %sub3A_835, %lt3A_840 : vector<16xi32>
      %and3A_842 = arith.andi %ge3A_838, %lt3A_841 : vector<16xi1>
      %and3A_843 = arith.constant 255 : i32
      %and3A_844 = vector.broadcast %and3A_843 : i32 to vector<16xi32>
      %and3A_845 = arith.andi %get3A_833, %and3A_844 : vector<16xi32>
      %add3A_846 = arith.constant 5120 : i32
      %add3A_847 = vector.broadcast %add3A_846 : i32 to vector<16xi32>
      %add3A_848 = arith.addi %add3A_847, %and3A_845 : vector<16xi32>
      %select_n3A_849 = arith.select %and3A_842, %sub3A_835, %add3A_848 : vector<16xi1>, vector<16xi32>
      %swap3A_850 = arith.constant 16 : index
      %swap3A_851 = tpu.vector_load %arg14[%swap3A_850] {strides = array<i32>} : memref<80xi32, #tpu.memory_space<vmem>>, vector<16xi32>,
      %swap3A_852 = vector.shape_cast %swap3A_851 : vector<16xi32> to vector<16xi32>
      %swap3A_853 = vector.shape_cast %select_n3A_849 : vector<16xi32> to vector<16xi32>
      tpu.vector_store %arg14[%swap3A_850], %swap3A_853 {strides = array<i32>} : memref<80xi32, #tpu.memory_space<vmem>>, vector<16xi32>,
      %get3A_854 = arith.index_cast %add3A_799 : i32 to index
      %get3A_855 = arith.constant 32 : index
      %get3A_856 = tpu.vector_load %arg10[%get3A_854, %get3A_855] {strides = array<i32>} : memref<125x80xi32, #tpu.memory_space<vmem>>, vector<1x16xi32>,
      %get3A_857 = vector.shape_cast %get3A_856 : vector<1x16xi32> to vector<16xi32>
      %sub3A_858 = vector.broadcast %mul3A_176 : i32 to vector<16xi32>
      %sub3A_859 = arith.subi %get3A_857, %sub3A_858 : vector<16xi32>
      %ge3A_860 = arith.constant 0 : i32
      %ge3A_861 = vector.broadcast %ge3A_860 : i32 to vector<16xi32>
      %ge3A_862 = arith.cmpi sge, %sub3A_859, %ge3A_861 : vector<16xi32>
      %lt3A_863 = arith.constant 5120 : i32
      %lt3A_864 = vector.broadcast %lt3A_863 : i32 to vector<16xi32>
      %lt3A_865 = arith.cmpi slt, %sub3A_859, %lt3A_864 : vector<16xi32>
      %and3A_866 = arith.andi %ge3A_862, %lt3A_865 : vector<16xi1>
      %and3A_867 = arith.constant 255 : i32
      %and3A_868 = vector.broadcast %and3A_867 : i32 to vector<16xi32>
      %and3A_869 = arith.andi %get3A_857, %and3A_868 : vector<16xi32>
      %add3A_870 = arith.constant 5120 : i32
      %add3A_871 = vector.broadcast %add3A_870 : i32 to vector<16xi32>
      %add3A_872 = arith.addi %add3A_871, %and3A_869 : vector<16xi32>
      %select_n3A_873 = arith.select %and3A_866, %sub3A_859, %add3A_872 : vector<16xi1>, vector<16xi32>
      %swap3A_874 = arith.constant 32 : index
      %swap3A_875 = tpu.vector_load %arg14[%swap3A_874] {strides = array<i32>} : memref<80xi32, #tpu.memory_space<vmem>>, vector<16xi32>,
      %swap3A_876 = vector.shape_cast %swap3A_875 : vector<16xi32> to vector<16xi32>
      %swap3A_877 = vector.shape_cast %select_n3A_873 : vector<16xi32> to vector<16xi32>
      tpu.vector_store %arg14[%swap3A_874], %swap3A_877 {strides = array<i32>} : memref<80xi32, #tpu.memory_space<vmem>>, vector<16xi32>,
      %get3A_878 = arith.index_cast %add3A_799 : i32 to index
      %get3A_879 = arith.constant 48 : index
      %get3A_880 = tpu.vector_load %arg10[%get3A_878, %get3A_879] {strides = array<i32>} : memref<125x80xi32, #tpu.memory_space<vmem>>, vector<1x16xi32>,
      %get3A_881 = vector.shape_cast %get3A_880 : vector<1x16xi32> to vector<16xi32>
      %sub3A_882 = vector.broadcast %mul3A_176 : i32 to vector<16xi32>
      %sub3A_883 = arith.subi %get3A_881, %sub3A_882 : vector<16xi32>
      %ge3A_884 = arith.constant 0 : i32
      %ge3A_885 = vector.broadcast %ge3A_884 : i32 to vector<16xi32>
      %ge3A_886 = arith.cmpi sge, %sub3A_883, %ge3A_885 : vector<16xi32>
      %lt3A_887 = arith.constant 5120 : i32
      %lt3A_888 = vector.broadcast %lt3A_887 : i32 to vector<16xi32>
      %lt3A_889 = arith.cmpi slt, %sub3A_883, %lt3A_888 : vector<16xi32>
      %and3A_890 = arith.andi %ge3A_886, %lt3A_889 : vector<16xi1>
      %and3A_891 = arith.constant 255 : i32
      %and3A_892 = vector.broadcast %and3A_891 : i32 to vector<16xi32>
      %and3A_893 = arith.andi %get3A_881, %and3A_892 : vector<16xi32>
      %add3A_894 = arith.constant 5120 : i32
      %add3A_895 = vector.broadcast %add3A_894 : i32 to vector<16xi32>
      %add3A_896 = arith.addi %add3A_895, %and3A_893 : vector<16xi32>
      %select_n3A_897 = arith.select %and3A_890, %sub3A_883, %add3A_896 : vector<16xi1>, vector<16xi32>
      %swap3A_898 = arith.constant 48 : index
      %swap3A_899 = tpu.vector_load %arg14[%swap3A_898] {strides = array<i32>} : memref<80xi32, #tpu.memory_space<vmem>>, vector<16xi32>,
      %swap3A_900 = vector.shape_cast %swap3A_899 : vector<16xi32> to vector<16xi32>
      %swap3A_901 = vector.shape_cast %select_n3A_897 : vector<16xi32> to vector<16xi32>
      tpu.vector_store %arg14[%swap3A_898], %swap3A_901 {strides = array<i32>} : memref<80xi32, #tpu.memory_space<vmem>>, vector<16xi32>,
      %get3A_902 = arith.index_cast %add3A_799 : i32 to index
      %get3A_903 = arith.constant 64 : index
      %get3A_904 = tpu.vector_load %arg10[%get3A_902, %get3A_903] {strides = array<i32>} : memref<125x80xi32, #tpu.memory_space<vmem>>, vector<1x16xi32>,
      %get3A_905 = vector.shape_cast %get3A_904 : vector<1x16xi32> to vector<16xi32>
      %sub3A_906 = vector.broadcast %mul3A_176 : i32 to vector<16xi32>
      %sub3A_907 = arith.subi %get3A_905, %sub3A_906 : vector<16xi32>
      %ge3A_908 = arith.constant 0 : i32
      %ge3A_909 = vector.broadcast %ge3A_908 : i32 to vector<16xi32>
      %ge3A_910 = arith.cmpi sge, %sub3A_907, %ge3A_909 : vector<16xi32>
      %lt3A_911 = arith.constant 5120 : i32
      %lt3A_912 = vector.broadcast %lt3A_911 : i32 to vector<16xi32>
      %lt3A_913 = arith.cmpi slt, %sub3A_907, %lt3A_912 : vector<16xi32>
      %and3A_914 = arith.andi %ge3A_910, %lt3A_913 : vector<16xi1>
      %and3A_915 = arith.constant 255 : i32
      %and3A_916 = vector.broadcast %and3A_915 : i32 to vector<16xi32>
      %and3A_917 = arith.andi %get3A_905, %and3A_916 : vector<16xi32>
      %add3A_918 = arith.constant 5120 : i32
      %add3A_919 = vector.broadcast %add3A_918 : i32 to vector<16xi32>
      %add3A_920 = arith.addi %add3A_919, %and3A_917 : vector<16xi32>
      %select_n3A_921 = arith.select %and3A_914, %sub3A_907, %add3A_920 : vector<16xi1>, vector<16xi32>
      %swap3A_922 = arith.constant 64 : index
      %swap3A_923 = tpu.vector_load %arg14[%swap3A_922] {strides = array<i32>} : memref<80xi32, #tpu.memory_space<vmem>>, vector<16xi32>,
      %swap3A_924 = vector.shape_cast %swap3A_923 : vector<16xi32> to vector<16xi32>
      %swap3A_925 = vector.shape_cast %select_n3A_921 : vector<16xi32> to vector<16xi32>
      tpu.vector_store %arg14[%swap3A_922], %swap3A_925 {strides = array<i32>} : memref<80xi32, #tpu.memory_space<vmem>>, vector<16xi32>,
      %dma_start3A_926 = arith.constant 0 : i32
      %dma_start3A_927 = arith.constant 0 : i32
      %dma_start3A_928 = tpu.memref_slice %arg19[%dma_start3A_926, %dma_start3A_927] : memref<5376x128xf32, #tpu.memory_space<vmem_shared>> -> memref<5376x128xf32, #tpu.memory_space<vmem_shared>>
      tpu.enqueue_indirect_dma source(%arg18 : memref<80x128xf32, #tpu.memory_space<vmem>>) target(%dma_start3A_928 : memref<5376x128xf32, #tpu.memory_space<vmem_shared>>) offsets(%arg14 : memref<80xi32, #tpu.memory_space<vmem>>) semaphore(%arg27 : memref<!tpu.dma_semaphore, #tpu.memory_space<semaphore_mem>>) {add = true}
      %ge3A_929 = arith.constant 2 : i32
      %ge3A_930 = arith.cmpi sge, %add3A_799, %ge3A_929 : i32
      %add3A_931 = arith.constant 2 : i32
      %add3A_932 = arith.addi %add3A_799, %add3A_931 : i32
      %lt3A_933 = arith.constant 125 : i32
      %lt3A_934 = arith.cmpi slt, %add3A_932, %lt3A_933 : i32
      %and3A_935 = arith.andi %ge3A_930, %lt3A_934 : i1
      %convert_element_type3A_936 = arith.extui %and3A_935 : i1 to i32
      %cond3A_937 = arith.constant 0 : i32
      %cond3A_938 = arith.cmpi ne, %convert_element_type3A_936, %cond3A_937 : i32
      scf.if %cond3A_938 {
        %dma_wait3A_946 = arith.constant 0 : i32
        %dma_wait3A_947 = arith.constant 0 : i32
        %dma_wait3A_948 = tpu.memref_slice %arg19[%dma_wait3A_946, %dma_wait3A_947] : memref<5376x128xf32, #tpu.memory_space<vmem_shared>> -> memref<5376x128xf32, #tpu.memory_space<vmem_shared>>
        tpu.wait_indirect_dma semaphore(%arg25 : memref<!tpu.dma_semaphore, #tpu.memory_space<semaphore_mem>>) src(%arg16 : memref<80x128xf32, #tpu.memory_space<vmem>>) dst(%dma_wait3A_948 : memref<5376x128xf32, #tpu.memory_space<vmem_shared>>)
      } else {
      }
      %add3A_939 = arith.constant 2 : i32
      %add3A_940 = arith.addi %add3A_799, %add3A_939 : i32
      %lt3A_941 = arith.constant 125 : i32
      %lt3A_942 = arith.cmpi slt, %add3A_940, %lt3A_941 : i32
      %convert_element_type3A_943 = arith.extui %lt3A_942 : i1 to i32
      %cond3A_944 = arith.constant 0 : i32
      %cond3A_945 = arith.cmpi ne, %convert_element_type3A_943, %cond3A_944 : i32
      scf.if %cond3A_945 {
        %add3A_946 = arith.constant 2 : i32
        %add3A_947 = arith.addi %add3A_799, %add3A_946 : i32
        %dma_start3A_948 = arith.constant 0 : i32
        %dma_start3A_949 = tpu.memref_slice %arg9[%add3A_947, %dma_start3A_948] : memref<125x80xi32, #tpu.memory_space<vmem>> -> memref<1x80xi32, #tpu.memory_space<vmem>>
        %dma_start3A_950 = tpu.memref_squeeze %dma_start3A_949 : memref<1x80xi32, #tpu.memory_space<vmem>> -> memref<80xi32, #tpu.memory_space<vmem>>
        %dma_start3A_951 = arith.constant 0 : i32
        %dma_start3A_952 = arith.constant 0 : i32
        %dma_start3A_953 = tpu.memref_slice %arg3[%dma_start3A_951, %dma_start3A_952] : memref<10000x128xf32, #tpu.memory_space<hbm>> -> memref<10000x128xf32, #tpu.memory_space<hbm>>
        tpu.enqueue_indirect_dma source(%dma_start3A_953 : memref<10000x128xf32, #tpu.memory_space<hbm>>) target(%arg16 : memref<80x128xf32, #tpu.memory_space<vmem>>) offsets(%dma_start3A_950 : memref<80xi32, #tpu.memory_space<vmem>>) semaphore(%arg21 : memref<!tpu.dma_semaphore, #tpu.memory_space<semaphore_mem>>)
      } else {
      }
    }
    %scan3A_196 = arith.constant 31 : i32
    %dma_wait3A_197 = arith.constant 124 : i32
    %dma_wait3A_198 = arith.constant 0 : i32
    %dma_wait3A_199 = tpu.memref_slice %arg9[%dma_wait3A_197, %dma_wait3A_198] : memref<125x80xi32, #tpu.memory_space<vmem>> -> memref<1x80xi32, #tpu.memory_space<vmem>>
    %dma_wait3A_200 = tpu.memref_squeeze %dma_wait3A_199 : memref<1x80xi32, #tpu.memory_space<vmem>> -> memref<80xi32, #tpu.memory_space<vmem>>
    %dma_wait3A_201 = arith.constant 0 : i32
    %dma_wait3A_202 = arith.constant 0 : i32
    %dma_wait3A_203 = tpu.memref_slice %arg3[%dma_wait3A_201, %dma_wait3A_202] : memref<10000x128xf32, #tpu.memory_space<hbm>> -> memref<10000x128xf32, #tpu.memory_space<hbm>>
    tpu.wait_indirect_dma semaphore(%arg20 : memref<!tpu.dma_semaphore, #tpu.memory_space<semaphore_mem>>) src(%dma_wait3A_203 : memref<10000x128xf32, #tpu.memory_space<hbm>>) dst(%arg15 : memref<80x128xf32, #tpu.memory_space<vmem>>)
    %get3A_204 = arith.constant 124 : i32
    %get3A_205 = arith.index_cast %get3A_204 : i32 to index
    %get3A_206 = arith.constant 0 : index
    %get3A_207 = tpu.vector_load %arg10[%get3A_205, %get3A_206] {strides = array<i32>} : memref<125x80xi32, #tpu.memory_space<vmem>>, vector<1x16xi32>,
    %get3A_208 = vector.shape_cast %get3A_207 : vector<1x16xi32> to vector<16xi32>
    %sub3A_209 = vector.broadcast %mul3A_176 : i32 to vector<16xi32>
    %sub3A_210 = arith.subi %get3A_208, %sub3A_209 : vector<16xi32>
    %ge3A_211 = arith.constant 0 : i32
    %ge3A_212 = vector.broadcast %ge3A_211 : i32 to vector<16xi32>
    %ge3A_213 = arith.cmpi sge, %sub3A_210, %ge3A_212 : vector<16xi32>
    %lt3A_214 = arith.constant 5120 : i32
    %lt3A_215 = vector.broadcast %lt3A_214 : i32 to vector<16xi32>
    %lt3A_216 = arith.cmpi slt, %sub3A_210, %lt3A_215 : vector<16xi32>
    %and3A_217 = arith.andi %ge3A_213, %lt3A_216 : vector<16xi1>
    %and3A_218 = arith.constant 255 : i32
    %and3A_219 = vector.broadcast %and3A_218 : i32 to vector<16xi32>
    %and3A_220 = arith.andi %get3A_208, %and3A_219 : vector<16xi32>
    %add3A_221 = arith.constant 5120 : i32
    %add3A_222 = vector.broadcast %add3A_221 : i32 to vector<16xi32>
    %add3A_223 = arith.addi %add3A_222, %and3A_220 : vector<16xi32>
    %select_n3A_224 = arith.select %and3A_217, %sub3A_210, %add3A_223 : vector<16xi1>, vector<16xi32>
    %swap3A_225 = arith.constant 0 : index
    %swap3A_226 = tpu.vector_load %arg11[%swap3A_225] {strides = array<i32>} : memref<80xi32, #tpu.memory_space<vmem>>, vector<16xi32>,
    %swap3A_227 = vector.shape_cast %swap3A_226 : vector<16xi32> to vector<16xi32>
    %swap3A_228 = vector.shape_cast %select_n3A_224 : vector<16xi32> to vector<16xi32>
    tpu.vector_store %arg11[%swap3A_225], %swap3A_228 {strides = array<i32>} : memref<80xi32, #tpu.memory_space<vmem>>, vector<16xi32>,
    %get3A_229 = arith.constant 124 : i32
    %get3A_230 = arith.index_cast %get3A_229 : i32 to index
    %get3A_231 = arith.constant 16 : index
    %get3A_232 = tpu.vector_load %arg10[%get3A_230, %get3A_231] {strides = array<i32>} : memref<125x80xi32, #tpu.memory_space<vmem>>, vector<1x16xi32>,
    %get3A_233 = vector.shape_cast %get3A_232 : vector<1x16xi32> to vector<16xi32>
    %sub3A_234 = vector.broadcast %mul3A_176 : i32 to vector<16xi32>
    %sub3A_235 = arith.subi %get3A_233, %sub3A_234 : vector<16xi32>
    %ge3A_236 = arith.constant 0 : i32
    %ge3A_237 = vector.broadcast %ge3A_236 : i32 to vector<16xi32>
    %ge3A_238 = arith.cmpi sge, %sub3A_235, %ge3A_237 : vector<16xi32>
    %lt3A_239 = arith.constant 5120 : i32
    %lt3A_240 = vector.broadcast %lt3A_239 : i32 to vector<16xi32>
    %lt3A_241 = arith.cmpi slt, %sub3A_235, %lt3A_240 : vector<16xi32>
    %and3A_242 = arith.andi %ge3A_238, %lt3A_241 : vector<16xi1>
    %and3A_243 = arith.constant 255 : i32
    %and3A_244 = vector.broadcast %and3A_243 : i32 to vector<16xi32>
    %and3A_245 = arith.andi %get3A_233, %and3A_244 : vector<16xi32>
    %add3A_246 = arith.constant 5120 : i32
    %add3A_247 = vector.broadcast %add3A_246 : i32 to vector<16xi32>
    %add3A_248 = arith.addi %add3A_247, %and3A_245 : vector<16xi32>
    %select_n3A_249 = arith.select %and3A_242, %sub3A_235, %add3A_248 : vector<16xi1>, vector<16xi32>
    %swap3A_250 = arith.constant 16 : index
    %swap3A_251 = tpu.vector_load %arg11[%swap3A_250] {strides = array<i32>} : memref<80xi32, #tpu.memory_space<vmem>>, vector<16xi32>,
    %swap3A_252 = vector.shape_cast %swap3A_251 : vector<16xi32> to vector<16xi32>
    %swap3A_253 = vector.shape_cast %select_n3A_249 : vector<16xi32> to vector<16xi32>
    tpu.vector_store %arg11[%swap3A_250], %swap3A_253 {strides = array<i32>} : memref<80xi32, #tpu.memory_space<vmem>>, vector<16xi32>,
    %get3A_254 = arith.constant 124 : i32
    %get3A_255 = arith.index_cast %get3A_254 : i32 to index
    %get3A_256 = arith.constant 32 : index
    %get3A_257 = tpu.vector_load %arg10[%get3A_255, %get3A_256] {strides = array<i32>} : memref<125x80xi32, #tpu.memory_space<vmem>>, vector<1x16xi32>,
    %get3A_258 = vector.shape_cast %get3A_257 : vector<1x16xi32> to vector<16xi32>
    %sub3A_259 = vector.broadcast %mul3A_176 : i32 to vector<16xi32>
    %sub3A_260 = arith.subi %get3A_258, %sub3A_259 : vector<16xi32>
    %ge3A_261 = arith.constant 0 : i32
    %ge3A_262 = vector.broadcast %ge3A_261 : i32 to vector<16xi32>
    %ge3A_263 = arith.cmpi sge, %sub3A_260, %ge3A_262 : vector<16xi32>
    %lt3A_264 = arith.constant 5120 : i32
    %lt3A_265 = vector.broadcast %lt3A_264 : i32 to vector<16xi32>
    %lt3A_266 = arith.cmpi slt, %sub3A_260, %lt3A_265 : vector<16xi32>
    %and3A_267 = arith.andi %ge3A_263, %lt3A_266 : vector<16xi1>
    %and3A_268 = arith.constant 255 : i32
    %and3A_269 = vector.broadcast %and3A_268 : i32 to vector<16xi32>
    %and3A_270 = arith.andi %get3A_258, %and3A_269 : vector<16xi32>
    %add3A_271 = arith.constant 5120 : i32
    %add3A_272 = vector.broadcast %add3A_271 : i32 to vector<16xi32>
    %add3A_273 = arith.addi %add3A_272, %and3A_270 : vector<16xi32>
    %select_n3A_274 = arith.select %and3A_267, %sub3A_260, %add3A_273 : vector<16xi1>, vector<16xi32>
    %swap3A_275 = arith.constant 32 : index
    %swap3A_276 = tpu.vector_load %arg11[%swap3A_275] {strides = array<i32>} : memref<80xi32, #tpu.memory_space<vmem>>, vector<16xi32>,
    %swap3A_277 = vector.shape_cast %swap3A_276 : vector<16xi32> to vector<16xi32>
    %swap3A_278 = vector.shape_cast %select_n3A_274 : vector<16xi32> to vector<16xi32>
    tpu.vector_store %arg11[%swap3A_275], %swap3A_278 {strides = array<i32>} : memref<80xi32, #tpu.memory_space<vmem>>, vector<16xi32>,
    %get3A_279 = arith.constant 124 : i32
    %get3A_280 = arith.index_cast %get3A_279 : i32 to index
    %get3A_281 = arith.constant 48 : index
    %get3A_282 = tpu.vector_load %arg10[%get3A_280, %get3A_281] {strides = array<i32>} : memref<125x80xi32, #tpu.memory_space<vmem>>, vector<1x16xi32>,
    %get3A_283 = vector.shape_cast %get3A_282 : vector<1x16xi32> to vector<16xi32>
    %sub3A_284 = vector.broadcast %mul3A_176 : i32 to vector<16xi32>
    %sub3A_285 = arith.subi %get3A_283, %sub3A_284 : vector<16xi32>
    %ge3A_286 = arith.constant 0 : i32
    %ge3A_287 = vector.broadcast %ge3A_286 : i32 to vector<16xi32>
    %ge3A_288 = arith.cmpi sge, %sub3A_285, %ge3A_287 : vector<16xi32>
    %lt3A_289 = arith.constant 5120 : i32
    %lt3A_290 = vector.broadcast %lt3A_289 : i32 to vector<16xi32>
    %lt3A_291 = arith.cmpi slt, %sub3A_285, %lt3A_290 : vector<16xi32>
    %and3A_292 = arith.andi %ge3A_288, %lt3A_291 : vector<16xi1>
    %and3A_293 = arith.constant 255 : i32
    %and3A_294 = vector.broadcast %and3A_293 : i32 to vector<16xi32>
    %and3A_295 = arith.andi %get3A_283, %and3A_294 : vector<16xi32>
    %add3A_296 = arith.constant 5120 : i32
    %add3A_297 = vector.broadcast %add3A_296 : i32 to vector<16xi32>
    %add3A_298 = arith.addi %add3A_297, %and3A_295 : vector<16xi32>
    %select_n3A_299 = arith.select %and3A_292, %sub3A_285, %add3A_298 : vector<16xi1>, vector<16xi32>
    %swap3A_300 = arith.constant 48 : index
    %swap3A_301 = tpu.vector_load %arg11[%swap3A_300] {strides = array<i32>} : memref<80xi32, #tpu.memory_space<vmem>>, vector<16xi32>,
    %swap3A_302 = vector.shape_cast %swap3A_301 : vector<16xi32> to vector<16xi32>
    %swap3A_303 = vector.shape_cast %select_n3A_299 : vector<16xi32> to vector<16xi32>
    tpu.vector_store %arg11[%swap3A_300], %swap3A_303 {strides = array<i32>} : memref<80xi32, #tpu.memory_space<vmem>>, vector<16xi32>,
    %get3A_304 = arith.constant 124 : i32
    %get3A_305 = arith.index_cast %get3A_304 : i32 to index
    %get3A_306 = arith.constant 64 : index
    %get3A_307 = tpu.vector_load %arg10[%get3A_305, %get3A_306] {strides = array<i32>} : memref<125x80xi32, #tpu.memory_space<vmem>>, vector<1x16xi32>,
    %get3A_308 = vector.shape_cast %get3A_307 : vector<1x16xi32> to vector<16xi32>
    %sub3A_309 = vector.broadcast %mul3A_176 : i32 to vector<16xi32>
    %sub3A_310 = arith.subi %get3A_308, %sub3A_309 : vector<16xi32>
    %ge3A_311 = arith.constant 0 : i32
    %ge3A_312 = vector.broadcast %ge3A_311 : i32 to vector<16xi32>
    %ge3A_313 = arith.cmpi sge, %sub3A_310, %ge3A_312 : vector<16xi32>
    %lt3A_314 = arith.constant 5120 : i32
    %lt3A_315 = vector.broadcast %lt3A_314 : i32 to vector<16xi32>
    %lt3A_316 = arith.cmpi slt, %sub3A_310, %lt3A_315 : vector<16xi32>
    %and3A_317 = arith.andi %ge3A_313, %lt3A_316 : vector<16xi1>
    %and3A_318 = arith.constant 255 : i32
    %and3A_319 = vector.broadcast %and3A_318 : i32 to vector<16xi32>
    %and3A_320 = arith.andi %get3A_308, %and3A_319 : vector<16xi32>
    %add3A_321 = arith.constant 5120 : i32
    %add3A_322 = vector.broadcast %add3A_321 : i32 to vector<16xi32>
    %add3A_323 = arith.addi %add3A_322, %and3A_320 : vector<16xi32>
    %select_n3A_324 = arith.select %and3A_317, %sub3A_310, %add3A_323 : vector<16xi1>, vector<16xi32>
    %swap3A_325 = arith.constant 64 : index
    %swap3A_326 = tpu.vector_load %arg11[%swap3A_325] {strides = array<i32>} : memref<80xi32, #tpu.memory_space<vmem>>, vector<16xi32>,
    %swap3A_327 = vector.shape_cast %swap3A_326 : vector<16xi32> to vector<16xi32>
    %swap3A_328 = vector.shape_cast %select_n3A_324 : vector<16xi32> to vector<16xi32>
    tpu.vector_store %arg11[%swap3A_325], %swap3A_328 {strides = array<i32>} : memref<80xi32, #tpu.memory_space<vmem>>, vector<16xi32>,
    %dma_start3A_329 = arith.constant 0 : i32
    %dma_start3A_330 = arith.constant 0 : i32
    %dma_start3A_331 = tpu.memref_slice %arg19[%dma_start3A_329, %dma_start3A_330] : memref<5376x128xf32, #tpu.memory_space<vmem_shared>> -> memref<5376x128xf32, #tpu.memory_space<vmem_shared>>
    tpu.enqueue_indirect_dma source(%arg15 : memref<80x128xf32, #tpu.memory_space<vmem>>) target(%dma_start3A_331 : memref<5376x128xf32, #tpu.memory_space<vmem_shared>>) offsets(%arg11 : memref<80xi32, #tpu.memory_space<vmem>>) semaphore(%arg24 : memref<!tpu.dma_semaphore, #tpu.memory_space<semaphore_mem>>) {add = true}
    %dma_wait3A_332 = arith.constant 0 : i32
    %dma_wait3A_333 = arith.constant 0 : i32
    %dma_wait3A_334 = tpu.memref_slice %arg19[%dma_wait3A_332, %dma_wait3A_333] : memref<5376x128xf32, #tpu.memory_space<vmem_shared>> -> memref<5376x128xf32, #tpu.memory_space<vmem_shared>>
    tpu.wait_indirect_dma semaphore(%arg24 : memref<!tpu.dma_semaphore, #tpu.memory_space<semaphore_mem>>) src(%arg15 : memref<80x128xf32, #tpu.memory_space<vmem>>) dst(%dma_wait3A_334 : memref<5376x128xf32, #tpu.memory_space<vmem_shared>>)
    %dma_wait3A_335 = arith.constant 0 : i32
    %dma_wait3A_336 = arith.constant 0 : i32
    %dma_wait3A_337 = tpu.memref_slice %arg19[%dma_wait3A_335, %dma_wait3A_336] : memref<5376x128xf32, #tpu.memory_space<vmem_shared>> -> memref<5376x128xf32, #tpu.memory_space<vmem_shared>>
    tpu.wait_indirect_dma semaphore(%arg25 : memref<!tpu.dma_semaphore, #tpu.memory_space<semaphore_mem>>) src(%arg16 : memref<80x128xf32, #tpu.memory_space<vmem>>) dst(%dma_wait3A_337 : memref<5376x128xf32, #tpu.memory_space<vmem_shared>>)
    %dma_wait3A_338 = arith.constant 0 : i32
    %dma_wait3A_339 = arith.constant 0 : i32
    %dma_wait3A_340 = tpu.memref_slice %arg19[%dma_wait3A_338, %dma_wait3A_339] : memref<5376x128xf32, #tpu.memory_space<vmem_shared>> -> memref<5376x128xf32, #tpu.memory_space<vmem_shared>>
    tpu.wait_indirect_dma semaphore(%arg26 : memref<!tpu.dma_semaphore, #tpu.memory_space<semaphore_mem>>) src(%arg17 : memref<80x128xf32, #tpu.memory_space<vmem>>) dst(%dma_wait3A_340 : memref<5376x128xf32, #tpu.memory_space<vmem_shared>>)
    %dma_wait3A_341 = arith.constant 0 : i32
    %dma_wait3A_342 = arith.constant 0 : i32
    %dma_wait3A_343 = tpu.memref_slice %arg19[%dma_wait3A_341, %dma_wait3A_342] : memref<5376x128xf32, #tpu.memory_space<vmem_shared>> -> memref<5376x128xf32, #tpu.memory_space<vmem_shared>>
    tpu.wait_indirect_dma semaphore(%arg27 : memref<!tpu.dma_semaphore, #tpu.memory_space<semaphore_mem>>) src(%arg18 : memref<80x128xf32, #tpu.memory_space<vmem>>) dst(%dma_wait3A_343 : memref<5376x128xf32, #tpu.memory_space<vmem_shared>>)
    %barrier3A_344 = arith.constant 0 : index
    tpu.barrier barrier_id(%barrier3A_344)
    %mul3A_345 = arith.constant 320 : i32
    %mul3A_346 = arith.muli %arg1, %mul3A_345 : i32
    %mul3A_347 = arith.constant 5120 : i32
    %mul3A_348 = arith.muli %arg0, %mul3A_347 : i32
    %mul3A_349 = arith.constant 320 : i32
    %mul3A_350 = arith.muli %arg1, %mul3A_349 : i32
    %add3A_351 = arith.addi %mul3A_348, %mul3A_350 : i32
    "tpu.region"() ({
      %run_scoped3A = tpu.sem_alloc : memref<!tpu.dma_semaphore, #tpu.memory_space<semaphore_mem>>
      %dma_start3A_353 = arith.constant 0 : i32
      %dma_start3A_354 = tpu.memref_slice %arg8[%add3A_351, %dma_start3A_353] : memref<10240x128xf32, #tpu.memory_space<hbm>> -> memref<320x128xf32, #tpu.memory_space<hbm>>
      %dma_start3A_355 = arith.constant 0 : i32
      %dma_start3A_356 = tpu.memref_slice %arg19[%mul3A_346, %dma_start3A_355] : memref<5376x128xf32, #tpu.memory_space<vmem_shared>> -> memref<320x128xf32, #tpu.memory_space<vmem_shared>>
      tpu.enqueue_dma source(%dma_start3A_356 : memref<320x128xf32, #tpu.memory_space<vmem_shared>>) target(%dma_start3A_354 : memref<320x128xf32, #tpu.memory_space<hbm>>) target_semaphore(%run_scoped3A : memref<!tpu.dma_semaphore, #tpu.memory_space<semaphore_mem>>)
      %dma_wait3A_357 = arith.constant 0 : i32
      %dma_wait3A_358 = tpu.memref_slice %arg8[%add3A_351, %dma_wait3A_357] : memref<10240x128xf32, #tpu.memory_space<hbm>> -> memref<320x128xf32, #tpu.memory_space<hbm>>
      %dma_wait3A_359 = arith.constant 0 : i32
      %dma_wait3A_360 = tpu.memref_slice %arg19[%mul3A_346, %dma_wait3A_359] : memref<5376x128xf32, #tpu.memory_space<vmem_shared>> -> memref<320x128xf32, #tpu.memory_space<vmem_shared>>
      tpu.wait_dma2 semaphore(%run_scoped3A : memref<!tpu.dma_semaphore, #tpu.memory_space<semaphore_mem>>) src(%dma_wait3A_360 : memref<320x128xf32, #tpu.memory_space<vmem_shared>>) dst(%dma_wait3A_358 : memref<320x128xf32, #tpu.memory_space<hbm>>)
      tpu.yield
    }) : () -> ()
    %barrier3A_352 = arith.constant 0 : index
    tpu.barrier barrier_id(%barrier3A_352)
    return
  }
}

#map = affine_map<(d0, d1) -> (0, 0)>
#map1 = affine_map<(d0, d1) -> (0, 0, 0)>
module attributes {stable_mosaic.version = 14 : i64} {
  func.func @_edge_l23_body(%arg0: i32, %arg1: i32, %arg2: memref<10000x128xf32, #tpu.memory_space<hbm>>, %arg3: memref<16x125x80xi32, #tpu.memory_space<hbm>>, %arg4: memref<16x125x80xi32, #tpu.memory_space<hbm>>, %arg5: memref<5376x128xf32, #tpu.memory_space<hbm>>, %arg6: memref<10240x128xf32, #tpu.memory_space<hbm>>, %arg7: memref<125x80xi32, #tpu.memory_space<vmem>>, %arg8: memref<125x80xi32, #tpu.memory_space<vmem>>, %arg9: memref<80xi32, #tpu.memory_space<vmem>>, %arg10: memref<80xi32, #tpu.memory_space<vmem>>, %arg11: memref<80xi32, #tpu.memory_space<vmem>>, %arg12: memref<80xi32, #tpu.memory_space<vmem>>, %arg13: memref<80x128xf32, #tpu.memory_space<vmem>>, %arg14: memref<80x128xf32, #tpu.memory_space<vmem>>, %arg15: memref<80x128xf32, #tpu.memory_space<vmem>>, %arg16: memref<80x128xf32, #tpu.memory_space<vmem>>, %arg17: memref<5376x128xf32, #tpu.memory_space<vmem_shared>>, %arg18: memref<!tpu.dma_semaphore, #tpu.memory_space<semaphore_mem>>, %arg19: memref<!tpu.dma_semaphore, #tpu.memory_space<semaphore_mem>>, %arg20: memref<!tpu.dma_semaphore, #tpu.memory_space<semaphore_mem>>, %arg21: memref<!tpu.dma_semaphore, #tpu.memory_space<semaphore_mem>>, %arg22: memref<!tpu.dma_semaphore, #tpu.memory_space<semaphore_mem>>, %arg23: memref<!tpu.dma_semaphore, #tpu.memory_space<semaphore_mem>>, %arg24: memref<!tpu.dma_semaphore, #tpu.memory_space<semaphore_mem>>, %arg25: memref<!tpu.dma_semaphore, #tpu.memory_space<semaphore_mem>>) attributes {dimension_semantics = [#tpu.dimension_semantics<core_parallel>, #tpu.dimension_semantics<subcore_parallel>], iteration_bounds = array<i64: 2, 16>, scalar_prefetch = 0 : i64, scratch_operands = 19 : i64, tpu.core_type = #tpu.core_type<sc_vector_subcore>, window_params = [{transform_indices = #map}, {transform_indices = #map1}, {transform_indices = #map1}, {transform_indices = #map}, {transform_indices = #map}]} {
    "tpu.region"() ({
      %run_scoped3A = tpu.sem_alloc : memref<!tpu.dma_semaphore, #tpu.memory_space<semaphore_mem>>
      %dma_start3A_170 = arith.constant 0 : i32
      %dma_start3A_171 = arith.constant 0 : i32
      %dma_start3A_172 = tpu.memref_slice %arg3[%arg1, %dma_start3A_170, %dma_start3A_171] : memref<16x125x80xi32, #tpu.memory_space<hbm>> -> memref<1x125x80xi32, #tpu.memory_space<hbm>>
      %dma_start3A_173 = tpu.memref_squeeze %dma_start3A_172 : memref<1x125x80xi32, #tpu.memory_space<hbm>> -> memref<125x80xi32, #tpu.memory_space<hbm>>
      %dma_start3A_174 = arith.constant 0 : i32
      %dma_start3A_175 = arith.constant 0 : i32
      %dma_start3A_176 = tpu.memref_slice %arg3[%arg1, %dma_start3A_174, %dma_start3A_175] : memref<16x125x80xi32, #tpu.memory_space<hbm>> -> memref<1x125x80xi32, #tpu.memory_space<hbm>>
      %dma_start3A_177 = tpu.memref_squeeze %dma_start3A_176 : memref<1x125x80xi32, #tpu.memory_space<hbm>> -> memref<125x80xi32, #tpu.memory_space<hbm>>
      tpu.enqueue_dma source(%dma_start3A_177 : memref<125x80xi32, #tpu.memory_space<hbm>>) target(%arg7 : memref<125x80xi32, #tpu.memory_space<vmem>>) target_semaphore(%run_scoped3A : memref<!tpu.dma_semaphore, #tpu.memory_space<semaphore_mem>>)
      %dma_wait3A_178 = arith.constant 0 : i32
      %dma_wait3A_179 = arith.constant 0 : i32
      %dma_wait3A_180 = tpu.memref_slice %arg3[%arg1, %dma_wait3A_178, %dma_wait3A_179] : memref<16x125x80xi32, #tpu.memory_space<hbm>> -> memref<1x125x80xi32, #tpu.memory_space<hbm>>
      %dma_wait3A_181 = tpu.memref_squeeze %dma_wait3A_180 : memref<1x125x80xi32, #tpu.memory_space<hbm>> -> memref<125x80xi32, #tpu.memory_space<hbm>>
      %dma_wait3A_182 = arith.constant 0 : i32
      %dma_wait3A_183 = arith.constant 0 : i32
      %dma_wait3A_184 = tpu.memref_slice %arg3[%arg1, %dma_wait3A_182, %dma_wait3A_183] : memref<16x125x80xi32, #tpu.memory_space<hbm>> -> memref<1x125x80xi32, #tpu.memory_space<hbm>>
      %dma_wait3A_185 = tpu.memref_squeeze %dma_wait3A_184 : memref<1x125x80xi32, #tpu.memory_space<hbm>> -> memref<125x80xi32, #tpu.memory_space<hbm>>
      tpu.wait_dma2 semaphore(%run_scoped3A : memref<!tpu.dma_semaphore, #tpu.memory_space<semaphore_mem>>) src(%dma_wait3A_185 : memref<125x80xi32, #tpu.memory_space<hbm>>) dst(%arg7 : memref<125x80xi32, #tpu.memory_space<vmem>>)
      tpu.yield
    }) : () -> ()
    "tpu.region"() ({
      %run_scoped3A = tpu.sem_alloc : memref<!tpu.dma_semaphore, #tpu.memory_space<semaphore_mem>>
      %dma_start3A_170 = arith.constant 0 : i32
      %dma_start3A_171 = arith.constant 0 : i32
      %dma_start3A_172 = tpu.memref_slice %arg4[%arg1, %dma_start3A_170, %dma_start3A_171] : memref<16x125x80xi32, #tpu.memory_space<hbm>> -> memref<1x125x80xi32, #tpu.memory_space<hbm>>
      %dma_start3A_173 = tpu.memref_squeeze %dma_start3A_172 : memref<1x125x80xi32, #tpu.memory_space<hbm>> -> memref<125x80xi32, #tpu.memory_space<hbm>>
      %dma_start3A_174 = arith.constant 0 : i32
      %dma_start3A_175 = arith.constant 0 : i32
      %dma_start3A_176 = tpu.memref_slice %arg4[%arg1, %dma_start3A_174, %dma_start3A_175] : memref<16x125x80xi32, #tpu.memory_space<hbm>> -> memref<1x125x80xi32, #tpu.memory_space<hbm>>
      %dma_start3A_177 = tpu.memref_squeeze %dma_start3A_176 : memref<1x125x80xi32, #tpu.memory_space<hbm>> -> memref<125x80xi32, #tpu.memory_space<hbm>>
      tpu.enqueue_dma source(%dma_start3A_177 : memref<125x80xi32, #tpu.memory_space<hbm>>) target(%arg8 : memref<125x80xi32, #tpu.memory_space<vmem>>) target_semaphore(%run_scoped3A : memref<!tpu.dma_semaphore, #tpu.memory_space<semaphore_mem>>)
      %dma_wait3A_178 = arith.constant 0 : i32
      %dma_wait3A_179 = arith.constant 0 : i32
      %dma_wait3A_180 = tpu.memref_slice %arg4[%arg1, %dma_wait3A_178, %dma_wait3A_179] : memref<16x125x80xi32, #tpu.memory_space<hbm>> -> memref<1x125x80xi32, #tpu.memory_space<hbm>>
      %dma_wait3A_181 = tpu.memref_squeeze %dma_wait3A_180 : memref<1x125x80xi32, #tpu.memory_space<hbm>> -> memref<125x80xi32, #tpu.memory_space<hbm>>
      %dma_wait3A_182 = arith.constant 0 : i32
      %dma_wait3A_183 = arith.constant 0 : i32
      %dma_wait3A_184 = tpu.memref_slice %arg4[%arg1, %dma_wait3A_182, %dma_wait3A_183] : memref<16x125x80xi32, #tpu.memory_space<hbm>> -> memref<1x125x80xi32, #tpu.memory_space<hbm>>
      %dma_wait3A_185 = tpu.memref_squeeze %dma_wait3A_184 : memref<1x125x80xi32, #tpu.memory_space<hbm>> -> memref<125x80xi32, #tpu.memory_space<hbm>>
      tpu.wait_dma2 semaphore(%run_scoped3A : memref<!tpu.dma_semaphore, #tpu.memory_space<semaphore_mem>>) src(%dma_wait3A_185 : memref<125x80xi32, #tpu.memory_space<hbm>>) dst(%arg8 : memref<125x80xi32, #tpu.memory_space<vmem>>)
      tpu.yield
    }) : () -> ()
    %mul3A = arith.constant 336 : i32
    %mul3A_0 = arith.muli %arg1, %mul3A : i32
    %mul3A_1 = arith.constant 336 : i32
    %mul3A_2 = arith.muli %arg1, %mul3A_1 : i32
    "tpu.region"() ({
      %run_scoped3A = tpu.sem_alloc : memref<!tpu.dma_semaphore, #tpu.memory_space<semaphore_mem>>
      %dma_start3A_170 = arith.constant 0 : i32
      %dma_start3A_171 = tpu.memref_slice %arg17[%mul3A_2, %dma_start3A_170] : memref<5376x128xf32, #tpu.memory_space<vmem_shared>> -> memref<336x128xf32, #tpu.memory_space<vmem_shared>>
      %dma_start3A_172 = arith.constant 0 : i32
      %dma_start3A_173 = tpu.memref_slice %arg5[%mul3A_0, %dma_start3A_172] : memref<5376x128xf32, #tpu.memory_space<hbm>> -> memref<336x128xf32, #tpu.memory_space<hbm>>
      tpu.enqueue_dma source(%dma_start3A_173 : memref<336x128xf32, #tpu.memory_space<hbm>>) target(%dma_start3A_171 : memref<336x128xf32, #tpu.memory_space<vmem_shared>>) target_semaphore(%run_scoped3A : memref<!tpu.dma_semaphore, #tpu.memory_space<semaphore_mem>>)
      %dma_wait3A_174 = arith.constant 0 : i32
      %dma_wait3A_175 = tpu.memref_slice %arg17[%mul3A_2, %dma_wait3A_174] : memref<5376x128xf32, #tpu.memory_space<vmem_shared>> -> memref<336x128xf32, #tpu.memory_space<vmem_shared>>
      %dma_wait3A_176 = arith.constant 0 : i32
      %dma_wait3A_177 = tpu.memref_slice %arg5[%mul3A_0, %dma_wait3A_176] : memref<5376x128xf32, #tpu.memory_space<hbm>> -> memref<336x128xf32, #tpu.memory_space<hbm>>
      tpu.wait_dma2 semaphore(%run_scoped3A : memref<!tpu.dma_semaphore, #tpu.memory_space<semaphore_mem>>) src(%dma_wait3A_177 : memref<336x128xf32, #tpu.memory_space<hbm>>) dst(%dma_wait3A_175 : memref<336x128xf32, #tpu.memory_space<vmem_shared>>)
      tpu.yield
    }) : () -> ()
    %barrier3A = arith.constant 0 : index
    tpu.barrier barrier_id(%barrier3A)
    %mul3A_3 = arith.constant 5120 : i32
    %mul3A_4 = arith.muli %arg0, %mul3A_3 : i32
    %dma_start3A = arith.constant 0 : i32
    %dma_start3A_5 = arith.constant 0 : i32
    %dma_start3A_6 = tpu.memref_slice %arg7[%dma_start3A, %dma_start3A_5] : memref<125x80xi32, #tpu.memory_space<vmem>> -> memref<1x80xi32, #tpu.memory_space<vmem>>
    %dma_start3A_7 = tpu.memref_squeeze %dma_start3A_6 : memref<1x80xi32, #tpu.memory_space<vmem>> -> memref<80xi32, #tpu.memory_space<vmem>>
    %dma_start3A_8 = arith.constant 0 : i32
    %dma_start3A_9 = arith.constant 0 : i32
    %dma_start3A_10 = tpu.memref_slice %arg2[%dma_start3A_8, %dma_start3A_9] : memref<10000x128xf32, #tpu.memory_space<hbm>> -> memref<10000x128xf32, #tpu.memory_space<hbm>>
    tpu.enqueue_indirect_dma source(%dma_start3A_10 : memref<10000x128xf32, #tpu.memory_space<hbm>>) target(%arg13 : memref<80x128xf32, #tpu.memory_space<vmem>>) offsets(%dma_start3A_7 : memref<80xi32, #tpu.memory_space<vmem>>) semaphore(%arg18 : memref<!tpu.dma_semaphore, #tpu.memory_space<semaphore_mem>>)
    %dma_start3A_11 = arith.constant 1 : i32
    %dma_start3A_12 = arith.constant 0 : i32
    %dma_start3A_13 = tpu.memref_slice %arg7[%dma_start3A_11, %dma_start3A_12] : memref<125x80xi32, #tpu.memory_space<vmem>> -> memref<1x80xi32, #tpu.memory_space<vmem>>
    %dma_start3A_14 = tpu.memref_squeeze %dma_start3A_13 : memref<1x80xi32, #tpu.memory_space<vmem>> -> memref<80xi32, #tpu.memory_space<vmem>>
    %dma_start3A_15 = arith.constant 0 : i32
    %dma_start3A_16 = arith.constant 0 : i32
    %dma_start3A_17 = tpu.memref_slice %arg2[%dma_start3A_15, %dma_start3A_16] : memref<10000x128xf32, #tpu.memory_space<hbm>> -> memref<10000x128xf32, #tpu.memory_space<hbm>>
    tpu.enqueue_indirect_dma source(%dma_start3A_17 : memref<10000x128xf32, #tpu.memory_space<hbm>>) target(%arg14 : memref<80x128xf32, #tpu.memory_space<vmem>>) offsets(%dma_start3A_14 : memref<80xi32, #tpu.memory_space<vmem>>) semaphore(%arg19 : memref<!tpu.dma_semaphore, #tpu.memory_space<semaphore_mem>>)
    %scan3A = arith.constant 0 : i32
    %scan3A_18 = arith.constant 0 : i32
    %scan3A_19 = arith.constant 31 : i32
    %scan3A_20 = arith.addi %scan3A_18, %scan3A_19 : i32
    %scan3A_21 = arith.constant 1 : i32
    scf.for %scan3A_170 = %scan3A_18 to %scan3A_20 step %scan3A_21  : i32 {
      %mul3A_171 = arith.constant 4 : i32
      %mul3A_172 = arith.muli %mul3A_171, %scan3A_170 : i32
      %add3A_173 = arith.constant 0 : i32
      %add3A_174 = arith.addi %mul3A_172, %add3A_173 : i32
      %dma_wait3A_175 = arith.constant 0 : i32
      %dma_wait3A_176 = tpu.memref_slice %arg7[%add3A_174, %dma_wait3A_175] : memref<125x80xi32, #tpu.memory_space<vmem>> -> memref<1x80xi32, #tpu.memory_space<vmem>>
      %dma_wait3A_177 = tpu.memref_squeeze %dma_wait3A_176 : memref<1x80xi32, #tpu.memory_space<vmem>> -> memref<80xi32, #tpu.memory_space<vmem>>
      %dma_wait3A_178 = arith.constant 0 : i32
      %dma_wait3A_179 = arith.constant 0 : i32
      %dma_wait3A_180 = tpu.memref_slice %arg2[%dma_wait3A_178, %dma_wait3A_179] : memref<10000x128xf32, #tpu.memory_space<hbm>> -> memref<10000x128xf32, #tpu.memory_space<hbm>>
      tpu.wait_indirect_dma semaphore(%arg18 : memref<!tpu.dma_semaphore, #tpu.memory_space<semaphore_mem>>) src(%dma_wait3A_180 : memref<10000x128xf32, #tpu.memory_space<hbm>>) dst(%arg13 : memref<80x128xf32, #tpu.memory_space<vmem>>)
      %get3A_181 = arith.index_cast %add3A_174 : i32 to index
      %get3A_182 = arith.constant 0 : index
      %get3A_183 = tpu.vector_load %arg8[%get3A_181, %get3A_182] {strides = array<i32>} : memref<125x80xi32, #tpu.memory_space<vmem>>, vector<1x16xi32>,
      %get3A_184 = vector.shape_cast %get3A_183 : vector<1x16xi32> to vector<16xi32>
      %sub3A_185 = vector.broadcast %mul3A_4 : i32 to vector<16xi32>
      %sub3A_186 = arith.subi %get3A_184, %sub3A_185 : vector<16xi32>
      %ge3A_187 = arith.constant 0 : i32
      %ge3A_188 = vector.broadcast %ge3A_187 : i32 to vector<16xi32>
      %ge3A_189 = arith.cmpi sge, %sub3A_186, %ge3A_188 : vector<16xi32>
      %lt3A_190 = arith.constant 5120 : i32
      %lt3A_191 = vector.broadcast %lt3A_190 : i32 to vector<16xi32>
      %lt3A_192 = arith.cmpi slt, %sub3A_186, %lt3A_191 : vector<16xi32>
      %and3A_193 = arith.andi %ge3A_189, %lt3A_192 : vector<16xi1>
      %and3A_194 = arith.constant 255 : i32
      %and3A_195 = vector.broadcast %and3A_194 : i32 to vector<16xi32>
      %and3A_196 = arith.andi %get3A_184, %and3A_195 : vector<16xi32>
      %add3A_197 = arith.constant 5120 : i32
      %add3A_198 = vector.broadcast %add3A_197 : i32 to vector<16xi32>
      %add3A_199 = arith.addi %add3A_198, %and3A_196 : vector<16xi32>
      %select_n3A_200 = arith.select %and3A_193, %sub3A_186, %add3A_199 : vector<16xi1>, vector<16xi32>
      %swap3A_201 = arith.constant 0 : index
      %swap3A_202 = tpu.vector_load %arg9[%swap3A_201] {strides = array<i32>} : memref<80xi32, #tpu.memory_space<vmem>>, vector<16xi32>,
      %swap3A_203 = vector.shape_cast %swap3A_202 : vector<16xi32> to vector<16xi32>
      %swap3A_204 = vector.shape_cast %select_n3A_200 : vector<16xi32> to vector<16xi32>
      tpu.vector_store %arg9[%swap3A_201], %swap3A_204 {strides = array<i32>} : memref<80xi32, #tpu.memory_space<vmem>>, vector<16xi32>,
      %get3A_205 = arith.index_cast %add3A_174 : i32 to index
      %get3A_206 = arith.constant 16 : index
      %get3A_207 = tpu.vector_load %arg8[%get3A_205, %get3A_206] {strides = array<i32>} : memref<125x80xi32, #tpu.memory_space<vmem>>, vector<1x16xi32>,
      %get3A_208 = vector.shape_cast %get3A_207 : vector<1x16xi32> to vector<16xi32>
      %sub3A_209 = vector.broadcast %mul3A_4 : i32 to vector<16xi32>
      %sub3A_210 = arith.subi %get3A_208, %sub3A_209 : vector<16xi32>
      %ge3A_211 = arith.constant 0 : i32
      %ge3A_212 = vector.broadcast %ge3A_211 : i32 to vector<16xi32>
      %ge3A_213 = arith.cmpi sge, %sub3A_210, %ge3A_212 : vector<16xi32>
      %lt3A_214 = arith.constant 5120 : i32
      %lt3A_215 = vector.broadcast %lt3A_214 : i32 to vector<16xi32>
      %lt3A_216 = arith.cmpi slt, %sub3A_210, %lt3A_215 : vector<16xi32>
      %and3A_217 = arith.andi %ge3A_213, %lt3A_216 : vector<16xi1>
      %and3A_218 = arith.constant 255 : i32
      %and3A_219 = vector.broadcast %and3A_218 : i32 to vector<16xi32>
      %and3A_220 = arith.andi %get3A_208, %and3A_219 : vector<16xi32>
      %add3A_221 = arith.constant 5120 : i32
      %add3A_222 = vector.broadcast %add3A_221 : i32 to vector<16xi32>
      %add3A_223 = arith.addi %add3A_222, %and3A_220 : vector<16xi32>
      %select_n3A_224 = arith.select %and3A_217, %sub3A_210, %add3A_223 : vector<16xi1>, vector<16xi32>
      %swap3A_225 = arith.constant 16 : index
      %swap3A_226 = tpu.vector_load %arg9[%swap3A_225] {strides = array<i32>} : memref<80xi32, #tpu.memory_space<vmem>>, vector<16xi32>,
      %swap3A_227 = vector.shape_cast %swap3A_226 : vector<16xi32> to vector<16xi32>
      %swap3A_228 = vector.shape_cast %select_n3A_224 : vector<16xi32> to vector<16xi32>
      tpu.vector_store %arg9[%swap3A_225], %swap3A_228 {strides = array<i32>} : memref<80xi32, #tpu.memory_space<vmem>>, vector<16xi32>,
      %get3A_229 = arith.index_cast %add3A_174 : i32 to index
      %get3A_230 = arith.constant 32 : index
      %get3A_231 = tpu.vector_load %arg8[%get3A_229, %get3A_230] {strides = array<i32>} : memref<125x80xi32, #tpu.memory_space<vmem>>, vector<1x16xi32>,
      %get3A_232 = vector.shape_cast %get3A_231 : vector<1x16xi32> to vector<16xi32>
      %sub3A_233 = vector.broadcast %mul3A_4 : i32 to vector<16xi32>
      %sub3A_234 = arith.subi %get3A_232, %sub3A_233 : vector<16xi32>
      %ge3A_235 = arith.constant 0 : i32
      %ge3A_236 = vector.broadcast %ge3A_235 : i32 to vector<16xi32>
      %ge3A_237 = arith.cmpi sge, %sub3A_234, %ge3A_236 : vector<16xi32>
      %lt3A_238 = arith.constant 5120 : i32
      %lt3A_239 = vector.broadcast %lt3A_238 : i32 to vector<16xi32>
      %lt3A_240 = arith.cmpi slt, %sub3A_234, %lt3A_239 : vector<16xi32>
      %and3A_241 = arith.andi %ge3A_237, %lt3A_240 : vector<16xi1>
      %and3A_242 = arith.constant 255 : i32
      %and3A_243 = vector.broadcast %and3A_242 : i32 to vector<16xi32>
      %and3A_244 = arith.andi %get3A_232, %and3A_243 : vector<16xi32>
      %add3A_245 = arith.constant 5120 : i32
      %add3A_246 = vector.broadcast %add3A_245 : i32 to vector<16xi32>
      %add3A_247 = arith.addi %add3A_246, %and3A_244 : vector<16xi32>
      %select_n3A_248 = arith.select %and3A_241, %sub3A_234, %add3A_247 : vector<16xi1>, vector<16xi32>
      %swap3A_249 = arith.constant 32 : index
      %swap3A_250 = tpu.vector_load %arg9[%swap3A_249] {strides = array<i32>} : memref<80xi32, #tpu.memory_space<vmem>>, vector<16xi32>,
      %swap3A_251 = vector.shape_cast %swap3A_250 : vector<16xi32> to vector<16xi32>
      %swap3A_252 = vector.shape_cast %select_n3A_248 : vector<16xi32> to vector<16xi32>
      tpu.vector_store %arg9[%swap3A_249], %swap3A_252 {strides = array<i32>} : memref<80xi32, #tpu.memory_space<vmem>>, vector<16xi32>,
      %get3A_253 = arith.index_cast %add3A_174 : i32 to index
      %get3A_254 = arith.constant 48 : index
      %get3A_255 = tpu.vector_load %arg8[%get3A_253, %get3A_254] {strides = array<i32>} : memref<125x80xi32, #tpu.memory_space<vmem>>, vector<1x16xi32>,
      %get3A_256 = vector.shape_cast %get3A_255 : vector<1x16xi32> to vector<16xi32>
      %sub3A_257 = vector.broadcast %mul3A_4 : i32 to vector<16xi32>
      %sub3A_258 = arith.subi %get3A_256, %sub3A_257 : vector<16xi32>
      %ge3A_259 = arith.constant 0 : i32
      %ge3A_260 = vector.broadcast %ge3A_259 : i32 to vector<16xi32>
      %ge3A_261 = arith.cmpi sge, %sub3A_258, %ge3A_260 : vector<16xi32>
      %lt3A_262 = arith.constant 5120 : i32
      %lt3A_263 = vector.broadcast %lt3A_262 : i32 to vector<16xi32>
      %lt3A_264 = arith.cmpi slt, %sub3A_258, %lt3A_263 : vector<16xi32>
      %and3A_265 = arith.andi %ge3A_261, %lt3A_264 : vector<16xi1>
      %and3A_266 = arith.constant 255 : i32
      %and3A_267 = vector.broadcast %and3A_266 : i32 to vector<16xi32>
      %and3A_268 = arith.andi %get3A_256, %and3A_267 : vector<16xi32>
      %add3A_269 = arith.constant 5120 : i32
      %add3A_270 = vector.broadcast %add3A_269 : i32 to vector<16xi32>
      %add3A_271 = arith.addi %add3A_270, %and3A_268 : vector<16xi32>
      %select_n3A_272 = arith.select %and3A_265, %sub3A_258, %add3A_271 : vector<16xi1>, vector<16xi32>
      %swap3A_273 = arith.constant 48 : index
      %swap3A_274 = tpu.vector_load %arg9[%swap3A_273] {strides = array<i32>} : memref<80xi32, #tpu.memory_space<vmem>>, vector<16xi32>,
      %swap3A_275 = vector.shape_cast %swap3A_274 : vector<16xi32> to vector<16xi32>
      %swap3A_276 = vector.shape_cast %select_n3A_272 : vector<16xi32> to vector<16xi32>
      tpu.vector_store %arg9[%swap3A_273], %swap3A_276 {strides = array<i32>} : memref<80xi32, #tpu.memory_space<vmem>>, vector<16xi32>,
      %get3A_277 = arith.index_cast %add3A_174 : i32 to index
      %get3A_278 = arith.constant 64 : index
      %get3A_279 = tpu.vector_load %arg8[%get3A_277, %get3A_278] {strides = array<i32>} : memref<125x80xi32, #tpu.memory_space<vmem>>, vector<1x16xi32>,
      %get3A_280 = vector.shape_cast %get3A_279 : vector<1x16xi32> to vector<16xi32>
      %sub3A_281 = vector.broadcast %mul3A_4 : i32 to vector<16xi32>
      %sub3A_282 = arith.subi %get3A_280, %sub3A_281 : vector<16xi32>
      %ge3A_283 = arith.constant 0 : i32
      %ge3A_284 = vector.broadcast %ge3A_283 : i32 to vector<16xi32>
      %ge3A_285 = arith.cmpi sge, %sub3A_282, %ge3A_284 : vector<16xi32>
      %lt3A_286 = arith.constant 5120 : i32
      %lt3A_287 = vector.broadcast %lt3A_286 : i32 to vector<16xi32>
      %lt3A_288 = arith.cmpi slt, %sub3A_282, %lt3A_287 : vector<16xi32>
      %and3A_289 = arith.andi %ge3A_285, %lt3A_288 : vector<16xi1>
      %and3A_290 = arith.constant 255 : i32
      %and3A_291 = vector.broadcast %and3A_290 : i32 to vector<16xi32>
      %and3A_292 = arith.andi %get3A_280, %and3A_291 : vector<16xi32>
      %add3A_293 = arith.constant 5120 : i32
      %add3A_294 = vector.broadcast %add3A_293 : i32 to vector<16xi32>
      %add3A_295 = arith.addi %add3A_294, %and3A_292 : vector<16xi32>
      %select_n3A_296 = arith.select %and3A_289, %sub3A_282, %add3A_295 : vector<16xi1>, vector<16xi32>
      %swap3A_297 = arith.constant 64 : index
      %swap3A_298 = tpu.vector_load %arg9[%swap3A_297] {strides = array<i32>} : memref<80xi32, #tpu.memory_space<vmem>>, vector<16xi32>,
      %swap3A_299 = vector.shape_cast %swap3A_298 : vector<16xi32> to vector<16xi32>
      %swap3A_300 = vector.shape_cast %select_n3A_296 : vector<16xi32> to vector<16xi32>
      tpu.vector_store %arg9[%swap3A_297], %swap3A_300 {strides = array<i32>} : memref<80xi32, #tpu.memory_space<vmem>>, vector<16xi32>,
      %dma_start3A_301 = arith.constant 0 : i32
      %dma_start3A_302 = arith.constant 0 : i32
      %dma_start3A_303 = tpu.memref_slice %arg17[%dma_start3A_301, %dma_start3A_302] : memref<5376x128xf32, #tpu.memory_space<vmem_shared>> -> memref<5376x128xf32, #tpu.memory_space<vmem_shared>>
      tpu.enqueue_indirect_dma source(%arg13 : memref<80x128xf32, #tpu.memory_space<vmem>>) target(%dma_start3A_303 : memref<5376x128xf32, #tpu.memory_space<vmem_shared>>) offsets(%arg9 : memref<80xi32, #tpu.memory_space<vmem>>) semaphore(%arg22 : memref<!tpu.dma_semaphore, #tpu.memory_space<semaphore_mem>>) {add = true}
      %ge3A_304 = arith.constant 2 : i32
      %ge3A_305 = arith.cmpi sge, %add3A_174, %ge3A_304 : i32
      %add3A_306 = arith.constant 2 : i32
      %add3A_307 = arith.addi %add3A_174, %add3A_306 : i32
      %lt3A_308 = arith.constant 125 : i32
      %lt3A_309 = arith.cmpi slt, %add3A_307, %lt3A_308 : i32
      %and3A_310 = arith.andi %ge3A_305, %lt3A_309 : i1
      %convert_element_type3A = arith.extui %and3A_310 : i1 to i32
      %cond3A = arith.constant 0 : i32
      %cond3A_311 = arith.cmpi ne, %convert_element_type3A, %cond3A : i32
      scf.if %cond3A_311 {
        %dma_wait3A_763 = arith.constant 0 : i32
        %dma_wait3A_764 = arith.constant 0 : i32
        %dma_wait3A_765 = tpu.memref_slice %arg17[%dma_wait3A_763, %dma_wait3A_764] : memref<5376x128xf32, #tpu.memory_space<vmem_shared>> -> memref<5376x128xf32, #tpu.memory_space<vmem_shared>>
        tpu.wait_indirect_dma semaphore(%arg24 : memref<!tpu.dma_semaphore, #tpu.memory_space<semaphore_mem>>) src(%arg15 : memref<80x128xf32, #tpu.memory_space<vmem>>) dst(%dma_wait3A_765 : memref<5376x128xf32, #tpu.memory_space<vmem_shared>>)
      } else {
      }
      %add3A_312 = arith.constant 2 : i32
      %add3A_313 = arith.addi %add3A_174, %add3A_312 : i32
      %lt3A_314 = arith.constant 125 : i32
      %lt3A_315 = arith.cmpi slt, %add3A_313, %lt3A_314 : i32
      %convert_element_type3A_316 = arith.extui %lt3A_315 : i1 to i32
      %cond3A_317 = arith.constant 0 : i32
      %cond3A_318 = arith.cmpi ne, %convert_element_type3A_316, %cond3A_317 : i32
      scf.if %cond3A_318 {
        %add3A_763 = arith.constant 2 : i32
        %add3A_764 = arith.addi %add3A_174, %add3A_763 : i32
        %dma_start3A_765 = arith.constant 0 : i32
        %dma_start3A_766 = tpu.memref_slice %arg7[%add3A_764, %dma_start3A_765] : memref<125x80xi32, #tpu.memory_space<vmem>> -> memref<1x80xi32, #tpu.memory_space<vmem>>
        %dma_start3A_767 = tpu.memref_squeeze %dma_start3A_766 : memref<1x80xi32, #tpu.memory_space<vmem>> -> memref<80xi32, #tpu.memory_space<vmem>>
        %dma_start3A_768 = arith.constant 0 : i32
        %dma_start3A_769 = arith.constant 0 : i32
        %dma_start3A_770 = tpu.memref_slice %arg2[%dma_start3A_768, %dma_start3A_769] : memref<10000x128xf32, #tpu.memory_space<hbm>> -> memref<10000x128xf32, #tpu.memory_space<hbm>>
        tpu.enqueue_indirect_dma source(%dma_start3A_770 : memref<10000x128xf32, #tpu.memory_space<hbm>>) target(%arg15 : memref<80x128xf32, #tpu.memory_space<vmem>>) offsets(%dma_start3A_767 : memref<80xi32, #tpu.memory_space<vmem>>) semaphore(%arg20 : memref<!tpu.dma_semaphore, #tpu.memory_space<semaphore_mem>>)
      } else {
      }
      %add3A_319 = arith.constant 1 : i32
      %add3A_320 = arith.addi %mul3A_172, %add3A_319 : i32
      %dma_wait3A_321 = arith.constant 0 : i32
      %dma_wait3A_322 = tpu.memref_slice %arg7[%add3A_320, %dma_wait3A_321] : memref<125x80xi32, #tpu.memory_space<vmem>> -> memref<1x80xi32, #tpu.memory_space<vmem>>
      %dma_wait3A_323 = tpu.memref_squeeze %dma_wait3A_322 : memref<1x80xi32, #tpu.memory_space<vmem>> -> memref<80xi32, #tpu.memory_space<vmem>>
      %dma_wait3A_324 = arith.constant 0 : i32
      %dma_wait3A_325 = arith.constant 0 : i32
      %dma_wait3A_326 = tpu.memref_slice %arg2[%dma_wait3A_324, %dma_wait3A_325] : memref<10000x128xf32, #tpu.memory_space<hbm>> -> memref<10000x128xf32, #tpu.memory_space<hbm>>
      tpu.wait_indirect_dma semaphore(%arg19 : memref<!tpu.dma_semaphore, #tpu.memory_space<semaphore_mem>>) src(%dma_wait3A_326 : memref<10000x128xf32, #tpu.memory_space<hbm>>) dst(%arg14 : memref<80x128xf32, #tpu.memory_space<vmem>>)
      %get3A_327 = arith.index_cast %add3A_320 : i32 to index
      %get3A_328 = arith.constant 0 : index
      %get3A_329 = tpu.vector_load %arg8[%get3A_327, %get3A_328] {strides = array<i32>} : memref<125x80xi32, #tpu.memory_space<vmem>>, vector<1x16xi32>,
      %get3A_330 = vector.shape_cast %get3A_329 : vector<1x16xi32> to vector<16xi32>
      %sub3A_331 = vector.broadcast %mul3A_4 : i32 to vector<16xi32>
      %sub3A_332 = arith.subi %get3A_330, %sub3A_331 : vector<16xi32>
      %ge3A_333 = arith.constant 0 : i32
      %ge3A_334 = vector.broadcast %ge3A_333 : i32 to vector<16xi32>
      %ge3A_335 = arith.cmpi sge, %sub3A_332, %ge3A_334 : vector<16xi32>
      %lt3A_336 = arith.constant 5120 : i32
      %lt3A_337 = vector.broadcast %lt3A_336 : i32 to vector<16xi32>
      %lt3A_338 = arith.cmpi slt, %sub3A_332, %lt3A_337 : vector<16xi32>
      %and3A_339 = arith.andi %ge3A_335, %lt3A_338 : vector<16xi1>
      %and3A_340 = arith.constant 255 : i32
      %and3A_341 = vector.broadcast %and3A_340 : i32 to vector<16xi32>
      %and3A_342 = arith.andi %get3A_330, %and3A_341 : vector<16xi32>
      %add3A_343 = arith.constant 5120 : i32
      %add3A_344 = vector.broadcast %add3A_343 : i32 to vector<16xi32>
      %add3A_345 = arith.addi %add3A_344, %and3A_342 : vector<16xi32>
      %select_n3A_346 = arith.select %and3A_339, %sub3A_332, %add3A_345 : vector<16xi1>, vector<16xi32>
      %swap3A_347 = arith.constant 0 : index
      %swap3A_348 = tpu.vector_load %arg10[%swap3A_347] {strides = array<i32>} : memref<80xi32, #tpu.memory_space<vmem>>, vector<16xi32>,
      %swap3A_349 = vector.shape_cast %swap3A_348 : vector<16xi32> to vector<16xi32>
      %swap3A_350 = vector.shape_cast %select_n3A_346 : vector<16xi32> to vector<16xi32>
      tpu.vector_store %arg10[%swap3A_347], %swap3A_350 {strides = array<i32>} : memref<80xi32, #tpu.memory_space<vmem>>, vector<16xi32>,
      %get3A_351 = arith.index_cast %add3A_320 : i32 to index
      %get3A_352 = arith.constant 16 : index
      %get3A_353 = tpu.vector_load %arg8[%get3A_351, %get3A_352] {strides = array<i32>} : memref<125x80xi32, #tpu.memory_space<vmem>>, vector<1x16xi32>,
      %get3A_354 = vector.shape_cast %get3A_353 : vector<1x16xi32> to vector<16xi32>
      %sub3A_355 = vector.broadcast %mul3A_4 : i32 to vector<16xi32>
      %sub3A_356 = arith.subi %get3A_354, %sub3A_355 : vector<16xi32>
      %ge3A_357 = arith.constant 0 : i32
      %ge3A_358 = vector.broadcast %ge3A_357 : i32 to vector<16xi32>
      %ge3A_359 = arith.cmpi sge, %sub3A_356, %ge3A_358 : vector<16xi32>
      %lt3A_360 = arith.constant 5120 : i32
      %lt3A_361 = vector.broadcast %lt3A_360 : i32 to vector<16xi32>
      %lt3A_362 = arith.cmpi slt, %sub3A_356, %lt3A_361 : vector<16xi32>
      %and3A_363 = arith.andi %ge3A_359, %lt3A_362 : vector<16xi1>
      %and3A_364 = arith.constant 255 : i32
      %and3A_365 = vector.broadcast %and3A_364 : i32 to vector<16xi32>
      %and3A_366 = arith.andi %get3A_354, %and3A_365 : vector<16xi32>
      %add3A_367 = arith.constant 5120 : i32
      %add3A_368 = vector.broadcast %add3A_367 : i32 to vector<16xi32>
      %add3A_369 = arith.addi %add3A_368, %and3A_366 : vector<16xi32>
      %select_n3A_370 = arith.select %and3A_363, %sub3A_356, %add3A_369 : vector<16xi1>, vector<16xi32>
      %swap3A_371 = arith.constant 16 : index
      %swap3A_372 = tpu.vector_load %arg10[%swap3A_371] {strides = array<i32>} : memref<80xi32, #tpu.memory_space<vmem>>, vector<16xi32>,
      %swap3A_373 = vector.shape_cast %swap3A_372 : vector<16xi32> to vector<16xi32>
      %swap3A_374 = vector.shape_cast %select_n3A_370 : vector<16xi32> to vector<16xi32>
      tpu.vector_store %arg10[%swap3A_371], %swap3A_374 {strides = array<i32>} : memref<80xi32, #tpu.memory_space<vmem>>, vector<16xi32>,
      %get3A_375 = arith.index_cast %add3A_320 : i32 to index
      %get3A_376 = arith.constant 32 : index
      %get3A_377 = tpu.vector_load %arg8[%get3A_375, %get3A_376] {strides = array<i32>} : memref<125x80xi32, #tpu.memory_space<vmem>>, vector<1x16xi32>,
      %get3A_378 = vector.shape_cast %get3A_377 : vector<1x16xi32> to vector<16xi32>
      %sub3A_379 = vector.broadcast %mul3A_4 : i32 to vector<16xi32>
      %sub3A_380 = arith.subi %get3A_378, %sub3A_379 : vector<16xi32>
      %ge3A_381 = arith.constant 0 : i32
      %ge3A_382 = vector.broadcast %ge3A_381 : i32 to vector<16xi32>
      %ge3A_383 = arith.cmpi sge, %sub3A_380, %ge3A_382 : vector<16xi32>
      %lt3A_384 = arith.constant 5120 : i32
      %lt3A_385 = vector.broadcast %lt3A_384 : i32 to vector<16xi32>
      %lt3A_386 = arith.cmpi slt, %sub3A_380, %lt3A_385 : vector<16xi32>
      %and3A_387 = arith.andi %ge3A_383, %lt3A_386 : vector<16xi1>
      %and3A_388 = arith.constant 255 : i32
      %and3A_389 = vector.broadcast %and3A_388 : i32 to vector<16xi32>
      %and3A_390 = arith.andi %get3A_378, %and3A_389 : vector<16xi32>
      %add3A_391 = arith.constant 5120 : i32
      %add3A_392 = vector.broadcast %add3A_391 : i32 to vector<16xi32>
      %add3A_393 = arith.addi %add3A_392, %and3A_390 : vector<16xi32>
      %select_n3A_394 = arith.select %and3A_387, %sub3A_380, %add3A_393 : vector<16xi1>, vector<16xi32>
      %swap3A_395 = arith.constant 32 : index
      %swap3A_396 = tpu.vector_load %arg10[%swap3A_395] {strides = array<i32>} : memref<80xi32, #tpu.memory_space<vmem>>, vector<16xi32>,
      %swap3A_397 = vector.shape_cast %swap3A_396 : vector<16xi32> to vector<16xi32>
      %swap3A_398 = vector.shape_cast %select_n3A_394 : vector<16xi32> to vector<16xi32>
      tpu.vector_store %arg10[%swap3A_395], %swap3A_398 {strides = array<i32>} : memref<80xi32, #tpu.memory_space<vmem>>, vector<16xi32>,
      %get3A_399 = arith.index_cast %add3A_320 : i32 to index
      %get3A_400 = arith.constant 48 : index
      %get3A_401 = tpu.vector_load %arg8[%get3A_399, %get3A_400] {strides = array<i32>} : memref<125x80xi32, #tpu.memory_space<vmem>>, vector<1x16xi32>,
      %get3A_402 = vector.shape_cast %get3A_401 : vector<1x16xi32> to vector<16xi32>
      %sub3A_403 = vector.broadcast %mul3A_4 : i32 to vector<16xi32>
      %sub3A_404 = arith.subi %get3A_402, %sub3A_403 : vector<16xi32>
      %ge3A_405 = arith.constant 0 : i32
      %ge3A_406 = vector.broadcast %ge3A_405 : i32 to vector<16xi32>
      %ge3A_407 = arith.cmpi sge, %sub3A_404, %ge3A_406 : vector<16xi32>
      %lt3A_408 = arith.constant 5120 : i32
      %lt3A_409 = vector.broadcast %lt3A_408 : i32 to vector<16xi32>
      %lt3A_410 = arith.cmpi slt, %sub3A_404, %lt3A_409 : vector<16xi32>
      %and3A_411 = arith.andi %ge3A_407, %lt3A_410 : vector<16xi1>
      %and3A_412 = arith.constant 255 : i32
      %and3A_413 = vector.broadcast %and3A_412 : i32 to vector<16xi32>
      %and3A_414 = arith.andi %get3A_402, %and3A_413 : vector<16xi32>
      %add3A_415 = arith.constant 5120 : i32
      %add3A_416 = vector.broadcast %add3A_415 : i32 to vector<16xi32>
      %add3A_417 = arith.addi %add3A_416, %and3A_414 : vector<16xi32>
      %select_n3A_418 = arith.select %and3A_411, %sub3A_404, %add3A_417 : vector<16xi1>, vector<16xi32>
      %swap3A_419 = arith.constant 48 : index
      %swap3A_420 = tpu.vector_load %arg10[%swap3A_419] {strides = array<i32>} : memref<80xi32, #tpu.memory_space<vmem>>, vector<16xi32>,
      %swap3A_421 = vector.shape_cast %swap3A_420 : vector<16xi32> to vector<16xi32>
      %swap3A_422 = vector.shape_cast %select_n3A_418 : vector<16xi32> to vector<16xi32>
      tpu.vector_store %arg10[%swap3A_419], %swap3A_422 {strides = array<i32>} : memref<80xi32, #tpu.memory_space<vmem>>, vector<16xi32>,
      %get3A_423 = arith.index_cast %add3A_320 : i32 to index
      %get3A_424 = arith.constant 64 : index
      %get3A_425 = tpu.vector_load %arg8[%get3A_423, %get3A_424] {strides = array<i32>} : memref<125x80xi32, #tpu.memory_space<vmem>>, vector<1x16xi32>,
      %get3A_426 = vector.shape_cast %get3A_425 : vector<1x16xi32> to vector<16xi32>
      %sub3A_427 = vector.broadcast %mul3A_4 : i32 to vector<16xi32>
      %sub3A_428 = arith.subi %get3A_426, %sub3A_427 : vector<16xi32>
      %ge3A_429 = arith.constant 0 : i32
      %ge3A_430 = vector.broadcast %ge3A_429 : i32 to vector<16xi32>
      %ge3A_431 = arith.cmpi sge, %sub3A_428, %ge3A_430 : vector<16xi32>
      %lt3A_432 = arith.constant 5120 : i32
      %lt3A_433 = vector.broadcast %lt3A_432 : i32 to vector<16xi32>
      %lt3A_434 = arith.cmpi slt, %sub3A_428, %lt3A_433 : vector<16xi32>
      %and3A_435 = arith.andi %ge3A_431, %lt3A_434 : vector<16xi1>
      %and3A_436 = arith.constant 255 : i32
      %and3A_437 = vector.broadcast %and3A_436 : i32 to vector<16xi32>
      %and3A_438 = arith.andi %get3A_426, %and3A_437 : vector<16xi32>
      %add3A_439 = arith.constant 5120 : i32
      %add3A_440 = vector.broadcast %add3A_439 : i32 to vector<16xi32>
      %add3A_441 = arith.addi %add3A_440, %and3A_438 : vector<16xi32>
      %select_n3A_442 = arith.select %and3A_435, %sub3A_428, %add3A_441 : vector<16xi1>, vector<16xi32>
      %swap3A_443 = arith.constant 64 : index
      %swap3A_444 = tpu.vector_load %arg10[%swap3A_443] {strides = array<i32>} : memref<80xi32, #tpu.memory_space<vmem>>, vector<16xi32>,
      %swap3A_445 = vector.shape_cast %swap3A_444 : vector<16xi32> to vector<16xi32>
      %swap3A_446 = vector.shape_cast %select_n3A_442 : vector<16xi32> to vector<16xi32>
      tpu.vector_store %arg10[%swap3A_443], %swap3A_446 {strides = array<i32>} : memref<80xi32, #tpu.memory_space<vmem>>, vector<16xi32>,
      %dma_start3A_447 = arith.constant 0 : i32
      %dma_start3A_448 = arith.constant 0 : i32
      %dma_start3A_449 = tpu.memref_slice %arg17[%dma_start3A_447, %dma_start3A_448] : memref<5376x128xf32, #tpu.memory_space<vmem_shared>> -> memref<5376x128xf32, #tpu.memory_space<vmem_shared>>
      tpu.enqueue_indirect_dma source(%arg14 : memref<80x128xf32, #tpu.memory_space<vmem>>) target(%dma_start3A_449 : memref<5376x128xf32, #tpu.memory_space<vmem_shared>>) offsets(%arg10 : memref<80xi32, #tpu.memory_space<vmem>>) semaphore(%arg23 : memref<!tpu.dma_semaphore, #tpu.memory_space<semaphore_mem>>) {add = true}
      %ge3A_450 = arith.constant 2 : i32
      %ge3A_451 = arith.cmpi sge, %add3A_320, %ge3A_450 : i32
      %add3A_452 = arith.constant 2 : i32
      %add3A_453 = arith.addi %add3A_320, %add3A_452 : i32
      %lt3A_454 = arith.constant 125 : i32
      %lt3A_455 = arith.cmpi slt, %add3A_453, %lt3A_454 : i32
      %and3A_456 = arith.andi %ge3A_451, %lt3A_455 : i1
      %convert_element_type3A_457 = arith.extui %and3A_456 : i1 to i32
      %cond3A_458 = arith.constant 0 : i32
      %cond3A_459 = arith.cmpi ne, %convert_element_type3A_457, %cond3A_458 : i32
      scf.if %cond3A_459 {
        %dma_wait3A_763 = arith.constant 0 : i32
        %dma_wait3A_764 = arith.constant 0 : i32
        %dma_wait3A_765 = tpu.memref_slice %arg17[%dma_wait3A_763, %dma_wait3A_764] : memref<5376x128xf32, #tpu.memory_space<vmem_shared>> -> memref<5376x128xf32, #tpu.memory_space<vmem_shared>>
        tpu.wait_indirect_dma semaphore(%arg25 : memref<!tpu.dma_semaphore, #tpu.memory_space<semaphore_mem>>) src(%arg16 : memref<80x128xf32, #tpu.memory_space<vmem>>) dst(%dma_wait3A_765 : memref<5376x128xf32, #tpu.memory_space<vmem_shared>>)
      } else {
      }
      %add3A_460 = arith.constant 2 : i32
      %add3A_461 = arith.addi %add3A_320, %add3A_460 : i32
      %lt3A_462 = arith.constant 125 : i32
      %lt3A_463 = arith.cmpi slt, %add3A_461, %lt3A_462 : i32
      %convert_element_type3A_464 = arith.extui %lt3A_463 : i1 to i32
      %cond3A_465 = arith.constant 0 : i32
      %cond3A_466 = arith.cmpi ne, %convert_element_type3A_464, %cond3A_465 : i32
      scf.if %cond3A_466 {
        %add3A_763 = arith.constant 2 : i32
        %add3A_764 = arith.addi %add3A_320, %add3A_763 : i32
        %dma_start3A_765 = arith.constant 0 : i32
        %dma_start3A_766 = tpu.memref_slice %arg7[%add3A_764, %dma_start3A_765] : memref<125x80xi32, #tpu.memory_space<vmem>> -> memref<1x80xi32, #tpu.memory_space<vmem>>
        %dma_start3A_767 = tpu.memref_squeeze %dma_start3A_766 : memref<1x80xi32, #tpu.memory_space<vmem>> -> memref<80xi32, #tpu.memory_space<vmem>>
        %dma_start3A_768 = arith.constant 0 : i32
        %dma_start3A_769 = arith.constant 0 : i32
        %dma_start3A_770 = tpu.memref_slice %arg2[%dma_start3A_768, %dma_start3A_769] : memref<10000x128xf32, #tpu.memory_space<hbm>> -> memref<10000x128xf32, #tpu.memory_space<hbm>>
        tpu.enqueue_indirect_dma source(%dma_start3A_770 : memref<10000x128xf32, #tpu.memory_space<hbm>>) target(%arg16 : memref<80x128xf32, #tpu.memory_space<vmem>>) offsets(%dma_start3A_767 : memref<80xi32, #tpu.memory_space<vmem>>) semaphore(%arg21 : memref<!tpu.dma_semaphore, #tpu.memory_space<semaphore_mem>>)
      } else {
      }
      %add3A_467 = arith.constant 2 : i32
      %add3A_468 = arith.addi %mul3A_172, %add3A_467 : i32
      %dma_wait3A_469 = arith.constant 0 : i32
      %dma_wait3A_470 = tpu.memref_slice %arg7[%add3A_468, %dma_wait3A_469] : memref<125x80xi32, #tpu.memory_space<vmem>> -> memref<1x80xi32, #tpu.memory_space<vmem>>
      %dma_wait3A_471 = tpu.memref_squeeze %dma_wait3A_470 : memref<1x80xi32, #tpu.memory_space<vmem>> -> memref<80xi32, #tpu.memory_space<vmem>>
      %dma_wait3A_472 = arith.constant 0 : i32
      %dma_wait3A_473 = arith.constant 0 : i32
      %dma_wait3A_474 = tpu.memref_slice %arg2[%dma_wait3A_472, %dma_wait3A_473] : memref<10000x128xf32, #tpu.memory_space<hbm>> -> memref<10000x128xf32, #tpu.memory_space<hbm>>
      tpu.wait_indirect_dma semaphore(%arg20 : memref<!tpu.dma_semaphore, #tpu.memory_space<semaphore_mem>>) src(%dma_wait3A_474 : memref<10000x128xf32, #tpu.memory_space<hbm>>) dst(%arg15 : memref<80x128xf32, #tpu.memory_space<vmem>>)
      %get3A_475 = arith.index_cast %add3A_468 : i32 to index
      %get3A_476 = arith.constant 0 : index
      %get3A_477 = tpu.vector_load %arg8[%get3A_475, %get3A_476] {strides = array<i32>} : memref<125x80xi32, #tpu.memory_space<vmem>>, vector<1x16xi32>,
      %get3A_478 = vector.shape_cast %get3A_477 : vector<1x16xi32> to vector<16xi32>
      %sub3A_479 = vector.broadcast %mul3A_4 : i32 to vector<16xi32>
      %sub3A_480 = arith.subi %get3A_478, %sub3A_479 : vector<16xi32>
      %ge3A_481 = arith.constant 0 : i32
      %ge3A_482 = vector.broadcast %ge3A_481 : i32 to vector<16xi32>
      %ge3A_483 = arith.cmpi sge, %sub3A_480, %ge3A_482 : vector<16xi32>
      %lt3A_484 = arith.constant 5120 : i32
      %lt3A_485 = vector.broadcast %lt3A_484 : i32 to vector<16xi32>
      %lt3A_486 = arith.cmpi slt, %sub3A_480, %lt3A_485 : vector<16xi32>
      %and3A_487 = arith.andi %ge3A_483, %lt3A_486 : vector<16xi1>
      %and3A_488 = arith.constant 255 : i32
      %and3A_489 = vector.broadcast %and3A_488 : i32 to vector<16xi32>
      %and3A_490 = arith.andi %get3A_478, %and3A_489 : vector<16xi32>
      %add3A_491 = arith.constant 5120 : i32
      %add3A_492 = vector.broadcast %add3A_491 : i32 to vector<16xi32>
      %add3A_493 = arith.addi %add3A_492, %and3A_490 : vector<16xi32>
      %select_n3A_494 = arith.select %and3A_487, %sub3A_480, %add3A_493 : vector<16xi1>, vector<16xi32>
      %swap3A_495 = arith.constant 0 : index
      %swap3A_496 = tpu.vector_load %arg11[%swap3A_495] {strides = array<i32>} : memref<80xi32, #tpu.memory_space<vmem>>, vector<16xi32>,
      %swap3A_497 = vector.shape_cast %swap3A_496 : vector<16xi32> to vector<16xi32>
      %swap3A_498 = vector.shape_cast %select_n3A_494 : vector<16xi32> to vector<16xi32>
      tpu.vector_store %arg11[%swap3A_495], %swap3A_498 {strides = array<i32>} : memref<80xi32, #tpu.memory_space<vmem>>, vector<16xi32>,
      %get3A_499 = arith.index_cast %add3A_468 : i32 to index
      %get3A_500 = arith.constant 16 : index
      %get3A_501 = tpu.vector_load %arg8[%get3A_499, %get3A_500] {strides = array<i32>} : memref<125x80xi32, #tpu.memory_space<vmem>>, vector<1x16xi32>,
      %get3A_502 = vector.shape_cast %get3A_501 : vector<1x16xi32> to vector<16xi32>
      %sub3A_503 = vector.broadcast %mul3A_4 : i32 to vector<16xi32>
      %sub3A_504 = arith.subi %get3A_502, %sub3A_503 : vector<16xi32>
      %ge3A_505 = arith.constant 0 : i32
      %ge3A_506 = vector.broadcast %ge3A_505 : i32 to vector<16xi32>
      %ge3A_507 = arith.cmpi sge, %sub3A_504, %ge3A_506 : vector<16xi32>
      %lt3A_508 = arith.constant 5120 : i32
      %lt3A_509 = vector.broadcast %lt3A_508 : i32 to vector<16xi32>
      %lt3A_510 = arith.cmpi slt, %sub3A_504, %lt3A_509 : vector<16xi32>
      %and3A_511 = arith.andi %ge3A_507, %lt3A_510 : vector<16xi1>
      %and3A_512 = arith.constant 255 : i32
      %and3A_513 = vector.broadcast %and3A_512 : i32 to vector<16xi32>
      %and3A_514 = arith.andi %get3A_502, %and3A_513 : vector<16xi32>
      %add3A_515 = arith.constant 5120 : i32
      %add3A_516 = vector.broadcast %add3A_515 : i32 to vector<16xi32>
      %add3A_517 = arith.addi %add3A_516, %and3A_514 : vector<16xi32>
      %select_n3A_518 = arith.select %and3A_511, %sub3A_504, %add3A_517 : vector<16xi1>, vector<16xi32>
      %swap3A_519 = arith.constant 16 : index
      %swap3A_520 = tpu.vector_load %arg11[%swap3A_519] {strides = array<i32>} : memref<80xi32, #tpu.memory_space<vmem>>, vector<16xi32>,
      %swap3A_521 = vector.shape_cast %swap3A_520 : vector<16xi32> to vector<16xi32>
      %swap3A_522 = vector.shape_cast %select_n3A_518 : vector<16xi32> to vector<16xi32>
      tpu.vector_store %arg11[%swap3A_519], %swap3A_522 {strides = array<i32>} : memref<80xi32, #tpu.memory_space<vmem>>, vector<16xi32>,
      %get3A_523 = arith.index_cast %add3A_468 : i32 to index
      %get3A_524 = arith.constant 32 : index
      %get3A_525 = tpu.vector_load %arg8[%get3A_523, %get3A_524] {strides = array<i32>} : memref<125x80xi32, #tpu.memory_space<vmem>>, vector<1x16xi32>,
      %get3A_526 = vector.shape_cast %get3A_525 : vector<1x16xi32> to vector<16xi32>
      %sub3A_527 = vector.broadcast %mul3A_4 : i32 to vector<16xi32>
      %sub3A_528 = arith.subi %get3A_526, %sub3A_527 : vector<16xi32>
      %ge3A_529 = arith.constant 0 : i32
      %ge3A_530 = vector.broadcast %ge3A_529 : i32 to vector<16xi32>
      %ge3A_531 = arith.cmpi sge, %sub3A_528, %ge3A_530 : vector<16xi32>
      %lt3A_532 = arith.constant 5120 : i32
      %lt3A_533 = vector.broadcast %lt3A_532 : i32 to vector<16xi32>
      %lt3A_534 = arith.cmpi slt, %sub3A_528, %lt3A_533 : vector<16xi32>
      %and3A_535 = arith.andi %ge3A_531, %lt3A_534 : vector<16xi1>
      %and3A_536 = arith.constant 255 : i32
      %and3A_537 = vector.broadcast %and3A_536 : i32 to vector<16xi32>
      %and3A_538 = arith.andi %get3A_526, %and3A_537 : vector<16xi32>
      %add3A_539 = arith.constant 5120 : i32
      %add3A_540 = vector.broadcast %add3A_539 : i32 to vector<16xi32>
      %add3A_541 = arith.addi %add3A_540, %and3A_538 : vector<16xi32>
      %select_n3A_542 = arith.select %and3A_535, %sub3A_528, %add3A_541 : vector<16xi1>, vector<16xi32>
      %swap3A_543 = arith.constant 32 : index
      %swap3A_544 = tpu.vector_load %arg11[%swap3A_543] {strides = array<i32>} : memref<80xi32, #tpu.memory_space<vmem>>, vector<16xi32>,
      %swap3A_545 = vector.shape_cast %swap3A_544 : vector<16xi32> to vector<16xi32>
      %swap3A_546 = vector.shape_cast %select_n3A_542 : vector<16xi32> to vector<16xi32>
      tpu.vector_store %arg11[%swap3A_543], %swap3A_546 {strides = array<i32>} : memref<80xi32, #tpu.memory_space<vmem>>, vector<16xi32>,
      %get3A_547 = arith.index_cast %add3A_468 : i32 to index
      %get3A_548 = arith.constant 48 : index
      %get3A_549 = tpu.vector_load %arg8[%get3A_547, %get3A_548] {strides = array<i32>} : memref<125x80xi32, #tpu.memory_space<vmem>>, vector<1x16xi32>,
      %get3A_550 = vector.shape_cast %get3A_549 : vector<1x16xi32> to vector<16xi32>
      %sub3A_551 = vector.broadcast %mul3A_4 : i32 to vector<16xi32>
      %sub3A_552 = arith.subi %get3A_550, %sub3A_551 : vector<16xi32>
      %ge3A_553 = arith.constant 0 : i32
      %ge3A_554 = vector.broadcast %ge3A_553 : i32 to vector<16xi32>
      %ge3A_555 = arith.cmpi sge, %sub3A_552, %ge3A_554 : vector<16xi32>
      %lt3A_556 = arith.constant 5120 : i32
      %lt3A_557 = vector.broadcast %lt3A_556 : i32 to vector<16xi32>
      %lt3A_558 = arith.cmpi slt, %sub3A_552, %lt3A_557 : vector<16xi32>
      %and3A_559 = arith.andi %ge3A_555, %lt3A_558 : vector<16xi1>
      %and3A_560 = arith.constant 255 : i32
      %and3A_561 = vector.broadcast %and3A_560 : i32 to vector<16xi32>
      %and3A_562 = arith.andi %get3A_550, %and3A_561 : vector<16xi32>
      %add3A_563 = arith.constant 5120 : i32
      %add3A_564 = vector.broadcast %add3A_563 : i32 to vector<16xi32>
      %add3A_565 = arith.addi %add3A_564, %and3A_562 : vector<16xi32>
      %select_n3A_566 = arith.select %and3A_559, %sub3A_552, %add3A_565 : vector<16xi1>, vector<16xi32>
      %swap3A_567 = arith.constant 48 : index
      %swap3A_568 = tpu.vector_load %arg11[%swap3A_567] {strides = array<i32>} : memref<80xi32, #tpu.memory_space<vmem>>, vector<16xi32>,
      %swap3A_569 = vector.shape_cast %swap3A_568 : vector<16xi32> to vector<16xi32>
      %swap3A_570 = vector.shape_cast %select_n3A_566 : vector<16xi32> to vector<16xi32>
      tpu.vector_store %arg11[%swap3A_567], %swap3A_570 {strides = array<i32>} : memref<80xi32, #tpu.memory_space<vmem>>, vector<16xi32>,
      %get3A_571 = arith.index_cast %add3A_468 : i32 to index
      %get3A_572 = arith.constant 64 : index
      %get3A_573 = tpu.vector_load %arg8[%get3A_571, %get3A_572] {strides = array<i32>} : memref<125x80xi32, #tpu.memory_space<vmem>>, vector<1x16xi32>,
      %get3A_574 = vector.shape_cast %get3A_573 : vector<1x16xi32> to vector<16xi32>
      %sub3A_575 = vector.broadcast %mul3A_4 : i32 to vector<16xi32>
      %sub3A_576 = arith.subi %get3A_574, %sub3A_575 : vector<16xi32>
      %ge3A_577 = arith.constant 0 : i32
      %ge3A_578 = vector.broadcast %ge3A_577 : i32 to vector<16xi32>
      %ge3A_579 = arith.cmpi sge, %sub3A_576, %ge3A_578 : vector<16xi32>
      %lt3A_580 = arith.constant 5120 : i32
      %lt3A_581 = vector.broadcast %lt3A_580 : i32 to vector<16xi32>
      %lt3A_582 = arith.cmpi slt, %sub3A_576, %lt3A_581 : vector<16xi32>
      %and3A_583 = arith.andi %ge3A_579, %lt3A_582 : vector<16xi1>
      %and3A_584 = arith.constant 255 : i32
      %and3A_585 = vector.broadcast %and3A_584 : i32 to vector<16xi32>
      %and3A_586 = arith.andi %get3A_574, %and3A_585 : vector<16xi32>
      %add3A_587 = arith.constant 5120 : i32
      %add3A_588 = vector.broadcast %add3A_587 : i32 to vector<16xi32>
      %add3A_589 = arith.addi %add3A_588, %and3A_586 : vector<16xi32>
      %select_n3A_590 = arith.select %and3A_583, %sub3A_576, %add3A_589 : vector<16xi1>, vector<16xi32>
      %swap3A_591 = arith.constant 64 : index
      %swap3A_592 = tpu.vector_load %arg11[%swap3A_591] {strides = array<i32>} : memref<80xi32, #tpu.memory_space<vmem>>, vector<16xi32>,
      %swap3A_593 = vector.shape_cast %swap3A_592 : vector<16xi32> to vector<16xi32>
      %swap3A_594 = vector.shape_cast %select_n3A_590 : vector<16xi32> to vector<16xi32>
      tpu.vector_store %arg11[%swap3A_591], %swap3A_594 {strides = array<i32>} : memref<80xi32, #tpu.memory_space<vmem>>, vector<16xi32>,
      %dma_start3A_595 = arith.constant 0 : i32
      %dma_start3A_596 = arith.constant 0 : i32
      %dma_start3A_597 = tpu.memref_slice %arg17[%dma_start3A_595, %dma_start3A_596] : memref<5376x128xf32, #tpu.memory_space<vmem_shared>> -> memref<5376x128xf32, #tpu.memory_space<vmem_shared>>
      tpu.enqueue_indirect_dma source(%arg15 : memref<80x128xf32, #tpu.memory_space<vmem>>) target(%dma_start3A_597 : memref<5376x128xf32, #tpu.memory_space<vmem_shared>>) offsets(%arg11 : memref<80xi32, #tpu.memory_space<vmem>>) semaphore(%arg24 : memref<!tpu.dma_semaphore, #tpu.memory_space<semaphore_mem>>) {add = true}
      %ge3A_598 = arith.constant 2 : i32
      %ge3A_599 = arith.cmpi sge, %add3A_468, %ge3A_598 : i32
      %add3A_600 = arith.constant 2 : i32
      %add3A_601 = arith.addi %add3A_468, %add3A_600 : i32
      %lt3A_602 = arith.constant 125 : i32
      %lt3A_603 = arith.cmpi slt, %add3A_601, %lt3A_602 : i32
      %and3A_604 = arith.andi %ge3A_599, %lt3A_603 : i1
      %convert_element_type3A_605 = arith.extui %and3A_604 : i1 to i32
      %cond3A_606 = arith.constant 0 : i32
      %cond3A_607 = arith.cmpi ne, %convert_element_type3A_605, %cond3A_606 : i32
      scf.if %cond3A_607 {
        %dma_wait3A_763 = arith.constant 0 : i32
        %dma_wait3A_764 = arith.constant 0 : i32
        %dma_wait3A_765 = tpu.memref_slice %arg17[%dma_wait3A_763, %dma_wait3A_764] : memref<5376x128xf32, #tpu.memory_space<vmem_shared>> -> memref<5376x128xf32, #tpu.memory_space<vmem_shared>>
        tpu.wait_indirect_dma semaphore(%arg22 : memref<!tpu.dma_semaphore, #tpu.memory_space<semaphore_mem>>) src(%arg13 : memref<80x128xf32, #tpu.memory_space<vmem>>) dst(%dma_wait3A_765 : memref<5376x128xf32, #tpu.memory_space<vmem_shared>>)
      } else {
      }
      %add3A_608 = arith.constant 2 : i32
      %add3A_609 = arith.addi %add3A_468, %add3A_608 : i32
      %lt3A_610 = arith.constant 125 : i32
      %lt3A_611 = arith.cmpi slt, %add3A_609, %lt3A_610 : i32
      %convert_element_type3A_612 = arith.extui %lt3A_611 : i1 to i32
      %cond3A_613 = arith.constant 0 : i32
      %cond3A_614 = arith.cmpi ne, %convert_element_type3A_612, %cond3A_613 : i32
      scf.if %cond3A_614 {
        %add3A_763 = arith.constant 2 : i32
        %add3A_764 = arith.addi %add3A_468, %add3A_763 : i32
        %dma_start3A_765 = arith.constant 0 : i32
        %dma_start3A_766 = tpu.memref_slice %arg7[%add3A_764, %dma_start3A_765] : memref<125x80xi32, #tpu.memory_space<vmem>> -> memref<1x80xi32, #tpu.memory_space<vmem>>
        %dma_start3A_767 = tpu.memref_squeeze %dma_start3A_766 : memref<1x80xi32, #tpu.memory_space<vmem>> -> memref<80xi32, #tpu.memory_space<vmem>>
        %dma_start3A_768 = arith.constant 0 : i32
        %dma_start3A_769 = arith.constant 0 : i32
        %dma_start3A_770 = tpu.memref_slice %arg2[%dma_start3A_768, %dma_start3A_769] : memref<10000x128xf32, #tpu.memory_space<hbm>> -> memref<10000x128xf32, #tpu.memory_space<hbm>>
        tpu.enqueue_indirect_dma source(%dma_start3A_770 : memref<10000x128xf32, #tpu.memory_space<hbm>>) target(%arg13 : memref<80x128xf32, #tpu.memory_space<vmem>>) offsets(%dma_start3A_767 : memref<80xi32, #tpu.memory_space<vmem>>) semaphore(%arg18 : memref<!tpu.dma_semaphore, #tpu.memory_space<semaphore_mem>>)
      } else {
      }
      %add3A_615 = arith.constant 3 : i32
      %add3A_616 = arith.addi %mul3A_172, %add3A_615 : i32
      %dma_wait3A_617 = arith.constant 0 : i32
      %dma_wait3A_618 = tpu.memref_slice %arg7[%add3A_616, %dma_wait3A_617] : memref<125x80xi32, #tpu.memory_space<vmem>> -> memref<1x80xi32, #tpu.memory_space<vmem>>
      %dma_wait3A_619 = tpu.memref_squeeze %dma_wait3A_618 : memref<1x80xi32, #tpu.memory_space<vmem>> -> memref<80xi32, #tpu.memory_space<vmem>>
      %dma_wait3A_620 = arith.constant 0 : i32
      %dma_wait3A_621 = arith.constant 0 : i32
      %dma_wait3A_622 = tpu.memref_slice %arg2[%dma_wait3A_620, %dma_wait3A_621] : memref<10000x128xf32, #tpu.memory_space<hbm>> -> memref<10000x128xf32, #tpu.memory_space<hbm>>
      tpu.wait_indirect_dma semaphore(%arg21 : memref<!tpu.dma_semaphore, #tpu.memory_space<semaphore_mem>>) src(%dma_wait3A_622 : memref<10000x128xf32, #tpu.memory_space<hbm>>) dst(%arg16 : memref<80x128xf32, #tpu.memory_space<vmem>>)
      %get3A_623 = arith.index_cast %add3A_616 : i32 to index
      %get3A_624 = arith.constant 0 : index
      %get3A_625 = tpu.vector_load %arg8[%get3A_623, %get3A_624] {strides = array<i32>} : memref<125x80xi32, #tpu.memory_space<vmem>>, vector<1x16xi32>,
      %get3A_626 = vector.shape_cast %get3A_625 : vector<1x16xi32> to vector<16xi32>
      %sub3A_627 = vector.broadcast %mul3A_4 : i32 to vector<16xi32>
      %sub3A_628 = arith.subi %get3A_626, %sub3A_627 : vector<16xi32>
      %ge3A_629 = arith.constant 0 : i32
      %ge3A_630 = vector.broadcast %ge3A_629 : i32 to vector<16xi32>
      %ge3A_631 = arith.cmpi sge, %sub3A_628, %ge3A_630 : vector<16xi32>
      %lt3A_632 = arith.constant 5120 : i32
      %lt3A_633 = vector.broadcast %lt3A_632 : i32 to vector<16xi32>
      %lt3A_634 = arith.cmpi slt, %sub3A_628, %lt3A_633 : vector<16xi32>
      %and3A_635 = arith.andi %ge3A_631, %lt3A_634 : vector<16xi1>
      %and3A_636 = arith.constant 255 : i32
      %and3A_637 = vector.broadcast %and3A_636 : i32 to vector<16xi32>
      %and3A_638 = arith.andi %get3A_626, %and3A_637 : vector<16xi32>
      %add3A_639 = arith.constant 5120 : i32
      %add3A_640 = vector.broadcast %add3A_639 : i32 to vector<16xi32>
      %add3A_641 = arith.addi %add3A_640, %and3A_638 : vector<16xi32>
      %select_n3A_642 = arith.select %and3A_635, %sub3A_628, %add3A_641 : vector<16xi1>, vector<16xi32>
      %swap3A_643 = arith.constant 0 : index
      %swap3A_644 = tpu.vector_load %arg12[%swap3A_643] {strides = array<i32>} : memref<80xi32, #tpu.memory_space<vmem>>, vector<16xi32>,
      %swap3A_645 = vector.shape_cast %swap3A_644 : vector<16xi32> to vector<16xi32>
      %swap3A_646 = vector.shape_cast %select_n3A_642 : vector<16xi32> to vector<16xi32>
      tpu.vector_store %arg12[%swap3A_643], %swap3A_646 {strides = array<i32>} : memref<80xi32, #tpu.memory_space<vmem>>, vector<16xi32>,
      %get3A_647 = arith.index_cast %add3A_616 : i32 to index
      %get3A_648 = arith.constant 16 : index
      %get3A_649 = tpu.vector_load %arg8[%get3A_647, %get3A_648] {strides = array<i32>} : memref<125x80xi32, #tpu.memory_space<vmem>>, vector<1x16xi32>,
      %get3A_650 = vector.shape_cast %get3A_649 : vector<1x16xi32> to vector<16xi32>
      %sub3A_651 = vector.broadcast %mul3A_4 : i32 to vector<16xi32>
      %sub3A_652 = arith.subi %get3A_650, %sub3A_651 : vector<16xi32>
      %ge3A_653 = arith.constant 0 : i32
      %ge3A_654 = vector.broadcast %ge3A_653 : i32 to vector<16xi32>
      %ge3A_655 = arith.cmpi sge, %sub3A_652, %ge3A_654 : vector<16xi32>
      %lt3A_656 = arith.constant 5120 : i32
      %lt3A_657 = vector.broadcast %lt3A_656 : i32 to vector<16xi32>
      %lt3A_658 = arith.cmpi slt, %sub3A_652, %lt3A_657 : vector<16xi32>
      %and3A_659 = arith.andi %ge3A_655, %lt3A_658 : vector<16xi1>
      %and3A_660 = arith.constant 255 : i32
      %and3A_661 = vector.broadcast %and3A_660 : i32 to vector<16xi32>
      %and3A_662 = arith.andi %get3A_650, %and3A_661 : vector<16xi32>
      %add3A_663 = arith.constant 5120 : i32
      %add3A_664 = vector.broadcast %add3A_663 : i32 to vector<16xi32>
      %add3A_665 = arith.addi %add3A_664, %and3A_662 : vector<16xi32>
      %select_n3A_666 = arith.select %and3A_659, %sub3A_652, %add3A_665 : vector<16xi1>, vector<16xi32>
      %swap3A_667 = arith.constant 16 : index
      %swap3A_668 = tpu.vector_load %arg12[%swap3A_667] {strides = array<i32>} : memref<80xi32, #tpu.memory_space<vmem>>, vector<16xi32>,
      %swap3A_669 = vector.shape_cast %swap3A_668 : vector<16xi32> to vector<16xi32>
      %swap3A_670 = vector.shape_cast %select_n3A_666 : vector<16xi32> to vector<16xi32>
      tpu.vector_store %arg12[%swap3A_667], %swap3A_670 {strides = array<i32>} : memref<80xi32, #tpu.memory_space<vmem>>, vector<16xi32>,
      %get3A_671 = arith.index_cast %add3A_616 : i32 to index
      %get3A_672 = arith.constant 32 : index
      %get3A_673 = tpu.vector_load %arg8[%get3A_671, %get3A_672] {strides = array<i32>} : memref<125x80xi32, #tpu.memory_space<vmem>>, vector<1x16xi32>,
      %get3A_674 = vector.shape_cast %get3A_673 : vector<1x16xi32> to vector<16xi32>
      %sub3A_675 = vector.broadcast %mul3A_4 : i32 to vector<16xi32>
      %sub3A_676 = arith.subi %get3A_674, %sub3A_675 : vector<16xi32>
      %ge3A_677 = arith.constant 0 : i32
      %ge3A_678 = vector.broadcast %ge3A_677 : i32 to vector<16xi32>
      %ge3A_679 = arith.cmpi sge, %sub3A_676, %ge3A_678 : vector<16xi32>
      %lt3A_680 = arith.constant 5120 : i32
      %lt3A_681 = vector.broadcast %lt3A_680 : i32 to vector<16xi32>
      %lt3A_682 = arith.cmpi slt, %sub3A_676, %lt3A_681 : vector<16xi32>
      %and3A_683 = arith.andi %ge3A_679, %lt3A_682 : vector<16xi1>
      %and3A_684 = arith.constant 255 : i32
      %and3A_685 = vector.broadcast %and3A_684 : i32 to vector<16xi32>
      %and3A_686 = arith.andi %get3A_674, %and3A_685 : vector<16xi32>
      %add3A_687 = arith.constant 5120 : i32
      %add3A_688 = vector.broadcast %add3A_687 : i32 to vector<16xi32>
      %add3A_689 = arith.addi %add3A_688, %and3A_686 : vector<16xi32>
      %select_n3A_690 = arith.select %and3A_683, %sub3A_676, %add3A_689 : vector<16xi1>, vector<16xi32>
      %swap3A_691 = arith.constant 32 : index
      %swap3A_692 = tpu.vector_load %arg12[%swap3A_691] {strides = array<i32>} : memref<80xi32, #tpu.memory_space<vmem>>, vector<16xi32>,
      %swap3A_693 = vector.shape_cast %swap3A_692 : vector<16xi32> to vector<16xi32>
      %swap3A_694 = vector.shape_cast %select_n3A_690 : vector<16xi32> to vector<16xi32>
      tpu.vector_store %arg12[%swap3A_691], %swap3A_694 {strides = array<i32>} : memref<80xi32, #tpu.memory_space<vmem>>, vector<16xi32>,
      %get3A_695 = arith.index_cast %add3A_616 : i32 to index
      %get3A_696 = arith.constant 48 : index
      %get3A_697 = tpu.vector_load %arg8[%get3A_695, %get3A_696] {strides = array<i32>} : memref<125x80xi32, #tpu.memory_space<vmem>>, vector<1x16xi32>,
      %get3A_698 = vector.shape_cast %get3A_697 : vector<1x16xi32> to vector<16xi32>
      %sub3A_699 = vector.broadcast %mul3A_4 : i32 to vector<16xi32>
      %sub3A_700 = arith.subi %get3A_698, %sub3A_699 : vector<16xi32>
      %ge3A_701 = arith.constant 0 : i32
      %ge3A_702 = vector.broadcast %ge3A_701 : i32 to vector<16xi32>
      %ge3A_703 = arith.cmpi sge, %sub3A_700, %ge3A_702 : vector<16xi32>
      %lt3A_704 = arith.constant 5120 : i32
      %lt3A_705 = vector.broadcast %lt3A_704 : i32 to vector<16xi32>
      %lt3A_706 = arith.cmpi slt, %sub3A_700, %lt3A_705 : vector<16xi32>
      %and3A_707 = arith.andi %ge3A_703, %lt3A_706 : vector<16xi1>
      %and3A_708 = arith.constant 255 : i32
      %and3A_709 = vector.broadcast %and3A_708 : i32 to vector<16xi32>
      %and3A_710 = arith.andi %get3A_698, %and3A_709 : vector<16xi32>
      %add3A_711 = arith.constant 5120 : i32
      %add3A_712 = vector.broadcast %add3A_711 : i32 to vector<16xi32>
      %add3A_713 = arith.addi %add3A_712, %and3A_710 : vector<16xi32>
      %select_n3A_714 = arith.select %and3A_707, %sub3A_700, %add3A_713 : vector<16xi1>, vector<16xi32>
      %swap3A_715 = arith.constant 48 : index
      %swap3A_716 = tpu.vector_load %arg12[%swap3A_715] {strides = array<i32>} : memref<80xi32, #tpu.memory_space<vmem>>, vector<16xi32>,
      %swap3A_717 = vector.shape_cast %swap3A_716 : vector<16xi32> to vector<16xi32>
      %swap3A_718 = vector.shape_cast %select_n3A_714 : vector<16xi32> to vector<16xi32>
      tpu.vector_store %arg12[%swap3A_715], %swap3A_718 {strides = array<i32>} : memref<80xi32, #tpu.memory_space<vmem>>, vector<16xi32>,
      %get3A_719 = arith.index_cast %add3A_616 : i32 to index
      %get3A_720 = arith.constant 64 : index
      %get3A_721 = tpu.vector_load %arg8[%get3A_719, %get3A_720] {strides = array<i32>} : memref<125x80xi32, #tpu.memory_space<vmem>>, vector<1x16xi32>,
      %get3A_722 = vector.shape_cast %get3A_721 : vector<1x16xi32> to vector<16xi32>
      %sub3A_723 = vector.broadcast %mul3A_4 : i32 to vector<16xi32>
      %sub3A_724 = arith.subi %get3A_722, %sub3A_723 : vector<16xi32>
      %ge3A_725 = arith.constant 0 : i32
      %ge3A_726 = vector.broadcast %ge3A_725 : i32 to vector<16xi32>
      %ge3A_727 = arith.cmpi sge, %sub3A_724, %ge3A_726 : vector<16xi32>
      %lt3A_728 = arith.constant 5120 : i32
      %lt3A_729 = vector.broadcast %lt3A_728 : i32 to vector<16xi32>
      %lt3A_730 = arith.cmpi slt, %sub3A_724, %lt3A_729 : vector<16xi32>
      %and3A_731 = arith.andi %ge3A_727, %lt3A_730 : vector<16xi1>
      %and3A_732 = arith.constant 255 : i32
      %and3A_733 = vector.broadcast %and3A_732 : i32 to vector<16xi32>
      %and3A_734 = arith.andi %get3A_722, %and3A_733 : vector<16xi32>
      %add3A_735 = arith.constant 5120 : i32
      %add3A_736 = vector.broadcast %add3A_735 : i32 to vector<16xi32>
      %add3A_737 = arith.addi %add3A_736, %and3A_734 : vector<16xi32>
      %select_n3A_738 = arith.select %and3A_731, %sub3A_724, %add3A_737 : vector<16xi1>, vector<16xi32>
      %swap3A_739 = arith.constant 64 : index
      %swap3A_740 = tpu.vector_load %arg12[%swap3A_739] {strides = array<i32>} : memref<80xi32, #tpu.memory_space<vmem>>, vector<16xi32>,
      %swap3A_741 = vector.shape_cast %swap3A_740 : vector<16xi32> to vector<16xi32>
      %swap3A_742 = vector.shape_cast %select_n3A_738 : vector<16xi32> to vector<16xi32>
      tpu.vector_store %arg12[%swap3A_739], %swap3A_742 {strides = array<i32>} : memref<80xi32, #tpu.memory_space<vmem>>, vector<16xi32>,
      %dma_start3A_743 = arith.constant 0 : i32
      %dma_start3A_744 = arith.constant 0 : i32
      %dma_start3A_745 = tpu.memref_slice %arg17[%dma_start3A_743, %dma_start3A_744] : memref<5376x128xf32, #tpu.memory_space<vmem_shared>> -> memref<5376x128xf32, #tpu.memory_space<vmem_shared>>
      tpu.enqueue_indirect_dma source(%arg16 : memref<80x128xf32, #tpu.memory_space<vmem>>) target(%dma_start3A_745 : memref<5376x128xf32, #tpu.memory_space<vmem_shared>>) offsets(%arg12 : memref<80xi32, #tpu.memory_space<vmem>>) semaphore(%arg25 : memref<!tpu.dma_semaphore, #tpu.memory_space<semaphore_mem>>) {add = true}
      %ge3A_746 = arith.constant 2 : i32
      %ge3A_747 = arith.cmpi sge, %add3A_616, %ge3A_746 : i32
      %add3A_748 = arith.constant 2 : i32
      %add3A_749 = arith.addi %add3A_616, %add3A_748 : i32
      %lt3A_750 = arith.constant 125 : i32
      %lt3A_751 = arith.cmpi slt, %add3A_749, %lt3A_750 : i32
      %and3A_752 = arith.andi %ge3A_747, %lt3A_751 : i1
      %convert_element_type3A_753 = arith.extui %and3A_752 : i1 to i32
      %cond3A_754 = arith.constant 0 : i32
      %cond3A_755 = arith.cmpi ne, %convert_element_type3A_753, %cond3A_754 : i32
      scf.if %cond3A_755 {
        %dma_wait3A_763 = arith.constant 0 : i32
        %dma_wait3A_764 = arith.constant 0 : i32
        %dma_wait3A_765 = tpu.memref_slice %arg17[%dma_wait3A_763, %dma_wait3A_764] : memref<5376x128xf32, #tpu.memory_space<vmem_shared>> -> memref<5376x128xf32, #tpu.memory_space<vmem_shared>>
        tpu.wait_indirect_dma semaphore(%arg23 : memref<!tpu.dma_semaphore, #tpu.memory_space<semaphore_mem>>) src(%arg14 : memref<80x128xf32, #tpu.memory_space<vmem>>) dst(%dma_wait3A_765 : memref<5376x128xf32, #tpu.memory_space<vmem_shared>>)
      } else {
      }
      %add3A_756 = arith.constant 2 : i32
      %add3A_757 = arith.addi %add3A_616, %add3A_756 : i32
      %lt3A_758 = arith.constant 125 : i32
      %lt3A_759 = arith.cmpi slt, %add3A_757, %lt3A_758 : i32
      %convert_element_type3A_760 = arith.extui %lt3A_759 : i1 to i32
      %cond3A_761 = arith.constant 0 : i32
      %cond3A_762 = arith.cmpi ne, %convert_element_type3A_760, %cond3A_761 : i32
      scf.if %cond3A_762 {
        %add3A_763 = arith.constant 2 : i32
        %add3A_764 = arith.addi %add3A_616, %add3A_763 : i32
        %dma_start3A_765 = arith.constant 0 : i32
        %dma_start3A_766 = tpu.memref_slice %arg7[%add3A_764, %dma_start3A_765] : memref<125x80xi32, #tpu.memory_space<vmem>> -> memref<1x80xi32, #tpu.memory_space<vmem>>
        %dma_start3A_767 = tpu.memref_squeeze %dma_start3A_766 : memref<1x80xi32, #tpu.memory_space<vmem>> -> memref<80xi32, #tpu.memory_space<vmem>>
        %dma_start3A_768 = arith.constant 0 : i32
        %dma_start3A_769 = arith.constant 0 : i32
        %dma_start3A_770 = tpu.memref_slice %arg2[%dma_start3A_768, %dma_start3A_769] : memref<10000x128xf32, #tpu.memory_space<hbm>> -> memref<10000x128xf32, #tpu.memory_space<hbm>>
        tpu.enqueue_indirect_dma source(%dma_start3A_770 : memref<10000x128xf32, #tpu.memory_space<hbm>>) target(%arg14 : memref<80x128xf32, #tpu.memory_space<vmem>>) offsets(%dma_start3A_767 : memref<80xi32, #tpu.memory_space<vmem>>) semaphore(%arg19 : memref<!tpu.dma_semaphore, #tpu.memory_space<semaphore_mem>>)
      } else {
      }
    }
    %scan3A_22 = arith.constant 31 : i32
    %dma_wait3A = arith.constant 124 : i32
    %dma_wait3A_23 = arith.constant 0 : i32
    %dma_wait3A_24 = tpu.memref_slice %arg7[%dma_wait3A, %dma_wait3A_23] : memref<125x80xi32, #tpu.memory_space<vmem>> -> memref<1x80xi32, #tpu.memory_space<vmem>>
    %dma_wait3A_25 = tpu.memref_squeeze %dma_wait3A_24 : memref<1x80xi32, #tpu.memory_space<vmem>> -> memref<80xi32, #tpu.memory_space<vmem>>
    %dma_wait3A_26 = arith.constant 0 : i32
    %dma_wait3A_27 = arith.constant 0 : i32
    %dma_wait3A_28 = tpu.memref_slice %arg2[%dma_wait3A_26, %dma_wait3A_27] : memref<10000x128xf32, #tpu.memory_space<hbm>> -> memref<10000x128xf32, #tpu.memory_space<hbm>>
    tpu.wait_indirect_dma semaphore(%arg18 : memref<!tpu.dma_semaphore, #tpu.memory_space<semaphore_mem>>) src(%dma_wait3A_28 : memref<10000x128xf32, #tpu.memory_space<hbm>>) dst(%arg13 : memref<80x128xf32, #tpu.memory_space<vmem>>)
    %get3A = arith.constant 124 : i32
    %get3A_29 = arith.index_cast %get3A : i32 to index
    %get3A_30 = arith.constant 0 : index
    %get3A_31 = tpu.vector_load %arg8[%get3A_29, %get3A_30] {strides = array<i32>} : memref<125x80xi32, #tpu.memory_space<vmem>>, vector<1x16xi32>,
    %get3A_32 = vector.shape_cast %get3A_31 : vector<1x16xi32> to vector<16xi32>
    %sub3A = vector.broadcast %mul3A_4 : i32 to vector<16xi32>
    %sub3A_33 = arith.subi %get3A_32, %sub3A : vector<16xi32>
    %ge3A = arith.constant 0 : i32
    %ge3A_34 = vector.broadcast %ge3A : i32 to vector<16xi32>
    %ge3A_35 = arith.cmpi sge, %sub3A_33, %ge3A_34 : vector<16xi32>
    %lt3A = arith.constant 5120 : i32
    %lt3A_36 = vector.broadcast %lt3A : i32 to vector<16xi32>
    %lt3A_37 = arith.cmpi slt, %sub3A_33, %lt3A_36 : vector<16xi32>
    %and3A = arith.andi %ge3A_35, %lt3A_37 : vector<16xi1>
    %and3A_38 = arith.constant 255 : i32
    %and3A_39 = vector.broadcast %and3A_38 : i32 to vector<16xi32>
    %and3A_40 = arith.andi %get3A_32, %and3A_39 : vector<16xi32>
    %add3A = arith.constant 5120 : i32
    %add3A_41 = vector.broadcast %add3A : i32 to vector<16xi32>
    %add3A_42 = arith.addi %add3A_41, %and3A_40 : vector<16xi32>
    %select_n3A = arith.select %and3A, %sub3A_33, %add3A_42 : vector<16xi1>, vector<16xi32>
    %swap3A = arith.constant 0 : index
    %swap3A_43 = tpu.vector_load %arg9[%swap3A] {strides = array<i32>} : memref<80xi32, #tpu.memory_space<vmem>>, vector<16xi32>,
    %swap3A_44 = vector.shape_cast %swap3A_43 : vector<16xi32> to vector<16xi32>
    %swap3A_45 = vector.shape_cast %select_n3A : vector<16xi32> to vector<16xi32>
    tpu.vector_store %arg9[%swap3A], %swap3A_45 {strides = array<i32>} : memref<80xi32, #tpu.memory_space<vmem>>, vector<16xi32>,
    %get3A_46 = arith.constant 124 : i32
    %get3A_47 = arith.index_cast %get3A_46 : i32 to index
    %get3A_48 = arith.constant 16 : index
    %get3A_49 = tpu.vector_load %arg8[%get3A_47, %get3A_48] {strides = array<i32>} : memref<125x80xi32, #tpu.memory_space<vmem>>, vector<1x16xi32>,
    %get3A_50 = vector.shape_cast %get3A_49 : vector<1x16xi32> to vector<16xi32>
    %sub3A_51 = vector.broadcast %mul3A_4 : i32 to vector<16xi32>
    %sub3A_52 = arith.subi %get3A_50, %sub3A_51 : vector<16xi32>
    %ge3A_53 = arith.constant 0 : i32
    %ge3A_54 = vector.broadcast %ge3A_53 : i32 to vector<16xi32>
    %ge3A_55 = arith.cmpi sge, %sub3A_52, %ge3A_54 : vector<16xi32>
    %lt3A_56 = arith.constant 5120 : i32
    %lt3A_57 = vector.broadcast %lt3A_56 : i32 to vector<16xi32>
    %lt3A_58 = arith.cmpi slt, %sub3A_52, %lt3A_57 : vector<16xi32>
    %and3A_59 = arith.andi %ge3A_55, %lt3A_58 : vector<16xi1>
    %and3A_60 = arith.constant 255 : i32
    %and3A_61 = vector.broadcast %and3A_60 : i32 to vector<16xi32>
    %and3A_62 = arith.andi %get3A_50, %and3A_61 : vector<16xi32>
    %add3A_63 = arith.constant 5120 : i32
    %add3A_64 = vector.broadcast %add3A_63 : i32 to vector<16xi32>
    %add3A_65 = arith.addi %add3A_64, %and3A_62 : vector<16xi32>
    %select_n3A_66 = arith.select %and3A_59, %sub3A_52, %add3A_65 : vector<16xi1>, vector<16xi32>
    %swap3A_67 = arith.constant 16 : index
    %swap3A_68 = tpu.vector_load %arg9[%swap3A_67] {strides = array<i32>} : memref<80xi32, #tpu.memory_space<vmem>>, vector<16xi32>,
    %swap3A_69 = vector.shape_cast %swap3A_68 : vector<16xi32> to vector<16xi32>
    %swap3A_70 = vector.shape_cast %select_n3A_66 : vector<16xi32> to vector<16xi32>
    tpu.vector_store %arg9[%swap3A_67], %swap3A_70 {strides = array<i32>} : memref<80xi32, #tpu.memory_space<vmem>>, vector<16xi32>,
    %get3A_71 = arith.constant 124 : i32
    %get3A_72 = arith.index_cast %get3A_71 : i32 to index
    %get3A_73 = arith.constant 32 : index
    %get3A_74 = tpu.vector_load %arg8[%get3A_72, %get3A_73] {strides = array<i32>} : memref<125x80xi32, #tpu.memory_space<vmem>>, vector<1x16xi32>,
    %get3A_75 = vector.shape_cast %get3A_74 : vector<1x16xi32> to vector<16xi32>
    %sub3A_76 = vector.broadcast %mul3A_4 : i32 to vector<16xi32>
    %sub3A_77 = arith.subi %get3A_75, %sub3A_76 : vector<16xi32>
    %ge3A_78 = arith.constant 0 : i32
    %ge3A_79 = vector.broadcast %ge3A_78 : i32 to vector<16xi32>
    %ge3A_80 = arith.cmpi sge, %sub3A_77, %ge3A_79 : vector<16xi32>
    %lt3A_81 = arith.constant 5120 : i32
    %lt3A_82 = vector.broadcast %lt3A_81 : i32 to vector<16xi32>
    %lt3A_83 = arith.cmpi slt, %sub3A_77, %lt3A_82 : vector<16xi32>
    %and3A_84 = arith.andi %ge3A_80, %lt3A_83 : vector<16xi1>
    %and3A_85 = arith.constant 255 : i32
    %and3A_86 = vector.broadcast %and3A_85 : i32 to vector<16xi32>
    %and3A_87 = arith.andi %get3A_75, %and3A_86 : vector<16xi32>
    %add3A_88 = arith.constant 5120 : i32
    %add3A_89 = vector.broadcast %add3A_88 : i32 to vector<16xi32>
    %add3A_90 = arith.addi %add3A_89, %and3A_87 : vector<16xi32>
    %select_n3A_91 = arith.select %and3A_84, %sub3A_77, %add3A_90 : vector<16xi1>, vector<16xi32>
    %swap3A_92 = arith.constant 32 : index
    %swap3A_93 = tpu.vector_load %arg9[%swap3A_92] {strides = array<i32>} : memref<80xi32, #tpu.memory_space<vmem>>, vector<16xi32>,
    %swap3A_94 = vector.shape_cast %swap3A_93 : vector<16xi32> to vector<16xi32>
    %swap3A_95 = vector.shape_cast %select_n3A_91 : vector<16xi32> to vector<16xi32>
    tpu.vector_store %arg9[%swap3A_92], %swap3A_95 {strides = array<i32>} : memref<80xi32, #tpu.memory_space<vmem>>, vector<16xi32>,
    %get3A_96 = arith.constant 124 : i32
    %get3A_97 = arith.index_cast %get3A_96 : i32 to index
    %get3A_98 = arith.constant 48 : index
    %get3A_99 = tpu.vector_load %arg8[%get3A_97, %get3A_98] {strides = array<i32>} : memref<125x80xi32, #tpu.memory_space<vmem>>, vector<1x16xi32>,
    %get3A_100 = vector.shape_cast %get3A_99 : vector<1x16xi32> to vector<16xi32>
    %sub3A_101 = vector.broadcast %mul3A_4 : i32 to vector<16xi32>
    %sub3A_102 = arith.subi %get3A_100, %sub3A_101 : vector<16xi32>
    %ge3A_103 = arith.constant 0 : i32
    %ge3A_104 = vector.broadcast %ge3A_103 : i32 to vector<16xi32>
    %ge3A_105 = arith.cmpi sge, %sub3A_102, %ge3A_104 : vector<16xi32>
    %lt3A_106 = arith.constant 5120 : i32
    %lt3A_107 = vector.broadcast %lt3A_106 : i32 to vector<16xi32>
    %lt3A_108 = arith.cmpi slt, %sub3A_102, %lt3A_107 : vector<16xi32>
    %and3A_109 = arith.andi %ge3A_105, %lt3A_108 : vector<16xi1>
    %and3A_110 = arith.constant 255 : i32
    %and3A_111 = vector.broadcast %and3A_110 : i32 to vector<16xi32>
    %and3A_112 = arith.andi %get3A_100, %and3A_111 : vector<16xi32>
    %add3A_113 = arith.constant 5120 : i32
    %add3A_114 = vector.broadcast %add3A_113 : i32 to vector<16xi32>
    %add3A_115 = arith.addi %add3A_114, %and3A_112 : vector<16xi32>
    %select_n3A_116 = arith.select %and3A_109, %sub3A_102, %add3A_115 : vector<16xi1>, vector<16xi32>
    %swap3A_117 = arith.constant 48 : index
    %swap3A_118 = tpu.vector_load %arg9[%swap3A_117] {strides = array<i32>} : memref<80xi32, #tpu.memory_space<vmem>>, vector<16xi32>,
    %swap3A_119 = vector.shape_cast %swap3A_118 : vector<16xi32> to vector<16xi32>
    %swap3A_120 = vector.shape_cast %select_n3A_116 : vector<16xi32> to vector<16xi32>
    tpu.vector_store %arg9[%swap3A_117], %swap3A_120 {strides = array<i32>} : memref<80xi32, #tpu.memory_space<vmem>>, vector<16xi32>,
    %get3A_121 = arith.constant 124 : i32
    %get3A_122 = arith.index_cast %get3A_121 : i32 to index
    %get3A_123 = arith.constant 64 : index
    %get3A_124 = tpu.vector_load %arg8[%get3A_122, %get3A_123] {strides = array<i32>} : memref<125x80xi32, #tpu.memory_space<vmem>>, vector<1x16xi32>,
    %get3A_125 = vector.shape_cast %get3A_124 : vector<1x16xi32> to vector<16xi32>
    %sub3A_126 = vector.broadcast %mul3A_4 : i32 to vector<16xi32>
    %sub3A_127 = arith.subi %get3A_125, %sub3A_126 : vector<16xi32>
    %ge3A_128 = arith.constant 0 : i32
    %ge3A_129 = vector.broadcast %ge3A_128 : i32 to vector<16xi32>
    %ge3A_130 = arith.cmpi sge, %sub3A_127, %ge3A_129 : vector<16xi32>
    %lt3A_131 = arith.constant 5120 : i32
    %lt3A_132 = vector.broadcast %lt3A_131 : i32 to vector<16xi32>
    %lt3A_133 = arith.cmpi slt, %sub3A_127, %lt3A_132 : vector<16xi32>
    %and3A_134 = arith.andi %ge3A_130, %lt3A_133 : vector<16xi1>
    %and3A_135 = arith.constant 255 : i32
    %and3A_136 = vector.broadcast %and3A_135 : i32 to vector<16xi32>
    %and3A_137 = arith.andi %get3A_125, %and3A_136 : vector<16xi32>
    %add3A_138 = arith.constant 5120 : i32
    %add3A_139 = vector.broadcast %add3A_138 : i32 to vector<16xi32>
    %add3A_140 = arith.addi %add3A_139, %and3A_137 : vector<16xi32>
    %select_n3A_141 = arith.select %and3A_134, %sub3A_127, %add3A_140 : vector<16xi1>, vector<16xi32>
    %swap3A_142 = arith.constant 64 : index
    %swap3A_143 = tpu.vector_load %arg9[%swap3A_142] {strides = array<i32>} : memref<80xi32, #tpu.memory_space<vmem>>, vector<16xi32>,
    %swap3A_144 = vector.shape_cast %swap3A_143 : vector<16xi32> to vector<16xi32>
    %swap3A_145 = vector.shape_cast %select_n3A_141 : vector<16xi32> to vector<16xi32>
    tpu.vector_store %arg9[%swap3A_142], %swap3A_145 {strides = array<i32>} : memref<80xi32, #tpu.memory_space<vmem>>, vector<16xi32>,
    %dma_start3A_146 = arith.constant 0 : i32
    %dma_start3A_147 = arith.constant 0 : i32
    %dma_start3A_148 = tpu.memref_slice %arg17[%dma_start3A_146, %dma_start3A_147] : memref<5376x128xf32, #tpu.memory_space<vmem_shared>> -> memref<5376x128xf32, #tpu.memory_space<vmem_shared>>
    tpu.enqueue_indirect_dma source(%arg13 : memref<80x128xf32, #tpu.memory_space<vmem>>) target(%dma_start3A_148 : memref<5376x128xf32, #tpu.memory_space<vmem_shared>>) offsets(%arg9 : memref<80xi32, #tpu.memory_space<vmem>>) semaphore(%arg22 : memref<!tpu.dma_semaphore, #tpu.memory_space<semaphore_mem>>) {add = true}
    %dma_wait3A_149 = arith.constant 0 : i32
    %dma_wait3A_150 = arith.constant 0 : i32
    %dma_wait3A_151 = tpu.memref_slice %arg17[%dma_wait3A_149, %dma_wait3A_150] : memref<5376x128xf32, #tpu.memory_space<vmem_shared>> -> memref<5376x128xf32, #tpu.memory_space<vmem_shared>>
    tpu.wait_indirect_dma semaphore(%arg22 : memref<!tpu.dma_semaphore, #tpu.memory_space<semaphore_mem>>) src(%arg13 : memref<80x128xf32, #tpu.memory_space<vmem>>) dst(%dma_wait3A_151 : memref<5376x128xf32, #tpu.memory_space<vmem_shared>>)
    %dma_wait3A_152 = arith.constant 0 : i32
    %dma_wait3A_153 = arith.constant 0 : i32
    %dma_wait3A_154 = tpu.memref_slice %arg17[%dma_wait3A_152, %dma_wait3A_153] : memref<5376x128xf32, #tpu.memory_space<vmem_shared>> -> memref<5376x128xf32, #tpu.memory_space<vmem_shared>>
    tpu.wait_indirect_dma semaphore(%arg23 : memref<!tpu.dma_semaphore, #tpu.memory_space<semaphore_mem>>) src(%arg14 : memref<80x128xf32, #tpu.memory_space<vmem>>) dst(%dma_wait3A_154 : memref<5376x128xf32, #tpu.memory_space<vmem_shared>>)
    %dma_wait3A_155 = arith.constant 0 : i32
    %dma_wait3A_156 = arith.constant 0 : i32
    %dma_wait3A_157 = tpu.memref_slice %arg17[%dma_wait3A_155, %dma_wait3A_156] : memref<5376x128xf32, #tpu.memory_space<vmem_shared>> -> memref<5376x128xf32, #tpu.memory_space<vmem_shared>>
    tpu.wait_indirect_dma semaphore(%arg24 : memref<!tpu.dma_semaphore, #tpu.memory_space<semaphore_mem>>) src(%arg15 : memref<80x128xf32, #tpu.memory_space<vmem>>) dst(%dma_wait3A_157 : memref<5376x128xf32, #tpu.memory_space<vmem_shared>>)
    %dma_wait3A_158 = arith.constant 0 : i32
    %dma_wait3A_159 = arith.constant 0 : i32
    %dma_wait3A_160 = tpu.memref_slice %arg17[%dma_wait3A_158, %dma_wait3A_159] : memref<5376x128xf32, #tpu.memory_space<vmem_shared>> -> memref<5376x128xf32, #tpu.memory_space<vmem_shared>>
    tpu.wait_indirect_dma semaphore(%arg25 : memref<!tpu.dma_semaphore, #tpu.memory_space<semaphore_mem>>) src(%arg16 : memref<80x128xf32, #tpu.memory_space<vmem>>) dst(%dma_wait3A_160 : memref<5376x128xf32, #tpu.memory_space<vmem_shared>>)
    %barrier3A_161 = arith.constant 0 : index
    tpu.barrier barrier_id(%barrier3A_161)
    %mul3A_162 = arith.constant 320 : i32
    %mul3A_163 = arith.muli %arg1, %mul3A_162 : i32
    %mul3A_164 = arith.constant 5120 : i32
    %mul3A_165 = arith.muli %arg0, %mul3A_164 : i32
    %mul3A_166 = arith.constant 320 : i32
    %mul3A_167 = arith.muli %arg1, %mul3A_166 : i32
    %add3A_168 = arith.addi %mul3A_165, %mul3A_167 : i32
    "tpu.region"() ({
      %run_scoped3A = tpu.sem_alloc : memref<!tpu.dma_semaphore, #tpu.memory_space<semaphore_mem>>
      %dma_start3A_170 = arith.constant 0 : i32
      %dma_start3A_171 = tpu.memref_slice %arg6[%add3A_168, %dma_start3A_170] : memref<10240x128xf32, #tpu.memory_space<hbm>> -> memref<320x128xf32, #tpu.memory_space<hbm>>
      %dma_start3A_172 = arith.constant 0 : i32
      %dma_start3A_173 = tpu.memref_slice %arg17[%mul3A_163, %dma_start3A_172] : memref<5376x128xf32, #tpu.memory_space<vmem_shared>> -> memref<320x128xf32, #tpu.memory_space<vmem_shared>>
      tpu.enqueue_dma source(%dma_start3A_173 : memref<320x128xf32, #tpu.memory_space<vmem_shared>>) target(%dma_start3A_171 : memref<320x128xf32, #tpu.memory_space<hbm>>) target_semaphore(%run_scoped3A : memref<!tpu.dma_semaphore, #tpu.memory_space<semaphore_mem>>)
      %dma_wait3A_174 = arith.constant 0 : i32
      %dma_wait3A_175 = tpu.memref_slice %arg6[%add3A_168, %dma_wait3A_174] : memref<10240x128xf32, #tpu.memory_space<hbm>> -> memref<320x128xf32, #tpu.memory_space<hbm>>
      %dma_wait3A_176 = arith.constant 0 : i32
      %dma_wait3A_177 = tpu.memref_slice %arg17[%mul3A_163, %dma_wait3A_176] : memref<5376x128xf32, #tpu.memory_space<vmem_shared>> -> memref<320x128xf32, #tpu.memory_space<vmem_shared>>
      tpu.wait_dma2 semaphore(%run_scoped3A : memref<!tpu.dma_semaphore, #tpu.memory_space<semaphore_mem>>) src(%dma_wait3A_177 : memref<320x128xf32, #tpu.memory_space<vmem_shared>>) dst(%dma_wait3A_175 : memref<320x128xf32, #tpu.memory_space<hbm>>)
      tpu.yield
    }) : () -> ()
    %barrier3A_169 = arith.constant 0 : index
    tpu.barrier barrier_id(%barrier3A_169)
    return
  }
}

#map = affine_map<(d0, d1) -> (0, 0)>
#map1 = affine_map<(d0, d1) -> (0, 0, 0)>
module attributes {stable_mosaic.version = 14 : i64} {
  func.func @_edge_l23_body(%arg0: i32, %arg1: i32, %arg2: memref<10000x128xf32, #tpu.memory_space<hbm>>, %arg3: memref<16x125x80xi32, #tpu.memory_space<hbm>>, %arg4: memref<16x125x80xi32, #tpu.memory_space<hbm>>, %arg5: memref<5376x128xf32, #tpu.memory_space<hbm>>, %arg6: memref<10240x128xf32, #tpu.memory_space<hbm>>, %arg7: memref<125x80xi32, #tpu.memory_space<vmem>>, %arg8: memref<125x80xi32, #tpu.memory_space<vmem>>, %arg9: memref<80xi32, #tpu.memory_space<vmem>>, %arg10: memref<80xi32, #tpu.memory_space<vmem>>, %arg11: memref<80xi32, #tpu.memory_space<vmem>>, %arg12: memref<80xi32, #tpu.memory_space<vmem>>, %arg13: memref<80x128xf32, #tpu.memory_space<vmem>>, %arg14: memref<80x128xf32, #tpu.memory_space<vmem>>, %arg15: memref<80x128xf32, #tpu.memory_space<vmem>>, %arg16: memref<80x128xf32, #tpu.memory_space<vmem>>, %arg17: memref<5376x128xf32, #tpu.memory_space<vmem_shared>>, %arg18: memref<!tpu.dma_semaphore, #tpu.memory_space<semaphore_mem>>, %arg19: memref<!tpu.dma_semaphore, #tpu.memory_space<semaphore_mem>>, %arg20: memref<!tpu.dma_semaphore, #tpu.memory_space<semaphore_mem>>, %arg21: memref<!tpu.dma_semaphore, #tpu.memory_space<semaphore_mem>>, %arg22: memref<!tpu.dma_semaphore, #tpu.memory_space<semaphore_mem>>, %arg23: memref<!tpu.dma_semaphore, #tpu.memory_space<semaphore_mem>>, %arg24: memref<!tpu.dma_semaphore, #tpu.memory_space<semaphore_mem>>, %arg25: memref<!tpu.dma_semaphore, #tpu.memory_space<semaphore_mem>>) attributes {dimension_semantics = [#tpu.dimension_semantics<core_parallel>, #tpu.dimension_semantics<subcore_parallel>], iteration_bounds = array<i64: 2, 16>, scalar_prefetch = 0 : i64, scratch_operands = 19 : i64, tpu.core_type = #tpu.core_type<sc_vector_subcore>, window_params = [{transform_indices = #map}, {transform_indices = #map1}, {transform_indices = #map1}, {transform_indices = #map}, {transform_indices = #map}]} {
    "tpu.region"() ({
      %run_scoped3A = tpu.sem_alloc : memref<!tpu.dma_semaphore, #tpu.memory_space<semaphore_mem>>
      %dma_start3A_170 = arith.constant 0 : i32
      %dma_start3A_171 = arith.constant 0 : i32
      %dma_start3A_172 = tpu.memref_slice %arg3[%arg1, %dma_start3A_170, %dma_start3A_171] : memref<16x125x80xi32, #tpu.memory_space<hbm>> -> memref<1x125x80xi32, #tpu.memory_space<hbm>>
      %dma_start3A_173 = tpu.memref_squeeze %dma_start3A_172 : memref<1x125x80xi32, #tpu.memory_space<hbm>> -> memref<125x80xi32, #tpu.memory_space<hbm>>
      %dma_start3A_174 = arith.constant 0 : i32
      %dma_start3A_175 = arith.constant 0 : i32
      %dma_start3A_176 = tpu.memref_slice %arg3[%arg1, %dma_start3A_174, %dma_start3A_175] : memref<16x125x80xi32, #tpu.memory_space<hbm>> -> memref<1x125x80xi32, #tpu.memory_space<hbm>>
      %dma_start3A_177 = tpu.memref_squeeze %dma_start3A_176 : memref<1x125x80xi32, #tpu.memory_space<hbm>> -> memref<125x80xi32, #tpu.memory_space<hbm>>
      tpu.enqueue_dma source(%dma_start3A_177 : memref<125x80xi32, #tpu.memory_space<hbm>>) target(%arg7 : memref<125x80xi32, #tpu.memory_space<vmem>>) target_semaphore(%run_scoped3A : memref<!tpu.dma_semaphore, #tpu.memory_space<semaphore_mem>>)
      %dma_wait3A_178 = arith.constant 0 : i32
      %dma_wait3A_179 = arith.constant 0 : i32
      %dma_wait3A_180 = tpu.memref_slice %arg3[%arg1, %dma_wait3A_178, %dma_wait3A_179] : memref<16x125x80xi32, #tpu.memory_space<hbm>> -> memref<1x125x80xi32, #tpu.memory_space<hbm>>
      %dma_wait3A_181 = tpu.memref_squeeze %dma_wait3A_180 : memref<1x125x80xi32, #tpu.memory_space<hbm>> -> memref<125x80xi32, #tpu.memory_space<hbm>>
      %dma_wait3A_182 = arith.constant 0 : i32
      %dma_wait3A_183 = arith.constant 0 : i32
      %dma_wait3A_184 = tpu.memref_slice %arg3[%arg1, %dma_wait3A_182, %dma_wait3A_183] : memref<16x125x80xi32, #tpu.memory_space<hbm>> -> memref<1x125x80xi32, #tpu.memory_space<hbm>>
      %dma_wait3A_185 = tpu.memref_squeeze %dma_wait3A_184 : memref<1x125x80xi32, #tpu.memory_space<hbm>> -> memref<125x80xi32, #tpu.memory_space<hbm>>
      tpu.wait_dma2 semaphore(%run_scoped3A : memref<!tpu.dma_semaphore, #tpu.memory_space<semaphore_mem>>) src(%dma_wait3A_185 : memref<125x80xi32, #tpu.memory_space<hbm>>) dst(%arg7 : memref<125x80xi32, #tpu.memory_space<vmem>>)
      tpu.yield
    }) : () -> ()
    "tpu.region"() ({
      %run_scoped3A = tpu.sem_alloc : memref<!tpu.dma_semaphore, #tpu.memory_space<semaphore_mem>>
      %dma_start3A_170 = arith.constant 0 : i32
      %dma_start3A_171 = arith.constant 0 : i32
      %dma_start3A_172 = tpu.memref_slice %arg4[%arg1, %dma_start3A_170, %dma_start3A_171] : memref<16x125x80xi32, #tpu.memory_space<hbm>> -> memref<1x125x80xi32, #tpu.memory_space<hbm>>
      %dma_start3A_173 = tpu.memref_squeeze %dma_start3A_172 : memref<1x125x80xi32, #tpu.memory_space<hbm>> -> memref<125x80xi32, #tpu.memory_space<hbm>>
      %dma_start3A_174 = arith.constant 0 : i32
      %dma_start3A_175 = arith.constant 0 : i32
      %dma_start3A_176 = tpu.memref_slice %arg4[%arg1, %dma_start3A_174, %dma_start3A_175] : memref<16x125x80xi32, #tpu.memory_space<hbm>> -> memref<1x125x80xi32, #tpu.memory_space<hbm>>
      %dma_start3A_177 = tpu.memref_squeeze %dma_start3A_176 : memref<1x125x80xi32, #tpu.memory_space<hbm>> -> memref<125x80xi32, #tpu.memory_space<hbm>>
      tpu.enqueue_dma source(%dma_start3A_177 : memref<125x80xi32, #tpu.memory_space<hbm>>) target(%arg8 : memref<125x80xi32, #tpu.memory_space<vmem>>) target_semaphore(%run_scoped3A : memref<!tpu.dma_semaphore, #tpu.memory_space<semaphore_mem>>)
      %dma_wait3A_178 = arith.constant 0 : i32
      %dma_wait3A_179 = arith.constant 0 : i32
      %dma_wait3A_180 = tpu.memref_slice %arg4[%arg1, %dma_wait3A_178, %dma_wait3A_179] : memref<16x125x80xi32, #tpu.memory_space<hbm>> -> memref<1x125x80xi32, #tpu.memory_space<hbm>>
      %dma_wait3A_181 = tpu.memref_squeeze %dma_wait3A_180 : memref<1x125x80xi32, #tpu.memory_space<hbm>> -> memref<125x80xi32, #tpu.memory_space<hbm>>
      %dma_wait3A_182 = arith.constant 0 : i32
      %dma_wait3A_183 = arith.constant 0 : i32
      %dma_wait3A_184 = tpu.memref_slice %arg4[%arg1, %dma_wait3A_182, %dma_wait3A_183] : memref<16x125x80xi32, #tpu.memory_space<hbm>> -> memref<1x125x80xi32, #tpu.memory_space<hbm>>
      %dma_wait3A_185 = tpu.memref_squeeze %dma_wait3A_184 : memref<1x125x80xi32, #tpu.memory_space<hbm>> -> memref<125x80xi32, #tpu.memory_space<hbm>>
      tpu.wait_dma2 semaphore(%run_scoped3A : memref<!tpu.dma_semaphore, #tpu.memory_space<semaphore_mem>>) src(%dma_wait3A_185 : memref<125x80xi32, #tpu.memory_space<hbm>>) dst(%arg8 : memref<125x80xi32, #tpu.memory_space<vmem>>)
      tpu.yield
    }) : () -> ()
    %mul3A = arith.constant 336 : i32
    %mul3A_0 = arith.muli %arg1, %mul3A : i32
    %mul3A_1 = arith.constant 336 : i32
    %mul3A_2 = arith.muli %arg1, %mul3A_1 : i32
    "tpu.region"() ({
      %run_scoped3A = tpu.sem_alloc : memref<!tpu.dma_semaphore, #tpu.memory_space<semaphore_mem>>
      %dma_start3A_170 = arith.constant 0 : i32
      %dma_start3A_171 = tpu.memref_slice %arg17[%mul3A_2, %dma_start3A_170] : memref<5376x128xf32, #tpu.memory_space<vmem_shared>> -> memref<336x128xf32, #tpu.memory_space<vmem_shared>>
      %dma_start3A_172 = arith.constant 0 : i32
      %dma_start3A_173 = tpu.memref_slice %arg5[%mul3A_0, %dma_start3A_172] : memref<5376x128xf32, #tpu.memory_space<hbm>> -> memref<336x128xf32, #tpu.memory_space<hbm>>
      tpu.enqueue_dma source(%dma_start3A_173 : memref<336x128xf32, #tpu.memory_space<hbm>>) target(%dma_start3A_171 : memref<336x128xf32, #tpu.memory_space<vmem_shared>>) target_semaphore(%run_scoped3A : memref<!tpu.dma_semaphore, #tpu.memory_space<semaphore_mem>>)
      %dma_wait3A_174 = arith.constant 0 : i32
      %dma_wait3A_175 = tpu.memref_slice %arg17[%mul3A_2, %dma_wait3A_174] : memref<5376x128xf32, #tpu.memory_space<vmem_shared>> -> memref<336x128xf32, #tpu.memory_space<vmem_shared>>
      %dma_wait3A_176 = arith.constant 0 : i32
      %dma_wait3A_177 = tpu.memref_slice %arg5[%mul3A_0, %dma_wait3A_176] : memref<5376x128xf32, #tpu.memory_space<hbm>> -> memref<336x128xf32, #tpu.memory_space<hbm>>
      tpu.wait_dma2 semaphore(%run_scoped3A : memref<!tpu.dma_semaphore, #tpu.memory_space<semaphore_mem>>) src(%dma_wait3A_177 : memref<336x128xf32, #tpu.memory_space<hbm>>) dst(%dma_wait3A_175 : memref<336x128xf32, #tpu.memory_space<vmem_shared>>)
      tpu.yield
    }) : () -> ()
    %barrier3A = arith.constant 0 : index
    tpu.barrier barrier_id(%barrier3A)
    %mul3A_3 = arith.constant 5120 : i32
    %mul3A_4 = arith.muli %arg0, %mul3A_3 : i32
    %dma_start3A = arith.constant 0 : i32
    %dma_start3A_5 = arith.constant 0 : i32
    %dma_start3A_6 = tpu.memref_slice %arg7[%dma_start3A, %dma_start3A_5] : memref<125x80xi32, #tpu.memory_space<vmem>> -> memref<1x80xi32, #tpu.memory_space<vmem>>
    %dma_start3A_7 = tpu.memref_squeeze %dma_start3A_6 : memref<1x80xi32, #tpu.memory_space<vmem>> -> memref<80xi32, #tpu.memory_space<vmem>>
    %dma_start3A_8 = arith.constant 0 : i32
    %dma_start3A_9 = arith.constant 0 : i32
    %dma_start3A_10 = tpu.memref_slice %arg2[%dma_start3A_8, %dma_start3A_9] : memref<10000x128xf32, #tpu.memory_space<hbm>> -> memref<10000x128xf32, #tpu.memory_space<hbm>>
    tpu.enqueue_indirect_dma source(%dma_start3A_10 : memref<10000x128xf32, #tpu.memory_space<hbm>>) target(%arg13 : memref<80x128xf32, #tpu.memory_space<vmem>>) offsets(%dma_start3A_7 : memref<80xi32, #tpu.memory_space<vmem>>) semaphore(%arg18 : memref<!tpu.dma_semaphore, #tpu.memory_space<semaphore_mem>>)
    %dma_start3A_11 = arith.constant 1 : i32
    %dma_start3A_12 = arith.constant 0 : i32
    %dma_start3A_13 = tpu.memref_slice %arg7[%dma_start3A_11, %dma_start3A_12] : memref<125x80xi32, #tpu.memory_space<vmem>> -> memref<1x80xi32, #tpu.memory_space<vmem>>
    %dma_start3A_14 = tpu.memref_squeeze %dma_start3A_13 : memref<1x80xi32, #tpu.memory_space<vmem>> -> memref<80xi32, #tpu.memory_space<vmem>>
    %dma_start3A_15 = arith.constant 0 : i32
    %dma_start3A_16 = arith.constant 0 : i32
    %dma_start3A_17 = tpu.memref_slice %arg2[%dma_start3A_15, %dma_start3A_16] : memref<10000x128xf32, #tpu.memory_space<hbm>> -> memref<10000x128xf32, #tpu.memory_space<hbm>>
    tpu.enqueue_indirect_dma source(%dma_start3A_17 : memref<10000x128xf32, #tpu.memory_space<hbm>>) target(%arg14 : memref<80x128xf32, #tpu.memory_space<vmem>>) offsets(%dma_start3A_14 : memref<80xi32, #tpu.memory_space<vmem>>) semaphore(%arg19 : memref<!tpu.dma_semaphore, #tpu.memory_space<semaphore_mem>>)
    %scan3A = arith.constant 0 : i32
    %scan3A_18 = arith.constant 0 : i32
    %scan3A_19 = arith.constant 31 : i32
    %scan3A_20 = arith.addi %scan3A_18, %scan3A_19 : i32
    %scan3A_21 = arith.constant 1 : i32
    scf.for %scan3A_170 = %scan3A_18 to %scan3A_20 step %scan3A_21  : i32 {
      %mul3A_171 = arith.constant 4 : i32
      %mul3A_172 = arith.muli %mul3A_171, %scan3A_170 : i32
      %add3A_173 = arith.constant 0 : i32
      %add3A_174 = arith.addi %mul3A_172, %add3A_173 : i32
      %dma_wait3A_175 = arith.constant 0 : i32
      %dma_wait3A_176 = tpu.memref_slice %arg7[%add3A_174, %dma_wait3A_175] : memref<125x80xi32, #tpu.memory_space<vmem>> -> memref<1x80xi32, #tpu.memory_space<vmem>>
      %dma_wait3A_177 = tpu.memref_squeeze %dma_wait3A_176 : memref<1x80xi32, #tpu.memory_space<vmem>> -> memref<80xi32, #tpu.memory_space<vmem>>
      %dma_wait3A_178 = arith.constant 0 : i32
      %dma_wait3A_179 = arith.constant 0 : i32
      %dma_wait3A_180 = tpu.memref_slice %arg2[%dma_wait3A_178, %dma_wait3A_179] : memref<10000x128xf32, #tpu.memory_space<hbm>> -> memref<10000x128xf32, #tpu.memory_space<hbm>>
      tpu.wait_indirect_dma semaphore(%arg18 : memref<!tpu.dma_semaphore, #tpu.memory_space<semaphore_mem>>) src(%dma_wait3A_180 : memref<10000x128xf32, #tpu.memory_space<hbm>>) dst(%arg13 : memref<80x128xf32, #tpu.memory_space<vmem>>)
      %get3A_181 = arith.index_cast %add3A_174 : i32 to index
      %get3A_182 = arith.constant 0 : index
      %get3A_183 = tpu.vector_load %arg8[%get3A_181, %get3A_182] {strides = array<i32>} : memref<125x80xi32, #tpu.memory_space<vmem>>, vector<1x16xi32>,
      %get3A_184 = vector.shape_cast %get3A_183 : vector<1x16xi32> to vector<16xi32>
      %sub3A_185 = vector.broadcast %mul3A_4 : i32 to vector<16xi32>
      %sub3A_186 = arith.subi %get3A_184, %sub3A_185 : vector<16xi32>
      %ge3A_187 = arith.constant 0 : i32
      %ge3A_188 = vector.broadcast %ge3A_187 : i32 to vector<16xi32>
      %ge3A_189 = arith.cmpi sge, %sub3A_186, %ge3A_188 : vector<16xi32>
      %lt3A_190 = arith.constant 5120 : i32
      %lt3A_191 = vector.broadcast %lt3A_190 : i32 to vector<16xi32>
      %lt3A_192 = arith.cmpi slt, %sub3A_186, %lt3A_191 : vector<16xi32>
      %and3A_193 = arith.andi %ge3A_189, %lt3A_192 : vector<16xi1>
      %and3A_194 = arith.constant 255 : i32
      %and3A_195 = vector.broadcast %and3A_194 : i32 to vector<16xi32>
      %and3A_196 = arith.andi %get3A_184, %and3A_195 : vector<16xi32>
      %add3A_197 = arith.constant 5120 : i32
      %add3A_198 = vector.broadcast %add3A_197 : i32 to vector<16xi32>
      %add3A_199 = arith.addi %add3A_198, %and3A_196 : vector<16xi32>
      %select_n3A_200 = arith.select %and3A_193, %sub3A_186, %add3A_199 : vector<16xi1>, vector<16xi32>
      %swap3A_201 = arith.constant 0 : index
      %swap3A_202 = tpu.vector_load %arg9[%swap3A_201] {strides = array<i32>} : memref<80xi32, #tpu.memory_space<vmem>>, vector<16xi32>,
      %swap3A_203 = vector.shape_cast %swap3A_202 : vector<16xi32> to vector<16xi32>
      %swap3A_204 = vector.shape_cast %select_n3A_200 : vector<16xi32> to vector<16xi32>
      tpu.vector_store %arg9[%swap3A_201], %swap3A_204 {strides = array<i32>} : memref<80xi32, #tpu.memory_space<vmem>>, vector<16xi32>,
      %get3A_205 = arith.index_cast %add3A_174 : i32 to index
      %get3A_206 = arith.constant 16 : index
      %get3A_207 = tpu.vector_load %arg8[%get3A_205, %get3A_206] {strides = array<i32>} : memref<125x80xi32, #tpu.memory_space<vmem>>, vector<1x16xi32>,
      %get3A_208 = vector.shape_cast %get3A_207 : vector<1x16xi32> to vector<16xi32>
      %sub3A_209 = vector.broadcast %mul3A_4 : i32 to vector<16xi32>
      %sub3A_210 = arith.subi %get3A_208, %sub3A_209 : vector<16xi32>
      %ge3A_211 = arith.constant 0 : i32
      %ge3A_212 = vector.broadcast %ge3A_211 : i32 to vector<16xi32>
      %ge3A_213 = arith.cmpi sge, %sub3A_210, %ge3A_212 : vector<16xi32>
      %lt3A_214 = arith.constant 5120 : i32
      %lt3A_215 = vector.broadcast %lt3A_214 : i32 to vector<16xi32>
      %lt3A_216 = arith.cmpi slt, %sub3A_210, %lt3A_215 : vector<16xi32>
      %and3A_217 = arith.andi %ge3A_213, %lt3A_216 : vector<16xi1>
      %and3A_218 = arith.constant 255 : i32
      %and3A_219 = vector.broadcast %and3A_218 : i32 to vector<16xi32>
      %and3A_220 = arith.andi %get3A_208, %and3A_219 : vector<16xi32>
      %add3A_221 = arith.constant 5120 : i32
      %add3A_222 = vector.broadcast %add3A_221 : i32 to vector<16xi32>
      %add3A_223 = arith.addi %add3A_222, %and3A_220 : vector<16xi32>
      %select_n3A_224 = arith.select %and3A_217, %sub3A_210, %add3A_223 : vector<16xi1>, vector<16xi32>
      %swap3A_225 = arith.constant 16 : index
      %swap3A_226 = tpu.vector_load %arg9[%swap3A_225] {strides = array<i32>} : memref<80xi32, #tpu.memory_space<vmem>>, vector<16xi32>,
      %swap3A_227 = vector.shape_cast %swap3A_226 : vector<16xi32> to vector<16xi32>
      %swap3A_228 = vector.shape_cast %select_n3A_224 : vector<16xi32> to vector<16xi32>
      tpu.vector_store %arg9[%swap3A_225], %swap3A_228 {strides = array<i32>} : memref<80xi32, #tpu.memory_space<vmem>>, vector<16xi32>,
      %get3A_229 = arith.index_cast %add3A_174 : i32 to index
      %get3A_230 = arith.constant 32 : index
      %get3A_231 = tpu.vector_load %arg8[%get3A_229, %get3A_230] {strides = array<i32>} : memref<125x80xi32, #tpu.memory_space<vmem>>, vector<1x16xi32>,
      %get3A_232 = vector.shape_cast %get3A_231 : vector<1x16xi32> to vector<16xi32>
      %sub3A_233 = vector.broadcast %mul3A_4 : i32 to vector<16xi32>
      %sub3A_234 = arith.subi %get3A_232, %sub3A_233 : vector<16xi32>
      %ge3A_235 = arith.constant 0 : i32
      %ge3A_236 = vector.broadcast %ge3A_235 : i32 to vector<16xi32>
      %ge3A_237 = arith.cmpi sge, %sub3A_234, %ge3A_236 : vector<16xi32>
      %lt3A_238 = arith.constant 5120 : i32
      %lt3A_239 = vector.broadcast %lt3A_238 : i32 to vector<16xi32>
      %lt3A_240 = arith.cmpi slt, %sub3A_234, %lt3A_239 : vector<16xi32>
      %and3A_241 = arith.andi %ge3A_237, %lt3A_240 : vector<16xi1>
      %and3A_242 = arith.constant 255 : i32
      %and3A_243 = vector.broadcast %and3A_242 : i32 to vector<16xi32>
      %and3A_244 = arith.andi %get3A_232, %and3A_243 : vector<16xi32>
      %add3A_245 = arith.constant 5120 : i32
      %add3A_246 = vector.broadcast %add3A_245 : i32 to vector<16xi32>
      %add3A_247 = arith.addi %add3A_246, %and3A_244 : vector<16xi32>
      %select_n3A_248 = arith.select %and3A_241, %sub3A_234, %add3A_247 : vector<16xi1>, vector<16xi32>
      %swap3A_249 = arith.constant 32 : index
      %swap3A_250 = tpu.vector_load %arg9[%swap3A_249] {strides = array<i32>} : memref<80xi32, #tpu.memory_space<vmem>>, vector<16xi32>,
      %swap3A_251 = vector.shape_cast %swap3A_250 : vector<16xi32> to vector<16xi32>
      %swap3A_252 = vector.shape_cast %select_n3A_248 : vector<16xi32> to vector<16xi32>
      tpu.vector_store %arg9[%swap3A_249], %swap3A_252 {strides = array<i32>} : memref<80xi32, #tpu.memory_space<vmem>>, vector<16xi32>,
      %get3A_253 = arith.index_cast %add3A_174 : i32 to index
      %get3A_254 = arith.constant 48 : index
      %get3A_255 = tpu.vector_load %arg8[%get3A_253, %get3A_254] {strides = array<i32>} : memref<125x80xi32, #tpu.memory_space<vmem>>, vector<1x16xi32>,
      %get3A_256 = vector.shape_cast %get3A_255 : vector<1x16xi32> to vector<16xi32>
      %sub3A_257 = vector.broadcast %mul3A_4 : i32 to vector<16xi32>
      %sub3A_258 = arith.subi %get3A_256, %sub3A_257 : vector<16xi32>
      %ge3A_259 = arith.constant 0 : i32
      %ge3A_260 = vector.broadcast %ge3A_259 : i32 to vector<16xi32>
      %ge3A_261 = arith.cmpi sge, %sub3A_258, %ge3A_260 : vector<16xi32>
      %lt3A_262 = arith.constant 5120 : i32
      %lt3A_263 = vector.broadcast %lt3A_262 : i32 to vector<16xi32>
      %lt3A_264 = arith.cmpi slt, %sub3A_258, %lt3A_263 : vector<16xi32>
      %and3A_265 = arith.andi %ge3A_261, %lt3A_264 : vector<16xi1>
      %and3A_266 = arith.constant 255 : i32
      %and3A_267 = vector.broadcast %and3A_266 : i32 to vector<16xi32>
      %and3A_268 = arith.andi %get3A_256, %and3A_267 : vector<16xi32>
      %add3A_269 = arith.constant 5120 : i32
      %add3A_270 = vector.broadcast %add3A_269 : i32 to vector<16xi32>
      %add3A_271 = arith.addi %add3A_270, %and3A_268 : vector<16xi32>
      %select_n3A_272 = arith.select %and3A_265, %sub3A_258, %add3A_271 : vector<16xi1>, vector<16xi32>
      %swap3A_273 = arith.constant 48 : index
      %swap3A_274 = tpu.vector_load %arg9[%swap3A_273] {strides = array<i32>} : memref<80xi32, #tpu.memory_space<vmem>>, vector<16xi32>,
      %swap3A_275 = vector.shape_cast %swap3A_274 : vector<16xi32> to vector<16xi32>
      %swap3A_276 = vector.shape_cast %select_n3A_272 : vector<16xi32> to vector<16xi32>
      tpu.vector_store %arg9[%swap3A_273], %swap3A_276 {strides = array<i32>} : memref<80xi32, #tpu.memory_space<vmem>>, vector<16xi32>,
      %get3A_277 = arith.index_cast %add3A_174 : i32 to index
      %get3A_278 = arith.constant 64 : index
      %get3A_279 = tpu.vector_load %arg8[%get3A_277, %get3A_278] {strides = array<i32>} : memref<125x80xi32, #tpu.memory_space<vmem>>, vector<1x16xi32>,
      %get3A_280 = vector.shape_cast %get3A_279 : vector<1x16xi32> to vector<16xi32>
      %sub3A_281 = vector.broadcast %mul3A_4 : i32 to vector<16xi32>
      %sub3A_282 = arith.subi %get3A_280, %sub3A_281 : vector<16xi32>
      %ge3A_283 = arith.constant 0 : i32
      %ge3A_284 = vector.broadcast %ge3A_283 : i32 to vector<16xi32>
      %ge3A_285 = arith.cmpi sge, %sub3A_282, %ge3A_284 : vector<16xi32>
      %lt3A_286 = arith.constant 5120 : i32
      %lt3A_287 = vector.broadcast %lt3A_286 : i32 to vector<16xi32>
      %lt3A_288 = arith.cmpi slt, %sub3A_282, %lt3A_287 : vector<16xi32>
      %and3A_289 = arith.andi %ge3A_285, %lt3A_288 : vector<16xi1>
      %and3A_290 = arith.constant 255 : i32
      %and3A_291 = vector.broadcast %and3A_290 : i32 to vector<16xi32>
      %and3A_292 = arith.andi %get3A_280, %and3A_291 : vector<16xi32>
      %add3A_293 = arith.constant 5120 : i32
      %add3A_294 = vector.broadcast %add3A_293 : i32 to vector<16xi32>
      %add3A_295 = arith.addi %add3A_294, %and3A_292 : vector<16xi32>
      %select_n3A_296 = arith.select %and3A_289, %sub3A_282, %add3A_295 : vector<16xi1>, vector<16xi32>
      %swap3A_297 = arith.constant 64 : index
      %swap3A_298 = tpu.vector_load %arg9[%swap3A_297] {strides = array<i32>} : memref<80xi32, #tpu.memory_space<vmem>>, vector<16xi32>,
      %swap3A_299 = vector.shape_cast %swap3A_298 : vector<16xi32> to vector<16xi32>
      %swap3A_300 = vector.shape_cast %select_n3A_296 : vector<16xi32> to vector<16xi32>
      tpu.vector_store %arg9[%swap3A_297], %swap3A_300 {strides = array<i32>} : memref<80xi32, #tpu.memory_space<vmem>>, vector<16xi32>,
      %dma_start3A_301 = arith.constant 0 : i32
      %dma_start3A_302 = arith.constant 0 : i32
      %dma_start3A_303 = tpu.memref_slice %arg17[%dma_start3A_301, %dma_start3A_302] : memref<5376x128xf32, #tpu.memory_space<vmem_shared>> -> memref<5376x128xf32, #tpu.memory_space<vmem_shared>>
      tpu.enqueue_indirect_dma source(%arg13 : memref<80x128xf32, #tpu.memory_space<vmem>>) target(%dma_start3A_303 : memref<5376x128xf32, #tpu.memory_space<vmem_shared>>) offsets(%arg9 : memref<80xi32, #tpu.memory_space<vmem>>) semaphore(%arg22 : memref<!tpu.dma_semaphore, #tpu.memory_space<semaphore_mem>>) {add = true}
      %ge3A_304 = arith.constant 2 : i32
      %ge3A_305 = arith.cmpi sge, %add3A_174, %ge3A_304 : i32
      %add3A_306 = arith.constant 2 : i32
      %add3A_307 = arith.addi %add3A_174, %add3A_306 : i32
      %lt3A_308 = arith.constant 125 : i32
      %lt3A_309 = arith.cmpi slt, %add3A_307, %lt3A_308 : i32
      %and3A_310 = arith.andi %ge3A_305, %lt3A_309 : i1
      %convert_element_type3A = arith.extui %and3A_310 : i1 to i32
      %cond3A = arith.constant 0 : i32
      %cond3A_311 = arith.cmpi ne, %convert_element_type3A, %cond3A : i32
      scf.if %cond3A_311 {
        %dma_wait3A_763 = arith.constant 0 : i32
        %dma_wait3A_764 = arith.constant 0 : i32
        %dma_wait3A_765 = tpu.memref_slice %arg17[%dma_wait3A_763, %dma_wait3A_764] : memref<5376x128xf32, #tpu.memory_space<vmem_shared>> -> memref<5376x128xf32, #tpu.memory_space<vmem_shared>>
        tpu.wait_indirect_dma semaphore(%arg24 : memref<!tpu.dma_semaphore, #tpu.memory_space<semaphore_mem>>) src(%arg15 : memref<80x128xf32, #tpu.memory_space<vmem>>) dst(%dma_wait3A_765 : memref<5376x128xf32, #tpu.memory_space<vmem_shared>>)
      } else {
      }
      %add3A_312 = arith.constant 2 : i32
      %add3A_313 = arith.addi %add3A_174, %add3A_312 : i32
      %lt3A_314 = arith.constant 125 : i32
      %lt3A_315 = arith.cmpi slt, %add3A_313, %lt3A_314 : i32
      %convert_element_type3A_316 = arith.extui %lt3A_315 : i1 to i32
      %cond3A_317 = arith.constant 0 : i32
      %cond3A_318 = arith.cmpi ne, %convert_element_type3A_316, %cond3A_317 : i32
      scf.if %cond3A_318 {
        %add3A_763 = arith.constant 2 : i32
        %add3A_764 = arith.addi %add3A_174, %add3A_763 : i32
        %dma_start3A_765 = arith.constant 0 : i32
        %dma_start3A_766 = tpu.memref_slice %arg7[%add3A_764, %dma_start3A_765] : memref<125x80xi32, #tpu.memory_space<vmem>> -> memref<1x80xi32, #tpu.memory_space<vmem>>
        %dma_start3A_767 = tpu.memref_squeeze %dma_start3A_766 : memref<1x80xi32, #tpu.memory_space<vmem>> -> memref<80xi32, #tpu.memory_space<vmem>>
        %dma_start3A_768 = arith.constant 0 : i32
        %dma_start3A_769 = arith.constant 0 : i32
        %dma_start3A_770 = tpu.memref_slice %arg2[%dma_start3A_768, %dma_start3A_769] : memref<10000x128xf32, #tpu.memory_space<hbm>> -> memref<10000x128xf32, #tpu.memory_space<hbm>>
        tpu.enqueue_indirect_dma source(%dma_start3A_770 : memref<10000x128xf32, #tpu.memory_space<hbm>>) target(%arg15 : memref<80x128xf32, #tpu.memory_space<vmem>>) offsets(%dma_start3A_767 : memref<80xi32, #tpu.memory_space<vmem>>) semaphore(%arg20 : memref<!tpu.dma_semaphore, #tpu.memory_space<semaphore_mem>>)
      } else {
      }
      %add3A_319 = arith.constant 1 : i32
      %add3A_320 = arith.addi %mul3A_172, %add3A_319 : i32
      %dma_wait3A_321 = arith.constant 0 : i32
      %dma_wait3A_322 = tpu.memref_slice %arg7[%add3A_320, %dma_wait3A_321] : memref<125x80xi32, #tpu.memory_space<vmem>> -> memref<1x80xi32, #tpu.memory_space<vmem>>
      %dma_wait3A_323 = tpu.memref_squeeze %dma_wait3A_322 : memref<1x80xi32, #tpu.memory_space<vmem>> -> memref<80xi32, #tpu.memory_space<vmem>>
      %dma_wait3A_324 = arith.constant 0 : i32
      %dma_wait3A_325 = arith.constant 0 : i32
      %dma_wait3A_326 = tpu.memref_slice %arg2[%dma_wait3A_324, %dma_wait3A_325] : memref<10000x128xf32, #tpu.memory_space<hbm>> -> memref<10000x128xf32, #tpu.memory_space<hbm>>
      tpu.wait_indirect_dma semaphore(%arg19 : memref<!tpu.dma_semaphore, #tpu.memory_space<semaphore_mem>>) src(%dma_wait3A_326 : memref<10000x128xf32, #tpu.memory_space<hbm>>) dst(%arg14 : memref<80x128xf32, #tpu.memory_space<vmem>>)
      %get3A_327 = arith.index_cast %add3A_320 : i32 to index
      %get3A_328 = arith.constant 0 : index
      %get3A_329 = tpu.vector_load %arg8[%get3A_327, %get3A_328] {strides = array<i32>} : memref<125x80xi32, #tpu.memory_space<vmem>>, vector<1x16xi32>,
      %get3A_330 = vector.shape_cast %get3A_329 : vector<1x16xi32> to vector<16xi32>
      %sub3A_331 = vector.broadcast %mul3A_4 : i32 to vector<16xi32>
      %sub3A_332 = arith.subi %get3A_330, %sub3A_331 : vector<16xi32>
      %ge3A_333 = arith.constant 0 : i32
      %ge3A_334 = vector.broadcast %ge3A_333 : i32 to vector<16xi32>
      %ge3A_335 = arith.cmpi sge, %sub3A_332, %ge3A_334 : vector<16xi32>
      %lt3A_336 = arith.constant 5120 : i32
      %lt3A_337 = vector.broadcast %lt3A_336 : i32 to vector<16xi32>
      %lt3A_338 = arith.cmpi slt, %sub3A_332, %lt3A_337 : vector<16xi32>
      %and3A_339 = arith.andi %ge3A_335, %lt3A_338 : vector<16xi1>
      %and3A_340 = arith.constant 255 : i32
      %and3A_341 = vector.broadcast %and3A_340 : i32 to vector<16xi32>
      %and3A_342 = arith.andi %get3A_330, %and3A_341 : vector<16xi32>
      %add3A_343 = arith.constant 5120 : i32
      %add3A_344 = vector.broadcast %add3A_343 : i32 to vector<16xi32>
      %add3A_345 = arith.addi %add3A_344, %and3A_342 : vector<16xi32>
      %select_n3A_346 = arith.select %and3A_339, %sub3A_332, %add3A_345 : vector<16xi1>, vector<16xi32>
      %swap3A_347 = arith.constant 0 : index
      %swap3A_348 = tpu.vector_load %arg10[%swap3A_347] {strides = array<i32>} : memref<80xi32, #tpu.memory_space<vmem>>, vector<16xi32>,
      %swap3A_349 = vector.shape_cast %swap3A_348 : vector<16xi32> to vector<16xi32>
      %swap3A_350 = vector.shape_cast %select_n3A_346 : vector<16xi32> to vector<16xi32>
      tpu.vector_store %arg10[%swap3A_347], %swap3A_350 {strides = array<i32>} : memref<80xi32, #tpu.memory_space<vmem>>, vector<16xi32>,
      %get3A_351 = arith.index_cast %add3A_320 : i32 to index
      %get3A_352 = arith.constant 16 : index
      %get3A_353 = tpu.vector_load %arg8[%get3A_351, %get3A_352] {strides = array<i32>} : memref<125x80xi32, #tpu.memory_space<vmem>>, vector<1x16xi32>,
      %get3A_354 = vector.shape_cast %get3A_353 : vector<1x16xi32> to vector<16xi32>
      %sub3A_355 = vector.broadcast %mul3A_4 : i32 to vector<16xi32>
      %sub3A_356 = arith.subi %get3A_354, %sub3A_355 : vector<16xi32>
      %ge3A_357 = arith.constant 0 : i32
      %ge3A_358 = vector.broadcast %ge3A_357 : i32 to vector<16xi32>
      %ge3A_359 = arith.cmpi sge, %sub3A_356, %ge3A_358 : vector<16xi32>
      %lt3A_360 = arith.constant 5120 : i32
      %lt3A_361 = vector.broadcast %lt3A_360 : i32 to vector<16xi32>
      %lt3A_362 = arith.cmpi slt, %sub3A_356, %lt3A_361 : vector<16xi32>
      %and3A_363 = arith.andi %ge3A_359, %lt3A_362 : vector<16xi1>
      %and3A_364 = arith.constant 255 : i32
      %and3A_365 = vector.broadcast %and3A_364 : i32 to vector<16xi32>
      %and3A_366 = arith.andi %get3A_354, %and3A_365 : vector<16xi32>
      %add3A_367 = arith.constant 5120 : i32
      %add3A_368 = vector.broadcast %add3A_367 : i32 to vector<16xi32>
      %add3A_369 = arith.addi %add3A_368, %and3A_366 : vector<16xi32>
      %select_n3A_370 = arith.select %and3A_363, %sub3A_356, %add3A_369 : vector<16xi1>, vector<16xi32>
      %swap3A_371 = arith.constant 16 : index
      %swap3A_372 = tpu.vector_load %arg10[%swap3A_371] {strides = array<i32>} : memref<80xi32, #tpu.memory_space<vmem>>, vector<16xi32>,
      %swap3A_373 = vector.shape_cast %swap3A_372 : vector<16xi32> to vector<16xi32>
      %swap3A_374 = vector.shape_cast %select_n3A_370 : vector<16xi32> to vector<16xi32>
      tpu.vector_store %arg10[%swap3A_371], %swap3A_374 {strides = array<i32>} : memref<80xi32, #tpu.memory_space<vmem>>, vector<16xi32>,
      %get3A_375 = arith.index_cast %add3A_320 : i32 to index
      %get3A_376 = arith.constant 32 : index
      %get3A_377 = tpu.vector_load %arg8[%get3A_375, %get3A_376] {strides = array<i32>} : memref<125x80xi32, #tpu.memory_space<vmem>>, vector<1x16xi32>,
      %get3A_378 = vector.shape_cast %get3A_377 : vector<1x16xi32> to vector<16xi32>
      %sub3A_379 = vector.broadcast %mul3A_4 : i32 to vector<16xi32>
      %sub3A_380 = arith.subi %get3A_378, %sub3A_379 : vector<16xi32>
      %ge3A_381 = arith.constant 0 : i32
      %ge3A_382 = vector.broadcast %ge3A_381 : i32 to vector<16xi32>
      %ge3A_383 = arith.cmpi sge, %sub3A_380, %ge3A_382 : vector<16xi32>
      %lt3A_384 = arith.constant 5120 : i32
      %lt3A_385 = vector.broadcast %lt3A_384 : i32 to vector<16xi32>
      %lt3A_386 = arith.cmpi slt, %sub3A_380, %lt3A_385 : vector<16xi32>
      %and3A_387 = arith.andi %ge3A_383, %lt3A_386 : vector<16xi1>
      %and3A_388 = arith.constant 255 : i32
      %and3A_389 = vector.broadcast %and3A_388 : i32 to vector<16xi32>
      %and3A_390 = arith.andi %get3A_378, %and3A_389 : vector<16xi32>
      %add3A_391 = arith.constant 5120 : i32
      %add3A_392 = vector.broadcast %add3A_391 : i32 to vector<16xi32>
      %add3A_393 = arith.addi %add3A_392, %and3A_390 : vector<16xi32>
      %select_n3A_394 = arith.select %and3A_387, %sub3A_380, %add3A_393 : vector<16xi1>, vector<16xi32>
      %swap3A_395 = arith.constant 32 : index
      %swap3A_396 = tpu.vector_load %arg10[%swap3A_395] {strides = array<i32>} : memref<80xi32, #tpu.memory_space<vmem>>, vector<16xi32>,
      %swap3A_397 = vector.shape_cast %swap3A_396 : vector<16xi32> to vector<16xi32>
      %swap3A_398 = vector.shape_cast %select_n3A_394 : vector<16xi32> to vector<16xi32>
      tpu.vector_store %arg10[%swap3A_395], %swap3A_398 {strides = array<i32>} : memref<80xi32, #tpu.memory_space<vmem>>, vector<16xi32>,
      %get3A_399 = arith.index_cast %add3A_320 : i32 to index
      %get3A_400 = arith.constant 48 : index
      %get3A_401 = tpu.vector_load %arg8[%get3A_399, %get3A_400] {strides = array<i32>} : memref<125x80xi32, #tpu.memory_space<vmem>>, vector<1x16xi32>,
      %get3A_402 = vector.shape_cast %get3A_401 : vector<1x16xi32> to vector<16xi32>
      %sub3A_403 = vector.broadcast %mul3A_4 : i32 to vector<16xi32>
      %sub3A_404 = arith.subi %get3A_402, %sub3A_403 : vector<16xi32>
      %ge3A_405 = arith.constant 0 : i32
      %ge3A_406 = vector.broadcast %ge3A_405 : i32 to vector<16xi32>
      %ge3A_407 = arith.cmpi sge, %sub3A_404, %ge3A_406 : vector<16xi32>
      %lt3A_408 = arith.constant 5120 : i32
      %lt3A_409 = vector.broadcast %lt3A_408 : i32 to vector<16xi32>
      %lt3A_410 = arith.cmpi slt, %sub3A_404, %lt3A_409 : vector<16xi32>
      %and3A_411 = arith.andi %ge3A_407, %lt3A_410 : vector<16xi1>
      %and3A_412 = arith.constant 255 : i32
      %and3A_413 = vector.broadcast %and3A_412 : i32 to vector<16xi32>
      %and3A_414 = arith.andi %get3A_402, %and3A_413 : vector<16xi32>
      %add3A_415 = arith.constant 5120 : i32
      %add3A_416 = vector.broadcast %add3A_415 : i32 to vector<16xi32>
      %add3A_417 = arith.addi %add3A_416, %and3A_414 : vector<16xi32>
      %select_n3A_418 = arith.select %and3A_411, %sub3A_404, %add3A_417 : vector<16xi1>, vector<16xi32>
      %swap3A_419 = arith.constant 48 : index
      %swap3A_420 = tpu.vector_load %arg10[%swap3A_419] {strides = array<i32>} : memref<80xi32, #tpu.memory_space<vmem>>, vector<16xi32>,
      %swap3A_421 = vector.shape_cast %swap3A_420 : vector<16xi32> to vector<16xi32>
      %swap3A_422 = vector.shape_cast %select_n3A_418 : vector<16xi32> to vector<16xi32>
      tpu.vector_store %arg10[%swap3A_419], %swap3A_422 {strides = array<i32>} : memref<80xi32, #tpu.memory_space<vmem>>, vector<16xi32>,
      %get3A_423 = arith.index_cast %add3A_320 : i32 to index
      %get3A_424 = arith.constant 64 : index
      %get3A_425 = tpu.vector_load %arg8[%get3A_423, %get3A_424] {strides = array<i32>} : memref<125x80xi32, #tpu.memory_space<vmem>>, vector<1x16xi32>,
      %get3A_426 = vector.shape_cast %get3A_425 : vector<1x16xi32> to vector<16xi32>
      %sub3A_427 = vector.broadcast %mul3A_4 : i32 to vector<16xi32>
      %sub3A_428 = arith.subi %get3A_426, %sub3A_427 : vector<16xi32>
      %ge3A_429 = arith.constant 0 : i32
      %ge3A_430 = vector.broadcast %ge3A_429 : i32 to vector<16xi32>
      %ge3A_431 = arith.cmpi sge, %sub3A_428, %ge3A_430 : vector<16xi32>
      %lt3A_432 = arith.constant 5120 : i32
      %lt3A_433 = vector.broadcast %lt3A_432 : i32 to vector<16xi32>
      %lt3A_434 = arith.cmpi slt, %sub3A_428, %lt3A_433 : vector<16xi32>
      %and3A_435 = arith.andi %ge3A_431, %lt3A_434 : vector<16xi1>
      %and3A_436 = arith.constant 255 : i32
      %and3A_437 = vector.broadcast %and3A_436 : i32 to vector<16xi32>
      %and3A_438 = arith.andi %get3A_426, %and3A_437 : vector<16xi32>
      %add3A_439 = arith.constant 5120 : i32
      %add3A_440 = vector.broadcast %add3A_439 : i32 to vector<16xi32>
      %add3A_441 = arith.addi %add3A_440, %and3A_438 : vector<16xi32>
      %select_n3A_442 = arith.select %and3A_435, %sub3A_428, %add3A_441 : vector<16xi1>, vector<16xi32>
      %swap3A_443 = arith.constant 64 : index
      %swap3A_444 = tpu.vector_load %arg10[%swap3A_443] {strides = array<i32>} : memref<80xi32, #tpu.memory_space<vmem>>, vector<16xi32>,
      %swap3A_445 = vector.shape_cast %swap3A_444 : vector<16xi32> to vector<16xi32>
      %swap3A_446 = vector.shape_cast %select_n3A_442 : vector<16xi32> to vector<16xi32>
      tpu.vector_store %arg10[%swap3A_443], %swap3A_446 {strides = array<i32>} : memref<80xi32, #tpu.memory_space<vmem>>, vector<16xi32>,
      %dma_start3A_447 = arith.constant 0 : i32
      %dma_start3A_448 = arith.constant 0 : i32
      %dma_start3A_449 = tpu.memref_slice %arg17[%dma_start3A_447, %dma_start3A_448] : memref<5376x128xf32, #tpu.memory_space<vmem_shared>> -> memref<5376x128xf32, #tpu.memory_space<vmem_shared>>
      tpu.enqueue_indirect_dma source(%arg14 : memref<80x128xf32, #tpu.memory_space<vmem>>) target(%dma_start3A_449 : memref<5376x128xf32, #tpu.memory_space<vmem_shared>>) offsets(%arg10 : memref<80xi32, #tpu.memory_space<vmem>>) semaphore(%arg23 : memref<!tpu.dma_semaphore, #tpu.memory_space<semaphore_mem>>) {add = true}
      %ge3A_450 = arith.constant 2 : i32
      %ge3A_451 = arith.cmpi sge, %add3A_320, %ge3A_450 : i32
      %add3A_452 = arith.constant 2 : i32
      %add3A_453 = arith.addi %add3A_320, %add3A_452 : i32
      %lt3A_454 = arith.constant 125 : i32
      %lt3A_455 = arith.cmpi slt, %add3A_453, %lt3A_454 : i32
      %and3A_456 = arith.andi %ge3A_451, %lt3A_455 : i1
      %convert_element_type3A_457 = arith.extui %and3A_456 : i1 to i32
      %cond3A_458 = arith.constant 0 : i32
      %cond3A_459 = arith.cmpi ne, %convert_element_type3A_457, %cond3A_458 : i32
      scf.if %cond3A_459 {
        %dma_wait3A_763 = arith.constant 0 : i32
        %dma_wait3A_764 = arith.constant 0 : i32
        %dma_wait3A_765 = tpu.memref_slice %arg17[%dma_wait3A_763, %dma_wait3A_764] : memref<5376x128xf32, #tpu.memory_space<vmem_shared>> -> memref<5376x128xf32, #tpu.memory_space<vmem_shared>>
        tpu.wait_indirect_dma semaphore(%arg25 : memref<!tpu.dma_semaphore, #tpu.memory_space<semaphore_mem>>) src(%arg16 : memref<80x128xf32, #tpu.memory_space<vmem>>) dst(%dma_wait3A_765 : memref<5376x128xf32, #tpu.memory_space<vmem_shared>>)
      } else {
      }
      %add3A_460 = arith.constant 2 : i32
      %add3A_461 = arith.addi %add3A_320, %add3A_460 : i32
      %lt3A_462 = arith.constant 125 : i32
      %lt3A_463 = arith.cmpi slt, %add3A_461, %lt3A_462 : i32
      %convert_element_type3A_464 = arith.extui %lt3A_463 : i1 to i32
      %cond3A_465 = arith.constant 0 : i32
      %cond3A_466 = arith.cmpi ne, %convert_element_type3A_464, %cond3A_465 : i32
      scf.if %cond3A_466 {
        %add3A_763 = arith.constant 2 : i32
        %add3A_764 = arith.addi %add3A_320, %add3A_763 : i32
        %dma_start3A_765 = arith.constant 0 : i32
        %dma_start3A_766 = tpu.memref_slice %arg7[%add3A_764, %dma_start3A_765] : memref<125x80xi32, #tpu.memory_space<vmem>> -> memref<1x80xi32, #tpu.memory_space<vmem>>
        %dma_start3A_767 = tpu.memref_squeeze %dma_start3A_766 : memref<1x80xi32, #tpu.memory_space<vmem>> -> memref<80xi32, #tpu.memory_space<vmem>>
        %dma_start3A_768 = arith.constant 0 : i32
        %dma_start3A_769 = arith.constant 0 : i32
        %dma_start3A_770 = tpu.memref_slice %arg2[%dma_start3A_768, %dma_start3A_769] : memref<10000x128xf32, #tpu.memory_space<hbm>> -> memref<10000x128xf32, #tpu.memory_space<hbm>>
        tpu.enqueue_indirect_dma source(%dma_start3A_770 : memref<10000x128xf32, #tpu.memory_space<hbm>>) target(%arg16 : memref<80x128xf32, #tpu.memory_space<vmem>>) offsets(%dma_start3A_767 : memref<80xi32, #tpu.memory_space<vmem>>) semaphore(%arg21 : memref<!tpu.dma_semaphore, #tpu.memory_space<semaphore_mem>>)
      } else {
      }
      %add3A_467 = arith.constant 2 : i32
      %add3A_468 = arith.addi %mul3A_172, %add3A_467 : i32
      %dma_wait3A_469 = arith.constant 0 : i32
      %dma_wait3A_470 = tpu.memref_slice %arg7[%add3A_468, %dma_wait3A_469] : memref<125x80xi32, #tpu.memory_space<vmem>> -> memref<1x80xi32, #tpu.memory_space<vmem>>
      %dma_wait3A_471 = tpu.memref_squeeze %dma_wait3A_470 : memref<1x80xi32, #tpu.memory_space<vmem>> -> memref<80xi32, #tpu.memory_space<vmem>>
      %dma_wait3A_472 = arith.constant 0 : i32
      %dma_wait3A_473 = arith.constant 0 : i32
      %dma_wait3A_474 = tpu.memref_slice %arg2[%dma_wait3A_472, %dma_wait3A_473] : memref<10000x128xf32, #tpu.memory_space<hbm>> -> memref<10000x128xf32, #tpu.memory_space<hbm>>
      tpu.wait_indirect_dma semaphore(%arg20 : memref<!tpu.dma_semaphore, #tpu.memory_space<semaphore_mem>>) src(%dma_wait3A_474 : memref<10000x128xf32, #tpu.memory_space<hbm>>) dst(%arg15 : memref<80x128xf32, #tpu.memory_space<vmem>>)
      %get3A_475 = arith.index_cast %add3A_468 : i32 to index
      %get3A_476 = arith.constant 0 : index
      %get3A_477 = tpu.vector_load %arg8[%get3A_475, %get3A_476] {strides = array<i32>} : memref<125x80xi32, #tpu.memory_space<vmem>>, vector<1x16xi32>,
      %get3A_478 = vector.shape_cast %get3A_477 : vector<1x16xi32> to vector<16xi32>
      %sub3A_479 = vector.broadcast %mul3A_4 : i32 to vector<16xi32>
      %sub3A_480 = arith.subi %get3A_478, %sub3A_479 : vector<16xi32>
      %ge3A_481 = arith.constant 0 : i32
      %ge3A_482 = vector.broadcast %ge3A_481 : i32 to vector<16xi32>
      %ge3A_483 = arith.cmpi sge, %sub3A_480, %ge3A_482 : vector<16xi32>
      %lt3A_484 = arith.constant 5120 : i32
      %lt3A_485 = vector.broadcast %lt3A_484 : i32 to vector<16xi32>
      %lt3A_486 = arith.cmpi slt, %sub3A_480, %lt3A_485 : vector<16xi32>
      %and3A_487 = arith.andi %ge3A_483, %lt3A_486 : vector<16xi1>
      %and3A_488 = arith.constant 255 : i32
      %and3A_489 = vector.broadcast %and3A_488 : i32 to vector<16xi32>
      %and3A_490 = arith.andi %get3A_478, %and3A_489 : vector<16xi32>
      %add3A_491 = arith.constant 5120 : i32
      %add3A_492 = vector.broadcast %add3A_491 : i32 to vector<16xi32>
      %add3A_493 = arith.addi %add3A_492, %and3A_490 : vector<16xi32>
      %select_n3A_494 = arith.select %and3A_487, %sub3A_480, %add3A_493 : vector<16xi1>, vector<16xi32>
      %swap3A_495 = arith.constant 0 : index
      %swap3A_496 = tpu.vector_load %arg11[%swap3A_495] {strides = array<i32>} : memref<80xi32, #tpu.memory_space<vmem>>, vector<16xi32>,
      %swap3A_497 = vector.shape_cast %swap3A_496 : vector<16xi32> to vector<16xi32>
      %swap3A_498 = vector.shape_cast %select_n3A_494 : vector<16xi32> to vector<16xi32>
      tpu.vector_store %arg11[%swap3A_495], %swap3A_498 {strides = array<i32>} : memref<80xi32, #tpu.memory_space<vmem>>, vector<16xi32>,
      %get3A_499 = arith.index_cast %add3A_468 : i32 to index
      %get3A_500 = arith.constant 16 : index
      %get3A_501 = tpu.vector_load %arg8[%get3A_499, %get3A_500] {strides = array<i32>} : memref<125x80xi32, #tpu.memory_space<vmem>>, vector<1x16xi32>,
      %get3A_502 = vector.shape_cast %get3A_501 : vector<1x16xi32> to vector<16xi32>
      %sub3A_503 = vector.broadcast %mul3A_4 : i32 to vector<16xi32>
      %sub3A_504 = arith.subi %get3A_502, %sub3A_503 : vector<16xi32>
      %ge3A_505 = arith.constant 0 : i32
      %ge3A_506 = vector.broadcast %ge3A_505 : i32 to vector<16xi32>
      %ge3A_507 = arith.cmpi sge, %sub3A_504, %ge3A_506 : vector<16xi32>
      %lt3A_508 = arith.constant 5120 : i32
      %lt3A_509 = vector.broadcast %lt3A_508 : i32 to vector<16xi32>
      %lt3A_510 = arith.cmpi slt, %sub3A_504, %lt3A_509 : vector<16xi32>
      %and3A_511 = arith.andi %ge3A_507, %lt3A_510 : vector<16xi1>
      %and3A_512 = arith.constant 255 : i32
      %and3A_513 = vector.broadcast %and3A_512 : i32 to vector<16xi32>
      %and3A_514 = arith.andi %get3A_502, %and3A_513 : vector<16xi32>
      %add3A_515 = arith.constant 5120 : i32
      %add3A_516 = vector.broadcast %add3A_515 : i32 to vector<16xi32>
      %add3A_517 = arith.addi %add3A_516, %and3A_514 : vector<16xi32>
      %select_n3A_518 = arith.select %and3A_511, %sub3A_504, %add3A_517 : vector<16xi1>, vector<16xi32>
      %swap3A_519 = arith.constant 16 : index
      %swap3A_520 = tpu.vector_load %arg11[%swap3A_519] {strides = array<i32>} : memref<80xi32, #tpu.memory_space<vmem>>, vector<16xi32>,
      %swap3A_521 = vector.shape_cast %swap3A_520 : vector<16xi32> to vector<16xi32>
      %swap3A_522 = vector.shape_cast %select_n3A_518 : vector<16xi32> to vector<16xi32>
      tpu.vector_store %arg11[%swap3A_519], %swap3A_522 {strides = array<i32>} : memref<80xi32, #tpu.memory_space<vmem>>, vector<16xi32>,
      %get3A_523 = arith.index_cast %add3A_468 : i32 to index
      %get3A_524 = arith.constant 32 : index
      %get3A_525 = tpu.vector_load %arg8[%get3A_523, %get3A_524] {strides = array<i32>} : memref<125x80xi32, #tpu.memory_space<vmem>>, vector<1x16xi32>,
      %get3A_526 = vector.shape_cast %get3A_525 : vector<1x16xi32> to vector<16xi32>
      %sub3A_527 = vector.broadcast %mul3A_4 : i32 to vector<16xi32>
      %sub3A_528 = arith.subi %get3A_526, %sub3A_527 : vector<16xi32>
      %ge3A_529 = arith.constant 0 : i32
      %ge3A_530 = vector.broadcast %ge3A_529 : i32 to vector<16xi32>
      %ge3A_531 = arith.cmpi sge, %sub3A_528, %ge3A_530 : vector<16xi32>
      %lt3A_532 = arith.constant 5120 : i32
      %lt3A_533 = vector.broadcast %lt3A_532 : i32 to vector<16xi32>
      %lt3A_534 = arith.cmpi slt, %sub3A_528, %lt3A_533 : vector<16xi32>
      %and3A_535 = arith.andi %ge3A_531, %lt3A_534 : vector<16xi1>
      %and3A_536 = arith.constant 255 : i32
      %and3A_537 = vector.broadcast %and3A_536 : i32 to vector<16xi32>
      %and3A_538 = arith.andi %get3A_526, %and3A_537 : vector<16xi32>
      %add3A_539 = arith.constant 5120 : i32
      %add3A_540 = vector.broadcast %add3A_539 : i32 to vector<16xi32>
      %add3A_541 = arith.addi %add3A_540, %and3A_538 : vector<16xi32>
      %select_n3A_542 = arith.select %and3A_535, %sub3A_528, %add3A_541 : vector<16xi1>, vector<16xi32>
      %swap3A_543 = arith.constant 32 : index
      %swap3A_544 = tpu.vector_load %arg11[%swap3A_543] {strides = array<i32>} : memref<80xi32, #tpu.memory_space<vmem>>, vector<16xi32>,
      %swap3A_545 = vector.shape_cast %swap3A_544 : vector<16xi32> to vector<16xi32>
      %swap3A_546 = vector.shape_cast %select_n3A_542 : vector<16xi32> to vector<16xi32>
      tpu.vector_store %arg11[%swap3A_543], %swap3A_546 {strides = array<i32>} : memref<80xi32, #tpu.memory_space<vmem>>, vector<16xi32>,
      %get3A_547 = arith.index_cast %add3A_468 : i32 to index
      %get3A_548 = arith.constant 48 : index
      %get3A_549 = tpu.vector_load %arg8[%get3A_547, %get3A_548] {strides = array<i32>} : memref<125x80xi32, #tpu.memory_space<vmem>>, vector<1x16xi32>,
      %get3A_550 = vector.shape_cast %get3A_549 : vector<1x16xi32> to vector<16xi32>
      %sub3A_551 = vector.broadcast %mul3A_4 : i32 to vector<16xi32>
      %sub3A_552 = arith.subi %get3A_550, %sub3A_551 : vector<16xi32>
      %ge3A_553 = arith.constant 0 : i32
      %ge3A_554 = vector.broadcast %ge3A_553 : i32 to vector<16xi32>
      %ge3A_555 = arith.cmpi sge, %sub3A_552, %ge3A_554 : vector<16xi32>
      %lt3A_556 = arith.constant 5120 : i32
      %lt3A_557 = vector.broadcast %lt3A_556 : i32 to vector<16xi32>
      %lt3A_558 = arith.cmpi slt, %sub3A_552, %lt3A_557 : vector<16xi32>
      %and3A_559 = arith.andi %ge3A_555, %lt3A_558 : vector<16xi1>
      %and3A_560 = arith.constant 255 : i32
      %and3A_561 = vector.broadcast %and3A_560 : i32 to vector<16xi32>
      %and3A_562 = arith.andi %get3A_550, %and3A_561 : vector<16xi32>
      %add3A_563 = arith.constant 5120 : i32
      %add3A_564 = vector.broadcast %add3A_563 : i32 to vector<16xi32>
      %add3A_565 = arith.addi %add3A_564, %and3A_562 : vector<16xi32>
      %select_n3A_566 = arith.select %and3A_559, %sub3A_552, %add3A_565 : vector<16xi1>, vector<16xi32>
      %swap3A_567 = arith.constant 48 : index
      %swap3A_568 = tpu.vector_load %arg11[%swap3A_567] {strides = array<i32>} : memref<80xi32, #tpu.memory_space<vmem>>, vector<16xi32>,
      %swap3A_569 = vector.shape_cast %swap3A_568 : vector<16xi32> to vector<16xi32>
      %swap3A_570 = vector.shape_cast %select_n3A_566 : vector<16xi32> to vector<16xi32>
      tpu.vector_store %arg11[%swap3A_567], %swap3A_570 {strides = array<i32>} : memref<80xi32, #tpu.memory_space<vmem>>, vector<16xi32>,
      %get3A_571 = arith.index_cast %add3A_468 : i32 to index
      %get3A_572 = arith.constant 64 : index
      %get3A_573 = tpu.vector_load %arg8[%get3A_571, %get3A_572] {strides = array<i32>} : memref<125x80xi32, #tpu.memory_space<vmem>>, vector<1x16xi32>,
      %get3A_574 = vector.shape_cast %get3A_573 : vector<1x16xi32> to vector<16xi32>
      %sub3A_575 = vector.broadcast %mul3A_4 : i32 to vector<16xi32>
      %sub3A_576 = arith.subi %get3A_574, %sub3A_575 : vector<16xi32>
      %ge3A_577 = arith.constant 0 : i32
      %ge3A_578 = vector.broadcast %ge3A_577 : i32 to vector<16xi32>
      %ge3A_579 = arith.cmpi sge, %sub3A_576, %ge3A_578 : vector<16xi32>
      %lt3A_580 = arith.constant 5120 : i32
      %lt3A_581 = vector.broadcast %lt3A_580 : i32 to vector<16xi32>
      %lt3A_582 = arith.cmpi slt, %sub3A_576, %lt3A_581 : vector<16xi32>
      %and3A_583 = arith.andi %ge3A_579, %lt3A_582 : vector<16xi1>
      %and3A_584 = arith.constant 255 : i32
      %and3A_585 = vector.broadcast %and3A_584 : i32 to vector<16xi32>
      %and3A_586 = arith.andi %get3A_574, %and3A_585 : vector<16xi32>
      %add3A_587 = arith.constant 5120 : i32
      %add3A_588 = vector.broadcast %add3A_587 : i32 to vector<16xi32>
      %add3A_589 = arith.addi %add3A_588, %and3A_586 : vector<16xi32>
      %select_n3A_590 = arith.select %and3A_583, %sub3A_576, %add3A_589 : vector<16xi1>, vector<16xi32>
      %swap3A_591 = arith.constant 64 : index
      %swap3A_592 = tpu.vector_load %arg11[%swap3A_591] {strides = array<i32>} : memref<80xi32, #tpu.memory_space<vmem>>, vector<16xi32>,
      %swap3A_593 = vector.shape_cast %swap3A_592 : vector<16xi32> to vector<16xi32>
      %swap3A_594 = vector.shape_cast %select_n3A_590 : vector<16xi32> to vector<16xi32>
      tpu.vector_store %arg11[%swap3A_591], %swap3A_594 {strides = array<i32>} : memref<80xi32, #tpu.memory_space<vmem>>, vector<16xi32>,
      %dma_start3A_595 = arith.constant 0 : i32
      %dma_start3A_596 = arith.constant 0 : i32
      %dma_start3A_597 = tpu.memref_slice %arg17[%dma_start3A_595, %dma_start3A_596] : memref<5376x128xf32, #tpu.memory_space<vmem_shared>> -> memref<5376x128xf32, #tpu.memory_space<vmem_shared>>
      tpu.enqueue_indirect_dma source(%arg15 : memref<80x128xf32, #tpu.memory_space<vmem>>) target(%dma_start3A_597 : memref<5376x128xf32, #tpu.memory_space<vmem_shared>>) offsets(%arg11 : memref<80xi32, #tpu.memory_space<vmem>>) semaphore(%arg24 : memref<!tpu.dma_semaphore, #tpu.memory_space<semaphore_mem>>) {add = true}
      %ge3A_598 = arith.constant 2 : i32
      %ge3A_599 = arith.cmpi sge, %add3A_468, %ge3A_598 : i32
      %add3A_600 = arith.constant 2 : i32
      %add3A_601 = arith.addi %add3A_468, %add3A_600 : i32
      %lt3A_602 = arith.constant 125 : i32
      %lt3A_603 = arith.cmpi slt, %add3A_601, %lt3A_602 : i32
      %and3A_604 = arith.andi %ge3A_599, %lt3A_603 : i1
      %convert_element_type3A_605 = arith.extui %and3A_604 : i1 to i32
      %cond3A_606 = arith.constant 0 : i32
      %cond3A_607 = arith.cmpi ne, %convert_element_type3A_605, %cond3A_606 : i32
      scf.if %cond3A_607 {
        %dma_wait3A_763 = arith.constant 0 : i32
        %dma_wait3A_764 = arith.constant 0 : i32
        %dma_wait3A_765 = tpu.memref_slice %arg17[%dma_wait3A_763, %dma_wait3A_764] : memref<5376x128xf32, #tpu.memory_space<vmem_shared>> -> memref<5376x128xf32, #tpu.memory_space<vmem_shared>>
        tpu.wait_indirect_dma semaphore(%arg22 : memref<!tpu.dma_semaphore, #tpu.memory_space<semaphore_mem>>) src(%arg13 : memref<80x128xf32, #tpu.memory_space<vmem>>) dst(%dma_wait3A_765 : memref<5376x128xf32, #tpu.memory_space<vmem_shared>>)
      } else {
      }
      %add3A_608 = arith.constant 2 : i32
      %add3A_609 = arith.addi %add3A_468, %add3A_608 : i32
      %lt3A_610 = arith.constant 125 : i32
      %lt3A_611 = arith.cmpi slt, %add3A_609, %lt3A_610 : i32
      %convert_element_type3A_612 = arith.extui %lt3A_611 : i1 to i32
      %cond3A_613 = arith.constant 0 : i32
      %cond3A_614 = arith.cmpi ne, %convert_element_type3A_612, %cond3A_613 : i32
      scf.if %cond3A_614 {
        %add3A_763 = arith.constant 2 : i32
        %add3A_764 = arith.addi %add3A_468, %add3A_763 : i32
        %dma_start3A_765 = arith.constant 0 : i32
        %dma_start3A_766 = tpu.memref_slice %arg7[%add3A_764, %dma_start3A_765] : memref<125x80xi32, #tpu.memory_space<vmem>> -> memref<1x80xi32, #tpu.memory_space<vmem>>
        %dma_start3A_767 = tpu.memref_squeeze %dma_start3A_766 : memref<1x80xi32, #tpu.memory_space<vmem>> -> memref<80xi32, #tpu.memory_space<vmem>>
        %dma_start3A_768 = arith.constant 0 : i32
        %dma_start3A_769 = arith.constant 0 : i32
        %dma_start3A_770 = tpu.memref_slice %arg2[%dma_start3A_768, %dma_start3A_769] : memref<10000x128xf32, #tpu.memory_space<hbm>> -> memref<10000x128xf32, #tpu.memory_space<hbm>>
        tpu.enqueue_indirect_dma source(%dma_start3A_770 : memref<10000x128xf32, #tpu.memory_space<hbm>>) target(%arg13 : memref<80x128xf32, #tpu.memory_space<vmem>>) offsets(%dma_start3A_767 : memref<80xi32, #tpu.memory_space<vmem>>) semaphore(%arg18 : memref<!tpu.dma_semaphore, #tpu.memory_space<semaphore_mem>>)
      } else {
      }
      %add3A_615 = arith.constant 3 : i32
      %add3A_616 = arith.addi %mul3A_172, %add3A_615 : i32
      %dma_wait3A_617 = arith.constant 0 : i32
      %dma_wait3A_618 = tpu.memref_slice %arg7[%add3A_616, %dma_wait3A_617] : memref<125x80xi32, #tpu.memory_space<vmem>> -> memref<1x80xi32, #tpu.memory_space<vmem>>
      %dma_wait3A_619 = tpu.memref_squeeze %dma_wait3A_618 : memref<1x80xi32, #tpu.memory_space<vmem>> -> memref<80xi32, #tpu.memory_space<vmem>>
      %dma_wait3A_620 = arith.constant 0 : i32
      %dma_wait3A_621 = arith.constant 0 : i32
      %dma_wait3A_622 = tpu.memref_slice %arg2[%dma_wait3A_620, %dma_wait3A_621] : memref<10000x128xf32, #tpu.memory_space<hbm>> -> memref<10000x128xf32, #tpu.memory_space<hbm>>
      tpu.wait_indirect_dma semaphore(%arg21 : memref<!tpu.dma_semaphore, #tpu.memory_space<semaphore_mem>>) src(%dma_wait3A_622 : memref<10000x128xf32, #tpu.memory_space<hbm>>) dst(%arg16 : memref<80x128xf32, #tpu.memory_space<vmem>>)
      %get3A_623 = arith.index_cast %add3A_616 : i32 to index
      %get3A_624 = arith.constant 0 : index
      %get3A_625 = tpu.vector_load %arg8[%get3A_623, %get3A_624] {strides = array<i32>} : memref<125x80xi32, #tpu.memory_space<vmem>>, vector<1x16xi32>,
      %get3A_626 = vector.shape_cast %get3A_625 : vector<1x16xi32> to vector<16xi32>
      %sub3A_627 = vector.broadcast %mul3A_4 : i32 to vector<16xi32>
      %sub3A_628 = arith.subi %get3A_626, %sub3A_627 : vector<16xi32>
      %ge3A_629 = arith.constant 0 : i32
      %ge3A_630 = vector.broadcast %ge3A_629 : i32 to vector<16xi32>
      %ge3A_631 = arith.cmpi sge, %sub3A_628, %ge3A_630 : vector<16xi32>
      %lt3A_632 = arith.constant 5120 : i32
      %lt3A_633 = vector.broadcast %lt3A_632 : i32 to vector<16xi32>
      %lt3A_634 = arith.cmpi slt, %sub3A_628, %lt3A_633 : vector<16xi32>
      %and3A_635 = arith.andi %ge3A_631, %lt3A_634 : vector<16xi1>
      %and3A_636 = arith.constant 255 : i32
      %and3A_637 = vector.broadcast %and3A_636 : i32 to vector<16xi32>
      %and3A_638 = arith.andi %get3A_626, %and3A_637 : vector<16xi32>
      %add3A_639 = arith.constant 5120 : i32
      %add3A_640 = vector.broadcast %add3A_639 : i32 to vector<16xi32>
      %add3A_641 = arith.addi %add3A_640, %and3A_638 : vector<16xi32>
      %select_n3A_642 = arith.select %and3A_635, %sub3A_628, %add3A_641 : vector<16xi1>, vector<16xi32>
      %swap3A_643 = arith.constant 0 : index
      %swap3A_644 = tpu.vector_load %arg12[%swap3A_643] {strides = array<i32>} : memref<80xi32, #tpu.memory_space<vmem>>, vector<16xi32>,
      %swap3A_645 = vector.shape_cast %swap3A_644 : vector<16xi32> to vector<16xi32>
      %swap3A_646 = vector.shape_cast %select_n3A_642 : vector<16xi32> to vector<16xi32>
      tpu.vector_store %arg12[%swap3A_643], %swap3A_646 {strides = array<i32>} : memref<80xi32, #tpu.memory_space<vmem>>, vector<16xi32>,
      %get3A_647 = arith.index_cast %add3A_616 : i32 to index
      %get3A_648 = arith.constant 16 : index
      %get3A_649 = tpu.vector_load %arg8[%get3A_647, %get3A_648] {strides = array<i32>} : memref<125x80xi32, #tpu.memory_space<vmem>>, vector<1x16xi32>,
      %get3A_650 = vector.shape_cast %get3A_649 : vector<1x16xi32> to vector<16xi32>
      %sub3A_651 = vector.broadcast %mul3A_4 : i32 to vector<16xi32>
      %sub3A_652 = arith.subi %get3A_650, %sub3A_651 : vector<16xi32>
      %ge3A_653 = arith.constant 0 : i32
      %ge3A_654 = vector.broadcast %ge3A_653 : i32 to vector<16xi32>
      %ge3A_655 = arith.cmpi sge, %sub3A_652, %ge3A_654 : vector<16xi32>
      %lt3A_656 = arith.constant 5120 : i32
      %lt3A_657 = vector.broadcast %lt3A_656 : i32 to vector<16xi32>
      %lt3A_658 = arith.cmpi slt, %sub3A_652, %lt3A_657 : vector<16xi32>
      %and3A_659 = arith.andi %ge3A_655, %lt3A_658 : vector<16xi1>
      %and3A_660 = arith.constant 255 : i32
      %and3A_661 = vector.broadcast %and3A_660 : i32 to vector<16xi32>
      %and3A_662 = arith.andi %get3A_650, %and3A_661 : vector<16xi32>
      %add3A_663 = arith.constant 5120 : i32
      %add3A_664 = vector.broadcast %add3A_663 : i32 to vector<16xi32>
      %add3A_665 = arith.addi %add3A_664, %and3A_662 : vector<16xi32>
      %select_n3A_666 = arith.select %and3A_659, %sub3A_652, %add3A_665 : vector<16xi1>, vector<16xi32>
      %swap3A_667 = arith.constant 16 : index
      %swap3A_668 = tpu.vector_load %arg12[%swap3A_667] {strides = array<i32>} : memref<80xi32, #tpu.memory_space<vmem>>, vector<16xi32>,
      %swap3A_669 = vector.shape_cast %swap3A_668 : vector<16xi32> to vector<16xi32>
      %swap3A_670 = vector.shape_cast %select_n3A_666 : vector<16xi32> to vector<16xi32>
      tpu.vector_store %arg12[%swap3A_667], %swap3A_670 {strides = array<i32>} : memref<80xi32, #tpu.memory_space<vmem>>, vector<16xi32>,
      %get3A_671 = arith.index_cast %add3A_616 : i32 to index
      %get3A_672 = arith.constant 32 : index
      %get3A_673 = tpu.vector_load %arg8[%get3A_671, %get3A_672] {strides = array<i32>} : memref<125x80xi32, #tpu.memory_space<vmem>>, vector<1x16xi32>,
      %get3A_674 = vector.shape_cast %get3A_673 : vector<1x16xi32> to vector<16xi32>
      %sub3A_675 = vector.broadcast %mul3A_4 : i32 to vector<16xi32>
      %sub3A_676 = arith.subi %get3A_674, %sub3A_675 : vector<16xi32>
      %ge3A_677 = arith.constant 0 : i32
      %ge3A_678 = vector.broadcast %ge3A_677 : i32 to vector<16xi32>
      %ge3A_679 = arith.cmpi sge, %sub3A_676, %ge3A_678 : vector<16xi32>
      %lt3A_680 = arith.constant 5120 : i32
      %lt3A_681 = vector.broadcast %lt3A_680 : i32 to vector<16xi32>
      %lt3A_682 = arith.cmpi slt, %sub3A_676, %lt3A_681 : vector<16xi32>
      %and3A_683 = arith.andi %ge3A_679, %lt3A_682 : vector<16xi1>
      %and3A_684 = arith.constant 255 : i32
      %and3A_685 = vector.broadcast %and3A_684 : i32 to vector<16xi32>
      %and3A_686 = arith.andi %get3A_674, %and3A_685 : vector<16xi32>
      %add3A_687 = arith.constant 5120 : i32
      %add3A_688 = vector.broadcast %add3A_687 : i32 to vector<16xi32>
      %add3A_689 = arith.addi %add3A_688, %and3A_686 : vector<16xi32>
      %select_n3A_690 = arith.select %and3A_683, %sub3A_676, %add3A_689 : vector<16xi1>, vector<16xi32>
      %swap3A_691 = arith.constant 32 : index
      %swap3A_692 = tpu.vector_load %arg12[%swap3A_691] {strides = array<i32>} : memref<80xi32, #tpu.memory_space<vmem>>, vector<16xi32>,
      %swap3A_693 = vector.shape_cast %swap3A_692 : vector<16xi32> to vector<16xi32>
      %swap3A_694 = vector.shape_cast %select_n3A_690 : vector<16xi32> to vector<16xi32>
      tpu.vector_store %arg12[%swap3A_691], %swap3A_694 {strides = array<i32>} : memref<80xi32, #tpu.memory_space<vmem>>, vector<16xi32>,
      %get3A_695 = arith.index_cast %add3A_616 : i32 to index
      %get3A_696 = arith.constant 48 : index
      %get3A_697 = tpu.vector_load %arg8[%get3A_695, %get3A_696] {strides = array<i32>} : memref<125x80xi32, #tpu.memory_space<vmem>>, vector<1x16xi32>,
      %get3A_698 = vector.shape_cast %get3A_697 : vector<1x16xi32> to vector<16xi32>
      %sub3A_699 = vector.broadcast %mul3A_4 : i32 to vector<16xi32>
      %sub3A_700 = arith.subi %get3A_698, %sub3A_699 : vector<16xi32>
      %ge3A_701 = arith.constant 0 : i32
      %ge3A_702 = vector.broadcast %ge3A_701 : i32 to vector<16xi32>
      %ge3A_703 = arith.cmpi sge, %sub3A_700, %ge3A_702 : vector<16xi32>
      %lt3A_704 = arith.constant 5120 : i32
      %lt3A_705 = vector.broadcast %lt3A_704 : i32 to vector<16xi32>
      %lt3A_706 = arith.cmpi slt, %sub3A_700, %lt3A_705 : vector<16xi32>
      %and3A_707 = arith.andi %ge3A_703, %lt3A_706 : vector<16xi1>
      %and3A_708 = arith.constant 255 : i32
      %and3A_709 = vector.broadcast %and3A_708 : i32 to vector<16xi32>
      %and3A_710 = arith.andi %get3A_698, %and3A_709 : vector<16xi32>
      %add3A_711 = arith.constant 5120 : i32
      %add3A_712 = vector.broadcast %add3A_711 : i32 to vector<16xi32>
      %add3A_713 = arith.addi %add3A_712, %and3A_710 : vector<16xi32>
      %select_n3A_714 = arith.select %and3A_707, %sub3A_700, %add3A_713 : vector<16xi1>, vector<16xi32>
      %swap3A_715 = arith.constant 48 : index
      %swap3A_716 = tpu.vector_load %arg12[%swap3A_715] {strides = array<i32>} : memref<80xi32, #tpu.memory_space<vmem>>, vector<16xi32>,
      %swap3A_717 = vector.shape_cast %swap3A_716 : vector<16xi32> to vector<16xi32>
      %swap3A_718 = vector.shape_cast %select_n3A_714 : vector<16xi32> to vector<16xi32>
      tpu.vector_store %arg12[%swap3A_715], %swap3A_718 {strides = array<i32>} : memref<80xi32, #tpu.memory_space<vmem>>, vector<16xi32>,
      %get3A_719 = arith.index_cast %add3A_616 : i32 to index
      %get3A_720 = arith.constant 64 : index
      %get3A_721 = tpu.vector_load %arg8[%get3A_719, %get3A_720] {strides = array<i32>} : memref<125x80xi32, #tpu.memory_space<vmem>>, vector<1x16xi32>,
      %get3A_722 = vector.shape_cast %get3A_721 : vector<1x16xi32> to vector<16xi32>
      %sub3A_723 = vector.broadcast %mul3A_4 : i32 to vector<16xi32>
      %sub3A_724 = arith.subi %get3A_722, %sub3A_723 : vector<16xi32>
      %ge3A_725 = arith.constant 0 : i32
      %ge3A_726 = vector.broadcast %ge3A_725 : i32 to vector<16xi32>
      %ge3A_727 = arith.cmpi sge, %sub3A_724, %ge3A_726 : vector<16xi32>
      %lt3A_728 = arith.constant 5120 : i32
      %lt3A_729 = vector.broadcast %lt3A_728 : i32 to vector<16xi32>
      %lt3A_730 = arith.cmpi slt, %sub3A_724, %lt3A_729 : vector<16xi32>
      %and3A_731 = arith.andi %ge3A_727, %lt3A_730 : vector<16xi1>
      %and3A_732 = arith.constant 255 : i32
      %and3A_733 = vector.broadcast %and3A_732 : i32 to vector<16xi32>
      %and3A_734 = arith.andi %get3A_722, %and3A_733 : vector<16xi32>
      %add3A_735 = arith.constant 5120 : i32
      %add3A_736 = vector.broadcast %add3A_735 : i32 to vector<16xi32>
      %add3A_737 = arith.addi %add3A_736, %and3A_734 : vector<16xi32>
      %select_n3A_738 = arith.select %and3A_731, %sub3A_724, %add3A_737 : vector<16xi1>, vector<16xi32>
      %swap3A_739 = arith.constant 64 : index
      %swap3A_740 = tpu.vector_load %arg12[%swap3A_739] {strides = array<i32>} : memref<80xi32, #tpu.memory_space<vmem>>, vector<16xi32>,
      %swap3A_741 = vector.shape_cast %swap3A_740 : vector<16xi32> to vector<16xi32>
      %swap3A_742 = vector.shape_cast %select_n3A_738 : vector<16xi32> to vector<16xi32>
      tpu.vector_store %arg12[%swap3A_739], %swap3A_742 {strides = array<i32>} : memref<80xi32, #tpu.memory_space<vmem>>, vector<16xi32>,
      %dma_start3A_743 = arith.constant 0 : i32
      %dma_start3A_744 = arith.constant 0 : i32
      %dma_start3A_745 = tpu.memref_slice %arg17[%dma_start3A_743, %dma_start3A_744] : memref<5376x128xf32, #tpu.memory_space<vmem_shared>> -> memref<5376x128xf32, #tpu.memory_space<vmem_shared>>
      tpu.enqueue_indirect_dma source(%arg16 : memref<80x128xf32, #tpu.memory_space<vmem>>) target(%dma_start3A_745 : memref<5376x128xf32, #tpu.memory_space<vmem_shared>>) offsets(%arg12 : memref<80xi32, #tpu.memory_space<vmem>>) semaphore(%arg25 : memref<!tpu.dma_semaphore, #tpu.memory_space<semaphore_mem>>) {add = true}
      %ge3A_746 = arith.constant 2 : i32
      %ge3A_747 = arith.cmpi sge, %add3A_616, %ge3A_746 : i32
      %add3A_748 = arith.constant 2 : i32
      %add3A_749 = arith.addi %add3A_616, %add3A_748 : i32
      %lt3A_750 = arith.constant 125 : i32
      %lt3A_751 = arith.cmpi slt, %add3A_749, %lt3A_750 : i32
      %and3A_752 = arith.andi %ge3A_747, %lt3A_751 : i1
      %convert_element_type3A_753 = arith.extui %and3A_752 : i1 to i32
      %cond3A_754 = arith.constant 0 : i32
      %cond3A_755 = arith.cmpi ne, %convert_element_type3A_753, %cond3A_754 : i32
      scf.if %cond3A_755 {
        %dma_wait3A_763 = arith.constant 0 : i32
        %dma_wait3A_764 = arith.constant 0 : i32
        %dma_wait3A_765 = tpu.memref_slice %arg17[%dma_wait3A_763, %dma_wait3A_764] : memref<5376x128xf32, #tpu.memory_space<vmem_shared>> -> memref<5376x128xf32, #tpu.memory_space<vmem_shared>>
        tpu.wait_indirect_dma semaphore(%arg23 : memref<!tpu.dma_semaphore, #tpu.memory_space<semaphore_mem>>) src(%arg14 : memref<80x128xf32, #tpu.memory_space<vmem>>) dst(%dma_wait3A_765 : memref<5376x128xf32, #tpu.memory_space<vmem_shared>>)
      } else {
      }
      %add3A_756 = arith.constant 2 : i32
      %add3A_757 = arith.addi %add3A_616, %add3A_756 : i32
      %lt3A_758 = arith.constant 125 : i32
      %lt3A_759 = arith.cmpi slt, %add3A_757, %lt3A_758 : i32
      %convert_element_type3A_760 = arith.extui %lt3A_759 : i1 to i32
      %cond3A_761 = arith.constant 0 : i32
      %cond3A_762 = arith.cmpi ne, %convert_element_type3A_760, %cond3A_761 : i32
      scf.if %cond3A_762 {
        %add3A_763 = arith.constant 2 : i32
        %add3A_764 = arith.addi %add3A_616, %add3A_763 : i32
        %dma_start3A_765 = arith.constant 0 : i32
        %dma_start3A_766 = tpu.memref_slice %arg7[%add3A_764, %dma_start3A_765] : memref<125x80xi32, #tpu.memory_space<vmem>> -> memref<1x80xi32, #tpu.memory_space<vmem>>
        %dma_start3A_767 = tpu.memref_squeeze %dma_start3A_766 : memref<1x80xi32, #tpu.memory_space<vmem>> -> memref<80xi32, #tpu.memory_space<vmem>>
        %dma_start3A_768 = arith.constant 0 : i32
        %dma_start3A_769 = arith.constant 0 : i32
        %dma_start3A_770 = tpu.memref_slice %arg2[%dma_start3A_768, %dma_start3A_769] : memref<10000x128xf32, #tpu.memory_space<hbm>> -> memref<10000x128xf32, #tpu.memory_space<hbm>>
        tpu.enqueue_indirect_dma source(%dma_start3A_770 : memref<10000x128xf32, #tpu.memory_space<hbm>>) target(%arg14 : memref<80x128xf32, #tpu.memory_space<vmem>>) offsets(%dma_start3A_767 : memref<80xi32, #tpu.memory_space<vmem>>) semaphore(%arg19 : memref<!tpu.dma_semaphore, #tpu.memory_space<semaphore_mem>>)
      } else {
      }
    }
    %scan3A_22 = arith.constant 31 : i32
    %dma_wait3A = arith.constant 124 : i32
    %dma_wait3A_23 = arith.constant 0 : i32
    %dma_wait3A_24 = tpu.memref_slice %arg7[%dma_wait3A, %dma_wait3A_23] : memref<125x80xi32, #tpu.memory_space<vmem>> -> memref<1x80xi32, #tpu.memory_space<vmem>>
    %dma_wait3A_25 = tpu.memref_squeeze %dma_wait3A_24 : memref<1x80xi32, #tpu.memory_space<vmem>> -> memref<80xi32, #tpu.memory_space<vmem>>
    %dma_wait3A_26 = arith.constant 0 : i32
    %dma_wait3A_27 = arith.constant 0 : i32
    %dma_wait3A_28 = tpu.memref_slice %arg2[%dma_wait3A_26, %dma_wait3A_27] : memref<10000x128xf32, #tpu.memory_space<hbm>> -> memref<10000x128xf32, #tpu.memory_space<hbm>>
    tpu.wait_indirect_dma semaphore(%arg18 : memref<!tpu.dma_semaphore, #tpu.memory_space<semaphore_mem>>) src(%dma_wait3A_28 : memref<10000x128xf32, #tpu.memory_space<hbm>>) dst(%arg13 : memref<80x128xf32, #tpu.memory_space<vmem>>)
    %get3A = arith.constant 124 : i32
    %get3A_29 = arith.index_cast %get3A : i32 to index
    %get3A_30 = arith.constant 0 : index
    %get3A_31 = tpu.vector_load %arg8[%get3A_29, %get3A_30] {strides = array<i32>} : memref<125x80xi32, #tpu.memory_space<vmem>>, vector<1x16xi32>,
    %get3A_32 = vector.shape_cast %get3A_31 : vector<1x16xi32> to vector<16xi32>
    %sub3A = vector.broadcast %mul3A_4 : i32 to vector<16xi32>
    %sub3A_33 = arith.subi %get3A_32, %sub3A : vector<16xi32>
    %ge3A = arith.constant 0 : i32
    %ge3A_34 = vector.broadcast %ge3A : i32 to vector<16xi32>
    %ge3A_35 = arith.cmpi sge, %sub3A_33, %ge3A_34 : vector<16xi32>
    %lt3A = arith.constant 5120 : i32
    %lt3A_36 = vector.broadcast %lt3A : i32 to vector<16xi32>
    %lt3A_37 = arith.cmpi slt, %sub3A_33, %lt3A_36 : vector<16xi32>
    %and3A = arith.andi %ge3A_35, %lt3A_37 : vector<16xi1>
    %and3A_38 = arith.constant 255 : i32
    %and3A_39 = vector.broadcast %and3A_38 : i32 to vector<16xi32>
    %and3A_40 = arith.andi %get3A_32, %and3A_39 : vector<16xi32>
    %add3A = arith.constant 5120 : i32
    %add3A_41 = vector.broadcast %add3A : i32 to vector<16xi32>
    %add3A_42 = arith.addi %add3A_41, %and3A_40 : vector<16xi32>
    %select_n3A = arith.select %and3A, %sub3A_33, %add3A_42 : vector<16xi1>, vector<16xi32>
    %swap3A = arith.constant 0 : index
    %swap3A_43 = tpu.vector_load %arg9[%swap3A] {strides = array<i32>} : memref<80xi32, #tpu.memory_space<vmem>>, vector<16xi32>,
    %swap3A_44 = vector.shape_cast %swap3A_43 : vector<16xi32> to vector<16xi32>
    %swap3A_45 = vector.shape_cast %select_n3A : vector<16xi32> to vector<16xi32>
    tpu.vector_store %arg9[%swap3A], %swap3A_45 {strides = array<i32>} : memref<80xi32, #tpu.memory_space<vmem>>, vector<16xi32>,
    %get3A_46 = arith.constant 124 : i32
    %get3A_47 = arith.index_cast %get3A_46 : i32 to index
    %get3A_48 = arith.constant 16 : index
    %get3A_49 = tpu.vector_load %arg8[%get3A_47, %get3A_48] {strides = array<i32>} : memref<125x80xi32, #tpu.memory_space<vmem>>, vector<1x16xi32>,
    %get3A_50 = vector.shape_cast %get3A_49 : vector<1x16xi32> to vector<16xi32>
    %sub3A_51 = vector.broadcast %mul3A_4 : i32 to vector<16xi32>
    %sub3A_52 = arith.subi %get3A_50, %sub3A_51 : vector<16xi32>
    %ge3A_53 = arith.constant 0 : i32
    %ge3A_54 = vector.broadcast %ge3A_53 : i32 to vector<16xi32>
    %ge3A_55 = arith.cmpi sge, %sub3A_52, %ge3A_54 : vector<16xi32>
    %lt3A_56 = arith.constant 5120 : i32
    %lt3A_57 = vector.broadcast %lt3A_56 : i32 to vector<16xi32>
    %lt3A_58 = arith.cmpi slt, %sub3A_52, %lt3A_57 : vector<16xi32>
    %and3A_59 = arith.andi %ge3A_55, %lt3A_58 : vector<16xi1>
    %and3A_60 = arith.constant 255 : i32
    %and3A_61 = vector.broadcast %and3A_60 : i32 to vector<16xi32>
    %and3A_62 = arith.andi %get3A_50, %and3A_61 : vector<16xi32>
    %add3A_63 = arith.constant 5120 : i32
    %add3A_64 = vector.broadcast %add3A_63 : i32 to vector<16xi32>
    %add3A_65 = arith.addi %add3A_64, %and3A_62 : vector<16xi32>
    %select_n3A_66 = arith.select %and3A_59, %sub3A_52, %add3A_65 : vector<16xi1>, vector<16xi32>
    %swap3A_67 = arith.constant 16 : index
    %swap3A_68 = tpu.vector_load %arg9[%swap3A_67] {strides = array<i32>} : memref<80xi32, #tpu.memory_space<vmem>>, vector<16xi32>,
    %swap3A_69 = vector.shape_cast %swap3A_68 : vector<16xi32> to vector<16xi32>
    %swap3A_70 = vector.shape_cast %select_n3A_66 : vector<16xi32> to vector<16xi32>
    tpu.vector_store %arg9[%swap3A_67], %swap3A_70 {strides = array<i32>} : memref<80xi32, #tpu.memory_space<vmem>>, vector<16xi32>,
    %get3A_71 = arith.constant 124 : i32
    %get3A_72 = arith.index_cast %get3A_71 : i32 to index
    %get3A_73 = arith.constant 32 : index
    %get3A_74 = tpu.vector_load %arg8[%get3A_72, %get3A_73] {strides = array<i32>} : memref<125x80xi32, #tpu.memory_space<vmem>>, vector<1x16xi32>,
    %get3A_75 = vector.shape_cast %get3A_74 : vector<1x16xi32> to vector<16xi32>
    %sub3A_76 = vector.broadcast %mul3A_4 : i32 to vector<16xi32>
    %sub3A_77 = arith.subi %get3A_75, %sub3A_76 : vector<16xi32>
    %ge3A_78 = arith.constant 0 : i32
    %ge3A_79 = vector.broadcast %ge3A_78 : i32 to vector<16xi32>
    %ge3A_80 = arith.cmpi sge, %sub3A_77, %ge3A_79 : vector<16xi32>
    %lt3A_81 = arith.constant 5120 : i32
    %lt3A_82 = vector.broadcast %lt3A_81 : i32 to vector<16xi32>
    %lt3A_83 = arith.cmpi slt, %sub3A_77, %lt3A_82 : vector<16xi32>
    %and3A_84 = arith.andi %ge3A_80, %lt3A_83 : vector<16xi1>
    %and3A_85 = arith.constant 255 : i32
    %and3A_86 = vector.broadcast %and3A_85 : i32 to vector<16xi32>
    %and3A_87 = arith.andi %get3A_75, %and3A_86 : vector<16xi32>
    %add3A_88 = arith.constant 5120 : i32
    %add3A_89 = vector.broadcast %add3A_88 : i32 to vector<16xi32>
    %add3A_90 = arith.addi %add3A_89, %and3A_87 : vector<16xi32>
    %select_n3A_91 = arith.select %and3A_84, %sub3A_77, %add3A_90 : vector<16xi1>, vector<16xi32>
    %swap3A_92 = arith.constant 32 : index
    %swap3A_93 = tpu.vector_load %arg9[%swap3A_92] {strides = array<i32>} : memref<80xi32, #tpu.memory_space<vmem>>, vector<16xi32>,
    %swap3A_94 = vector.shape_cast %swap3A_93 : vector<16xi32> to vector<16xi32>
    %swap3A_95 = vector.shape_cast %select_n3A_91 : vector<16xi32> to vector<16xi32>
    tpu.vector_store %arg9[%swap3A_92], %swap3A_95 {strides = array<i32>} : memref<80xi32, #tpu.memory_space<vmem>>, vector<16xi32>,
    %get3A_96 = arith.constant 124 : i32
    %get3A_97 = arith.index_cast %get3A_96 : i32 to index
    %get3A_98 = arith.constant 48 : index
    %get3A_99 = tpu.vector_load %arg8[%get3A_97, %get3A_98] {strides = array<i32>} : memref<125x80xi32, #tpu.memory_space<vmem>>, vector<1x16xi32>,
    %get3A_100 = vector.shape_cast %get3A_99 : vector<1x16xi32> to vector<16xi32>
    %sub3A_101 = vector.broadcast %mul3A_4 : i32 to vector<16xi32>
    %sub3A_102 = arith.subi %get3A_100, %sub3A_101 : vector<16xi32>
    %ge3A_103 = arith.constant 0 : i32
    %ge3A_104 = vector.broadcast %ge3A_103 : i32 to vector<16xi32>
    %ge3A_105 = arith.cmpi sge, %sub3A_102, %ge3A_104 : vector<16xi32>
    %lt3A_106 = arith.constant 5120 : i32
    %lt3A_107 = vector.broadcast %lt3A_106 : i32 to vector<16xi32>
    %lt3A_108 = arith.cmpi slt, %sub3A_102, %lt3A_107 : vector<16xi32>
    %and3A_109 = arith.andi %ge3A_105, %lt3A_108 : vector<16xi1>
    %and3A_110 = arith.constant 255 : i32
    %and3A_111 = vector.broadcast %and3A_110 : i32 to vector<16xi32>
    %and3A_112 = arith.andi %get3A_100, %and3A_111 : vector<16xi32>
    %add3A_113 = arith.constant 5120 : i32
    %add3A_114 = vector.broadcast %add3A_113 : i32 to vector<16xi32>
    %add3A_115 = arith.addi %add3A_114, %and3A_112 : vector<16xi32>
    %select_n3A_116 = arith.select %and3A_109, %sub3A_102, %add3A_115 : vector<16xi1>, vector<16xi32>
    %swap3A_117 = arith.constant 48 : index
    %swap3A_118 = tpu.vector_load %arg9[%swap3A_117] {strides = array<i32>} : memref<80xi32, #tpu.memory_space<vmem>>, vector<16xi32>,
    %swap3A_119 = vector.shape_cast %swap3A_118 : vector<16xi32> to vector<16xi32>
    %swap3A_120 = vector.shape_cast %select_n3A_116 : vector<16xi32> to vector<16xi32>
    tpu.vector_store %arg9[%swap3A_117], %swap3A_120 {strides = array<i32>} : memref<80xi32, #tpu.memory_space<vmem>>, vector<16xi32>,
    %get3A_121 = arith.constant 124 : i32
    %get3A_122 = arith.index_cast %get3A_121 : i32 to index
    %get3A_123 = arith.constant 64 : index
    %get3A_124 = tpu.vector_load %arg8[%get3A_122, %get3A_123] {strides = array<i32>} : memref<125x80xi32, #tpu.memory_space<vmem>>, vector<1x16xi32>,
    %get3A_125 = vector.shape_cast %get3A_124 : vector<1x16xi32> to vector<16xi32>
    %sub3A_126 = vector.broadcast %mul3A_4 : i32 to vector<16xi32>
    %sub3A_127 = arith.subi %get3A_125, %sub3A_126 : vector<16xi32>
    %ge3A_128 = arith.constant 0 : i32
    %ge3A_129 = vector.broadcast %ge3A_128 : i32 to vector<16xi32>
    %ge3A_130 = arith.cmpi sge, %sub3A_127, %ge3A_129 : vector<16xi32>
    %lt3A_131 = arith.constant 5120 : i32
    %lt3A_132 = vector.broadcast %lt3A_131 : i32 to vector<16xi32>
    %lt3A_133 = arith.cmpi slt, %sub3A_127, %lt3A_132 : vector<16xi32>
    %and3A_134 = arith.andi %ge3A_130, %lt3A_133 : vector<16xi1>
    %and3A_135 = arith.constant 255 : i32
    %and3A_136 = vector.broadcast %and3A_135 : i32 to vector<16xi32>
    %and3A_137 = arith.andi %get3A_125, %and3A_136 : vector<16xi32>
    %add3A_138 = arith.constant 5120 : i32
    %add3A_139 = vector.broadcast %add3A_138 : i32 to vector<16xi32>
    %add3A_140 = arith.addi %add3A_139, %and3A_137 : vector<16xi32>
    %select_n3A_141 = arith.select %and3A_134, %sub3A_127, %add3A_140 : vector<16xi1>, vector<16xi32>
    %swap3A_142 = arith.constant 64 : index
    %swap3A_143 = tpu.vector_load %arg9[%swap3A_142] {strides = array<i32>} : memref<80xi32, #tpu.memory_space<vmem>>, vector<16xi32>,
    %swap3A_144 = vector.shape_cast %swap3A_143 : vector<16xi32> to vector<16xi32>
    %swap3A_145 = vector.shape_cast %select_n3A_141 : vector<16xi32> to vector<16xi32>
    tpu.vector_store %arg9[%swap3A_142], %swap3A_145 {strides = array<i32>} : memref<80xi32, #tpu.memory_space<vmem>>, vector<16xi32>,
    %dma_start3A_146 = arith.constant 0 : i32
    %dma_start3A_147 = arith.constant 0 : i32
    %dma_start3A_148 = tpu.memref_slice %arg17[%dma_start3A_146, %dma_start3A_147] : memref<5376x128xf32, #tpu.memory_space<vmem_shared>> -> memref<5376x128xf32, #tpu.memory_space<vmem_shared>>
    tpu.enqueue_indirect_dma source(%arg13 : memref<80x128xf32, #tpu.memory_space<vmem>>) target(%dma_start3A_148 : memref<5376x128xf32, #tpu.memory_space<vmem_shared>>) offsets(%arg9 : memref<80xi32, #tpu.memory_space<vmem>>) semaphore(%arg22 : memref<!tpu.dma_semaphore, #tpu.memory_space<semaphore_mem>>) {add = true}
    %dma_wait3A_149 = arith.constant 0 : i32
    %dma_wait3A_150 = arith.constant 0 : i32
    %dma_wait3A_151 = tpu.memref_slice %arg17[%dma_wait3A_149, %dma_wait3A_150] : memref<5376x128xf32, #tpu.memory_space<vmem_shared>> -> memref<5376x128xf32, #tpu.memory_space<vmem_shared>>
    tpu.wait_indirect_dma semaphore(%arg22 : memref<!tpu.dma_semaphore, #tpu.memory_space<semaphore_mem>>) src(%arg13 : memref<80x128xf32, #tpu.memory_space<vmem>>) dst(%dma_wait3A_151 : memref<5376x128xf32, #tpu.memory_space<vmem_shared>>)
    %dma_wait3A_152 = arith.constant 0 : i32
    %dma_wait3A_153 = arith.constant 0 : i32
    %dma_wait3A_154 = tpu.memref_slice %arg17[%dma_wait3A_152, %dma_wait3A_153] : memref<5376x128xf32, #tpu.memory_space<vmem_shared>> -> memref<5376x128xf32, #tpu.memory_space<vmem_shared>>
    tpu.wait_indirect_dma semaphore(%arg23 : memref<!tpu.dma_semaphore, #tpu.memory_space<semaphore_mem>>) src(%arg14 : memref<80x128xf32, #tpu.memory_space<vmem>>) dst(%dma_wait3A_154 : memref<5376x128xf32, #tpu.memory_space<vmem_shared>>)
    %dma_wait3A_155 = arith.constant 0 : i32
    %dma_wait3A_156 = arith.constant 0 : i32
    %dma_wait3A_157 = tpu.memref_slice %arg17[%dma_wait3A_155, %dma_wait3A_156] : memref<5376x128xf32, #tpu.memory_space<vmem_shared>> -> memref<5376x128xf32, #tpu.memory_space<vmem_shared>>
    tpu.wait_indirect_dma semaphore(%arg24 : memref<!tpu.dma_semaphore, #tpu.memory_space<semaphore_mem>>) src(%arg15 : memref<80x128xf32, #tpu.memory_space<vmem>>) dst(%dma_wait3A_157 : memref<5376x128xf32, #tpu.memory_space<vmem_shared>>)
    %dma_wait3A_158 = arith.constant 0 : i32
    %dma_wait3A_159 = arith.constant 0 : i32
    %dma_wait3A_160 = tpu.memref_slice %arg17[%dma_wait3A_158, %dma_wait3A_159] : memref<5376x128xf32, #tpu.memory_space<vmem_shared>> -> memref<5376x128xf32, #tpu.memory_space<vmem_shared>>
    tpu.wait_indirect_dma semaphore(%arg25 : memref<!tpu.dma_semaphore, #tpu.memory_space<semaphore_mem>>) src(%arg16 : memref<80x128xf32, #tpu.memory_space<vmem>>) dst(%dma_wait3A_160 : memref<5376x128xf32, #tpu.memory_space<vmem_shared>>)
    %barrier3A_161 = arith.constant 0 : index
    tpu.barrier barrier_id(%barrier3A_161)
    %mul3A_162 = arith.constant 320 : i32
    %mul3A_163 = arith.muli %arg1, %mul3A_162 : i32
    %mul3A_164 = arith.constant 5120 : i32
    %mul3A_165 = arith.muli %arg0, %mul3A_164 : i32
    %mul3A_166 = arith.constant 320 : i32
    %mul3A_167 = arith.muli %arg1, %mul3A_166 : i32
    %add3A_168 = arith.addi %mul3A_165, %mul3A_167 : i32
    "tpu.region"() ({
      %run_scoped3A = tpu.sem_alloc : memref<!tpu.dma_semaphore, #tpu.memory_space<semaphore_mem>>
      %dma_start3A_170 = arith.constant 0 : i32
      %dma_start3A_171 = tpu.memref_slice %arg6[%add3A_168, %dma_start3A_170] : memref<10240x128xf32, #tpu.memory_space<hbm>> -> memref<320x128xf32, #tpu.memory_space<hbm>>
      %dma_start3A_172 = arith.constant 0 : i32
      %dma_start3A_173 = tpu.memref_slice %arg17[%mul3A_163, %dma_start3A_172] : memref<5376x128xf32, #tpu.memory_space<vmem_shared>> -> memref<320x128xf32, #tpu.memory_space<vmem_shared>>
      tpu.enqueue_dma source(%dma_start3A_173 : memref<320x128xf32, #tpu.memory_space<vmem_shared>>) target(%dma_start3A_171 : memref<320x128xf32, #tpu.memory_space<hbm>>) target_semaphore(%run_scoped3A : memref<!tpu.dma_semaphore, #tpu.memory_space<semaphore_mem>>)
      %dma_wait3A_174 = arith.constant 0 : i32
      %dma_wait3A_175 = tpu.memref_slice %arg6[%add3A_168, %dma_wait3A_174] : memref<10240x128xf32, #tpu.memory_space<hbm>> -> memref<320x128xf32, #tpu.memory_space<hbm>>
      %dma_wait3A_176 = arith.constant 0 : i32
      %dma_wait3A_177 = tpu.memref_slice %arg17[%mul3A_163, %dma_wait3A_176] : memref<5376x128xf32, #tpu.memory_space<vmem_shared>> -> memref<320x128xf32, #tpu.memory_space<vmem_shared>>
      tpu.wait_dma2 semaphore(%run_scoped3A : memref<!tpu.dma_semaphore, #tpu.memory_space<semaphore_mem>>) src(%dma_wait3A_177 : memref<320x128xf32, #tpu.memory_space<vmem_shared>>) dst(%dma_wait3A_175 : memref<320x128xf32, #tpu.memory_space<hbm>>)
      tpu.yield
    }) : () -> ()
    %barrier3A_169 = arith.constant 0 : index
    tpu.barrier barrier_id(%barrier3A_169)
    return
  }
}

module attributes {stable_mosaic.version = 14 : i64} {
  func.func @_combine1_kernel(%arg0: memref<10240x128xf32, #tpu.memory_space<vmem>>, %arg1: memref<10240x128xf32, #tpu.memory_space<vmem>>, %arg2: memref<10000x256xf32, #tpu.memory_space<vmem>>, %arg3: memref<256x128xf32, #tpu.memory_space<vmem>>, %arg4: memref<256x128xf32, #tpu.memory_space<vmem>>, %arg5: memref<1x128xf32, #tpu.memory_space<vmem>>, %arg6: memref<1x128xf32, #tpu.memory_space<vmem>>, %arg7: memref<10000x128xf32, #tpu.memory_space<vmem>>, %arg8: memref<10000x1xf32, #tpu.memory_space<vmem>>, %arg9: memref<10000x1xi32, #tpu.memory_space<vmem>>) attributes {dimension_semantics = [], scalar_prefetch = 0 : i64, scratch_operands = 0 : i64, tpu.core_type = #tpu.core_type<tc>} {
    %get3A = arith.constant 0 : index
    %get3A_0 = arith.constant 0 : index
    %get3A_1 = vector.load %arg0[%get3A, %get3A_0] : memref<10240x128xf32, #tpu.memory_space<vmem>>, vector<10000x128xf32>
    %get3A_2 = arith.constant 0 : index
    %get3A_3 = arith.constant 0 : index
    %get3A_4 = vector.load %arg1[%get3A_2, %get3A_3] : memref<10240x128xf32, #tpu.memory_space<vmem>>, vector<10000x128xf32>
    %concatenate3A = tpu.concatenate %get3A_1, %get3A_4 in 1 : vector<10000x128xf32>, vector<10000x128xf32> -> vector<10000x256xf32>
    %get3A_5 = arith.constant 0 : index
    %get3A_6 = arith.constant 0 : index
    %get3A_7 = vector.load %arg3[%get3A_5, %get3A_6] : memref<256x128xf32, #tpu.memory_space<vmem>>, vector<256x128xf32>
    %dot_general3A = arith.constant dense<0.000000e+00> : vector<10000x128xf32>
    %dot_general3A_8 = tpu.matmul %concatenate3A, %get3A_7, %dot_general3A {dimension_numbers = #tpu.dot_dimension_numbers<[1], [0], [0], [1], [0, 0, 1, 1], [], []>, transpose_lhs_hint = false} : vector<10000x256xf32>, vector<256x128xf32>, vector<10000x128xf32> -> vector<10000x128xf32>
    %get3A_9 = arith.constant 0 : index
    %get3A_10 = arith.constant 0 : index
    %get3A_11 = vector.load %arg5[%get3A_9, %get3A_10] : memref<1x128xf32, #tpu.memory_space<vmem>>, vector<1x128xf32>
    %add3A = vector.broadcast %get3A_11 : vector<1x128xf32> to vector<10000x128xf32>
    %add3A_12 = arith.addf %dot_general3A_8, %add3A : vector<10000x128xf32>
    %get3A_13 = arith.constant 0 : index
    %get3A_14 = arith.constant 0 : index
    %get3A_15 = vector.load %arg2[%get3A_13, %get3A_14] : memref<10000x256xf32, #tpu.memory_space<vmem>>, vector<10000x256xf32>
    %get3A_16 = arith.constant 0 : index
    %get3A_17 = arith.constant 0 : index
    %get3A_18 = vector.load %arg4[%get3A_16, %get3A_17] : memref<256x128xf32, #tpu.memory_space<vmem>>, vector<256x128xf32>
    %dot_general3A_19 = arith.constant dense<0.000000e+00> : vector<10000x128xf32>
    %dot_general3A_20 = tpu.matmul %get3A_15, %get3A_18, %dot_general3A_19 {dimension_numbers = #tpu.dot_dimension_numbers<[1], [0], [0], [1], [0, 0, 1, 1], [], []>, transpose_lhs_hint = false} : vector<10000x256xf32>, vector<256x128xf32>, vector<10000x128xf32> -> vector<10000x128xf32>
    %add3A_21 = arith.addf %add3A_12, %dot_general3A_20 : vector<10000x128xf32>
    %max3A = arith.constant 0.000000e+00 : f32
    %max3A_22 = vector.broadcast %max3A : f32 to vector<10000x128xf32>
    %max3A_23 = arith.maximumf %add3A_21, %max3A_22 : vector<10000x128xf32>
    %swap3A = arith.constant 0 : index
    %swap3A_24 = arith.constant 0 : index
    %swap3A_25 = vector.load %arg7[%swap3A, %swap3A_24] : memref<10000x128xf32, #tpu.memory_space<vmem>>, vector<10000x128xf32>
    tpu.vector_store %arg7[%swap3A, %swap3A_24], %max3A_23 {strides = array<i32>} : memref<10000x128xf32, #tpu.memory_space<vmem>>, vector<10000x128xf32>,
    %get3A_26 = arith.constant 0 : index
    %get3A_27 = arith.constant 0 : index
    %get3A_28 = vector.load %arg6[%get3A_26, %get3A_27] : memref<1x128xf32, #tpu.memory_space<vmem>>, vector<1x128xf32>
    %mul3A = arith.mulf %get3A_28, %get3A_28 : vector<1x128xf32>
    %reduce_sum3A = vector.shape_cast %mul3A : vector<1x128xf32> to vector<1x1x128xf32>
    %reduce_sum3A_29 = arith.constant dense<0.000000e+00> : vector<1xf32>
    %reduce_sum3A_30 = vector.multi_reduction <add>, %reduce_sum3A, %reduce_sum3A_29 [1, 2] : vector<1x1x128xf32> to vector<1xf32>
    %reduce_sum3A_31 = vector.shape_cast %reduce_sum3A_30 : vector<1xf32> to vector<1x1x1xf32>
    %reduce_sum3A_32 = vector.extract %reduce_sum3A_31[0, 0, 0] : f32 from vector<1x1x1xf32>
    %sqrt3A = math.sqrt %reduce_sum3A_32 : f32
    %add3A_33 = arith.constant 1.000000e-16 : f32
    %add3A_34 = arith.addf %sqrt3A, %add3A_33 : f32
    %reshape3A = vector.shape_cast %get3A_28 : vector<1x128xf32> to vector<128x1xf32>
    %dot_general3A_35 = arith.constant dense<0.000000e+00> : vector<10000x1xf32>
    %dot_general3A_36 = tpu.matmul %max3A_23, %reshape3A, %dot_general3A_35 {dimension_numbers = #tpu.dot_dimension_numbers<[1], [0], [0], [1], [0, 0, 1, 1], [], []>, transpose_lhs_hint = false} : vector<10000x128xf32>, vector<128x1xf32>, vector<10000x1xf32> -> vector<10000x1xf32>
    %div3A = vector.broadcast %add3A_34 : f32 to vector<10000x1xf32>
    %div3A_37 = arith.divf %dot_general3A_36, %div3A : vector<10000x1xf32>
    %tanh3A = math.tanh %div3A_37 : vector<10000x1xf32>
    %swap3A_38 = arith.constant 0 : index
    %swap3A_39 = arith.constant 0 : index
    %swap3A_40 = vector.load %arg8[%swap3A_38, %swap3A_39] : memref<10000x1xf32, #tpu.memory_space<vmem>>, vector<10000x1xf32>
    tpu.vector_store %arg8[%swap3A_38, %swap3A_39], %tanh3A {strides = array<i32>} : memref<10000x1xf32, #tpu.memory_space<vmem>>, vector<10000x1xf32>,
    %add3A_41 = arith.constant 0.000000e+00 : f32
    %add3A_42 = vector.broadcast %add3A_41 : f32 to vector<10000x1xf32>
    %add3A_43 = arith.addf %tanh3A, %add3A_42 : vector<10000x1xf32>
    %bitcast_convert_type3A = tpu.bitcast %add3A_43 : vector<10000x1xf32> -> vector<10000x1xi32>
    %shift_right_logical3A = arith.constant 31 : i32
    %shift_right_logical3A_44 = vector.broadcast %shift_right_logical3A : i32 to vector<10000x1xi32>
    %shift_right_logical3A_45 = arith.shrui %bitcast_convert_type3A, %shift_right_logical3A_44 : vector<10000x1xi32>
    %eq3A = arith.constant 1 : i32
    %eq3A_46 = vector.broadcast %eq3A : i32 to vector<10000x1xi32>
    %eq3A_47 = arith.cmpi eq, %shift_right_logical3A_45, %eq3A_46 : vector<10000x1xi32>
    %not3A = arith.constant dense<-1> : vector<10000x1xi32>
    %not3A_48 = arith.xori %bitcast_convert_type3A, %not3A : vector<10000x1xi32>
    %or3A = arith.constant -2147483648 : i32
    %or3A_49 = vector.broadcast %or3A : i32 to vector<10000x1xi32>
    %or3A_50 = arith.ori %bitcast_convert_type3A, %or3A_49 : vector<10000x1xi32>
    %select_n3A = arith.select %eq3A_47, %not3A_48, %or3A_50 : vector<10000x1xi1>, vector<10000x1xi32>
    %swap3A_51 = arith.constant 0 : index
    %swap3A_52 = arith.constant 0 : index
    %swap3A_53 = vector.load %arg9[%swap3A_51, %swap3A_52] : memref<10000x1xi32, #tpu.memory_space<vmem>>, vector<10000x1xi32>
    tpu.vector_store %arg9[%swap3A_51, %swap3A_52], %select_n3A {strides = array<i32>} : memref<10000x1xi32, #tpu.memory_space<vmem>>, vector<10000x1xi32>,
    return
  }
}

module attributes {stable_mosaic.version = 14 : i64} {
  func.func @kern(%arg0: memref<10000x128xf32, #tpu.memory_space<vmem>>, %arg1: memref<10000x1xf32, #tpu.memory_space<vmem>>, %arg2: memref<10000x1xi32, #tpu.memory_space<vmem>>, %arg3: memref<80x128xi32, #tpu.memory_space<vmem>>, %arg4: memref<10000x128xf32, #tpu.memory_space<vmem>>, %arg5: memref<10000x1xf32, #tpu.memory_space<vmem>>, %arg6: memref<1x256xf32, #tpu.memory_space<vmem>>) attributes {dimension_semantics = [], scalar_prefetch = 0 : i64, scratch_operands = 0 : i64, tpu.core_type = #tpu.core_type<tc>} {
    %broadcast_in_dim3A = arith.constant true
    %broadcast_in_dim3A_0 = vector.broadcast %broadcast_in_dim3A : i1 to vector<80x128xi1>
    %get3A = arith.constant 0 : index
    %get3A_1 = arith.constant 0 : index
    %get3A_2 = vector.load %arg3[%get3A, %get3A_1] : memref<80x128xi32, #tpu.memory_space<vmem>>, vector<80x128xi32>
    %scan3A = arith.constant 8000 : i32
    %scan3A_3 = arith.constant 0 : i32
    %scan3A_4 = arith.constant -1 : i32
    %scan3A_5 = arith.constant 0 : i32
    %scan3A_6 = arith.constant 32 : i32
    %scan3A_7 = arith.addi %scan3A_5, %scan3A_6 : i32
    %scan3A_8 = arith.constant 1 : i32
    %scan3A_9:2 = scf.for %scan3A_77 = %scan3A_5 to %scan3A_7 step %scan3A_8 iter_args(%scan3A_78 = %scan3A_3, %scan3A_79 = %scan3A_4) -> (i32, i32)  : i32 {
      %sub3A_80 = arith.subi %scan3A_79, %scan3A_78 : i32
      %shift_right_logical3A = arith.constant 1 : i32
      %shift_right_logical3A_81 = arith.shrui %sub3A_80, %shift_right_logical3A : i32
      %add3A_82 = arith.addi %scan3A_78, %shift_right_logical3A_81 : i32
      %gt3A_83 = vector.broadcast %add3A_82 : i32 to vector<80x128xi32>
      %gt3A_84 = arith.cmpi ugt, %get3A_2, %gt3A_83 : vector<80x128xi32>
      %and3A_85 = arith.andi %broadcast_in_dim3A_0, %gt3A_84 : vector<80x128xi1>
      %convert_element_type3A_86 = arith.extui %and3A_85 : vector<80x128xi1> to vector<80x128xi32>
      %reduce_sum3A_87 = vector.shape_cast %convert_element_type3A_86 : vector<80x128xi32> to vector<1x80x128xi32>
      %reduce_sum3A_88 = arith.constant dense<0> : vector<1xi32>
      %reduce_sum3A_89 = vector.multi_reduction <add>, %reduce_sum3A_87, %reduce_sum3A_88 [1, 2] : vector<1x80x128xi32> to vector<1xi32>
      %reduce_sum3A_90 = vector.shape_cast %reduce_sum3A_89 : vector<1xi32> to vector<1x1x1xi32>
      %reduce_sum3A_91 = vector.extract %reduce_sum3A_90[0, 0, 0] : i32 from vector<1x1x1xi32>
      %sub3A_92 = arith.constant 1 : i32
      %sub3A_93 = arith.subi %scan3A, %sub3A_92 : i32
      %le3A = arith.cmpi sle, %reduce_sum3A_91, %sub3A_93 : i32
      %add3A_94 = arith.constant 1 : i32
      %add3A_95 = arith.addi %add3A_82, %add3A_94 : i32
      %select_n3A_96 = arith.select %le3A, %scan3A_78, %add3A_95 : i32
      %select_n3A_97 = arith.select %le3A, %add3A_82, %scan3A_79 : i32
      scf.yield %select_n3A_96, %select_n3A_97 : i32, i32
    }
    %gt3A = vector.broadcast %scan3A_9#1 : i32 to vector<80x128xi32>
    %gt3A_10 = arith.cmpi ugt, %get3A_2, %gt3A : vector<80x128xi32>
    %and3A = arith.andi %broadcast_in_dim3A_0, %gt3A_10 : vector<80x128xi1>
    %convert_element_type3A = arith.extui %and3A : vector<80x128xi1> to vector<80x128xi32>
    %reduce_sum3A = vector.shape_cast %convert_element_type3A : vector<80x128xi32> to vector<1x80x128xi32>
    %reduce_sum3A_11 = arith.constant dense<0> : vector<1xi32>
    %reduce_sum3A_12 = vector.multi_reduction <add>, %reduce_sum3A, %reduce_sum3A_11 [1, 2] : vector<1x80x128xi32> to vector<1xi32>
    %reduce_sum3A_13 = vector.shape_cast %reduce_sum3A_12 : vector<1xi32> to vector<1x1x1xi32>
    %reduce_sum3A_14 = vector.extract %reduce_sum3A_13[0, 0, 0] : i32 from vector<1x1x1xi32>
    %sub3A = arith.constant 8000 : i32
    %sub3A_15 = arith.subi %sub3A, %reduce_sum3A_14 : i32
    %eq3A = vector.broadcast %scan3A_9#1 : i32 to vector<80x128xi32>
    %eq3A_16 = arith.cmpi eq, %get3A_2, %eq3A : vector<80x128xi32>
    %and3A_17 = arith.andi %broadcast_in_dim3A_0, %eq3A_16 : vector<80x128xi1>
    %iota3A = tpu.iota {dimensions = array<i32: 0>} : vector<80x128xi32>
    %mul3A = arith.constant 128 : i32
    %mul3A_18 = vector.broadcast %mul3A : i32 to vector<80x128xi32>
    %mul3A_19 = arith.muli %iota3A, %mul3A_18 : vector<80x128xi32>
    %iota3A_20 = tpu.iota {dimensions = array<i32: 1>} : vector<80x128xi32>
    %add3A = arith.addi %mul3A_19, %iota3A_20 : vector<80x128xi32>
    %scan3A_21 = arith.constant 0 : i32
    %scan3A_22 = arith.constant 16384 : i32
    %scan3A_23 = arith.constant 0 : i32
    %scan3A_24 = arith.constant 15 : i32
    %scan3A_25 = arith.addi %scan3A_23, %scan3A_24 : i32
    %scan3A_26 = arith.constant 1 : i32
    %scan3A_27:2 = scf.for %scan3A_77 = %scan3A_23 to %scan3A_25 step %scan3A_26 iter_args(%scan3A_78 = %scan3A_21, %scan3A_79 = %scan3A_22) -> (i32, i32)  : i32 {
      %sub3A_80 = arith.subi %scan3A_79, %scan3A_78 : i32
      %shift_right_arithmetic3A = arith.constant 1 : i32
      %shift_right_arithmetic3A_81 = arith.shrsi %sub3A_80, %shift_right_arithmetic3A : i32
      %add3A_82 = arith.addi %scan3A_78, %shift_right_arithmetic3A_81 : i32
      %lt3A_83 = vector.broadcast %add3A_82 : i32 to vector<80x128xi32>
      %lt3A_84 = arith.cmpi slt, %add3A, %lt3A_83 : vector<80x128xi32>
      %and3A_85 = arith.andi %and3A_17, %lt3A_84 : vector<80x128xi1>
      %convert_element_type3A_86 = arith.extui %and3A_85 : vector<80x128xi1> to vector<80x128xi32>
      %reduce_sum3A_87 = vector.shape_cast %convert_element_type3A_86 : vector<80x128xi32> to vector<1x80x128xi32>
      %reduce_sum3A_88 = arith.constant dense<0> : vector<1xi32>
      %reduce_sum3A_89 = vector.multi_reduction <add>, %reduce_sum3A_87, %reduce_sum3A_88 [1, 2] : vector<1x80x128xi32> to vector<1xi32>
      %reduce_sum3A_90 = vector.shape_cast %reduce_sum3A_89 : vector<1xi32> to vector<1x1x1xi32>
      %reduce_sum3A_91 = vector.extract %reduce_sum3A_90[0, 0, 0] : i32 from vector<1x1x1xi32>
      %ge3A = arith.cmpi sge, %reduce_sum3A_91, %sub3A_15 : i32
      %add3A_92 = arith.constant 1 : i32
      %add3A_93 = arith.addi %add3A_82, %add3A_92 : i32
      %select_n3A_94 = arith.select %ge3A, %scan3A_78, %add3A_93 : i32
      %select_n3A_95 = arith.select %ge3A, %add3A_82, %scan3A_79 : i32
      scf.yield %select_n3A_94, %select_n3A_95 : i32, i32
    }
    %broadcast_in_dim3A_28 = arith.constant false
    %broadcast_in_dim3A_29 = vector.broadcast %broadcast_in_dim3A_28 : i1 to vector<10000x1xi1>
    %broadcast_in_dim3A_30 = arith.constant true
    %broadcast_in_dim3A_31 = vector.broadcast %broadcast_in_dim3A_30 : i1 to vector<10000x1xi1>
    %get3A_32 = arith.constant 0 : index
    %get3A_33 = arith.constant 0 : index
    %get3A_34 = vector.load %arg2[%get3A_32, %get3A_33] : memref<10000x1xi32, #tpu.memory_space<vmem>>, vector<10000x1xi32>
    %gt3A_35 = vector.broadcast %scan3A_9#1 : i32 to vector<10000x1xi32>
    %gt3A_36 = arith.cmpi ugt, %get3A_34, %gt3A_35 : vector<10000x1xi32>
    %and3A_37 = arith.andi %broadcast_in_dim3A_31, %gt3A_36 : vector<10000x1xi1>
    %or3A = arith.ori %broadcast_in_dim3A_29, %and3A_37 : vector<10000x1xi1>
    %eq3A_38 = vector.broadcast %scan3A_9#1 : i32 to vector<10000x1xi32>
    %eq3A_39 = arith.cmpi eq, %get3A_34, %eq3A_38 : vector<10000x1xi32>
    %and3A_40 = arith.andi %broadcast_in_dim3A_31, %eq3A_39 : vector<10000x1xi1>
    %iota3A_41 = tpu.iota {dimensions = array<i32: 0>} : vector<10000x1xi32>
    %lt3A = vector.broadcast %scan3A_27#1 : i32 to vector<10000x1xi32>
    %lt3A_42 = arith.cmpi slt, %iota3A_41, %lt3A : vector<10000x1xi32>
    %and3A_43 = arith.andi %and3A_40, %lt3A_42 : vector<10000x1xi1>
    %or3A_44 = arith.ori %or3A, %and3A_43 : vector<10000x1xi1>
    %get3A_45 = arith.constant 0 : index
    %get3A_46 = arith.constant 0 : index
    %get3A_47 = vector.load %arg0[%get3A_45, %get3A_46] : memref<10000x128xf32, #tpu.memory_space<vmem>>, vector<10000x128xf32>
    %get3A_48 = arith.constant 0 : index
    %get3A_49 = arith.constant 0 : index
    %get3A_50 = vector.load %arg1[%get3A_48, %get3A_49] : memref<10000x1xf32, #tpu.memory_space<vmem>>, vector<10000x1xf32>
    %mul3A_51 = vector.broadcast %get3A_50 : vector<10000x1xf32> to vector<10000x128xf32>
    %mul3A_52 = arith.mulf %get3A_47, %mul3A_51 : vector<10000x128xf32>
    %convert_element_type3A_53 = arith.extui %or3A_44 : vector<10000x1xi1> to vector<10000x1xi32>
    %convert_element_type3A_54 = arith.sitofp %convert_element_type3A_53 : vector<10000x1xi32> to vector<10000x1xf32>
    %mul3A_55 = vector.broadcast %convert_element_type3A_54 : vector<10000x1xf32> to vector<10000x128xf32>
    %mul3A_56 = arith.mulf %mul3A_52, %mul3A_55 : vector<10000x128xf32>
    %swap3A = arith.constant 0 : index
    %swap3A_57 = arith.constant 0 : index
    %swap3A_58 = vector.load %arg4[%swap3A, %swap3A_57] : memref<10000x128xf32, #tpu.memory_space<vmem>>, vector<10000x128xf32>
    tpu.vector_store %arg4[%swap3A, %swap3A_57], %mul3A_56 {strides = array<i32>} : memref<10000x128xf32, #tpu.memory_space<vmem>>, vector<10000x128xf32>,
    %convert_element_type3A_59 = arith.extui %or3A_44 : vector<10000x1xi1> to vector<10000x1xi32>
    %convert_element_type3A_60 = arith.sitofp %convert_element_type3A_59 : vector<10000x1xi32> to vector<10000x1xf32>
    %swap3A_61 = arith.constant 0 : index
    %swap3A_62 = arith.constant 0 : index
    %swap3A_63 = vector.load %arg5[%swap3A_61, %swap3A_62] : memref<10000x1xf32, #tpu.memory_space<vmem>>, vector<10000x1xf32>
    tpu.vector_store %arg5[%swap3A_61, %swap3A_62], %convert_element_type3A_60 {strides = array<i32>} : memref<10000x1xf32, #tpu.memory_space<vmem>>, vector<10000x1xf32>,
    %jit3A = arith.constant 0xFF800000 : f32
    %broadcast_in_dim3A_64 = vector.shape_cast %or3A_44 : vector<10000x1xi1> to vector<10000x1xi1>
    %broadcast_in_dim3A_65 = vector.broadcast %broadcast_in_dim3A_64 : vector<10000x1xi1> to vector<10000x128xi1>
    %broadcast_in_dim3A_66 = vector.broadcast %jit3A : f32 to vector<10000x128xf32>
    %select_n3A = arith.select %broadcast_in_dim3A_65, %mul3A_56, %broadcast_in_dim3A_66 : vector<10000x128xi1>, vector<10000x128xf32>
    %reduce_max3A = arith.constant dense<0xFF800000> : vector<128xf32>
    %reduce_max3A_67 = vector.multi_reduction <maximumf>, %select_n3A, %reduce_max3A [0] : vector<10000x128xf32> to vector<128xf32>
    %broadcast_in_dim3A_68 = vector.shape_cast %reduce_max3A_67 : vector<128xf32> to vector<1x128xf32>
    %reduce_sum3A_69 = arith.constant dense<0.000000e+00> : vector<128xf32>
    %reduce_sum3A_70 = vector.multi_reduction <add>, %mul3A_56, %reduce_sum3A_69 [0] : vector<10000x128xf32> to vector<128xf32>
    %broadcast_in_dim3A_71 = vector.shape_cast %reduce_sum3A_70 : vector<128xf32> to vector<1x128xf32>
    %div3A = arith.constant 8.000000e+03 : f32
    %div3A_72 = vector.broadcast %div3A : f32 to vector<1x128xf32>
    %div3A_73 = arith.divf %broadcast_in_dim3A_71, %div3A_72 : vector<1x128xf32>
    %concatenate3A = tpu.concatenate %broadcast_in_dim3A_68, %div3A_73 in 1 : vector<1x128xf32>, vector<1x128xf32> -> vector<1x256xf32>
    %swap3A_74 = arith.constant 0 : index
    %swap3A_75 = arith.constant 0 : index
    %swap3A_76 = vector.load %arg6[%swap3A_74, %swap3A_75] : memref<1x256xf32, #tpu.memory_space<vmem>>, vector<1x256xf32>
    tpu.vector_store %arg6[%swap3A_74, %swap3A_75], %concatenate3A {strides = array<i32>} : memref<1x256xf32, #tpu.memory_space<vmem>>, vector<1x256xf32>,
    return
  }
}

module attributes {stable_mosaic.version = 14 : i64} {
  func.func @_combine23_kernel(%arg0: memref<10240x128xf32, #tpu.memory_space<vmem>>, %arg1: memref<10000x128xf32, #tpu.memory_space<vmem>>, %arg2: memref<128x128xf32, #tpu.memory_space<vmem>>, %arg3: memref<128x128xf32, #tpu.memory_space<vmem>>, %arg4: memref<1x128xf32, #tpu.memory_space<vmem>>, %arg5: memref<1x128xf32, #tpu.memory_space<vmem>>, %arg6: memref<10000x1xf32, #tpu.memory_space<vmem>>, %arg7: memref<10000x128xf32, #tpu.memory_space<vmem>>, %arg8: memref<10000x1xf32, #tpu.memory_space<vmem>>, %arg9: memref<10000x1xi32, #tpu.memory_space<vmem>>) attributes {dimension_semantics = [], scalar_prefetch = 0 : i64, scratch_operands = 0 : i64, tpu.core_type = #tpu.core_type<tc>} {
    %get3A = arith.constant 0 : index
    %get3A_0 = arith.constant 0 : index
    %get3A_1 = vector.load %arg0[%get3A, %get3A_0] : memref<10240x128xf32, #tpu.memory_space<vmem>>, vector<10000x128xf32>
    %get3A_2 = arith.constant 0 : index
    %get3A_3 = arith.constant 0 : index
    %get3A_4 = vector.load %arg2[%get3A_2, %get3A_3] : memref<128x128xf32, #tpu.memory_space<vmem>>, vector<128x128xf32>
    %dot_general3A = arith.constant dense<0.000000e+00> : vector<10000x128xf32>
    %dot_general3A_5 = tpu.matmul %get3A_1, %get3A_4, %dot_general3A {dimension_numbers = #tpu.dot_dimension_numbers<[1], [0], [0], [1], [0, 0, 1, 1], [], []>, transpose_lhs_hint = false} : vector<10000x128xf32>, vector<128x128xf32>, vector<10000x128xf32> -> vector<10000x128xf32>
    %get3A_6 = arith.constant 0 : index
    %get3A_7 = arith.constant 0 : index
    %get3A_8 = vector.load %arg4[%get3A_6, %get3A_7] : memref<1x128xf32, #tpu.memory_space<vmem>>, vector<1x128xf32>
    %add3A = vector.broadcast %get3A_8 : vector<1x128xf32> to vector<10000x128xf32>
    %add3A_9 = arith.addf %dot_general3A_5, %add3A : vector<10000x128xf32>
    %get3A_10 = arith.constant 0 : index
    %get3A_11 = arith.constant 0 : index
    %get3A_12 = vector.load %arg1[%get3A_10, %get3A_11] : memref<10000x128xf32, #tpu.memory_space<vmem>>, vector<10000x128xf32>
    %get3A_13 = arith.constant 0 : index
    %get3A_14 = arith.constant 0 : index
    %get3A_15 = vector.load %arg3[%get3A_13, %get3A_14] : memref<128x128xf32, #tpu.memory_space<vmem>>, vector<128x128xf32>
    %dot_general3A_16 = arith.constant dense<0.000000e+00> : vector<10000x128xf32>
    %dot_general3A_17 = tpu.matmul %get3A_12, %get3A_15, %dot_general3A_16 {dimension_numbers = #tpu.dot_dimension_numbers<[1], [0], [0], [1], [0, 0, 1, 1], [], []>, transpose_lhs_hint = false} : vector<10000x128xf32>, vector<128x128xf32>, vector<10000x128xf32> -> vector<10000x128xf32>
    %add3A_18 = arith.addf %add3A_9, %dot_general3A_17 : vector<10000x128xf32>
    %max3A = arith.constant 0.000000e+00 : f32
    %max3A_19 = vector.broadcast %max3A : f32 to vector<10000x128xf32>
    %max3A_20 = arith.maximumf %add3A_18, %max3A_19 : vector<10000x128xf32>
    %swap3A = arith.constant 0 : index
    %swap3A_21 = arith.constant 0 : index
    %swap3A_22 = vector.load %arg7[%swap3A, %swap3A_21] : memref<10000x128xf32, #tpu.memory_space<vmem>>, vector<10000x128xf32>
    tpu.vector_store %arg7[%swap3A, %swap3A_21], %max3A_20 {strides = array<i32>} : memref<10000x128xf32, #tpu.memory_space<vmem>>, vector<10000x128xf32>,
    %get3A_23 = arith.constant 0 : index
    %get3A_24 = arith.constant 0 : index
    %get3A_25 = vector.load %arg5[%get3A_23, %get3A_24] : memref<1x128xf32, #tpu.memory_space<vmem>>, vector<1x128xf32>
    %mul3A = arith.mulf %get3A_25, %get3A_25 : vector<1x128xf32>
    %reduce_sum3A = vector.shape_cast %mul3A : vector<1x128xf32> to vector<1x1x128xf32>
    %reduce_sum3A_26 = arith.constant dense<0.000000e+00> : vector<1xf32>
    %reduce_sum3A_27 = vector.multi_reduction <add>, %reduce_sum3A, %reduce_sum3A_26 [1, 2] : vector<1x1x128xf32> to vector<1xf32>
    %reduce_sum3A_28 = vector.shape_cast %reduce_sum3A_27 : vector<1xf32> to vector<1x1x1xf32>
    %reduce_sum3A_29 = vector.extract %reduce_sum3A_28[0, 0, 0] : f32 from vector<1x1x1xf32>
    %sqrt3A = math.sqrt %reduce_sum3A_29 : f32
    %add3A_30 = arith.constant 1.000000e-16 : f32
    %add3A_31 = arith.addf %sqrt3A, %add3A_30 : f32
    %reshape3A = vector.shape_cast %get3A_25 : vector<1x128xf32> to vector<128x1xf32>
    %dot_general3A_32 = arith.constant dense<0.000000e+00> : vector<10000x1xf32>
    %dot_general3A_33 = tpu.matmul %max3A_20, %reshape3A, %dot_general3A_32 {dimension_numbers = #tpu.dot_dimension_numbers<[1], [0], [0], [1], [0, 0, 1, 1], [], []>, transpose_lhs_hint = false} : vector<10000x128xf32>, vector<128x1xf32>, vector<10000x1xf32> -> vector<10000x1xf32>
    %div3A = vector.broadcast %add3A_31 : f32 to vector<10000x1xf32>
    %div3A_34 = arith.divf %dot_general3A_33, %div3A : vector<10000x1xf32>
    %tanh3A = math.tanh %div3A_34 : vector<10000x1xf32>
    %swap3A_35 = arith.constant 0 : index
    %swap3A_36 = arith.constant 0 : index
    %swap3A_37 = vector.load %arg8[%swap3A_35, %swap3A_36] : memref<10000x1xf32, #tpu.memory_space<vmem>>, vector<10000x1xf32>
    tpu.vector_store %arg8[%swap3A_35, %swap3A_36], %tanh3A {strides = array<i32>} : memref<10000x1xf32, #tpu.memory_space<vmem>>, vector<10000x1xf32>,
    %get3A_38 = arith.constant 0 : index
    %get3A_39 = arith.constant 0 : index
    %get3A_40 = vector.load %arg6[%get3A_38, %get3A_39] : memref<10000x1xf32, #tpu.memory_space<vmem>>, vector<10000x1xf32>
    %gt3A = arith.constant 0.000000e+00 : f32
    %gt3A_41 = vector.broadcast %gt3A : f32 to vector<10000x1xf32>
    %gt3A_42 = arith.cmpf ogt, %get3A_40, %gt3A_41 : vector<10000x1xf32>
    %add3A_43 = arith.constant 0.000000e+00 : f32
    %add3A_44 = vector.broadcast %add3A_43 : f32 to vector<10000x1xf32>
    %add3A_45 = arith.addf %tanh3A, %add3A_44 : vector<10000x1xf32>
    %bitcast_convert_type3A = tpu.bitcast %add3A_45 : vector<10000x1xf32> -> vector<10000x1xi32>
    %shift_right_logical3A = arith.constant 31 : i32
    %shift_right_logical3A_46 = vector.broadcast %shift_right_logical3A : i32 to vector<10000x1xi32>
    %shift_right_logical3A_47 = arith.shrui %bitcast_convert_type3A, %shift_right_logical3A_46 : vector<10000x1xi32>
    %eq3A = arith.constant 1 : i32
    %eq3A_48 = vector.broadcast %eq3A : i32 to vector<10000x1xi32>
    %eq3A_49 = arith.cmpi eq, %shift_right_logical3A_47, %eq3A_48 : vector<10000x1xi32>
    %not3A = arith.constant dense<-1> : vector<10000x1xi32>
    %not3A_50 = arith.xori %bitcast_convert_type3A, %not3A : vector<10000x1xi32>
    %or3A = arith.constant -2147483648 : i32
    %or3A_51 = vector.broadcast %or3A : i32 to vector<10000x1xi32>
    %or3A_52 = arith.ori %bitcast_convert_type3A, %or3A_51 : vector<10000x1xi32>
    %select_n3A = arith.select %eq3A_49, %not3A_50, %or3A_52 : vector<10000x1xi1>, vector<10000x1xi32>
    %jit3A = arith.constant 0 : i32
    %broadcast_in_dim3A = vector.broadcast %jit3A : i32 to vector<10000x1xi32>
    %select_n3A_53 = arith.select %gt3A_42, %select_n3A, %broadcast_in_dim3A : vector<10000x1xi1>, vector<10000x1xi32>
    %swap3A_54 = arith.constant 0 : index
    %swap3A_55 = arith.constant 0 : index
    %swap3A_56 = vector.load %arg9[%swap3A_54, %swap3A_55] : memref<10000x1xi32, #tpu.memory_space<vmem>>, vector<10000x1xi32>
    tpu.vector_store %arg9[%swap3A_54, %swap3A_55], %select_n3A_53 {strides = array<i32>} : memref<10000x1xi32, #tpu.memory_space<vmem>>, vector<10000x1xi32>,
    return
  }
}

module attributes {stable_mosaic.version = 14 : i64} {
  func.func @kern(%arg0: memref<10000x128xf32, #tpu.memory_space<vmem>>, %arg1: memref<10000x1xf32, #tpu.memory_space<vmem>>, %arg2: memref<10000x1xi32, #tpu.memory_space<vmem>>, %arg3: memref<10000x1xi32, #tpu.memory_space<vmem>>, %arg4: memref<80x128xi32, #tpu.memory_space<vmem>>, %arg5: memref<80x128xi32, #tpu.memory_space<vmem>>, %arg6: memref<10000x128xf32, #tpu.memory_space<vmem>>, %arg7: memref<10000x1xf32, #tpu.memory_space<vmem>>, %arg8: memref<1x256xf32, #tpu.memory_space<vmem>>) attributes {dimension_semantics = [], scalar_prefetch = 0 : i64, scratch_operands = 0 : i64, tpu.core_type = #tpu.core_type<tc>} {
    %broadcast_in_dim3A = arith.constant true
    %broadcast_in_dim3A_0 = vector.broadcast %broadcast_in_dim3A : i1 to vector<80x128xi1>
    %get3A = arith.constant 0 : index
    %get3A_1 = arith.constant 0 : index
    %get3A_2 = vector.load %arg4[%get3A, %get3A_1] : memref<80x128xi32, #tpu.memory_space<vmem>>, vector<80x128xi32>
    %scan3A = arith.constant 6400 : i32
    %scan3A_3 = arith.constant 0 : i32
    %scan3A_4 = arith.constant -1 : i32
    %scan3A_5 = arith.constant 0 : i32
    %scan3A_6 = arith.constant 32 : i32
    %scan3A_7 = arith.addi %scan3A_5, %scan3A_6 : i32
    %scan3A_8 = arith.constant 1 : i32
    %scan3A_9:2 = scf.for %scan3A_110 = %scan3A_5 to %scan3A_7 step %scan3A_8 iter_args(%scan3A_111 = %scan3A_3, %scan3A_112 = %scan3A_4) -> (i32, i32)  : i32 {
      %sub3A_113 = arith.subi %scan3A_112, %scan3A_111 : i32
      %shift_right_logical3A = arith.constant 1 : i32
      %shift_right_logical3A_114 = arith.shrui %sub3A_113, %shift_right_logical3A : i32
      %add3A_115 = arith.addi %scan3A_111, %shift_right_logical3A_114 : i32
      %gt3A_116 = vector.broadcast %add3A_115 : i32 to vector<80x128xi32>
      %gt3A_117 = arith.cmpi ugt, %get3A_2, %gt3A_116 : vector<80x128xi32>
      %and3A_118 = arith.andi %broadcast_in_dim3A_0, %gt3A_117 : vector<80x128xi1>
      %convert_element_type3A_119 = arith.extui %and3A_118 : vector<80x128xi1> to vector<80x128xi32>
      %reduce_sum3A_120 = vector.shape_cast %convert_element_type3A_119 : vector<80x128xi32> to vector<1x80x128xi32>
      %reduce_sum3A_121 = arith.constant dense<0> : vector<1xi32>
      %reduce_sum3A_122 = vector.multi_reduction <add>, %reduce_sum3A_120, %reduce_sum3A_121 [1, 2] : vector<1x80x128xi32> to vector<1xi32>
      %reduce_sum3A_123 = vector.shape_cast %reduce_sum3A_122 : vector<1xi32> to vector<1x1x1xi32>
      %reduce_sum3A_124 = vector.extract %reduce_sum3A_123[0, 0, 0] : i32 from vector<1x1x1xi32>
      %sub3A_125 = arith.constant 1 : i32
      %sub3A_126 = arith.subi %scan3A, %sub3A_125 : i32
      %le3A = arith.cmpi sle, %reduce_sum3A_124, %sub3A_126 : i32
      %add3A_127 = arith.constant 1 : i32
      %add3A_128 = arith.addi %add3A_115, %add3A_127 : i32
      %select_n3A_129 = arith.select %le3A, %scan3A_111, %add3A_128 : i32
      %select_n3A_130 = arith.select %le3A, %add3A_115, %scan3A_112 : i32
      scf.yield %select_n3A_129, %select_n3A_130 : i32, i32
    }
    %gt3A = vector.broadcast %scan3A_9#1 : i32 to vector<80x128xi32>
    %gt3A_10 = arith.cmpi ugt, %get3A_2, %gt3A : vector<80x128xi32>
    %and3A = arith.andi %broadcast_in_dim3A_0, %gt3A_10 : vector<80x128xi1>
    %convert_element_type3A = arith.extui %and3A : vector<80x128xi1> to vector<80x128xi32>
    %reduce_sum3A = vector.shape_cast %convert_element_type3A : vector<80x128xi32> to vector<1x80x128xi32>
    %reduce_sum3A_11 = arith.constant dense<0> : vector<1xi32>
    %reduce_sum3A_12 = vector.multi_reduction <add>, %reduce_sum3A, %reduce_sum3A_11 [1, 2] : vector<1x80x128xi32> to vector<1xi32>
    %reduce_sum3A_13 = vector.shape_cast %reduce_sum3A_12 : vector<1xi32> to vector<1x1x1xi32>
    %reduce_sum3A_14 = vector.extract %reduce_sum3A_13[0, 0, 0] : i32 from vector<1x1x1xi32>
    %sub3A = arith.constant 6400 : i32
    %sub3A_15 = arith.subi %sub3A, %reduce_sum3A_14 : i32
    %eq3A = vector.broadcast %scan3A_9#1 : i32 to vector<80x128xi32>
    %eq3A_16 = arith.cmpi eq, %get3A_2, %eq3A : vector<80x128xi32>
    %and3A_17 = arith.andi %broadcast_in_dim3A_0, %eq3A_16 : vector<80x128xi1>
    %get3A_18 = arith.constant 0 : index
    %get3A_19 = arith.constant 0 : index
    %get3A_20 = vector.load %arg5[%get3A_18, %get3A_19] : memref<80x128xi32, #tpu.memory_space<vmem>>, vector<80x128xi32>
    %scan3A_21 = arith.constant 0 : i32
    %scan3A_22 = arith.constant -1 : i32
    %scan3A_23 = arith.constant 0 : i32
    %scan3A_24 = arith.constant 32 : i32
    %scan3A_25 = arith.addi %scan3A_23, %scan3A_24 : i32
    %scan3A_26 = arith.constant 1 : i32
    %scan3A_27:2 = scf.for %scan3A_110 = %scan3A_23 to %scan3A_25 step %scan3A_26 iter_args(%scan3A_111 = %scan3A_21, %scan3A_112 = %scan3A_22) -> (i32, i32)  : i32 {
      %sub3A_113 = arith.subi %scan3A_112, %scan3A_111 : i32
      %shift_right_logical3A = arith.constant 1 : i32
      %shift_right_logical3A_114 = arith.shrui %sub3A_113, %shift_right_logical3A : i32
      %add3A_115 = arith.addi %scan3A_111, %shift_right_logical3A_114 : i32
      %gt3A_116 = vector.broadcast %add3A_115 : i32 to vector<80x128xi32>
      %gt3A_117 = arith.cmpi ugt, %get3A_20, %gt3A_116 : vector<80x128xi32>
      %and3A_118 = arith.andi %and3A_17, %gt3A_117 : vector<80x128xi1>
      %convert_element_type3A_119 = arith.extui %and3A_118 : vector<80x128xi1> to vector<80x128xi32>
      %reduce_sum3A_120 = vector.shape_cast %convert_element_type3A_119 : vector<80x128xi32> to vector<1x80x128xi32>
      %reduce_sum3A_121 = arith.constant dense<0> : vector<1xi32>
      %reduce_sum3A_122 = vector.multi_reduction <add>, %reduce_sum3A_120, %reduce_sum3A_121 [1, 2] : vector<1x80x128xi32> to vector<1xi32>
      %reduce_sum3A_123 = vector.shape_cast %reduce_sum3A_122 : vector<1xi32> to vector<1x1x1xi32>
      %reduce_sum3A_124 = vector.extract %reduce_sum3A_123[0, 0, 0] : i32 from vector<1x1x1xi32>
      %sub3A_125 = arith.constant 1 : i32
      %sub3A_126 = arith.subi %sub3A_15, %sub3A_125 : i32
      %le3A = arith.cmpi sle, %reduce_sum3A_124, %sub3A_126 : i32
      %add3A_127 = arith.constant 1 : i32
      %add3A_128 = arith.addi %add3A_115, %add3A_127 : i32
      %select_n3A_129 = arith.select %le3A, %scan3A_111, %add3A_128 : i32
      %select_n3A_130 = arith.select %le3A, %add3A_115, %scan3A_112 : i32
      scf.yield %select_n3A_129, %select_n3A_130 : i32, i32
    }
    %gt3A_28 = vector.broadcast %scan3A_27#1 : i32 to vector<80x128xi32>
    %gt3A_29 = arith.cmpi ugt, %get3A_20, %gt3A_28 : vector<80x128xi32>
    %and3A_30 = arith.andi %and3A_17, %gt3A_29 : vector<80x128xi1>
    %convert_element_type3A_31 = arith.extui %and3A_30 : vector<80x128xi1> to vector<80x128xi32>
    %reduce_sum3A_32 = vector.shape_cast %convert_element_type3A_31 : vector<80x128xi32> to vector<1x80x128xi32>
    %reduce_sum3A_33 = arith.constant dense<0> : vector<1xi32>
    %reduce_sum3A_34 = vector.multi_reduction <add>, %reduce_sum3A_32, %reduce_sum3A_33 [1, 2] : vector<1x80x128xi32> to vector<1xi32>
    %reduce_sum3A_35 = vector.shape_cast %reduce_sum3A_34 : vector<1xi32> to vector<1x1x1xi32>
    %reduce_sum3A_36 = vector.extract %reduce_sum3A_35[0, 0, 0] : i32 from vector<1x1x1xi32>
    %sub3A_37 = arith.subi %sub3A_15, %reduce_sum3A_36 : i32
    %eq3A_38 = vector.broadcast %scan3A_27#1 : i32 to vector<80x128xi32>
    %eq3A_39 = arith.cmpi eq, %get3A_20, %eq3A_38 : vector<80x128xi32>
    %and3A_40 = arith.andi %and3A_17, %eq3A_39 : vector<80x128xi1>
    %iota3A = tpu.iota {dimensions = array<i32: 0>} : vector<80x128xi32>
    %mul3A = arith.constant 128 : i32
    %mul3A_41 = vector.broadcast %mul3A : i32 to vector<80x128xi32>
    %mul3A_42 = arith.muli %iota3A, %mul3A_41 : vector<80x128xi32>
    %iota3A_43 = tpu.iota {dimensions = array<i32: 1>} : vector<80x128xi32>
    %add3A = arith.addi %mul3A_42, %iota3A_43 : vector<80x128xi32>
    %scan3A_44 = arith.constant 0 : i32
    %scan3A_45 = arith.constant 16384 : i32
    %scan3A_46 = arith.constant 0 : i32
    %scan3A_47 = arith.constant 15 : i32
    %scan3A_48 = arith.addi %scan3A_46, %scan3A_47 : i32
    %scan3A_49 = arith.constant 1 : i32
    %scan3A_50:2 = scf.for %scan3A_110 = %scan3A_46 to %scan3A_48 step %scan3A_49 iter_args(%scan3A_111 = %scan3A_44, %scan3A_112 = %scan3A_45) -> (i32, i32)  : i32 {
      %sub3A_113 = arith.subi %scan3A_112, %scan3A_111 : i32
      %shift_right_arithmetic3A = arith.constant 1 : i32
      %shift_right_arithmetic3A_114 = arith.shrsi %sub3A_113, %shift_right_arithmetic3A : i32
      %add3A_115 = arith.addi %scan3A_111, %shift_right_arithmetic3A_114 : i32
      %lt3A_116 = vector.broadcast %add3A_115 : i32 to vector<80x128xi32>
      %lt3A_117 = arith.cmpi slt, %add3A, %lt3A_116 : vector<80x128xi32>
      %and3A_118 = arith.andi %and3A_40, %lt3A_117 : vector<80x128xi1>
      %convert_element_type3A_119 = arith.extui %and3A_118 : vector<80x128xi1> to vector<80x128xi32>
      %reduce_sum3A_120 = vector.shape_cast %convert_element_type3A_119 : vector<80x128xi32> to vector<1x80x128xi32>
      %reduce_sum3A_121 = arith.constant dense<0> : vector<1xi32>
      %reduce_sum3A_122 = vector.multi_reduction <add>, %reduce_sum3A_120, %reduce_sum3A_121 [1, 2] : vector<1x80x128xi32> to vector<1xi32>
      %reduce_sum3A_123 = vector.shape_cast %reduce_sum3A_122 : vector<1xi32> to vector<1x1x1xi32>
      %reduce_sum3A_124 = vector.extract %reduce_sum3A_123[0, 0, 0] : i32 from vector<1x1x1xi32>
      %ge3A = arith.cmpi sge, %reduce_sum3A_124, %sub3A_37 : i32
      %add3A_125 = arith.constant 1 : i32
      %add3A_126 = arith.addi %add3A_115, %add3A_125 : i32
      %select_n3A_127 = arith.select %ge3A, %scan3A_111, %add3A_126 : i32
      %select_n3A_128 = arith.select %ge3A, %add3A_115, %scan3A_112 : i32
      scf.yield %select_n3A_127, %select_n3A_128 : i32, i32
    }
    %broadcast_in_dim3A_51 = arith.constant false
    %broadcast_in_dim3A_52 = vector.broadcast %broadcast_in_dim3A_51 : i1 to vector<10000x1xi1>
    %broadcast_in_dim3A_53 = arith.constant true
    %broadcast_in_dim3A_54 = vector.broadcast %broadcast_in_dim3A_53 : i1 to vector<10000x1xi1>
    %get3A_55 = arith.constant 0 : index
    %get3A_56 = arith.constant 0 : index
    %get3A_57 = vector.load %arg2[%get3A_55, %get3A_56] : memref<10000x1xi32, #tpu.memory_space<vmem>>, vector<10000x1xi32>
    %gt3A_58 = vector.broadcast %scan3A_9#1 : i32 to vector<10000x1xi32>
    %gt3A_59 = arith.cmpi ugt, %get3A_57, %gt3A_58 : vector<10000x1xi32>
    %and3A_60 = arith.andi %broadcast_in_dim3A_54, %gt3A_59 : vector<10000x1xi1>
    %or3A = arith.ori %broadcast_in_dim3A_52, %and3A_60 : vector<10000x1xi1>
    %eq3A_61 = vector.broadcast %scan3A_9#1 : i32 to vector<10000x1xi32>
    %eq3A_62 = arith.cmpi eq, %get3A_57, %eq3A_61 : vector<10000x1xi32>
    %and3A_63 = arith.andi %broadcast_in_dim3A_54, %eq3A_62 : vector<10000x1xi1>
    %get3A_64 = arith.constant 0 : index
    %get3A_65 = arith.constant 0 : index
    %get3A_66 = vector.load %arg3[%get3A_64, %get3A_65] : memref<10000x1xi32, #tpu.memory_space<vmem>>, vector<10000x1xi32>
    %gt3A_67 = vector.broadcast %scan3A_27#1 : i32 to vector<10000x1xi32>
    %gt3A_68 = arith.cmpi ugt, %get3A_66, %gt3A_67 : vector<10000x1xi32>
    %and3A_69 = arith.andi %and3A_63, %gt3A_68 : vector<10000x1xi1>
    %or3A_70 = arith.ori %or3A, %and3A_69 : vector<10000x1xi1>
    %eq3A_71 = vector.broadcast %scan3A_27#1 : i32 to vector<10000x1xi32>
    %eq3A_72 = arith.cmpi eq, %get3A_66, %eq3A_71 : vector<10000x1xi32>
    %and3A_73 = arith.andi %and3A_63, %eq3A_72 : vector<10000x1xi1>
    %iota3A_74 = tpu.iota {dimensions = array<i32: 0>} : vector<10000x1xi32>
    %lt3A = vector.broadcast %scan3A_50#1 : i32 to vector<10000x1xi32>
    %lt3A_75 = arith.cmpi slt, %iota3A_74, %lt3A : vector<10000x1xi32>
    %and3A_76 = arith.andi %and3A_73, %lt3A_75 : vector<10000x1xi1>
    %or3A_77 = arith.ori %or3A_70, %and3A_76 : vector<10000x1xi1>
    %get3A_78 = arith.constant 0 : index
    %get3A_79 = arith.constant 0 : index
    %get3A_80 = vector.load %arg0[%get3A_78, %get3A_79] : memref<10000x128xf32, #tpu.memory_space<vmem>>, vector<10000x128xf32>
    %get3A_81 = arith.constant 0 : index
    %get3A_82 = arith.constant 0 : index
    %get3A_83 = vector.load %arg1[%get3A_81, %get3A_82] : memref<10000x1xf32, #tpu.memory_space<vmem>>, vector<10000x1xf32>
    %mul3A_84 = vector.broadcast %get3A_83 : vector<10000x1xf32> to vector<10000x128xf32>
    %mul3A_85 = arith.mulf %get3A_80, %mul3A_84 : vector<10000x128xf32>
    %convert_element_type3A_86 = arith.extui %or3A_77 : vector<10000x1xi1> to vector<10000x1xi32>
    %convert_element_type3A_87 = arith.sitofp %convert_element_type3A_86 : vector<10000x1xi32> to vector<10000x1xf32>
    %mul3A_88 = vector.broadcast %convert_element_type3A_87 : vector<10000x1xf32> to vector<10000x128xf32>
    %mul3A_89 = arith.mulf %mul3A_85, %mul3A_88 : vector<10000x128xf32>
    %swap3A = arith.constant 0 : index
    %swap3A_90 = arith.constant 0 : index
    %swap3A_91 = vector.load %arg6[%swap3A, %swap3A_90] : memref<10000x128xf32, #tpu.memory_space<vmem>>, vector<10000x128xf32>
    tpu.vector_store %arg6[%swap3A, %swap3A_90], %mul3A_89 {strides = array<i32>} : memref<10000x128xf32, #tpu.memory_space<vmem>>, vector<10000x128xf32>,
    %convert_element_type3A_92 = arith.extui %or3A_77 : vector<10000x1xi1> to vector<10000x1xi32>
    %convert_element_type3A_93 = arith.sitofp %convert_element_type3A_92 : vector<10000x1xi32> to vector<10000x1xf32>
    %swap3A_94 = arith.constant 0 : index
    %swap3A_95 = arith.constant 0 : index
    %swap3A_96 = vector.load %arg7[%swap3A_94, %swap3A_95] : memref<10000x1xf32, #tpu.memory_space<vmem>>, vector<10000x1xf32>
    tpu.vector_store %arg7[%swap3A_94, %swap3A_95], %convert_element_type3A_93 {strides = array<i32>} : memref<10000x1xf32, #tpu.memory_space<vmem>>, vector<10000x1xf32>,
    %jit3A = arith.constant 0xFF800000 : f32
    %broadcast_in_dim3A_97 = vector.shape_cast %or3A_77 : vector<10000x1xi1> to vector<10000x1xi1>
    %broadcast_in_dim3A_98 = vector.broadcast %broadcast_in_dim3A_97 : vector<10000x1xi1> to vector<10000x128xi1>
    %broadcast_in_dim3A_99 = vector.broadcast %jit3A : f32 to vector<10000x128xf32>
    %select_n3A = arith.select %broadcast_in_dim3A_98, %mul3A_89, %broadcast_in_dim3A_99 : vector<10000x128xi1>, vector<10000x128xf32>
    %reduce_max3A = arith.constant dense<0xFF800000> : vector<128xf32>
    %reduce_max3A_100 = vector.multi_reduction <maximumf>, %select_n3A, %reduce_max3A [0] : vector<10000x128xf32> to vector<128xf32>
    %broadcast_in_dim3A_101 = vector.shape_cast %reduce_max3A_100 : vector<128xf32> to vector<1x128xf32>
    %reduce_sum3A_102 = arith.constant dense<0.000000e+00> : vector<128xf32>
    %reduce_sum3A_103 = vector.multi_reduction <add>, %mul3A_89, %reduce_sum3A_102 [0] : vector<10000x128xf32> to vector<128xf32>
    %broadcast_in_dim3A_104 = vector.shape_cast %reduce_sum3A_103 : vector<128xf32> to vector<1x128xf32>
    %div3A = arith.constant 6.400000e+03 : f32
    %div3A_105 = vector.broadcast %div3A : f32 to vector<1x128xf32>
    %div3A_106 = arith.divf %broadcast_in_dim3A_104, %div3A_105 : vector<1x128xf32>
    %concatenate3A = tpu.concatenate %broadcast_in_dim3A_101, %div3A_106 in 1 : vector<1x128xf32>, vector<1x128xf32> -> vector<1x256xf32>
    %swap3A_107 = arith.constant 0 : index
    %swap3A_108 = arith.constant 0 : index
    %swap3A_109 = vector.load %arg8[%swap3A_107, %swap3A_108] : memref<1x256xf32, #tpu.memory_space<vmem>>, vector<1x256xf32>
    tpu.vector_store %arg8[%swap3A_107, %swap3A_108], %concatenate3A {strides = array<i32>} : memref<1x256xf32, #tpu.memory_space<vmem>>, vector<1x256xf32>,
    return
  }
}

module attributes {stable_mosaic.version = 14 : i64} {
  func.func @kern(%arg0: memref<10000x128xf32, #tpu.memory_space<vmem>>, %arg1: memref<10000x1xf32, #tpu.memory_space<vmem>>, %arg2: memref<10000x1xi32, #tpu.memory_space<vmem>>, %arg3: memref<10000x1xi32, #tpu.memory_space<vmem>>, %arg4: memref<10000x1xi32, #tpu.memory_space<vmem>>, %arg5: memref<80x128xi32, #tpu.memory_space<vmem>>, %arg6: memref<80x128xi32, #tpu.memory_space<vmem>>, %arg7: memref<80x128xi32, #tpu.memory_space<vmem>>, %arg8: memref<10000x128xf32, #tpu.memory_space<vmem>>, %arg9: memref<10000x1xf32, #tpu.memory_space<vmem>>, %arg10: memref<1x256xf32, #tpu.memory_space<vmem>>) attributes {dimension_semantics = [], scalar_prefetch = 0 : i64, scratch_operands = 0 : i64, tpu.core_type = #tpu.core_type<tc>} {
    %broadcast_in_dim3A = arith.constant true
    %broadcast_in_dim3A_0 = vector.broadcast %broadcast_in_dim3A : i1 to vector<80x128xi1>
    %get3A = arith.constant 0 : index
    %get3A_1 = arith.constant 0 : index
    %get3A_2 = vector.load %arg5[%get3A, %get3A_1] : memref<80x128xi32, #tpu.memory_space<vmem>>, vector<80x128xi32>
    %scan3A = arith.constant 5120 : i32
    %scan3A_3 = arith.constant 0 : i32
    %scan3A_4 = arith.constant -1 : i32
    %scan3A_5 = arith.constant 0 : i32
    %scan3A_6 = arith.constant 32 : i32
    %scan3A_7 = arith.addi %scan3A_5, %scan3A_6 : i32
    %scan3A_8 = arith.constant 1 : i32
    %scan3A_9:2 = scf.for %scan3A_143 = %scan3A_5 to %scan3A_7 step %scan3A_8 iter_args(%scan3A_144 = %scan3A_3, %scan3A_145 = %scan3A_4) -> (i32, i32)  : i32 {
      %sub3A_146 = arith.subi %scan3A_145, %scan3A_144 : i32
      %shift_right_logical3A = arith.constant 1 : i32
      %shift_right_logical3A_147 = arith.shrui %sub3A_146, %shift_right_logical3A : i32
      %add3A_148 = arith.addi %scan3A_144, %shift_right_logical3A_147 : i32
      %gt3A_149 = vector.broadcast %add3A_148 : i32 to vector<80x128xi32>
      %gt3A_150 = arith.cmpi ugt, %get3A_2, %gt3A_149 : vector<80x128xi32>
      %and3A_151 = arith.andi %broadcast_in_dim3A_0, %gt3A_150 : vector<80x128xi1>
      %convert_element_type3A_152 = arith.extui %and3A_151 : vector<80x128xi1> to vector<80x128xi32>
      %reduce_sum3A_153 = vector.shape_cast %convert_element_type3A_152 : vector<80x128xi32> to vector<1x80x128xi32>
      %reduce_sum3A_154 = arith.constant dense<0> : vector<1xi32>
      %reduce_sum3A_155 = vector.multi_reduction <add>, %reduce_sum3A_153, %reduce_sum3A_154 [1, 2] : vector<1x80x128xi32> to vector<1xi32>
      %reduce_sum3A_156 = vector.shape_cast %reduce_sum3A_155 : vector<1xi32> to vector<1x1x1xi32>
      %reduce_sum3A_157 = vector.extract %reduce_sum3A_156[0, 0, 0] : i32 from vector<1x1x1xi32>
      %sub3A_158 = arith.constant 1 : i32
      %sub3A_159 = arith.subi %scan3A, %sub3A_158 : i32
      %le3A = arith.cmpi sle, %reduce_sum3A_157, %sub3A_159 : i32
      %add3A_160 = arith.constant 1 : i32
      %add3A_161 = arith.addi %add3A_148, %add3A_160 : i32
      %select_n3A_162 = arith.select %le3A, %scan3A_144, %add3A_161 : i32
      %select_n3A_163 = arith.select %le3A, %add3A_148, %scan3A_145 : i32
      scf.yield %select_n3A_162, %select_n3A_163 : i32, i32
    }
    %gt3A = vector.broadcast %scan3A_9#1 : i32 to vector<80x128xi32>
    %gt3A_10 = arith.cmpi ugt, %get3A_2, %gt3A : vector<80x128xi32>
    %and3A = arith.andi %broadcast_in_dim3A_0, %gt3A_10 : vector<80x128xi1>
    %convert_element_type3A = arith.extui %and3A : vector<80x128xi1> to vector<80x128xi32>
    %reduce_sum3A = vector.shape_cast %convert_element_type3A : vector<80x128xi32> to vector<1x80x128xi32>
    %reduce_sum3A_11 = arith.constant dense<0> : vector<1xi32>
    %reduce_sum3A_12 = vector.multi_reduction <add>, %reduce_sum3A, %reduce_sum3A_11 [1, 2] : vector<1x80x128xi32> to vector<1xi32>
    %reduce_sum3A_13 = vector.shape_cast %reduce_sum3A_12 : vector<1xi32> to vector<1x1x1xi32>
    %reduce_sum3A_14 = vector.extract %reduce_sum3A_13[0, 0, 0] : i32 from vector<1x1x1xi32>
    %sub3A = arith.constant 5120 : i32
    %sub3A_15 = arith.subi %sub3A, %reduce_sum3A_14 : i32
    %eq3A = vector.broadcast %scan3A_9#1 : i32 to vector<80x128xi32>
    %eq3A_16 = arith.cmpi eq, %get3A_2, %eq3A : vector<80x128xi32>
    %and3A_17 = arith.andi %broadcast_in_dim3A_0, %eq3A_16 : vector<80x128xi1>
    %get3A_18 = arith.constant 0 : index
    %get3A_19 = arith.constant 0 : index
    %get3A_20 = vector.load %arg6[%get3A_18, %get3A_19] : memref<80x128xi32, #tpu.memory_space<vmem>>, vector<80x128xi32>
    %scan3A_21 = arith.constant 0 : i32
    %scan3A_22 = arith.constant -1 : i32
    %scan3A_23 = arith.constant 0 : i32
    %scan3A_24 = arith.constant 32 : i32
    %scan3A_25 = arith.addi %scan3A_23, %scan3A_24 : i32
    %scan3A_26 = arith.constant 1 : i32
    %scan3A_27:2 = scf.for %scan3A_143 = %scan3A_23 to %scan3A_25 step %scan3A_26 iter_args(%scan3A_144 = %scan3A_21, %scan3A_145 = %scan3A_22) -> (i32, i32)  : i32 {
      %sub3A_146 = arith.subi %scan3A_145, %scan3A_144 : i32
      %shift_right_logical3A = arith.constant 1 : i32
      %shift_right_logical3A_147 = arith.shrui %sub3A_146, %shift_right_logical3A : i32
      %add3A_148 = arith.addi %scan3A_144, %shift_right_logical3A_147 : i32
      %gt3A_149 = vector.broadcast %add3A_148 : i32 to vector<80x128xi32>
      %gt3A_150 = arith.cmpi ugt, %get3A_20, %gt3A_149 : vector<80x128xi32>
      %and3A_151 = arith.andi %and3A_17, %gt3A_150 : vector<80x128xi1>
      %convert_element_type3A_152 = arith.extui %and3A_151 : vector<80x128xi1> to vector<80x128xi32>
      %reduce_sum3A_153 = vector.shape_cast %convert_element_type3A_152 : vector<80x128xi32> to vector<1x80x128xi32>
      %reduce_sum3A_154 = arith.constant dense<0> : vector<1xi32>
      %reduce_sum3A_155 = vector.multi_reduction <add>, %reduce_sum3A_153, %reduce_sum3A_154 [1, 2] : vector<1x80x128xi32> to vector<1xi32>
      %reduce_sum3A_156 = vector.shape_cast %reduce_sum3A_155 : vector<1xi32> to vector<1x1x1xi32>
      %reduce_sum3A_157 = vector.extract %reduce_sum3A_156[0, 0, 0] : i32 from vector<1x1x1xi32>
      %sub3A_158 = arith.constant 1 : i32
      %sub3A_159 = arith.subi %sub3A_15, %sub3A_158 : i32
      %le3A = arith.cmpi sle, %reduce_sum3A_157, %sub3A_159 : i32
      %add3A_160 = arith.constant 1 : i32
      %add3A_161 = arith.addi %add3A_148, %add3A_160 : i32
      %select_n3A_162 = arith.select %le3A, %scan3A_144, %add3A_161 : i32
      %select_n3A_163 = arith.select %le3A, %add3A_148, %scan3A_145 : i32
      scf.yield %select_n3A_162, %select_n3A_163 : i32, i32
    }
    %gt3A_28 = vector.broadcast %scan3A_27#1 : i32 to vector<80x128xi32>
    %gt3A_29 = arith.cmpi ugt, %get3A_20, %gt3A_28 : vector<80x128xi32>
    %and3A_30 = arith.andi %and3A_17, %gt3A_29 : vector<80x128xi1>
    %convert_element_type3A_31 = arith.extui %and3A_30 : vector<80x128xi1> to vector<80x128xi32>
    %reduce_sum3A_32 = vector.shape_cast %convert_element_type3A_31 : vector<80x128xi32> to vector<1x80x128xi32>
    %reduce_sum3A_33 = arith.constant dense<0> : vector<1xi32>
    %reduce_sum3A_34 = vector.multi_reduction <add>, %reduce_sum3A_32, %reduce_sum3A_33 [1, 2] : vector<1x80x128xi32> to vector<1xi32>
    %reduce_sum3A_35 = vector.shape_cast %reduce_sum3A_34 : vector<1xi32> to vector<1x1x1xi32>
    %reduce_sum3A_36 = vector.extract %reduce_sum3A_35[0, 0, 0] : i32 from vector<1x1x1xi32>
    %sub3A_37 = arith.subi %sub3A_15, %reduce_sum3A_36 : i32
    %eq3A_38 = vector.broadcast %scan3A_27#1 : i32 to vector<80x128xi32>
    %eq3A_39 = arith.cmpi eq, %get3A_20, %eq3A_38 : vector<80x128xi32>
    %and3A_40 = arith.andi %and3A_17, %eq3A_39 : vector<80x128xi1>
    %get3A_41 = arith.constant 0 : index
    %get3A_42 = arith.constant 0 : index
    %get3A_43 = vector.load %arg7[%get3A_41, %get3A_42] : memref<80x128xi32, #tpu.memory_space<vmem>>, vector<80x128xi32>
    %scan3A_44 = arith.constant 0 : i32
    %scan3A_45 = arith.constant -1 : i32
    %scan3A_46 = arith.constant 0 : i32
    %scan3A_47 = arith.constant 32 : i32
    %scan3A_48 = arith.addi %scan3A_46, %scan3A_47 : i32
    %scan3A_49 = arith.constant 1 : i32
    %scan3A_50:2 = scf.for %scan3A_143 = %scan3A_46 to %scan3A_48 step %scan3A_49 iter_args(%scan3A_144 = %scan3A_44, %scan3A_145 = %scan3A_45) -> (i32, i32)  : i32 {
      %sub3A_146 = arith.subi %scan3A_145, %scan3A_144 : i32
      %shift_right_logical3A = arith.constant 1 : i32
      %shift_right_logical3A_147 = arith.shrui %sub3A_146, %shift_right_logical3A : i32
      %add3A_148 = arith.addi %scan3A_144, %shift_right_logical3A_147 : i32
      %gt3A_149 = vector.broadcast %add3A_148 : i32 to vector<80x128xi32>
      %gt3A_150 = arith.cmpi ugt, %get3A_43, %gt3A_149 : vector<80x128xi32>
      %and3A_151 = arith.andi %and3A_40, %gt3A_150 : vector<80x128xi1>
      %convert_element_type3A_152 = arith.extui %and3A_151 : vector<80x128xi1> to vector<80x128xi32>
      %reduce_sum3A_153 = vector.shape_cast %convert_element_type3A_152 : vector<80x128xi32> to vector<1x80x128xi32>
      %reduce_sum3A_154 = arith.constant dense<0> : vector<1xi32>
      %reduce_sum3A_155 = vector.multi_reduction <add>, %reduce_sum3A_153, %reduce_sum3A_154 [1, 2] : vector<1x80x128xi32> to vector<1xi32>
      %reduce_sum3A_156 = vector.shape_cast %reduce_sum3A_155 : vector<1xi32> to vector<1x1x1xi32>
      %reduce_sum3A_157 = vector.extract %reduce_sum3A_156[0, 0, 0] : i32 from vector<1x1x1xi32>
      %sub3A_158 = arith.constant 1 : i32
      %sub3A_159 = arith.subi %sub3A_37, %sub3A_158 : i32
      %le3A = arith.cmpi sle, %reduce_sum3A_157, %sub3A_159 : i32
      %add3A_160 = arith.constant 1 : i32
      %add3A_161 = arith.addi %add3A_148, %add3A_160 : i32
      %select_n3A_162 = arith.select %le3A, %scan3A_144, %add3A_161 : i32
      %select_n3A_163 = arith.select %le3A, %add3A_148, %scan3A_145 : i32
      scf.yield %select_n3A_162, %select_n3A_163 : i32, i32
    }
    %gt3A_51 = vector.broadcast %scan3A_50#1 : i32 to vector<80x128xi32>
    %gt3A_52 = arith.cmpi ugt, %get3A_43, %gt3A_51 : vector<80x128xi32>
    %and3A_53 = arith.andi %and3A_40, %gt3A_52 : vector<80x128xi1>
    %convert_element_type3A_54 = arith.extui %and3A_53 : vector<80x128xi1> to vector<80x128xi32>
    %reduce_sum3A_55 = vector.shape_cast %convert_element_type3A_54 : vector<80x128xi32> to vector<1x80x128xi32>
    %reduce_sum3A_56 = arith.constant dense<0> : vector<1xi32>
    %reduce_sum3A_57 = vector.multi_reduction <add>, %reduce_sum3A_55, %reduce_sum3A_56 [1, 2] : vector<1x80x128xi32> to vector<1xi32>
    %reduce_sum3A_58 = vector.shape_cast %reduce_sum3A_57 : vector<1xi32> to vector<1x1x1xi32>
    %reduce_sum3A_59 = vector.extract %reduce_sum3A_58[0, 0, 0] : i32 from vector<1x1x1xi32>
    %sub3A_60 = arith.subi %sub3A_37, %reduce_sum3A_59 : i32
    %eq3A_61 = vector.broadcast %scan3A_50#1 : i32 to vector<80x128xi32>
    %eq3A_62 = arith.cmpi eq, %get3A_43, %eq3A_61 : vector<80x128xi32>
    %and3A_63 = arith.andi %and3A_40, %eq3A_62 : vector<80x128xi1>
    %iota3A = tpu.iota {dimensions = array<i32: 0>} : vector<80x128xi32>
    %mul3A = arith.constant 128 : i32
    %mul3A_64 = vector.broadcast %mul3A : i32 to vector<80x128xi32>
    %mul3A_65 = arith.muli %iota3A, %mul3A_64 : vector<80x128xi32>
    %iota3A_66 = tpu.iota {dimensions = array<i32: 1>} : vector<80x128xi32>
    %add3A = arith.addi %mul3A_65, %iota3A_66 : vector<80x128xi32>
    %scan3A_67 = arith.constant 0 : i32
    %scan3A_68 = arith.constant 16384 : i32
    %scan3A_69 = arith.constant 0 : i32
    %scan3A_70 = arith.constant 15 : i32
    %scan3A_71 = arith.addi %scan3A_69, %scan3A_70 : i32
    %scan3A_72 = arith.constant 1 : i32
    %scan3A_73:2 = scf.for %scan3A_143 = %scan3A_69 to %scan3A_71 step %scan3A_72 iter_args(%scan3A_144 = %scan3A_67, %scan3A_145 = %scan3A_68) -> (i32, i32)  : i32 {
      %sub3A_146 = arith.subi %scan3A_145, %scan3A_144 : i32
      %shift_right_arithmetic3A = arith.constant 1 : i32
      %shift_right_arithmetic3A_147 = arith.shrsi %sub3A_146, %shift_right_arithmetic3A : i32
      %add3A_148 = arith.addi %scan3A_144, %shift_right_arithmetic3A_147 : i32
      %lt3A_149 = vector.broadcast %add3A_148 : i32 to vector<80x128xi32>
      %lt3A_150 = arith.cmpi slt, %add3A, %lt3A_149 : vector<80x128xi32>
      %and3A_151 = arith.andi %and3A_63, %lt3A_150 : vector<80x128xi1>
      %convert_element_type3A_152 = arith.extui %and3A_151 : vector<80x128xi1> to vector<80x128xi32>
      %reduce_sum3A_153 = vector.shape_cast %convert_element_type3A_152 : vector<80x128xi32> to vector<1x80x128xi32>
      %reduce_sum3A_154 = arith.constant dense<0> : vector<1xi32>
      %reduce_sum3A_155 = vector.multi_reduction <add>, %reduce_sum3A_153, %reduce_sum3A_154 [1, 2] : vector<1x80x128xi32> to vector<1xi32>
      %reduce_sum3A_156 = vector.shape_cast %reduce_sum3A_155 : vector<1xi32> to vector<1x1x1xi32>
      %reduce_sum3A_157 = vector.extract %reduce_sum3A_156[0, 0, 0] : i32 from vector<1x1x1xi32>
      %ge3A = arith.cmpi sge, %reduce_sum3A_157, %sub3A_60 : i32
      %add3A_158 = arith.constant 1 : i32
      %add3A_159 = arith.addi %add3A_148, %add3A_158 : i32
      %select_n3A_160 = arith.select %ge3A, %scan3A_144, %add3A_159 : i32
      %select_n3A_161 = arith.select %ge3A, %add3A_148, %scan3A_145 : i32
      scf.yield %select_n3A_160, %select_n3A_161 : i32, i32
    }
    %broadcast_in_dim3A_74 = arith.constant false
    %broadcast_in_dim3A_75 = vector.broadcast %broadcast_in_dim3A_74 : i1 to vector<10000x1xi1>
    %broadcast_in_dim3A_76 = arith.constant true
    %broadcast_in_dim3A_77 = vector.broadcast %broadcast_in_dim3A_76 : i1 to vector<10000x1xi1>
    %get3A_78 = arith.constant 0 : index
    %get3A_79 = arith.constant 0 : index
    %get3A_80 = vector.load %arg2[%get3A_78, %get3A_79] : memref<10000x1xi32, #tpu.memory_space<vmem>>, vector<10000x1xi32>
    %gt3A_81 = vector.broadcast %scan3A_9#1 : i32 to vector<10000x1xi32>
    %gt3A_82 = arith.cmpi ugt, %get3A_80, %gt3A_81 : vector<10000x1xi32>
    %and3A_83 = arith.andi %broadcast_in_dim3A_77, %gt3A_82 : vector<10000x1xi1>
    %or3A = arith.ori %broadcast_in_dim3A_75, %and3A_83 : vector<10000x1xi1>
    %eq3A_84 = vector.broadcast %scan3A_9#1 : i32 to vector<10000x1xi32>
    %eq3A_85 = arith.cmpi eq, %get3A_80, %eq3A_84 : vector<10000x1xi32>
    %and3A_86 = arith.andi %broadcast_in_dim3A_77, %eq3A_85 : vector<10000x1xi1>
    %get3A_87 = arith.constant 0 : index
    %get3A_88 = arith.constant 0 : index
    %get3A_89 = vector.load %arg3[%get3A_87, %get3A_88] : memref<10000x1xi32, #tpu.memory_space<vmem>>, vector<10000x1xi32>
    %gt3A_90 = vector.broadcast %scan3A_27#1 : i32 to vector<10000x1xi32>
    %gt3A_91 = arith.cmpi ugt, %get3A_89, %gt3A_90 : vector<10000x1xi32>
    %and3A_92 = arith.andi %and3A_86, %gt3A_91 : vector<10000x1xi1>
    %or3A_93 = arith.ori %or3A, %and3A_92 : vector<10000x1xi1>
    %eq3A_94 = vector.broadcast %scan3A_27#1 : i32 to vector<10000x1xi32>
    %eq3A_95 = arith.cmpi eq, %get3A_89, %eq3A_94 : vector<10000x1xi32>
    %and3A_96 = arith.andi %and3A_86, %eq3A_95 : vector<10000x1xi1>
    %get3A_97 = arith.constant 0 : index
    %get3A_98 = arith.constant 0 : index
    %get3A_99 = vector.load %arg4[%get3A_97, %get3A_98] : memref<10000x1xi32, #tpu.memory_space<vmem>>, vector<10000x1xi32>
    %gt3A_100 = vector.broadcast %scan3A_50#1 : i32 to vector<10000x1xi32>
    %gt3A_101 = arith.cmpi ugt, %get3A_99, %gt3A_100 : vector<10000x1xi32>
    %and3A_102 = arith.andi %and3A_96, %gt3A_101 : vector<10000x1xi1>
    %or3A_103 = arith.ori %or3A_93, %and3A_102 : vector<10000x1xi1>
    %eq3A_104 = vector.broadcast %scan3A_50#1 : i32 to vector<10000x1xi32>
    %eq3A_105 = arith.cmpi eq, %get3A_99, %eq3A_104 : vector<10000x1xi32>
    %and3A_106 = arith.andi %and3A_96, %eq3A_105 : vector<10000x1xi1>
    %iota3A_107 = tpu.iota {dimensions = array<i32: 0>} : vector<10000x1xi32>
    %lt3A = vector.broadcast %scan3A_73#1 : i32 to vector<10000x1xi32>
    %lt3A_108 = arith.cmpi slt, %iota3A_107, %lt3A : vector<10000x1xi32>
    %and3A_109 = arith.andi %and3A_106, %lt3A_108 : vector<10000x1xi1>
    %or3A_110 = arith.ori %or3A_103, %and3A_109 : vector<10000x1xi1>
    %get3A_111 = arith.constant 0 : index
    %get3A_112 = arith.constant 0 : index
    %get3A_113 = vector.load %arg0[%get3A_111, %get3A_112] : memref<10000x128xf32, #tpu.memory_space<vmem>>, vector<10000x128xf32>
    %get3A_114 = arith.constant 0 : index
    %get3A_115 = arith.constant 0 : index
    %get3A_116 = vector.load %arg1[%get3A_114, %get3A_115] : memref<10000x1xf32, #tpu.memory_space<vmem>>, vector<10000x1xf32>
    %mul3A_117 = vector.broadcast %get3A_116 : vector<10000x1xf32> to vector<10000x128xf32>
    %mul3A_118 = arith.mulf %get3A_113, %mul3A_117 : vector<10000x128xf32>
    %convert_element_type3A_119 = arith.extui %or3A_110 : vector<10000x1xi1> to vector<10000x1xi32>
    %convert_element_type3A_120 = arith.sitofp %convert_element_type3A_119 : vector<10000x1xi32> to vector<10000x1xf32>
    %mul3A_121 = vector.broadcast %convert_element_type3A_120 : vector<10000x1xf32> to vector<10000x128xf32>
    %mul3A_122 = arith.mulf %mul3A_118, %mul3A_121 : vector<10000x128xf32>
    %swap3A = arith.constant 0 : index
    %swap3A_123 = arith.constant 0 : index
    %swap3A_124 = vector.load %arg8[%swap3A, %swap3A_123] : memref<10000x128xf32, #tpu.memory_space<vmem>>, vector<10000x128xf32>
    tpu.vector_store %arg8[%swap3A, %swap3A_123], %mul3A_122 {strides = array<i32>} : memref<10000x128xf32, #tpu.memory_space<vmem>>, vector<10000x128xf32>,
    %convert_element_type3A_125 = arith.extui %or3A_110 : vector<10000x1xi1> to vector<10000x1xi32>
    %convert_element_type3A_126 = arith.sitofp %convert_element_type3A_125 : vector<10000x1xi32> to vector<10000x1xf32>
    %swap3A_127 = arith.constant 0 : index
    %swap3A_128 = arith.constant 0 : index
    %swap3A_129 = vector.load %arg9[%swap3A_127, %swap3A_128] : memref<10000x1xf32, #tpu.memory_space<vmem>>, vector<10000x1xf32>
    tpu.vector_store %arg9[%swap3A_127, %swap3A_128], %convert_element_type3A_126 {strides = array<i32>} : memref<10000x1xf32, #tpu.memory_space<vmem>>, vector<10000x1xf32>,
    %jit3A = arith.constant 0xFF800000 : f32
    %broadcast_in_dim3A_130 = vector.shape_cast %or3A_110 : vector<10000x1xi1> to vector<10000x1xi1>
    %broadcast_in_dim3A_131 = vector.broadcast %broadcast_in_dim3A_130 : vector<10000x1xi1> to vector<10000x128xi1>
    %broadcast_in_dim3A_132 = vector.broadcast %jit3A : f32 to vector<10000x128xf32>
    %select_n3A = arith.select %broadcast_in_dim3A_131, %mul3A_122, %broadcast_in_dim3A_132 : vector<10000x128xi1>, vector<10000x128xf32>
    %reduce_max3A = arith.constant dense<0xFF800000> : vector<128xf32>
    %reduce_max3A_133 = vector.multi_reduction <maximumf>, %select_n3A, %reduce_max3A [0] : vector<10000x128xf32> to vector<128xf32>
    %broadcast_in_dim3A_134 = vector.shape_cast %reduce_max3A_133 : vector<128xf32> to vector<1x128xf32>
    %reduce_sum3A_135 = arith.constant dense<0.000000e+00> : vector<128xf32>
    %reduce_sum3A_136 = vector.multi_reduction <add>, %mul3A_122, %reduce_sum3A_135 [0] : vector<10000x128xf32> to vector<128xf32>
    %broadcast_in_dim3A_137 = vector.shape_cast %reduce_sum3A_136 : vector<128xf32> to vector<1x128xf32>
    %div3A = arith.constant 5.120000e+03 : f32
    %div3A_138 = vector.broadcast %div3A : f32 to vector<1x128xf32>
    %div3A_139 = arith.divf %broadcast_in_dim3A_137, %div3A_138 : vector<1x128xf32>
    %concatenate3A = tpu.concatenate %broadcast_in_dim3A_134, %div3A_139 in 1 : vector<1x128xf32>, vector<1x128xf32> -> vector<1x256xf32>
    %swap3A_140 = arith.constant 0 : index
    %swap3A_141 = arith.constant 0 : index
    %swap3A_142 = vector.load %arg10[%swap3A_140, %swap3A_141] : memref<1x256xf32, #tpu.memory_space<vmem>>, vector<1x256xf32>
    tpu.vector_store %arg10[%swap3A_140, %swap3A_141], %concatenate3A {strides = array<i32>} : memref<1x256xf32, #tpu.memory_space<vmem>>, vector<1x256xf32>,
    return
  }
}

module attributes {stable_mosaic.version = 14 : i64} {
  func.func @_mlp_kernel(%arg0: memref<1x256xf32, #tpu.memory_space<vmem>>, %arg1: memref<1x256xf32, #tpu.memory_space<vmem>>, %arg2: memref<1x256xf32, #tpu.memory_space<vmem>>, %arg3: memref<256x128xf32, #tpu.memory_space<vmem>>, %arg4: memref<1x128xf32, #tpu.memory_space<vmem>>, %arg5: memref<128x64xf32, #tpu.memory_space<vmem>>, %arg6: memref<1x64xf32, #tpu.memory_space<vmem>>, %arg7: memref<64x2xf32, #tpu.memory_space<vmem>>, %arg8: memref<1x2xf32, #tpu.memory_space<vmem>>, %arg9: memref<1x2xf32, #tpu.memory_space<vmem>>, %arg10: memref<1x2xf32, #tpu.memory_space<vmem>>, %arg11: memref<1x1xi32, #tpu.memory_space<vmem>>) attributes {dimension_semantics = [], scalar_prefetch = 0 : i64, scratch_operands = 0 : i64, tpu.core_type = #tpu.core_type<tc>} {
    %get3A = arith.constant 0 : index
    %get3A_0 = arith.constant 0 : index
    %get3A_1 = vector.load %arg0[%get3A, %get3A_0] : memref<1x256xf32, #tpu.memory_space<vmem>>, vector<1x256xf32>
    %get3A_2 = arith.constant 0 : index
    %get3A_3 = arith.constant 0 : index
    %get3A_4 = vector.load %arg1[%get3A_2, %get3A_3] : memref<1x256xf32, #tpu.memory_space<vmem>>, vector<1x256xf32>
    %add3A = arith.addf %get3A_1, %get3A_4 : vector<1x256xf32>
    %get3A_5 = arith.constant 0 : index
    %get3A_6 = arith.constant 0 : index
    %get3A_7 = vector.load %arg2[%get3A_5, %get3A_6] : memref<1x256xf32, #tpu.memory_space<vmem>>, vector<1x256xf32>
    %add3A_8 = arith.addf %add3A, %get3A_7 : vector<1x256xf32>
    %get3A_9 = arith.constant 0 : index
    %get3A_10 = arith.constant 0 : index
    %get3A_11 = vector.load %arg3[%get3A_9, %get3A_10] : memref<256x128xf32, #tpu.memory_space<vmem>>, vector<256x128xf32>
    %dot_general3A = arith.constant dense<0.000000e+00> : vector<1x128xf32>
    %dot_general3A_12 = tpu.matmul %add3A_8, %get3A_11, %dot_general3A {dimension_numbers = #tpu.dot_dimension_numbers<[1], [0], [0], [1], [0, 0, 1, 1], [], []>, transpose_lhs_hint = false} : vector<1x256xf32>, vector<256x128xf32>, vector<1x128xf32> -> vector<1x128xf32>
    %get3A_13 = arith.constant 0 : index
    %get3A_14 = arith.constant 0 : index
    %get3A_15 = vector.load %arg4[%get3A_13, %get3A_14] : memref<1x128xf32, #tpu.memory_space<vmem>>, vector<1x128xf32>
    %add3A_16 = arith.addf %dot_general3A_12, %get3A_15 : vector<1x128xf32>
    %max3A = arith.constant 0.000000e+00 : f32
    %max3A_17 = vector.broadcast %max3A : f32 to vector<1x128xf32>
    %max3A_18 = arith.maximumf %add3A_16, %max3A_17 : vector<1x128xf32>
    %get3A_19 = arith.constant 0 : index
    %get3A_20 = arith.constant 0 : index
    %get3A_21 = vector.load %arg5[%get3A_19, %get3A_20] : memref<128x64xf32, #tpu.memory_space<vmem>>, vector<128x64xf32>
    %dot_general3A_22 = arith.constant dense<0.000000e+00> : vector<1x64xf32>
    %dot_general3A_23 = tpu.matmul %max3A_18, %get3A_21, %dot_general3A_22 {dimension_numbers = #tpu.dot_dimension_numbers<[1], [0], [0], [1], [0, 0, 1, 1], [], []>, transpose_lhs_hint = false} : vector<1x128xf32>, vector<128x64xf32>, vector<1x64xf32> -> vector<1x64xf32>
    %get3A_24 = arith.constant 0 : index
    %get3A_25 = arith.constant 0 : index
    %get3A_26 = vector.load %arg6[%get3A_24, %get3A_25] : memref<1x64xf32, #tpu.memory_space<vmem>>, vector<1x64xf32>
    %add3A_27 = arith.addf %dot_general3A_23, %get3A_26 : vector<1x64xf32>
    %max3A_28 = arith.constant 0.000000e+00 : f32
    %max3A_29 = vector.broadcast %max3A_28 : f32 to vector<1x64xf32>
    %max3A_30 = arith.maximumf %add3A_27, %max3A_29 : vector<1x64xf32>
    %get3A_31 = arith.constant 0 : index
    %get3A_32 = arith.constant 0 : index
    %get3A_33 = vector.load %arg7[%get3A_31, %get3A_32] : memref<64x2xf32, #tpu.memory_space<vmem>>, vector<64x2xf32>
    %dot_general3A_34 = arith.constant dense<0.000000e+00> : vector<1x2xf32>
    %dot_general3A_35 = tpu.matmul %max3A_30, %get3A_33, %dot_general3A_34 {dimension_numbers = #tpu.dot_dimension_numbers<[1], [0], [0], [1], [0, 0, 1, 1], [], []>, transpose_lhs_hint = false} : vector<1x64xf32>, vector<64x2xf32>, vector<1x2xf32> -> vector<1x2xf32>
    %get3A_36 = arith.constant 0 : index
    %get3A_37 = arith.constant 0 : index
    %get3A_38 = vector.load %arg8[%get3A_36, %get3A_37] : memref<1x2xf32, #tpu.memory_space<vmem>>, vector<1x2xf32>
    %add3A_39 = arith.addf %dot_general3A_35, %get3A_38 : vector<1x2xf32>
    %swap3A = arith.constant 0 : index
    %swap3A_40 = arith.constant 0 : index
    %swap3A_41 = vector.load %arg9[%swap3A, %swap3A_40] : memref<1x2xf32, #tpu.memory_space<vmem>>, vector<1x2xf32>
    tpu.vector_store %arg9[%swap3A, %swap3A_40], %add3A_39 {strides = array<i32>} : memref<1x2xf32, #tpu.memory_space<vmem>>, vector<1x2xf32>,
    %reduce_max3A = arith.constant dense<0xFF800000> : vector<1xf32>
    %reduce_max3A_42 = vector.multi_reduction <maximumf>, %add3A_39, %reduce_max3A [1] : vector<1x2xf32> to vector<1xf32>
    %broadcast_in_dim3A = vector.shape_cast %reduce_max3A_42 : vector<1xf32> to vector<1x1xf32>
    %sub3A = vector.broadcast %broadcast_in_dim3A : vector<1x1xf32> to vector<1x2xf32>
    %sub3A_43 = arith.subf %add3A_39, %sub3A : vector<1x2xf32>
    %exp3A = math.exp %sub3A_43 : vector<1x2xf32>
    %reduce_sum3A = arith.constant dense<0.000000e+00> : vector<1xf32>
    %reduce_sum3A_44 = vector.multi_reduction <add>, %exp3A, %reduce_sum3A [1] : vector<1x2xf32> to vector<1xf32>
    %broadcast_in_dim3A_45 = vector.shape_cast %reduce_sum3A_44 : vector<1xf32> to vector<1x1xf32>
    %div3A = vector.broadcast %broadcast_in_dim3A_45 : vector<1x1xf32> to vector<1x2xf32>
    %div3A_46 = arith.divf %exp3A, %div3A : vector<1x2xf32>
    %swap3A_47 = arith.constant 0 : index
    %swap3A_48 = arith.constant 0 : index
    %swap3A_49 = vector.load %arg10[%swap3A_47, %swap3A_48] : memref<1x2xf32, #tpu.memory_space<vmem>>, vector<1x2xf32>
    tpu.vector_store %arg10[%swap3A_47, %swap3A_48], %div3A_46 {strides = array<i32>} : memref<1x2xf32, #tpu.memory_space<vmem>>, vector<1x2xf32>,
    %slice3A = vector.extract_strided_slice %add3A_39 {offsets = [0, 1], sizes = [1, 1], strides = [1, 1]} : vector<1x2xf32> to vector<1x1xf32>
    %slice3A_50 = vector.extract_strided_slice %add3A_39 {offsets = [0, 0], sizes = [1, 1], strides = [1, 1]} : vector<1x2xf32> to vector<1x1xf32>
    %gt3A = arith.cmpf ogt, %slice3A, %slice3A_50 : vector<1x1xf32>
    %convert_element_type3A = arith.extui %gt3A : vector<1x1xi1> to vector<1x1xi32>
    %swap3A_51 = arith.constant 0 : index
    %swap3A_52 = arith.constant 0 : index
    %swap3A_53 = vector.load %arg11[%swap3A_51, %swap3A_52] : memref<1x1xi32, #tpu.memory_space<vmem>>, vector<1x1xi32>
    tpu.vector_store %arg11[%swap3A_51, %swap3A_52], %convert_element_type3A {strides = array<i32>} : memref<1x1xi32, #tpu.memory_space<vmem>>, vector<1x1xi32>,
    return
  }
}

</mosaic_0001>

<sc_bundles>
// kernel: kernel.12.cloned.1.call-start
scs
__scs_entry_jumppad:
0x0: {  	(pc) =	sbr.rel $0x88, $3  }
0x1: {  	(tag) =	ssettag $0x0;
	lr =	simm.s32 $0x1  }
0x2: {  	[smem:$0x3F8D] =	sst lr;
	_ =	strace $0xD0000000  }
0x3: {  	_ = 	snop  }
0x4: {  	_ = 	snop  }
0x5: {  	_ = 	snop  }
0x6: {  	_ = 	snop  }
0x7: {  	_ = 	snop  }
__scs_overlays_trampoline_lowered:
0x8: {  	[smem:$0x3F9C] =	sst s0  }
0x9: {  	[smem:$0x3F9D] =	sst s1  }
0xa: {  	[smem:$0x3F9E] =	sst s2  }
0xb: {  	[smem:$0x3F9F] =	sst s3  }
0xc: {  	[smem:$0x3FA0] =	sst s4  }
0xd: {  	[smem:$0x3FA1] =	sst s5  }
0xe: {  	[smem:$0x3FA2] =	sst s6  }
0xf: {  	[smem:$0x3FA3] =	sst s7  }
0x10: {  	[smem:$0x3FA4] =	sst s8  }
0x11: {  	[smem:$0x3FA5] =	sst s9;
	s0 =	simm.s32 @!p0 $0x0  }
0x12: {  	s1 =	sld [smem:$0x3F8B];
	s0 =	simm.s32 @p0 $0x1  }
0x13: {  	[smem:$0x3FA6] =	sst s0;
	s0 =	simm.s32 @!p1 $0x0  }
0x14: {  	s2 =	sld [smem:$0x3F8A];
	s0 =	simm.s32 @p1 $0x1  }
0x15: {  	[smem:$0x3FA7] =	sst s0;
	s0 =	simm.s32 @!p2 $0x0  }
0x16: {  	s3 =	sld [smem:$0x3FDB];
	s0 =	simm.s32 @p2 $0x1  }
0x17: {  	s4 =	simm.s32 $0x1BF5;
	[smem:$0x3FA9] =	sst s0  }
0x18: {  	s0 =	sld [smem:$0x3F8C];
	_ =	swait.ge [sflag:s4], $0x0  }
0x19: {  	s7 =	sld [smem:$0x3F8D]  }
0x1a: {  	s8 =	sadd.s32 $0xFFFFE003, lr  }
0x1b: {  	s9 =	sadd.s32 $0xFFFFFEF7, lr;
	s5 =	simm.s32 $0xFFFFFFFF;
	p2 =	slt.u32 s8, $0xFFFFF086  }
0x1c: {  	p1 =	slt.u32 s9, $0xF7A;
	s5 =	simm.s32 @!p2 $0x0  }
0x1d: {  	s5 =	simm.s32 @p1 $0x1;
	p0 =	seq.s32 s7, s2  }
0x1e: {  	s7 =	smul.u32 @!p0 $0xF7A, s2;
	p2 =	seq.s32 @!p0 s5, $0x0  }
0x1f: {  	s9 =	smul.u32 $0xF7A, s1;
	s8 =	simm.s32 @!p0 $0x1BF5;
	p2 =	por !p2, p0  }
0x20: {  	[sflag:s8] =	ssyncset.s32 @!p0 $0xFFFFF086;
	s6 =	sadd.s32 @!p0 s3, s7;
	s7 =	simm.s32 @!p0 $0x108  }
0x21: {  	s3 =	sadd.s32 s3, s9;
	s6 =	sadd.s32 @!p0 $0x88, s6;
	s7 =	simm.s32 @p2 $0x1082  }
0x22: {  	[simem:s7], [sflag:s8] =	dma.local @!p0 [hbm:s6], $0xF7A  }
0x23: {  	s9 =	sor.u32 $0xD0000000, s2;
	s6 =	simm.s32 $0x108;
	_ =	swait.ge @!p0 [sflag:s8], $0x0  }
0x24: {  	s3 =	sadd.s32 $0x88, s3;
	s6 =	simm.s32 @!p1 $0x1082;
	[sflag:s4] =	ssyncset.s32 $0xFFFFF086  }
0x25: {  	[simem:s6], [sflag:s4] =	dma.local [hbm:s3], $0xF7A  }
0x26: {  	[smem:$0x3F8D] =	sst s1;
	(tag) =	ssettag s2;
	_ =	strace s9  }
0x27: {  	s1 =	sld [smem:$0x3F9D]  }
0x28: {  	s2 =	sld [smem:$0x3F9E]  }
0x29: {  	s4 =	sld [smem:$0x3FA0]  }
0x2a: {  	p0 =	seq.s32 s5, $0x0;
	s5 =	sld [smem:$0x3FA1]  }
0x2b: {  	s6 =	sld [smem:$0x3FA2]  }
0x2c: {  	s7 =	sld [smem:$0x3FA3]  }
0x2d: {  	s3 =	simm.s32 $0x108;
	s8 =	sld [smem:$0x3FA4]  }
0x2e: {  	s3 =	simm.s32 @!p0 $0x1082;
	s9 =	sld [smem:$0x3FA5]  }
0x2f: {  	lr =	sadd.s32 s0, s3;
	s0 =	sld [smem:$0x3F9C]  }
0x30: {  	s3 =	sld [smem:$0x3F9F]  }
0x31: {  	[smem:$0x3FA8] =	sst s10  }
0x32: {  	s10 =	sld [smem:$0x3FA6];
	_ =	sdelay $0x3  }
0x33: {  	p0 =	seq.s32 s10, $0x1;
	s10 =	sld [smem:$0x3FA8];
	_ =	sdelay $0x3  }
0x34: {  	[smem:$0x3FA8] =	sst s10  }
0x35: {  	s10 =	sld [smem:$0x3FA7];
	_ =	sdelay $0x3  }
0x36: {  	p1 =	seq.s32 s10, $0x1;
	s10 =	sld [smem:$0x3FA8];
	_ =	sdelay $0x3  }
0x37: {  	[smem:$0x3FA8] =	sst s10  }
0x38: {  	s10 =	sld [smem:$0x3FA9]  }
0x39: {  	_ = 	snop;
	(pc) =	sbr.ind lr, $3  }
0x3a: {  	_ = 	snop  }
0x3b: {  	_ = 	snop  }
0x3c: {  	p2 =	seq.s32 s10, $0x1;
	s10 =	sld [smem:$0x3FA8]  }
0x3d: {  	_ =	shalt  }
0x3e: {  	_ =	shalt  }
0x3f: {  	_ =	shalt  }
0x40: {  	_ =	shalt  }
0x41: {  	_ =	shalt  }
0x42: {  	_ =	shalt  }
0x43: {  	_ =	shalt  }
0x44: {  	_ =	shalt  }
0x45: {  	_ =	shalt  }
0x46: {  	_ =	shalt  }
0x47: {  	_ =	shalt  }
0x48: {  	_ =	shalt  }
0x49: {  	_ =	shalt  }
0x4a: {  	_ =	shalt  }
0x4b: {  	_ =	shalt  }
0x4c: {  	_ =	shalt  }
0x4d: {  	_ =	shalt  }
0x4e: {  	_ =	shalt  }
0x4f: {  	_ =	shalt  }
0x50: {  	_ =	shalt  }
0x51: {  	_ =	shalt  }
0x52: {  	_ =	shalt  }
0x53: {  	_ =	shalt  }
0x54: {  	_ =	shalt  }
0x55: {  	_ =	shalt  }
0x56: {  	_ =	shalt  }
0x57: {  	_ =	shalt  }
0x58: {  	_ =	shalt  }
0x59: {  	_ =	shalt  }
0x5a: {  	_ =	shalt  }
0x5b: {  	_ =	shalt  }
0x5c: {  	_ =	shalt  }
0x5d: {  	_ =	shalt  }
0x5e: {  	_ =	shalt  }
0x5f: {  	_ =	shalt  }
0x60: {  	_ =	shalt  }
0x61: {  	_ =	shalt  }
0x62: {  	_ =	shalt  }
0x63: {  	_ =	shalt  }
0x64: {  	_ =	shalt  }
0x65: {  	_ =	shalt  }
0x66: {  	_ =	shalt  }
0x67: {  	_ =	shalt  }
0x68: {  	_ =	shalt  }
0x69: {  	_ =	shalt  }
0x6a: {  	_ =	shalt  }
0x6b: {  	_ =	shalt  }
0x6c: {  	_ =	shalt  }
0x6d: {  	_ =	shalt  }
0x6e: {  	_ =	shalt  }
0x6f: {  	_ =	shalt  }
0x70: {  	_ =	shalt  }
0x71: {  	_ =	shalt  }
0x72: {  	_ =	shalt  }
0x73: {  	_ =	shalt  }
0x74: {  	_ =	shalt  }
0x75: {  	_ =	shalt  }
0x76: {  	_ =	shalt  }
0x77: {  	_ =	shalt  }
0x78: {  	_ =	shalt  }
0x79: {  	_ =	shalt  }
0x7a: {  	_ =	shalt  }
0x7b: {  	_ =	shalt  }
0x7c: {  	_ =	shalt  }
0x7d: {  	_ =	shalt  }
0x7e: {  	_ =	shalt  }
0x7f: {  	_ =	shalt  }
0x80: {  	_ =	shalt  }
0x81: {  	_ =	shalt  }
0x82: {  	_ =	shalt  }
0x83: {  	_ =	shalt  }
0x84: {  	_ =	shalt  }
0x85: {  	_ =	shalt  }
0x86: {  	_ =	shalt  }
0x87: {  	_ =	shalt  }
.Lfunc_end0:
.L_simem_size_0:
called_computation_lowered:
.L_overlay_start_0:
0x88: {  	s2 =	sld [smem:$0x3FD9]  }
0x89: {  	s3 =	sld [smem:$0x3FFE];
	_ =	sdelay $0x1  }
0x8a: {  	s1 =	srdreg.scid  }
0x8b: {  	s0 =	sand.u32 $0x1, s1  }
0x8c: {  	s16 =	sshll.u32 s0, $0xA;
	s2 =	sadd.s32 s3, s2  }
0x8d: {  	s2 =	sadd.s32 s2, s16  }
0x8e: {  	[smem:$0x3FB4] =	sst s2  }
0x8f: {  	_ = 	snop  }
0x90: {  	(tm) =	ssettm $0x1  }
0x91: {  	s17 =	sld [smem:$0x3FFB];
	_ =	sdelay $0x3  }
0x92: {  	_ =	strace s17  }
0x93: {  	s2 =	sld [smem:$0x3FFC];
	_ =	sdelay $0x3  }
0x94: {  	_ =	strace s2  }
0x95: {  	s2 =	sld [smem:$0x3FFD];
	_ =	sdelay $0x3  }
0x96: {  	_ =	strace s2  }
0x97: {  	_ =	strace $0x8FFFFFFF  }
0x98: {  	s18 =	sld [smem:$0x3FDB];
	_ =	sdelay $0x1  }
0x99: {  	s19 =	simm.s32 $_scs_section_size  }
0x9a: {  	s4 =	simm.s32 $_size__tile_overlayer_lowered;
	s5 =	simm.s32 $_tile_overlayer_lowered  }
0x9b: {  	s22 =	simm.s32 $0x1BFF;
	s21 =	sshll.u32 s5, $0x1;
	s2 =	sadd.s32 s19, s18  }
0x9c: {  	s6 =	simm.s32 $0x0;
	s20 =	sshll.u32 s4, $0x1;
	s4 =	sadd.s32 s21, s2  }
0x9d: {  	[timem:s6], [sflag:s22] =	dma.local [hbm:s4], s20  }
0x9e: {  	_ =	swait.ge [sflag:s22], s20  }
0x9f: {  	s3 =	ssub.s32 $0x0, s20;
	[sflag:s22] =	ssyncset.done $0x0  }
0xa0: {  	[sflag:s22] =	ssyncadd.s32 s3;
	_ =	sdelay $0x1  }
0xa1: {  	s23 =	simm.s32 $0x1B8B  }
0xa2: {  	_ =	swait.ge [sflag:s23], $0x1  }
0xa3: {  	[sflag:s23] =	ssyncset.done $0x0  }
0xa4: {  	s25 =	simm.s32 $0x1B8E;
	s24 =	sld [smem:$0x3FFE];
	[sflag:s23] =	ssyncadd.s32 $0xFFFFFFFF  }
0xa5: {  	s26 =	simm.s32 $execute0_lowered;
	[smem:$0x3FD2] =	sst s25  }
0xa6: {  	s4 =	sshll.u32 s26, $0x1;
	_ =	strace $0x80000046;
	[dreg:$0x1] =	wrdreg $0xFFFFFFFF  }
0xa7: {  	s28 =	simm.s32 $_size_execute0_lowered;
	s2 =	sadd.s32 s2, s4;
	[dreg:$0x0] =	wrdreg $0x0  }
0xa8: {  	s4 =	sshll.u32 s28, $0x1;
	[dreg:$0x2] =	wrdreg s2  }
0xa9: {  	[dreg:$0x3] =	wrdreg s4  }
0xaa: {  	[dreg:$0x4] =	wrdreg $0xC0  }
0xab: {  	_ =	task [dreg:s6], $0x5FFFF  }
0xac: {  	[dreg:$0x1] =	wrdreg $0xFFFFFFFF  }
0xad: {  	[dreg:$0x0] =	wrdreg $0x60  }
0xae: {  	[dreg:$0x2] =	wrdreg s24  }
0xaf: {  	[dreg:$0x3] =	wrdreg $0x122000  }
0xb0: {  	[dreg:$0x4] =	wrdreg $0x9  }
0xb1: {  	_ =	task.clear_ibuf [dreg:s6], $0x5FFFF;
	_ =	strace $0x90000046  }
0xb2: {  	s29 =	simm.s32 $0x9;
	_ =	strace $0x80000048  }
0xb3: {  	_ =	swait.ge [sflag:s29], $0x1  }
0xb4: {  	[sflag:s29] =	ssyncadd.s32 $0xFFFFFFFF  }
0xb5: {  	_ =	strace $0x90000048  }
0xb6: {  	_ =	sfence  }
0xb7: {  	s30 =	sld [smem:$0x0];
	_ =	sdelay $0x2  }
0xb8: {  	s31 =	sshll.u32 s1, $0xD;
	s1 =	sshrl.u32 s1, $0x2  }
0xb9: {  	s3 =	sand.u32 $0x4000, s31;
	s1 =	sadd.s32 s1, s30  }
0xba: {  	s0 =	sor.u32 s3, s0;
	s1 =	sshll.u32 s1, $0x11  }
0xbb: {  	s0 =	sor.u32 s1, s0  }
0xbc: {  	s0 =	sadd.s32 $0x8F2B, s0  }
0xbd: {  	[sflag:s0] =	ssyncadd.remote.s32 $0x1  }
0xbe: {  	_ =	sfence.sel $0xFFFF  }
0xbf: {  	[dreg:$0x0] =	wrdreg $0xFFFFFFFF;
	(pc) =	sbr.abs _section_cstart, $3  }
0xc0: {  	[dreg:$0x1] =	wrdreg $0xFFFFFFFF  }
0xc1: {  	_ =	task.clear_ibuf [dreg:s6], $0x2FFFF;
	_ =	strace $0x9FFFFFFF  }
0xc2: {  	(tm) =	ssettm $0x7FFFFFFF  }
0xc3: {  	_ =	shalt  }
tec
execute0_lowered:
.L_overlay_start_1:
0x0: {  	(tag) =	ssettag $0x1  }
0x1: {  	s0 =	rddreg [dreg:$0x0]  }
0x2: {  	s2 =	rddreg [dreg:$0x1];
	s3 =	simm.s32 $0x0  }
0x3: {  	s14 =	stileid.u32;
	s1 =	srdreg.scid;
	s13 =	simm.s32 $0x9  }
0x4: {  	s17 =	simm.s32 $0x50;
	s18 =	simm.s32 $0x8200;
	s19 =	simm.s32 $0x80  }
0x5: {  	s20 =	simm.s32 $0xAA00;
	s28 =	simm.s32 $0x3;
	s29 =	simm.s32 $0x8100  }
0x6: {  	s30 =	simm.s32 $0x5;
	s31 =	simm.s32 $0x4;
	s6 =	smul.u32 $0x1500, s14  }
0x7: {  	[smem:$0x7FF] =	sst s3;
	s1 =	sand.u32 $0x1, s1;
	s9 =	smul.u32 $0x140, s14  }
0x8: {  	s4 =	sadd.s32 $0x2B400, s0;
	s8 =	sshll.u32 s14, $0xB;
	s10 =	smul.u32 $0x2A000, s14  }
0x9: {  	s5 =	sadd.s32 $0x4200, s0;
	s12 =	smul.u32 $0x28000, s14;
	s26 =	sshll.u32 s14, $0x6  }
0xa: {  	s14 =	simm.s32 $0x7;
	_ =	strace $0x80000047;
	s7 =	smul.u32 $0x1400, s1  }
0xb: {  	s8 =	sadd.s32 s8, s0;
	s1 =	ssub.s32 $0x2, s1;
	s15 =	sor.u32 $0x1C09, s26  }
0xc: {  	s26 =	simm.s32 $0xFA00;
	s6 =	sadd.s32 s6, s0;
	s11 =	sshrl.u32 s1, $0x1  }
0xd: {  	s21 =	sadd.s32 $0x52600, s8;
	s8 =	sadd.s32 $0x5A600, s8;
	s22 =	sshrl.u32 s10, $0x2  }
0xe: {  	s23 =	sshrl.u32 s12, $0x2;
	s9 =	sadd.s32 s9, s7;
	[dreg:$0x3] =	wrdreg s21  }
0xf: {  	s1 =	ssub.s32 s1, s11;
	[dreg:$0x4] =	wrdreg s8;
	s10 =	sadd.s32 s22, s2  }
0x10: {  	s8 =	sadd.s32 $0x62600, s6;
	s24 =	sadd.s32 s23, s2;
	s21 =	simm.s32 $0x1  }
0x11: {  	s22 =	simm.s32 $0x8000;
	s23 =	simm.s32 $0xD200;
	s6 =	simm.s32 $0x8  }
.Ltmp0:
0x12: {  	v0 =	vmov s7;
	s7 =	simm.s32 $0x0;
	s9 =	sshll.u32 s9, $0x4;
	(pc) =	sbr.rel .LBB2_1-.Ltmp0, $4  }
0x13: {  	[dreg:$0x5] =	wrdreg s24;
	s12 =	smax.u32 s1, $0x1;
	s0 =	sadd.s32 s9, s0  }
0x14: {  	s16 =	sshrl.u32 s10, $0x3;
	s24 =	simm.s32 $0x2;
	s25 =	sadd.s32 $0x77600, s0  }
0x15: {  	s1 =	simm.s32 $0x6;
	s0 =	sadd.s32 $0x9F600, s0;
	[dreg:$0x6] =	wrdreg s25  }
0x16: {  	[dreg:$0x7] =	wrdreg s0;
	s25 =	simm.s32 $0x8080;
	s0 =	simm.s32 $0x8180  }
.LBB2_7:
0x17: {  	_ =	swait.ge [sflag:s21], $0x2800  }
0x18: {  	[sflag:s21] =	ssyncset.done $0x0  }
0x19: {  	[sflag:s21] =	ssyncadd.s32 $0xFFFFD800  }
0x1a: {  	v1 =	vld [tilespmem:$0x7E00]  }
0x1b: {  	v2 =	vld [tilespmem:$0x7E10]  }
0x1c: {  	v3 =	vld [tilespmem:$0x7E20]  }
0x1d: {  	v5 =	vld [tilespmem:$0x7E30]  }
0x1e: {  	v7 =	vld [tilespmem:$0x7E40];
	_ =	sdelay $0x2  }
0x1f: {  	v4 =	vsub.s32 v1, v0;
	v1 =	vand.u32 $0xFF, v1;
	v6 =	vsub.s32 v2, v0  }
0x20: {  	v2 =	vand.u32 $0xFF, v2;
	v61 =	vsub.s32 v3, v0;
	v3 =	vand.u32 $0xFF, v3  }
0x21: {  	v62 =	vsub.s32 v5, v0;
	v63 =	vand.u32 $0xFF, v7;
	vm0 =	vlt.u32 v4, $0x1400  }
0x22: {  	v1 =	vor.u32 $0x1400, v1;
	vm12 =	vlt.u32 v6, $0x1400;
	v2 =	vor.u32 $0x1400, v2  }
0x23: {  	vm13 =	vlt.u32 v61, $0x1400;
	v3 =	vor.u32 $0x1400, v3;
	v1 =	vsel vm0, v4, v1  }
0x24: {  	v2 =	vsel vm12, v6, v2;
	[tilespmem:$0x8000] =	vst v1;
	v1 =	vsel vm13, v61, v3;
	v3 =	vand.u32 $0xFF, v5  }
0x25: {  	vm14 =	vlt.u32 v62, $0x1400;
	[tilespmem:$0x8010] =	vst v2;
	v2 =	vor.u32 $0x1400, v3;
	v3 =	vsub.s32 v7, v0  }
0x26: {  	[tilespmem:$0x8020] =	vst v1;
	v1 =	vsel vm14, v62, v2;
	vm15 =	vlt.u32 v3, $0x1400;
	v2 =	vor.u32 $0x1400, v63  }
0x27: {  	[tilespmem:$0x8030] =	vst v1;
	v1 =	vsel vm15, v3, v2  }
0x28: {  	[tilespmem:$0x8040] =	vst v1  }
0x29: {  	[spmem:s2] =	stream.indirect.scatter.add.f32 [tilespmem:s18], [sflag:$0x5], $0x80, s22, s17, $0xb8;
	[tilespmem:$0x1CA00] =	vst v63  }
0x2a: {  	_ =	swait.ge [sflag:s30], $0x2800  }
0x2b: {  	[sflag:s30] =	ssyncset.done $0x0  }
0x2c: {  	[sflag:s30] =	ssyncadd.s32 $0xFFFFD800  }
0x2d: {  	_ =	swait.ge [sflag:s1], $0x2800  }
0x2e: {  	[sflag:s1] =	ssyncset.done $0x0  }
0x2f: {  	[sflag:s1] =	ssyncadd.s32 $0xFFFFD800  }
0x30: {  	_ =	swait.ge [sflag:s14], $0x2800  }
0x31: {  	[sflag:s14] =	ssyncset.done $0x0  }
0x32: {  	[sflag:s14] =	ssyncadd.s32 $0xFFFFD800  }
0x33: {  	_ =	swait.ge [sflag:s6], $0x2800  }
0x34: {  	[sflag:s6] =	ssyncset.done $0x0  }
0x35: {  	[sflag:s6] =	ssyncadd.s32 $0xFFFFD800  }
0x36: {  	s7 =	sadd.s32 $0x1, s7;
	[bflag:$0x0] =	sbarrier.arrive $0xFFFF  }
0x37: {  	p0 =	sne.s32 s7, s12;
	s10 =	rddreg [dreg:$0x7]  }
0x38: {  	[hbm:s10], [sflag:s15] =	dma.local [spmem:s9], $0x1400  }
.Ltmp1:
0x39: {  	_ =	swait.ge [sflag:s13], $0x1400;
	(pc) =	sbr.rel @!p0 .LBB2_8-.Ltmp1, $4  }
0x3a: {  	[sflag:s13] =	ssyncset.done $0x0  }
0x3b: {  	[sflag:s13] =	ssyncadd.s32 $0xFFFFEC00  }
0x3c: {  	[bflag:$0x0] =	sbarrier.arrive $0xFFFF  }
0x3d: {  	s19 =	simm.s32 $0x80  }
.LBB2_1:
0x3e: {  	s9 =	rddreg [dreg:$0x3]  }
0x3f: {  	[tilespmem:s3], [sflag:$0x9] =	stream.linear.gather [hbm4b:s9+s3], $0x3E80, $0x38;
	[tilespmem:$0x1CA00] =	vst v63  }
0x40: {  	_ =	swait.ge [sflag:s13], $0x3E80  }
0x41: {  	[sflag:s13] =	ssyncset.done $0x0  }
0x42: {  	s10 =	simm.s32 $0x4000;
	s11 =	rddreg [dreg:$0x4];
	[sflag:s13] =	ssyncadd.s32 $0xFFFFC180  }
0x43: {  	[tilespmem:s10], [sflag:$0x9] =	stream.linear.gather [hbm4b:s11+s3], $0x3E80, $0x38;
	[tilespmem:$0x1CA00] =	vst v63  }
0x44: {  	_ =	swait.ge [sflag:s13], $0x3E80  }
0x45: {  	[sflag:s13] =	ssyncset.done $0x0  }
0x46: {  	[sflag:s13] =	ssyncadd.s32 $0xFFFFC180  }
0x47: {  	[spmem:s16], [sflag:s15] =	dma.local [hbm:s8], $0x1500  }
0x48: {  	_ =	swait.ge [sflag:s13], $0x1500  }
0x49: {  	[sflag:s13] =	ssyncset.done $0x0  }
0x4a: {  	[sflag:s13] =	ssyncadd.s32 $0xFFFFEB00  }
0x4b: {  	[bflag:$0x0] =	sbarrier.arrive $0xFFFF  }
0x4c: {  	[tilespmem:s18], [sflag:$0x1] =	stream.indirect.gather [hbm4b:s4+s17], $0x80, s3, s17, $0xb8;
	[tilespmem:$0x1CA00] =	vst v63  }
0x4d: {  	s9 =	simm.s32 $0x0  }
0x4e: {  	[tilespmem:s20], [sflag:$0x2] =	stream.indirect.gather [hbm4b:s4+s17], $0x80, s19, s17, $0xb8;
	[tilespmem:$0x1CA00] =	vst v63  }
.LBB2_2:
0x4f: {  	_ =	swait.ge [sflag:s21], $0x2800  }
0x50: {  	[sflag:s21] =	ssyncset.done $0x0  }
0x51: {  	s10 =	sshra.s32 s9, $0x2;
	[sflag:s21] =	ssyncadd.s32 $0xFFFFD800  }
0x52: {  	v1 =	vld [tilespmem:s10+$0x4000];
	_ =	sdelay $0x4  }
0x53: {  	v2 =	vsub.s32 v1, v0;
	v1 =	vand.u32 $0xFF, v1  }
0x54: {  	vm0 =	vlt.u32 v2, $0x1400;
	v1 =	vor.u32 $0x1400, v1  }
0x55: {  	v1 =	vsel vm0, v2, v1  }
0x56: {  	[tilespmem:$0x8000] =	vst v1  }
0x57: {  	v1 =	vld [tilespmem:s10+$0x4010];
	_ =	sdelay $0x4  }
0x58: {  	v2 =	vsub.s32 v1, v0;
	v1 =	vand.u32 $0xFF, v1  }
0x59: {  	vm9 =	vlt.u32 v2, $0x1400;
	v1 =	vor.u32 $0x1400, v1  }
0x5a: {  	v1 =	vsel vm9, v2, v1  }
0x5b: {  	[tilespmem:$0x8010] =	vst v1  }
0x5c: {  	v1 =	vld [tilespmem:s10+$0x4020];
	_ =	sdelay $0x4  }
0x5d: {  	v2 =	vsub.s32 v1, v0;
	v1 =	vand.u32 $0xFF, v1  }
0x5e: {  	vm10 =	vlt.u32 v2, $0x1400;
	v1 =	vor.u32 $0x1400, v1  }
0x5f: {  	v1 =	vsel vm10, v2, v1  }
0x60: {  	[tilespmem:$0x8020] =	vst v1  }
0x61: {  	v1 =	vld [tilespmem:s10+$0x4030];
	_ =	sdelay $0x4  }
0x62: {  	v2 =	vsub.s32 v1, v0;
	v1 =	vand.u32 $0xFF, v1  }
0x63: {  	vm11 =	vlt.u32 v2, $0x1400;
	v1 =	vor.u32 $0x1400, v1  }
0x64: {  	v1 =	vsel vm11, v2, v1  }
0x65: {  	[tilespmem:$0x8030] =	vst v1  }
0x66: {  	v1 =	vld [tilespmem:s10+$0x4040];
	_ =	sdelay $0x4  }
0x67: {  	v2 =	vsub.s32 v1, v0;
	v1 =	vand.u32 $0xFF, v1  }
0x68: {  	vm12 =	vlt.u32 v2, $0x1400;
	v1 =	vor.u32 $0x1400, v1  }
0x69: {  	p0 =	seq.s32 s9, $0x0;
	v1 =	vsel vm12, v2, v1  }
0x6a: {  	s11 =	simm.s32 @!p0 $0x7;
	[tilespmem:$0x8040] =	vst v1  }
0x6b: {  	[spmem:s2] =	stream.indirect.scatter.add.f32 [tilespmem:s18], [sflag:$0x5], $0x80, s22, s17, $0xb8;
	[tilespmem:$0x1CA00] =	vst v63  }
0x6c: {  	_ =	swait.ge @!p0 [sflag:s11], $0x2800  }
0x6d: {  	[sflag:s11] =	ssyncset.done @!p0 $0x0  }
0x6e: {  	[sflag:s11] =	ssyncadd.s32 @!p0 $0xFFFFD800;
	s11 =	sadd.s32 $0x100, s10  }
0x6f: {  	[tilespmem:s23], [sflag:$0x3] =	stream.indirect.gather [hbm4b:s4+s17], $0x80, s11, s17, $0xb8;
	[tilespmem:$0x1CA00] =	vst v63  }
0x70: {  	_ =	swait.ge [sflag:s24], $0x2800  }
0x71: {  	[sflag:s24] =	ssyncset.done $0x0  }
0x72: {  	[sflag:s24] =	ssyncadd.s32 $0xFFFFD800  }
0x73: {  	v1 =	vld [tilespmem:s10+$0x4080];
	_ =	sdelay $0x4  }
0x74: {  	v2 =	vsub.s32 v1, v0;
	v1 =	vand.u32 $0xFF, v1  }
0x75: {  	vm13 =	vlt.u32 v2, $0x1400;
	v1 =	vor.u32 $0x1400, v1  }
0x76: {  	v1 =	vsel vm13, v2, v1  }
0x77: {  	[tilespmem:$0x8080] =	vst v1  }
0x78: {  	v1 =	vld [tilespmem:s10+$0x4090];
	_ =	sdelay $0x4  }
0x79: {  	v2 =	vsub.s32 v1, v0;
	v1 =	vand.u32 $0xFF, v1  }
0x7a: {  	vm14 =	vlt.u32 v2, $0x1400;
	v1 =	vor.u32 $0x1400, v1  }
0x7b: {  	v1 =	vsel vm14, v2, v1  }
0x7c: {  	[tilespmem:$0x8090] =	vst v1  }
0x7d: {  	v1 =	vld [tilespmem:s10+$0x40A0];
	_ =	sdelay $0x4  }
0x7e: {  	v2 =	vsub.s32 v1, v0;
	v1 =	vand.u32 $0xFF, v1  }
0x7f: {  	vm15 =	vlt.u32 v2, $0x1400;
	v1 =	vor.u32 $0x1400, v1  }
0x80: {  	v1 =	vsel vm15, v2, v1  }
0x81: {  	[tilespmem:$0x80A0] =	vst v1  }
0x82: {  	v1 =	vld [tilespmem:s10+$0x40B0];
	_ =	sdelay $0x4  }
0x83: {  	v2 =	vsub.s32 v1, v0;
	v1 =	vand.u32 $0xFF, v1  }
0x84: {  	vm4 =	vlt.u32 v2, $0x1400;
	v1 =	vor.u32 $0x1400, v1  }
0x85: {  	v1 =	vsel vm4, v2, v1  }
0x86: {  	[tilespmem:$0x80B0] =	vst v1  }
0x87: {  	v1 =	vld [tilespmem:s10+$0x40C0];
	_ =	sdelay $0x4  }
0x88: {  	v2 =	vsub.s32 v1, v0;
	v1 =	vand.u32 $0xFF, v1  }
0x89: {  	vm5 =	vlt.u32 v2, $0x1400;
	v1 =	vor.u32 $0x1400, v1  }
0x8a: {  	v1 =	vsel vm5, v2, v1  }
0x8b: {  	s11 =	simm.s32 @!p0 $0x8;
	[tilespmem:$0x80C0] =	vst v1  }
0x8c: {  	[spmem:s2] =	stream.indirect.scatter.add.f32 [tilespmem:s20], [sflag:$0x6], $0x80, s25, s17, $0xb8;
	[tilespmem:$0x1CA00] =	vst v63  }
0x8d: {  	_ =	swait.ge @!p0 [sflag:s11], $0x2800  }
0x8e: {  	[sflag:s11] =	ssyncset.done @!p0 $0x0  }
0x8f: {  	[sflag:s11] =	ssyncadd.s32 @!p0 $0xFFFFD800;
	s11 =	sadd.s32 $0x180, s10  }
0x90: {  	[tilespmem:s26], [sflag:$0x4] =	stream.indirect.gather [hbm4b:s4+s17], $0x80, s11, s17, $0xb8;
	[tilespmem:$0x1CA00] =	vst v63  }
0x91: {  	_ =	swait.ge [sflag:s28], $0x2800  }
0x92: {  	[sflag:s28] =	ssyncset.done $0x0  }
0x93: {  	[sflag:s28] =	ssyncadd.s32 $0xFFFFD800  }
0x94: {  	v1 =	vld [tilespmem:s10+$0x4100];
	_ =	sdelay $0x4  }
0x95: {  	v2 =	vsub.s32 v1, v0;
	v1 =	vand.u32 $0xFF, v1  }
0x96: {  	vm6 =	vlt.u32 v2, $0x1400;
	v1 =	vor.u32 $0x1400, v1  }
0x97: {  	v1 =	vsel vm6, v2, v1  }
0x98: {  	[tilespmem:$0x8100] =	vst v1  }
0x99: {  	v1 =	vld [tilespmem:s10+$0x4110];
	_ =	sdelay $0x4  }
0x9a: {  	v2 =	vsub.s32 v1, v0;
	v1 =	vand.u32 $0xFF, v1  }
0x9b: {  	vm7 =	vlt.u32 v2, $0x1400;
	v1 =	vor.u32 $0x1400, v1  }
0x9c: {  	v1 =	vsel vm7, v2, v1  }
0x9d: {  	[tilespmem:$0x8110] =	vst v1  }
0x9e: {  	v1 =	vld [tilespmem:s10+$0x4120];
	_ =	sdelay $0x4  }
0x9f: {  	v2 =	vsub.s32 v1, v0;
	v1 =	vand.u32 $0xFF, v1  }
0xa0: {  	vm8 =	vlt.u32 v2, $0x1400;
	v1 =	vor.u32 $0x1400, v1  }
0xa1: {  	v1 =	vsel vm8, v2, v1  }
0xa2: {  	[tilespmem:$0x8120] =	vst v1  }
0xa3: {  	v1 =	vld [tilespmem:s10+$0x4130];
	_ =	sdelay $0x4  }
0xa4: {  	v2 =	vsub.s32 v1, v0;
	v1 =	vand.u32 $0xFF, v1  }
0xa5: {  	vm9 =	vlt.u32 v2, $0x1400;
	v1 =	vor.u32 $0x1400, v1  }
0xa6: {  	v1 =	vsel vm9, v2, v1  }
0xa7: {  	[tilespmem:$0x8130] =	vst v1  }
0xa8: {  	v1 =	vld [tilespmem:s10+$0x4140];
	_ =	sdelay $0x4  }
0xa9: {  	v2 =	vsub.s32 v1, v0;
	v1 =	vand.u32 $0xFF, v1  }
0xaa: {  	vm10 =	vlt.u32 v2, $0x1400;
	v1 =	vor.u32 $0x1400, v1  }
0xab: {  	v1 =	vsel vm10, v2, v1  }
0xac: {  	[tilespmem:$0x8140] =	vst v1  }
0xad: {  	[spmem:s2] =	stream.indirect.scatter.add.f32 [tilespmem:s23], [sflag:$0x7], $0x80, s29, s17, $0xb8;
	[tilespmem:$0x1CA00] =	vst v63  }
0xae: {  	_ =	swait.ge [sflag:s30], $0x2800  }
0xaf: {  	[sflag:s30] =	ssyncset.done $0x0  }
0xb0: {  	s11 =	sadd.s32 $0x200, s10;
	[sflag:s30] =	ssyncadd.s32 $0xFFFFD800  }
0xb1: {  	[tilespmem:s18], [sflag:$0x1] =	stream.indirect.gather [hbm4b:s4+s17], $0x80, s11, s17, $0xb8;
	[tilespmem:$0x1CA00] =	vst v63  }
0xb2: {  	_ =	swait.ge [sflag:s31], $0x2800  }
0xb3: {  	[sflag:s31] =	ssyncset.done $0x0  }
0xb4: {  	[sflag:s31] =	ssyncadd.s32 $0xFFFFD800  }
0xb5: {  	v1 =	vld [tilespmem:s10+$0x4180];
	_ =	sdelay $0x4  }
0xb6: {  	v2 =	vsub.s32 v1, v0;
	v1 =	vand.u32 $0xFF, v1  }
0xb7: {  	vm11 =	vlt.u32 v2, $0x1400;
	v1 =	vor.u32 $0x1400, v1  }
0xb8: {  	v1 =	vsel vm11, v2, v1  }
0xb9: {  	[tilespmem:$0x8180] =	vst v1  }
0xba: {  	v1 =	vld [tilespmem:s10+$0x4190];
	_ =	sdelay $0x4  }
0xbb: {  	v2 =	vsub.s32 v1, v0;
	v1 =	vand.u32 $0xFF, v1  }
0xbc: {  	vm12 =	vlt.u32 v2, $0x1400;
	v1 =	vor.u32 $0x1400, v1  }
0xbd: {  	v1 =	vsel vm12, v2, v1  }
0xbe: {  	[tilespmem:$0x8190] =	vst v1  }
0xbf: {  	v1 =	vld [tilespmem:s10+$0x41A0];
	_ =	sdelay $0x4  }
0xc0: {  	v2 =	vsub.s32 v1, v0;
	v1 =	vand.u32 $0xFF, v1  }
0xc1: {  	vm13 =	vlt.u32 v2, $0x1400;
	v1 =	vor.u32 $0x1400, v1  }
0xc2: {  	v1 =	vsel vm13, v2, v1  }
0xc3: {  	[tilespmem:$0x81A0] =	vst v1  }
0xc4: {  	v1 =	vld [tilespmem:s10+$0x41B0];
	_ =	sdelay $0x4  }
0xc5: {  	v2 =	vsub.s32 v1, v0;
	v1 =	vand.u32 $0xFF, v1  }
0xc6: {  	vm14 =	vlt.u32 v2, $0x1400;
	v1 =	vor.u32 $0x1400, v1  }
0xc7: {  	v1 =	vsel vm14, v2, v1  }
0xc8: {  	[tilespmem:$0x81B0] =	vst v1  }
0xc9: {  	v1 =	vld [tilespmem:s10+$0x41C0];
	_ =	sdelay $0x3  }
0xca: {  	p0 =	seq.s32 s9, $0xF000  }
.Ltmp2:
0xcb: {  	v2 =	vsub.s32 v1, v0;
	v1 =	vand.u32 $0xFF, v1;
	(pc) =	sbr.rel @p0 .LBB2_4-.Ltmp2, $4  }
0xcc: {  	vm15 =	vlt.u32 v2, $0x1400;
	v1 =	vor.u32 $0x1400, v1  }
0xcd: {  	v1 =	vsel vm15, v2, v1  }
0xce: {  	[tilespmem:$0x81C0] =	vst v1  }
0xcf: {  	[spmem:s2] =	stream.indirect.scatter.add.f32 [tilespmem:s26], [sflag:$0x8], $0x80, s0, s17, $0xb8;
	[tilespmem:$0x1CA00] =	vst v63  }
.Ltmp3:
0xd0: {  	(pc) =	sbr.rel .LBB2_2-.Ltmp3, $4  }
0xd1: {  	_ =	swait.ge [sflag:s1], $0x2800  }
0xd2: {  	[sflag:s1] =	ssyncset.done $0x0  }
0xd3: {  	s10 =	sadd.s32 $0x280, s10;
	s9 =	sadd.s32 $0x800, s9;
	[sflag:s1] =	ssyncadd.s32 $0xFFFFD800  }
0xd4: {  	[tilespmem:s20], [sflag:$0x2] =	stream.indirect.gather [hbm4b:s4+s17], $0x80, s10, s17, $0xb8;
	[tilespmem:$0x1CA00] =	vst v63  }
.LBB2_4:
0xd5: {  	_ =	swait.ge [sflag:s21], $0x2800  }
0xd6: {  	[sflag:s21] =	ssyncset.done $0x0  }
0xd7: {  	[sflag:s21] =	ssyncadd.s32 $0xFFFFD800  }
0xd8: {  	v1 =	vld [tilespmem:$0x7E00]  }
0xd9: {  	v2 =	vld [tilespmem:$0x7E10]  }
0xda: {  	v3 =	vld [tilespmem:$0x7E20]  }
0xdb: {  	v5 =	vld [tilespmem:$0x7E30]  }
0xdc: {  	v7 =	vld [tilespmem:$0x7E40];
	_ =	sdelay $0x2  }
0xdd: {  	v4 =	vsub.s32 v1, v0;
	v1 =	vand.u32 $0xFF, v1;
	v6 =	vsub.s32 v2, v0  }
0xde: {  	v2 =	vand.u32 $0xFF, v2;
	v61 =	vsub.s32 v3, v0;
	v3 =	vand.u32 $0xFF, v3  }
0xdf: {  	v62 =	vsub.s32 v5, v0;
	v63 =	vand.u32 $0xFF, v7;
	vm0 =	vlt.u32 v4, $0x1400  }
0xe0: {  	v1 =	vor.u32 $0x1400, v1;
	vm12 =	vlt.u32 v6, $0x1400;
	v2 =	vor.u32 $0x1400, v2  }
0xe1: {  	vm13 =	vlt.u32 v61, $0x1400;
	v3 =	vor.u32 $0x1400, v3;
	v1 =	vsel vm0, v4, v1  }
0xe2: {  	v2 =	vsel vm12, v6, v2;
	[tilespmem:$0x8000] =	vst v1;
	v1 =	vsel vm13, v61, v3;
	v3 =	vand.u32 $0xFF, v5  }
0xe3: {  	vm14 =	vlt.u32 v62, $0x1400;
	[tilespmem:$0x8010] =	vst v2;
	v2 =	vor.u32 $0x1400, v3;
	v3 =	vsub.s32 v7, v0  }
0xe4: {  	[tilespmem:$0x8020] =	vst v1;
	v1 =	vsel vm14, v62, v2;
	vm15 =	vlt.u32 v3, $0x1400;
	v2 =	vor.u32 $0x1400, v63  }
0xe5: {  	[tilespmem:$0x8030] =	vst v1;
	v1 =	vsel vm15, v3, v2  }
0xe6: {  	[tilespmem:$0x8040] =	vst v1  }
0xe7: {  	[spmem:s2] =	stream.indirect.scatter.add.f32 [tilespmem:s18], [sflag:$0x5], $0x80, s22, s17, $0xb8;
	[tilespmem:$0x1CA00] =	vst v63  }
0xe8: {  	_ =	swait.ge [sflag:s30], $0x2800  }
0xe9: {  	[sflag:s30] =	ssyncset.done $0x0  }
0xea: {  	[sflag:s30] =	ssyncadd.s32 $0xFFFFD800  }
0xeb: {  	_ =	swait.ge [sflag:s1], $0x2800  }
0xec: {  	[sflag:s1] =	ssyncset.done $0x0  }
0xed: {  	[sflag:s1] =	ssyncadd.s32 $0xFFFFD800  }
0xee: {  	_ =	swait.ge [sflag:s14], $0x2800  }
0xef: {  	[sflag:s14] =	ssyncset.done $0x0  }
0xf0: {  	[sflag:s14] =	ssyncadd.s32 $0xFFFFD800  }
0xf1: {  	_ =	swait.ge [sflag:s6], $0x2800  }
0xf2: {  	[sflag:s6] =	ssyncset.done $0x0  }
0xf3: {  	[sflag:s6] =	ssyncadd.s32 $0xFFFFD800  }
0xf4: {  	[bflag:$0x0] =	sbarrier.arrive $0xFFFF  }
0xf5: {  	s9 =	rddreg [dreg:$0x5]  }
0xf6: {  	s10 =	rddreg [dreg:$0x6];
	s9 =	sshrl.u32 s9, $0x3  }
0xf7: {  	[hbm:s10], [sflag:s15] =	dma.local [spmem:s9], $0x1400  }
0xf8: {  	_ =	swait.ge [sflag:s13], $0x1400  }
0xf9: {  	[sflag:s13] =	ssyncset.done $0x0  }
0xfa: {  	[sflag:s13] =	ssyncadd.s32 $0xFFFFEC00  }
0xfb: {  	[bflag:$0x0] =	sbarrier.arrive $0xFFFF  }
0xfc: {  	[spmem:s16], [sflag:s15] =	dma.local [hbm:s8], $0x1500  }
0xfd: {  	_ =	swait.ge [sflag:s13], $0x1500  }
0xfe: {  	[sflag:s13] =	ssyncset.done $0x0  }
0xff: {  	[sflag:s13] =	ssyncadd.s32 $0xFFFFEB00  }
0x100: {  	s10 =	simm.s32 $0x0;
	[bflag:$0x0] =	sbarrier.arrive $0xFFFF  }
0x101: {  	[tilespmem:s18], [sflag:$0x1] =	stream.indirect.gather [hbm4b:s5+s17], $0x80, s10, s17, $0xb8;
	[tilespmem:$0x1CA00] =	vst v63  }
0x102: {  	_ = 	snop  }
0x103: {  	[tilespmem:s20], [sflag:$0x2] =	stream.indirect.gather [hbm4b:s5+s17], $0x80, s19, s17, $0xb8;
	[tilespmem:$0x1CA00] =	vst v63  }
.LBB2_5:
0x104: {  	_ =	swait.ge [sflag:s21], $0x2800  }
0x105: {  	[sflag:s21] =	ssyncset.done $0x0  }
0x106: {  	s11 =	sshra.s32 s10, $0x2;
	[sflag:s21] =	ssyncadd.s32 $0xFFFFD800  }
0x107: {  	v1 =	vld [tilespmem:s11+$0x4000];
	_ =	sdelay $0x4  }
0x108: {  	v2 =	vsub.s32 v1, v0;
	v1 =	vand.u32 $0xFF, v1  }
0x109: {  	vm0 =	vlt.u32 v2, $0x1400;
	v1 =	vor.u32 $0x1400, v1  }
0x10a: {  	v1 =	vsel vm0, v2, v1  }
0x10b: {  	[tilespmem:$0x8000] =	vst v1  }
0x10c: {  	v1 =	vld [tilespmem:s11+$0x4010];
	_ =	sdelay $0x4  }
0x10d: {  	v2 =	vsub.s32 v1, v0;
	v1 =	vand.u32 $0xFF, v1  }
0x10e: {  	vm9 =	vlt.u32 v2, $0x1400;
	v1 =	vor.u32 $0x1400, v1  }
0x10f: {  	v1 =	vsel vm9, v2, v1  }
0x110: {  	[tilespmem:$0x8010] =	vst v1  }
0x111: {  	v1 =	vld [tilespmem:s11+$0x4020];
	_ =	sdelay $0x4  }
0x112: {  	v2 =	vsub.s32 v1, v0;
	v1 =	vand.u32 $0xFF, v1  }
0x113: {  	vm10 =	vlt.u32 v2, $0x1400;
	v1 =	vor.u32 $0x1400, v1  }
0x114: {  	v1 =	vsel vm10, v2, v1  }
0x115: {  	[tilespmem:$0x8020] =	vst v1  }
0x116: {  	v1 =	vld [tilespmem:s11+$0x4030];
	_ =	sdelay $0x4  }
0x117: {  	v2 =	vsub.s32 v1, v0;
	v1 =	vand.u32 $0xFF, v1  }
0x118: {  	vm11 =	vlt.u32 v2, $0x1400;
	v1 =	vor.u32 $0x1400, v1  }
0x119: {  	v1 =	vsel vm11, v2, v1  }
0x11a: {  	[tilespmem:$0x8030] =	vst v1  }
0x11b: {  	v1 =	vld [tilespmem:s11+$0x4040];
	_ =	sdelay $0x4  }
0x11c: {  	v2 =	vsub.s32 v1, v0;
	v1 =	vand.u32 $0xFF, v1  }
0x11d: {  	vm12 =	vlt.u32 v2, $0x1400;
	v1 =	vor.u32 $0x1400, v1  }
0x11e: {  	p0 =	seq.s32 s10, $0x0;
	v1 =	vsel vm12, v2, v1  }
0x11f: {  	s19 =	simm.s32 @!p0 $0x7;
	[tilespmem:$0x8040] =	vst v1  }
0x120: {  	[spmem:s2] =	stream.indirect.scatter.add.f32 [tilespmem:s18], [sflag:$0x5], $0x80, s22, s17, $0xb8;
	[tilespmem:$0x1CA00] =	vst v63  }
0x121: {  	_ =	swait.ge @!p0 [sflag:s19], $0x2800  }
0x122: {  	[sflag:s19] =	ssyncset.done @!p0 $0x0  }
0x123: {  	[sflag:s19] =	ssyncadd.s32 @!p0 $0xFFFFD800;
	s19 =	sadd.s32 $0x100, s11  }
0x124: {  	[tilespmem:s23], [sflag:$0x3] =	stream.indirect.gather [hbm4b:s5+s17], $0x80, s19, s17, $0xb8;
	[tilespmem:$0x1CA00] =	vst v63  }
0x125: {  	_ =	swait.ge [sflag:s24], $0x2800  }
0x126: {  	[sflag:s24] =	ssyncset.done $0x0  }
0x127: {  	[sflag:s24] =	ssyncadd.s32 $0xFFFFD800  }
0x128: {  	v1 =	vld [tilespmem:s11+$0x4080];
	_ =	sdelay $0x4  }
0x129: {  	v2 =	vsub.s32 v1, v0;
	v1 =	vand.u32 $0xFF, v1  }
0x12a: {  	vm13 =	vlt.u32 v2, $0x1400;
	v1 =	vor.u32 $0x1400, v1  }
0x12b: {  	v1 =	vsel vm13, v2, v1  }
0x12c: {  	[tilespmem:$0x8080] =	vst v1  }
0x12d: {  	v1 =	vld [tilespmem:s11+$0x4090];
	_ =	sdelay $0x4  }
0x12e: {  	v2 =	vsub.s32 v1, v0;
	v1 =	vand.u32 $0xFF, v1  }
0x12f: {  	vm14 =	vlt.u32 v2, $0x1400;
	v1 =	vor.u32 $0x1400, v1  }
0x130: {  	v1 =	vsel vm14, v2, v1  }
0x131: {  	[tilespmem:$0x8090] =	vst v1  }
0x132: {  	v1 =	vld [tilespmem:s11+$0x40A0];
	_ =	sdelay $0x4  }
0x133: {  	v2 =	vsub.s32 v1, v0;
	v1 =	vand.u32 $0xFF, v1  }
0x134: {  	vm15 =	vlt.u32 v2, $0x1400;
	v1 =	vor.u32 $0x1400, v1  }
0x135: {  	v1 =	vsel vm15, v2, v1  }
0x136: {  	[tilespmem:$0x80A0] =	vst v1  }
0x137: {  	v1 =	vld [tilespmem:s11+$0x40B0];
	_ =	sdelay $0x4  }
0x138: {  	v2 =	vsub.s32 v1, v0;
	v1 =	vand.u32 $0xFF, v1  }
0x139: {  	vm4 =	vlt.u32 v2, $0x1400;
	v1 =	vor.u32 $0x1400, v1  }
0x13a: {  	v1 =	vsel vm4, v2, v1  }
0x13b: {  	[tilespmem:$0x80B0] =	vst v1  }
0x13c: {  	v1 =	vld [tilespmem:s11+$0x40C0];
	_ =	sdelay $0x4  }
0x13d: {  	v2 =	vsub.s32 v1, v0;
	v1 =	vand.u32 $0xFF, v1  }
0x13e: {  	vm5 =	vlt.u32 v2, $0x1400;
	v1 =	vor.u32 $0x1400, v1  }
0x13f: {  	v1 =	vsel vm5, v2, v1  }
0x140: {  	s19 =	simm.s32 @!p0 $0x8;
	[tilespmem:$0x80C0] =	vst v1  }
0x141: {  	[spmem:s2] =	stream.indirect.scatter.add.f32 [tilespmem:s20], [sflag:$0x6], $0x80, s25, s17, $0xb8;
	[tilespmem:$0x1CA00] =	vst v63  }
0x142: {  	_ =	swait.ge @!p0 [sflag:s19], $0x2800  }
0x143: {  	[sflag:s19] =	ssyncset.done @!p0 $0x0  }
0x144: {  	[sflag:s19] =	ssyncadd.s32 @!p0 $0xFFFFD800;
	s19 =	sadd.s32 $0x180, s11  }
0x145: {  	[tilespmem:s26], [sflag:$0x4] =	stream.indirect.gather [hbm4b:s5+s17], $0x80, s19, s17, $0xb8;
	[tilespmem:$0x1CA00] =	vst v63  }
0x146: {  	_ =	swait.ge [sflag:s28], $0x2800  }
0x147: {  	[sflag:s28] =	ssyncset.done $0x0  }
0x148: {  	[sflag:s28] =	ssyncadd.s32 $0xFFFFD800  }
0x149: {  	v1 =	vld [tilespmem:s11+$0x4100];
	_ =	sdelay $0x4  }
0x14a: {  	v2 =	vsub.s32 v1, v0;
	v1 =	vand.u32 $0xFF, v1  }
0x14b: {  	vm6 =	vlt.u32 v2, $0x1400;
	v1 =	vor.u32 $0x1400, v1  }
0x14c: {  	v1 =	vsel vm6, v2, v1  }
0x14d: {  	[tilespmem:$0x8100] =	vst v1  }
0x14e: {  	v1 =	vld [tilespmem:s11+$0x4110];
	_ =	sdelay $0x4  }
0x14f: {  	v2 =	vsub.s32 v1, v0;
	v1 =	vand.u32 $0xFF, v1  }
0x150: {  	vm7 =	vlt.u32 v2, $0x1400;
	v1 =	vor.u32 $0x1400, v1  }
0x151: {  	v1 =	vsel vm7, v2, v1  }
0x152: {  	[tilespmem:$0x8110] =	vst v1  }
0x153: {  	v1 =	vld [tilespmem:s11+$0x4120];
	_ =	sdelay $0x4  }
0x154: {  	v2 =	vsub.s32 v1, v0;
	v1 =	vand.u32 $0xFF, v1  }
0x155: {  	vm8 =	vlt.u32 v2, $0x1400;
	v1 =	vor.u32 $0x1400, v1  }
0x156: {  	v1 =	vsel vm8, v2, v1  }
0x157: {  	[tilespmem:$0x8120] =	vst v1  }
0x158: {  	v1 =	vld [tilespmem:s11+$0x4130];
	_ =	sdelay $0x4  }
0x159: {  	v2 =	vsub.s32 v1, v0;
	v1 =	vand.u32 $0xFF, v1  }
0x15a: {  	vm9 =	vlt.u32 v2, $0x1400;
	v1 =	vor.u32 $0x1400, v1  }
0x15b: {  	v1 =	vsel vm9, v2, v1  }
0x15c: {  	[tilespmem:$0x8130] =	vst v1  }
0x15d: {  	v1 =	vld [tilespmem:s11+$0x4140];
	_ =	sdelay $0x4  }
0x15e: {  	v2 =	vsub.s32 v1, v0;
	v1 =	vand.u32 $0xFF, v1  }
0x15f: {  	vm10 =	vlt.u32 v2, $0x1400;
	v1 =	vor.u32 $0x1400, v1  }
0x160: {  	v1 =	vsel vm10, v2, v1  }
0x161: {  	[tilespmem:$0x8140] =	vst v1  }
0x162: {  	[spmem:s2] =	stream.indirect.scatter.add.f32 [tilespmem:s23], [sflag:$0x7], $0x80, s29, s17, $0xb8;
	[tilespmem:$0x1CA00] =	vst v63  }
0x163: {  	_ =	swait.ge [sflag:s30], $0x2800  }
0x164: {  	[sflag:s30] =	ssyncset.done $0x0  }
0x165: {  	s19 =	sadd.s32 $0x200, s11;
	[sflag:s30] =	ssyncadd.s32 $0xFFFFD800  }
0x166: {  	[tilespmem:s18], [sflag:$0x1] =	stream.indirect.gather [hbm4b:s5+s17], $0x80, s19, s17, $0xb8;
	[tilespmem:$0x1CA00] =	vst v63  }
0x167: {  	_ =	swait.ge [sflag:s31], $0x2800  }
0x168: {  	[sflag:s31] =	ssyncset.done $0x0  }
0x169: {  	[sflag:s31] =	ssyncadd.s32 $0xFFFFD800  }
0x16a: {  	v1 =	vld [tilespmem:s11+$0x4180];
	_ =	sdelay $0x4  }
0x16b: {  	v2 =	vsub.s32 v1, v0;
	v1 =	vand.u32 $0xFF, v1  }
0x16c: {  	vm11 =	vlt.u32 v2, $0x1400;
	v1 =	vor.u32 $0x1400, v1  }
0x16d: {  	v1 =	vsel vm11, v2, v1  }
0x16e: {  	[tilespmem:$0x8180] =	vst v1  }
0x16f: {  	v1 =	vld [tilespmem:s11+$0x4190];
	_ =	sdelay $0x4  }
0x170: {  	v2 =	vsub.s32 v1, v0;
	v1 =	vand.u32 $0xFF, v1  }
0x171: {  	vm12 =	vlt.u32 v2, $0x1400;
	v1 =	vor.u32 $0x1400, v1  }
0x172: {  	v1 =	vsel vm12, v2, v1  }
0x173: {  	[tilespmem:$0x8190] =	vst v1  }
0x174: {  	v1 =	vld [tilespmem:s11+$0x41A0];
	_ =	sdelay $0x4  }
0x175: {  	v2 =	vsub.s32 v1, v0;
	v1 =	vand.u32 $0xFF, v1  }
0x176: {  	vm13 =	vlt.u32 v2, $0x1400;
	v1 =	vor.u32 $0x1400, v1  }
0x177: {  	v1 =	vsel vm13, v2, v1  }
0x178: {  	[tilespmem:$0x81A0] =	vst v1  }
0x179: {  	v1 =	vld [tilespmem:s11+$0x41B0];
	_ =	sdelay $0x4  }
0x17a: {  	v2 =	vsub.s32 v1, v0;
	v1 =	vand.u32 $0xFF, v1  }
0x17b: {  	vm14 =	vlt.u32 v2, $0x1400;
	v1 =	vor.u32 $0x1400, v1  }
0x17c: {  	v1 =	vsel vm14, v2, v1  }
0x17d: {  	[tilespmem:$0x81B0] =	vst v1  }
0x17e: {  	v1 =	vld [tilespmem:s11+$0x41C0];
	_ =	sdelay $0x3  }
0x17f: {  	p0 =	seq.s32 s10, $0xF000  }
.Ltmp4:
0x180: {  	v2 =	vsub.s32 v1, v0;
	v1 =	vand.u32 $0xFF, v1;
	(pc) =	sbr.rel @p0 .LBB2_7-.Ltmp4, $4  }
0x181: {  	vm15 =	vlt.u32 v2, $0x1400;
	v1 =	vor.u32 $0x1400, v1  }
0x182: {  	v1 =	vsel vm15, v2, v1  }
0x183: {  	[tilespmem:$0x81C0] =	vst v1  }
0x184: {  	[spmem:s2] =	stream.indirect.scatter.add.f32 [tilespmem:s26], [sflag:$0x8], $0x80, s0, s17, $0xb8;
	[tilespmem:$0x1CA00] =	vst v63  }
.Ltmp5:
0x185: {  	(pc) =	sbr.rel .LBB2_5-.Ltmp5, $4  }
0x186: {  	_ =	swait.ge [sflag:s1], $0x2800  }
0x187: {  	[sflag:s1] =	ssyncset.done $0x0  }
0x188: {  	s11 =	sadd.s32 $0x280, s11;
	s10 =	sadd.s32 $0x800, s10;
	[sflag:s1] =	ssyncadd.s32 $0xFFFFD800  }
0x189: {  	[tilespmem:s20], [sflag:$0x2] =	stream.indirect.gather [hbm4b:s5+s17], $0x80, s11, s17, $0xb8;
	[tilespmem:$0x1CA00] =	vst v63  }
.LBB2_8:
0x18a: {  	_ =	sfence.sel $0x180000  }
0x18b: {  	[bflag:$0x0] =	sbarrier.arrive $0xFFFF  }
0x18c: {  	_ =	strace $0x90000047  }
0x18d: {  	s0 =	stileid.u32;
	[bflag:$0x2] =	sbarrier.arrive $0xFFFF  }
0x18e: {  	p0 =	sne.s32 s0, $0x0;
	s0 =	rddreg [dreg:$0x2]  }
0x18f: {  	s0 =	sadd.s32 @!p0 $0x100000, s0  }
0x190: {  	[sflag:s0] =	ssyncadd.tile.s32 @!p0 $0x1;
	_ =	shalt  }
.Lfunc_end2:
_tile_overlayer_lowered:
.L_overlay_start_2:
0x191: {  	(tag) =	ssettag $0x2  }
0x192: {  	s0 =	rddreg [dreg:$0x0];
	s2 =	stileid.u32  }
0x193: {  	s1 =	rddreg [dreg:$0x1];
	p0 =	sne.s32 s2, $0x0  }
0x194: {  	s3 =	rddreg [dreg:$0x2];
	[bflag:$0x3] =	sbarrier.arrive $0xFFFF;
	s2 =	simm.s32 @!p0 $0x1C09  }
0x195: {  	[timem:s3], [sflag:s2] =	dma.local @!p0 [hbm:s0], s1  }
0x196: {  	s0 =	simm.s32 @!p0 $0x9  }
0x197: {  	_ =	swait.ge @!p0 [sflag:s0], s1  }
0x198: {  	s1 =	ssub.s32 @!p0 $0x0, s1;
	[sflag:s0] =	ssyncset.done @!p0 $0x0  }
0x199: {  	[sflag:s0] =	ssyncadd.s32 @!p0 s1  }
0x19a: {  	[bflag:$0x3] =	sbarrier.arrive $0xFFFF  }
0x19b: {  	_ =	shalt  }

// kernel: kernel.15.cloned.1.call-start
scs
__scs_entry_jumppad:
0x0: {  	(pc) =	sbr.rel $0x88, $3  }
0x1: {  	(tag) =	ssettag $0x0;
	lr =	simm.s32 $0x1  }
0x2: {  	[smem:$0x3F8D] =	sst lr;
	_ =	strace $0xD0000000  }
0x3: {  	_ = 	snop  }
0x4: {  	_ = 	snop  }
0x5: {  	_ = 	snop  }
0x6: {  	_ = 	snop  }
0x7: {  	_ = 	snop  }
__scs_overlays_trampoline_lowered:
0x8: {  	[smem:$0x3F9C] =	sst s0  }
0x9: {  	[smem:$0x3F9D] =	sst s1  }
0xa: {  	[smem:$0x3F9E] =	sst s2  }
0xb: {  	[smem:$0x3F9F] =	sst s3  }
0xc: {  	[smem:$0x3FA0] =	sst s4  }
0xd: {  	[smem:$0x3FA1] =	sst s5  }
0xe: {  	[smem:$0x3FA2] =	sst s6  }
0xf: {  	[smem:$0x3FA3] =	sst s7  }
0x10: {  	[smem:$0x3FA4] =	sst s8  }
0x11: {  	[smem:$0x3FA5] =	sst s9;
	s0 =	simm.s32 @!p0 $0x0  }
0x12: {  	s1 =	sld [smem:$0x3F8B];
	s0 =	simm.s32 @p0 $0x1  }
0x13: {  	[smem:$0x3FA6] =	sst s0;
	s0 =	simm.s32 @!p1 $0x0  }
0x14: {  	s2 =	sld [smem:$0x3F8A];
	s0 =	simm.s32 @p1 $0x1  }
0x15: {  	[smem:$0x3FA7] =	sst s0;
	s0 =	simm.s32 @!p2 $0x0  }
0x16: {  	s3 =	sld [smem:$0x3FDB];
	s0 =	simm.s32 @p2 $0x1  }
0x17: {  	s4 =	simm.s32 $0x1BF5;
	[smem:$0x3FA9] =	sst s0  }
0x18: {  	s0 =	sld [smem:$0x3F8C];
	_ =	swait.ge [sflag:s4], $0x0  }
0x19: {  	s7 =	sld [smem:$0x3F8D]  }
0x1a: {  	s8 =	sadd.s32 $0xFFFFE003, lr  }
0x1b: {  	s9 =	sadd.s32 $0xFFFFFEF7, lr;
	s5 =	simm.s32 $0xFFFFFFFF;
	p2 =	slt.u32 s8, $0xFFFFF086  }
0x1c: {  	p1 =	slt.u32 s9, $0xF7A;
	s5 =	simm.s32 @!p2 $0x0  }
0x1d: {  	s5 =	simm.s32 @p1 $0x1;
	p0 =	seq.s32 s7, s2  }
0x1e: {  	s7 =	smul.u32 @!p0 $0xF7A, s2;
	p2 =	seq.s32 @!p0 s5, $0x0  }
0x1f: {  	s9 =	smul.u32 $0xF7A, s1;
	s8 =	simm.s32 @!p0 $0x1BF5;
	p2 =	por !p2, p0  }
0x20: {  	[sflag:s8] =	ssyncset.s32 @!p0 $0xFFFFF086;
	s6 =	sadd.s32 @!p0 s3, s7;
	s7 =	simm.s32 @!p0 $0x108  }
0x21: {  	s3 =	sadd.s32 s3, s9;
	s6 =	sadd.s32 @!p0 $0x88, s6;
	s7 =	simm.s32 @p2 $0x1082  }
0x22: {  	[simem:s7], [sflag:s8] =	dma.local @!p0 [hbm:s6], $0xF7A  }
0x23: {  	s9 =	sor.u32 $0xD0000000, s2;
	s6 =	simm.s32 $0x108;
	_ =	swait.ge @!p0 [sflag:s8], $0x0  }
0x24: {  	s3 =	sadd.s32 $0x88, s3;
	s6 =	simm.s32 @!p1 $0x1082;
	[sflag:s4] =	ssyncset.s32 $0xFFFFF086  }
0x25: {  	[simem:s6], [sflag:s4] =	dma.local [hbm:s3], $0xF7A  }
0x26: {  	[smem:$0x3F8D] =	sst s1;
	(tag) =	ssettag s2;
	_ =	strace s9  }
0x27: {  	s1 =	sld [smem:$0x3F9D]  }
0x28: {  	s2 =	sld [smem:$0x3F9E]  }
0x29: {  	s4 =	sld [smem:$0x3FA0]  }
0x2a: {  	p0 =	seq.s32 s5, $0x0;
	s5 =	sld [smem:$0x3FA1]  }
0x2b: {  	s6 =	sld [smem:$0x3FA2]  }
0x2c: {  	s7 =	sld [smem:$0x3FA3]  }
0x2d: {  	s3 =	simm.s32 $0x108;
	s8 =	sld [smem:$0x3FA4]  }
0x2e: {  	s3 =	simm.s32 @!p0 $0x1082;
	s9 =	sld [smem:$0x3FA5]  }
0x2f: {  	lr =	sadd.s32 s0, s3;
	s0 =	sld [smem:$0x3F9C]  }
0x30: {  	s3 =	sld [smem:$0x3F9F]  }
0x31: {  	[smem:$0x3FA8] =	sst s10  }
0x32: {  	s10 =	sld [smem:$0x3FA6];
	_ =	sdelay $0x3  }
0x33: {  	p0 =	seq.s32 s10, $0x1;
	s10 =	sld [smem:$0x3FA8];
	_ =	sdelay $0x3  }
0x34: {  	[smem:$0x3FA8] =	sst s10  }
0x35: {  	s10 =	sld [smem:$0x3FA7];
	_ =	sdelay $0x3  }
0x36: {  	p1 =	seq.s32 s10, $0x1;
	s10 =	sld [smem:$0x3FA8];
	_ =	sdelay $0x3  }
0x37: {  	[smem:$0x3FA8] =	sst s10  }
0x38: {  	s10 =	sld [smem:$0x3FA9]  }
0x39: {  	_ = 	snop;
	(pc) =	sbr.ind lr, $3  }
0x3a: {  	_ = 	snop  }
0x3b: {  	_ = 	snop  }
0x3c: {  	p2 =	seq.s32 s10, $0x1;
	s10 =	sld [smem:$0x3FA8]  }
0x3d: {  	_ =	shalt  }
0x3e: {  	_ =	shalt  }
0x3f: {  	_ =	shalt  }
0x40: {  	_ =	shalt  }
0x41: {  	_ =	shalt  }
0x42: {  	_ =	shalt  }
0x43: {  	_ =	shalt  }
0x44: {  	_ =	shalt  }
0x45: {  	_ =	shalt  }
0x46: {  	_ =	shalt  }
0x47: {  	_ =	shalt  }
0x48: {  	_ =	shalt  }
0x49: {  	_ =	shalt  }
0x4a: {  	_ =	shalt  }
0x4b: {  	_ =	shalt  }
0x4c: {  	_ =	shalt  }
0x4d: {  	_ =	shalt  }
0x4e: {  	_ =	shalt  }
0x4f: {  	_ =	shalt  }
0x50: {  	_ =	shalt  }
0x51: {  	_ =	shalt  }
0x52: {  	_ =	shalt  }
0x53: {  	_ =	shalt  }
0x54: {  	_ =	shalt  }
0x55: {  	_ =	shalt  }
0x56: {  	_ =	shalt  }
0x57: {  	_ =	shalt  }
0x58: {  	_ =	shalt  }
0x59: {  	_ =	shalt  }
0x5a: {  	_ =	shalt  }
0x5b: {  	_ =	shalt  }
0x5c: {  	_ =	shalt  }
0x5d: {  	_ =	shalt  }
0x5e: {  	_ =	shalt  }
0x5f: {  	_ =	shalt  }
0x60: {  	_ =	shalt  }
0x61: {  	_ =	shalt  }
0x62: {  	_ =	shalt  }
0x63: {  	_ =	shalt  }
0x64: {  	_ =	shalt  }
0x65: {  	_ =	shalt  }
0x66: {  	_ =	shalt  }
0x67: {  	_ =	shalt  }
0x68: {  	_ =	shalt  }
0x69: {  	_ =	shalt  }
0x6a: {  	_ =	shalt  }
0x6b: {  	_ =	shalt  }
0x6c: {  	_ =	shalt  }
0x6d: {  	_ =	shalt  }
0x6e: {  	_ =	shalt  }
0x6f: {  	_ =	shalt  }
0x70: {  	_ =	shalt  }
0x71: {  	_ =	shalt  }
0x72: {  	_ =	shalt  }
0x73: {  	_ =	shalt  }
0x74: {  	_ =	shalt  }
0x75: {  	_ =	shalt  }
0x76: {  	_ =	shalt  }
0x77: {  	_ =	shalt  }
0x78: {  	_ =	shalt  }
0x79: {  	_ =	shalt  }
0x7a: {  	_ =	shalt  }
0x7b: {  	_ =	shalt  }
0x7c: {  	_ =	shalt  }
0x7d: {  	_ =	shalt  }
0x7e: {  	_ =	shalt  }
0x7f: {  	_ =	shalt  }
0x80: {  	_ =	shalt  }
0x81: {  	_ =	shalt  }
0x82: {  	_ =	shalt  }
0x83: {  	_ =	shalt  }
0x84: {  	_ =	shalt  }
0x85: {  	_ =	shalt  }
0x86: {  	_ =	shalt  }
0x87: {  	_ =	shalt  }
.Lfunc_end0:
.L_simem_size_0:
called_computation.1_lowered:
.L_overlay_start_0:
0x88: {  	s2 =	sld [smem:$0x3FD9]  }
0x89: {  	s3 =	sld [smem:$0x3FFE];
	_ =	sdelay $0x1  }
0x8a: {  	s1 =	srdreg.scid  }
0x8b: {  	s0 =	sand.u32 $0x1, s1  }
0x8c: {  	s16 =	sshll.u32 s0, $0xA;
	s2 =	sadd.s32 s3, s2  }
0x8d: {  	s2 =	sadd.s32 s2, s16  }
0x8e: {  	[smem:$0x3FB4] =	sst s2  }
0x8f: {  	_ = 	snop  }
0x90: {  	(tm) =	ssettm $0x1  }
0x91: {  	s17 =	sld [smem:$0x3FFB];
	_ =	sdelay $0x3  }
0x92: {  	_ =	strace s17  }
0x93: {  	s2 =	sld [smem:$0x3FFC];
	_ =	sdelay $0x3  }
0x94: {  	_ =	strace s2  }
0x95: {  	s2 =	sld [smem:$0x3FFD];
	_ =	sdelay $0x3  }
0x96: {  	_ =	strace s2  }
0x97: {  	_ =	strace $0x8FFFFFFF  }
0x98: {  	s18 =	sld [smem:$0x3FDB];
	_ =	sdelay $0x1  }
0x99: {  	s19 =	simm.s32 $_scs_section_size  }
0x9a: {  	s4 =	simm.s32 $_size__tile_overlayer_lowered;
	s5 =	simm.s32 $_tile_overlayer_lowered  }
0x9b: {  	s22 =	simm.s32 $0x1BFF;
	s21 =	sshll.u32 s5, $0x1;
	s2 =	sadd.s32 s19, s18  }
0x9c: {  	s6 =	simm.s32 $0x0;
	s20 =	sshll.u32 s4, $0x1;
	s4 =	sadd.s32 s21, s2  }
0x9d: {  	[timem:s6], [sflag:s22] =	dma.local [hbm:s4], s20  }
0x9e: {  	_ =	swait.ge [sflag:s22], s20  }
0x9f: {  	s3 =	ssub.s32 $0x0, s20;
	[sflag:s22] =	ssyncset.done $0x0  }
0xa0: {  	[sflag:s22] =	ssyncadd.s32 s3;
	_ =	sdelay $0x1  }
0xa1: {  	s23 =	simm.s32 $0x1B8B  }
0xa2: {  	_ =	swait.ge [sflag:s23], $0x1  }
0xa3: {  	[sflag:s23] =	ssyncset.done $0x0  }
0xa4: {  	s25 =	simm.s32 $0x1B8E;
	s24 =	sld [smem:$0x3FFE];
	[sflag:s23] =	ssyncadd.s32 $0xFFFFFFFF  }
0xa5: {  	s26 =	simm.s32 $execute0_lowered;
	[smem:$0x3FD2] =	sst s25  }
0xa6: {  	s4 =	sshll.u32 s26, $0x1;
	_ =	strace $0x80000049;
	[dreg:$0x1] =	wrdreg $0xFFFFFFFF  }
0xa7: {  	s28 =	simm.s32 $_size_execute0_lowered;
	s2 =	sadd.s32 s2, s4;
	[dreg:$0x0] =	wrdreg $0x0  }
0xa8: {  	s4 =	sshll.u32 s28, $0x1;
	[dreg:$0x2] =	wrdreg s2  }
0xa9: {  	[dreg:$0x3] =	wrdreg s4  }
0xaa: {  	[dreg:$0x4] =	wrdreg $0xC0  }
0xab: {  	_ =	task [dreg:s6], $0x5FFFF  }
0xac: {  	[dreg:$0x1] =	wrdreg $0xFFFFFFFF  }
0xad: {  	[dreg:$0x0] =	wrdreg $0x60  }
0xae: {  	[dreg:$0x2] =	wrdreg s24  }
0xaf: {  	[dreg:$0x3] =	wrdreg $0x122000  }
0xb0: {  	[dreg:$0x4] =	wrdreg $0x9  }
0xb1: {  	_ =	task.clear_ibuf [dreg:s6], $0x5FFFF;
	_ =	strace $0x90000049  }
0xb2: {  	s29 =	simm.s32 $0x9;
	_ =	strace $0x8000004B  }
0xb3: {  	_ =	swait.ge [sflag:s29], $0x1  }
0xb4: {  	[sflag:s29] =	ssyncadd.s32 $0xFFFFFFFF  }
0xb5: {  	_ =	strace $0x9000004B  }
0xb6: {  	_ =	sfence  }
0xb7: {  	s30 =	sld [smem:$0x0];
	_ =	sdelay $0x2  }
0xb8: {  	s31 =	sshll.u32 s1, $0xD;
	s1 =	sshrl.u32 s1, $0x2  }
0xb9: {  	s3 =	sand.u32 $0x4000, s31;
	s1 =	sadd.s32 s1, s30  }
0xba: {  	s0 =	sor.u32 s3, s0;
	s1 =	sshll.u32 s1, $0x11  }
0xbb: {  	s0 =	sor.u32 s1, s0  }
0xbc: {  	s0 =	sadd.s32 $0x8F2B, s0  }
0xbd: {  	[sflag:s0] =	ssyncadd.remote.s32 $0x1  }
0xbe: {  	_ =	sfence.sel $0xFFFF  }
0xbf: {  	[dreg:$0x0] =	wrdreg $0xFFFFFFFF;
	(pc) =	sbr.abs _section_cstart, $3  }
0xc0: {  	[dreg:$0x1] =	wrdreg $0xFFFFFFFF  }
0xc1: {  	_ =	task.clear_ibuf [dreg:s6], $0x2FFFF;
	_ =	strace $0x9FFFFFFF  }
0xc2: {  	(tm) =	ssettm $0x7FFFFFFF  }
0xc3: {  	_ =	shalt  }
tec
execute0_lowered:
.L_overlay_start_1:
0x0: {  	(tag) =	ssettag $0x1  }
0x1: {  	s0 =	rddreg [dreg:$0x0]  }
0x2: {  	s2 =	rddreg [dreg:$0x1]  }
0x3: {  	s12 =	stileid.u32;
	s1 =	srdreg.scid  }
0x4: {  	s3 =	simm.s32 $0x0;
	s14 =	simm.s32 $0x50;
	s15 =	simm.s32 $0x8200  }
0x5: {  	s17 =	simm.s32 $0xAA00;
	s18 =	simm.s32 $0x1;
	s19 =	simm.s32 $0x8000  }
0x6: {  	s20 =	simm.s32 $0xD200;
	s21 =	simm.s32 $0x2;
	s28 =	simm.s32 $0x5  }
0x7: {  	s29 =	simm.s32 $0x4;
	s30 =	simm.s32 $0x8180;
	s5 =	smul.u32 $0x1500, s12  }
0x8: {  	s31 =	simm.s32 $0x6;
	s1 =	sand.u32 $0x1, s1;
	s7 =	smul.u32 $0x140, s12  }
0x9: {  	[smem:$0x7FF] =	sst s3;
	s6 =	sshll.u32 s12, $0xB;
	s8 =	smul.u32 $0x2A000, s12  }
0xa: {  	s4 =	sadd.s32 $0x2B400, s0;
	s10 =	smul.u32 $0x28000, s12;
	s26 =	sshll.u32 s12, $0x6  }
0xb: {  	s11 =	smul.u32 $0x1400, s1;
	_ =	strace $0x8000004A;
	s6 =	sadd.s32 s6, s0  }
0xc: {  	s1 =	ssub.s32 $0x2, s1;
	s12 =	sor.u32 $0x1C09, s26;
	s26 =	simm.s32 $0x8100  }
0xd: {  	s5 =	sadd.s32 s5, s0;
	s9 =	sshrl.u32 s1, $0x1;
	s22 =	sadd.s32 $0x52600, s6  }
0xe: {  	s6 =	sadd.s32 $0x5A600, s6;
	s23 =	sshrl.u32 s8, $0x2;
	s24 =	sshrl.u32 s10, $0x2  }
0xf: {  	s10 =	simm.s32 $0x9;
	s7 =	sadd.s32 s7, s11;
	[dreg:$0x3] =	wrdreg s22  }
0x10: {  	s1 =	ssub.s32 s1, s9;
	[dreg:$0x4] =	wrdreg s6;
	s13 =	sadd.s32 s23, s2  }
.Ltmp0:
0x11: {  	s25 =	sadd.s32 s24, s2;
	s22 =	simm.s32 $0x8080;
	(pc) =	sbr.rel .LBB2_1-.Ltmp0, $4  }
0x12: {  	s23 =	simm.s32 $0xFA00;
	v0 =	vmov s11;
	s11 =	simm.s32 $0x0;
	s7 =	sshll.u32 s7, $0x4  }
0x13: {  	s9 =	smax.u32 s1, $0x1;
	s13 =	sshrl.u32 s13, $0x3;
	s24 =	sshrl.u32 s25, $0x3  }
0x14: {  	s25 =	simm.s32 $0x3;
	s1 =	simm.s32 $0x8;
	s0 =	sadd.s32 s7, s0  }
0x15: {  	s7 =	sadd.s32 $0x62600, s5;
	s8 =	sadd.s32 $0x9E800, s0;
	s0 =	simm.s32 $0x7  }
.LBB2_4:
0x16: {  	_ =	swait.ge [sflag:s18], $0x2800  }
0x17: {  	[sflag:s18] =	ssyncset.done $0x0  }
0x18: {  	[sflag:s18] =	ssyncadd.s32 $0xFFFFD800  }
0x19: {  	v1 =	vld [tilespmem:$0x7E00]  }
0x1a: {  	v2 =	vld [tilespmem:$0x7E10]  }
0x1b: {  	v3 =	vld [tilespmem:$0x7E20]  }
0x1c: {  	v5 =	vld [tilespmem:$0x7E30]  }
0x1d: {  	v7 =	vld [tilespmem:$0x7E40];
	_ =	sdelay $0x2  }
0x1e: {  	v4 =	vsub.s32 v1, v0;
	v1 =	vand.u32 $0xFF, v1;
	v6 =	vsub.s32 v2, v0  }
0x1f: {  	v2 =	vand.u32 $0xFF, v2;
	v61 =	vsub.s32 v3, v0;
	v3 =	vand.u32 $0xFF, v3  }
0x20: {  	v62 =	vsub.s32 v5, v0;
	v63 =	vand.u32 $0xFF, v7;
	vm0 =	vlt.u32 v4, $0x1400  }
0x21: {  	v1 =	vor.u32 $0x1400, v1;
	vm12 =	vlt.u32 v6, $0x1400;
	v2 =	vor.u32 $0x1400, v2  }
0x22: {  	vm13 =	vlt.u32 v61, $0x1400;
	v3 =	vor.u32 $0x1400, v3;
	v1 =	vsel vm0, v4, v1  }
0x23: {  	v2 =	vsel vm12, v6, v2;
	[tilespmem:$0x8000] =	vst v1;
	v1 =	vsel vm13, v61, v3;
	v3 =	vand.u32 $0xFF, v5  }
0x24: {  	vm14 =	vlt.u32 v62, $0x1400;
	[tilespmem:$0x8010] =	vst v2;
	v2 =	vor.u32 $0x1400, v3;
	v3 =	vsub.s32 v7, v0  }
0x25: {  	[tilespmem:$0x8020] =	vst v1;
	v1 =	vsel vm14, v62, v2;
	vm15 =	vlt.u32 v3, $0x1400;
	v2 =	vor.u32 $0x1400, v63  }
0x26: {  	[tilespmem:$0x8030] =	vst v1;
	v1 =	vsel vm15, v3, v2  }
0x27: {  	[tilespmem:$0x8040] =	vst v1  }
0x28: {  	[spmem:s2] =	stream.indirect.scatter.add.f32 [tilespmem:s15], [sflag:$0x5], $0x80, s19, s14, $0xb8;
	[tilespmem:$0x1CA00] =	vst v63  }
0x29: {  	_ =	swait.ge [sflag:s28], $0x2800  }
0x2a: {  	[sflag:s28] =	ssyncset.done $0x0  }
0x2b: {  	[sflag:s28] =	ssyncadd.s32 $0xFFFFD800  }
0x2c: {  	_ =	swait.ge [sflag:s31], $0x2800  }
0x2d: {  	[sflag:s31] =	ssyncset.done $0x0  }
0x2e: {  	[sflag:s31] =	ssyncadd.s32 $0xFFFFD800  }
0x2f: {  	_ =	swait.ge [sflag:s0], $0x2800  }
0x30: {  	[sflag:s0] =	ssyncset.done $0x0  }
0x31: {  	[sflag:s0] =	ssyncadd.s32 $0xFFFFD800  }
0x32: {  	_ =	swait.ge [sflag:s1], $0x2800  }
0x33: {  	[sflag:s1] =	ssyncset.done $0x0  }
0x34: {  	s11 =	sadd.s32 $0x1, s11;
	[sflag:s1] =	ssyncadd.s32 $0xFFFFD800  }
0x35: {  	p0 =	sne.s32 s11, s9;
	[bflag:$0x0] =	sbarrier.arrive $0xFFFF  }
0x36: {  	[hbm:s8], [sflag:s12] =	dma.local [spmem:s24], $0x1400  }
.Ltmp1:
0x37: {  	_ =	swait.ge [sflag:s10], $0x1400;
	(pc) =	sbr.rel @!p0 .LBB2_5-.Ltmp1, $3  }
0x38: {  	[sflag:s10] =	ssyncset.done $0x0  }
0x39: {  	[sflag:s10] =	ssyncadd.s32 $0xFFFFEC00  }
0x3a: {  	[bflag:$0x0] =	sbarrier.arrive $0xFFFF;
	_ =	sdelay $0x1  }
.LBB2_1:
0x3b: {  	s5 =	rddreg [dreg:$0x3]  }
0x3c: {  	[tilespmem:s3], [sflag:$0x9] =	stream.linear.gather [hbm4b:s5+s3], $0x3E80, $0x38;
	[tilespmem:$0x1CA00] =	vst v63  }
0x3d: {  	_ =	swait.ge [sflag:s10], $0x3E80  }
0x3e: {  	[sflag:s10] =	ssyncset.done $0x0  }
0x3f: {  	s6 =	simm.s32 $0x4000;
	s16 =	rddreg [dreg:$0x4];
	[sflag:s10] =	ssyncadd.s32 $0xFFFFC180  }
0x40: {  	[tilespmem:s6], [sflag:$0x9] =	stream.linear.gather [hbm4b:s16+s3], $0x3E80, $0x38;
	[tilespmem:$0x1CA00] =	vst v63  }
0x41: {  	_ =	swait.ge [sflag:s10], $0x3E80  }
0x42: {  	[sflag:s10] =	ssyncset.done $0x0  }
0x43: {  	[sflag:s10] =	ssyncadd.s32 $0xFFFFC180  }
0x44: {  	[spmem:s13], [sflag:s12] =	dma.local [hbm:s7], $0x1500  }
0x45: {  	_ =	swait.ge [sflag:s10], $0x1500  }
0x46: {  	[sflag:s10] =	ssyncset.done $0x0  }
0x47: {  	[sflag:s10] =	ssyncadd.s32 $0xFFFFEB00  }
0x48: {  	[bflag:$0x0] =	sbarrier.arrive $0xFFFF  }
0x49: {  	[tilespmem:s15], [sflag:$0x1] =	stream.indirect.gather [hbm4b:s4+s14], $0x80, s3, s14, $0xb8;
	[tilespmem:$0x1CA00] =	vst v63  }
0x4a: {  	s16 =	simm.s32 $0x80  }
0x4b: {  	[tilespmem:s17], [sflag:$0x2] =	stream.indirect.gather [hbm4b:s4+s14], $0x80, s16, s14, $0xb8;
	[tilespmem:$0x1CA00] =	vst v63  }
0x4c: {  	s16 =	simm.s32 $0x0  }
.LBB2_2:
0x4d: {  	_ =	swait.ge [sflag:s18], $0x2800  }
0x4e: {  	[sflag:s18] =	ssyncset.done $0x0  }
0x4f: {  	s5 =	sshra.s32 s16, $0x2;
	[sflag:s18] =	ssyncadd.s32 $0xFFFFD800  }
0x50: {  	v1 =	vld [tilespmem:s5+$0x4000];
	_ =	sdelay $0x4  }
0x51: {  	v2 =	vsub.s32 v1, v0;
	v1 =	vand.u32 $0xFF, v1  }
0x52: {  	vm0 =	vlt.u32 v2, $0x1400;
	v1 =	vor.u32 $0x1400, v1  }
0x53: {  	v1 =	vsel vm0, v2, v1  }
0x54: {  	[tilespmem:$0x8000] =	vst v1  }
0x55: {  	v1 =	vld [tilespmem:s5+$0x4010];
	_ =	sdelay $0x4  }
0x56: {  	v2 =	vsub.s32 v1, v0;
	v1 =	vand.u32 $0xFF, v1  }
0x57: {  	vm9 =	vlt.u32 v2, $0x1400;
	v1 =	vor.u32 $0x1400, v1  }
0x58: {  	v1 =	vsel vm9, v2, v1  }
0x59: {  	[tilespmem:$0x8010] =	vst v1  }
0x5a: {  	v1 =	vld [tilespmem:s5+$0x4020];
	_ =	sdelay $0x4  }
0x5b: {  	v2 =	vsub.s32 v1, v0;
	v1 =	vand.u32 $0xFF, v1  }
0x5c: {  	vm10 =	vlt.u32 v2, $0x1400;
	v1 =	vor.u32 $0x1400, v1  }
0x5d: {  	v1 =	vsel vm10, v2, v1  }
0x5e: {  	[tilespmem:$0x8020] =	vst v1  }
0x5f: {  	v1 =	vld [tilespmem:s5+$0x4030];
	_ =	sdelay $0x4  }
0x60: {  	v2 =	vsub.s32 v1, v0;
	v1 =	vand.u32 $0xFF, v1  }
0x61: {  	vm11 =	vlt.u32 v2, $0x1400;
	v1 =	vor.u32 $0x1400, v1  }
0x62: {  	v1 =	vsel vm11, v2, v1  }
0x63: {  	[tilespmem:$0x8030] =	vst v1  }
0x64: {  	v1 =	vld [tilespmem:s5+$0x4040];
	_ =	sdelay $0x4  }
0x65: {  	v2 =	vsub.s32 v1, v0;
	v1 =	vand.u32 $0xFF, v1  }
0x66: {  	vm12 =	vlt.u32 v2, $0x1400;
	v1 =	vor.u32 $0x1400, v1  }
0x67: {  	p0 =	seq.s32 s16, $0x0;
	v1 =	vsel vm12, v2, v1  }
0x68: {  	s6 =	simm.s32 @!p0 $0x7;
	[tilespmem:$0x8040] =	vst v1  }
0x69: {  	[spmem:s2] =	stream.indirect.scatter.add.f32 [tilespmem:s15], [sflag:$0x5], $0x80, s19, s14, $0xb8;
	[tilespmem:$0x1CA00] =	vst v63  }
0x6a: {  	_ =	swait.ge @!p0 [sflag:s6], $0x2800  }
0x6b: {  	[sflag:s6] =	ssyncset.done @!p0 $0x0  }
0x6c: {  	[sflag:s6] =	ssyncadd.s32 @!p0 $0xFFFFD800;
	s6 =	sadd.s32 $0x100, s5  }
0x6d: {  	[tilespmem:s20], [sflag:$0x3] =	stream.indirect.gather [hbm4b:s4+s14], $0x80, s6, s14, $0xb8;
	[tilespmem:$0x1CA00] =	vst v63  }
0x6e: {  	_ =	swait.ge [sflag:s21], $0x2800  }
0x6f: {  	[sflag:s21] =	ssyncset.done $0x0  }
0x70: {  	[sflag:s21] =	ssyncadd.s32 $0xFFFFD800  }
0x71: {  	v1 =	vld [tilespmem:s5+$0x4080];
	_ =	sdelay $0x4  }
0x72: {  	v2 =	vsub.s32 v1, v0;
	v1 =	vand.u32 $0xFF, v1  }
0x73: {  	vm13 =	vlt.u32 v2, $0x1400;
	v1 =	vor.u32 $0x1400, v1  }
0x74: {  	v1 =	vsel vm13, v2, v1  }
0x75: {  	[tilespmem:$0x8080] =	vst v1  }
0x76: {  	v1 =	vld [tilespmem:s5+$0x4090];
	_ =	sdelay $0x4  }
0x77: {  	v2 =	vsub.s32 v1, v0;
	v1 =	vand.u32 $0xFF, v1  }
0x78: {  	vm14 =	vlt.u32 v2, $0x1400;
	v1 =	vor.u32 $0x1400, v1  }
0x79: {  	v1 =	vsel vm14, v2, v1  }
0x7a: {  	[tilespmem:$0x8090] =	vst v1  }
0x7b: {  	v1 =	vld [tilespmem:s5+$0x40A0];
	_ =	sdelay $0x4  }
0x7c: {  	v2 =	vsub.s32 v1, v0;
	v1 =	vand.u32 $0xFF, v1  }
0x7d: {  	vm15 =	vlt.u32 v2, $0x1400;
	v1 =	vor.u32 $0x1400, v1  }
0x7e: {  	v1 =	vsel vm15, v2, v1  }
0x7f: {  	[tilespmem:$0x80A0] =	vst v1  }
0x80: {  	v1 =	vld [tilespmem:s5+$0x40B0];
	_ =	sdelay $0x4  }
0x81: {  	v2 =	vsub.s32 v1, v0;
	v1 =	vand.u32 $0xFF, v1  }
0x82: {  	vm4 =	vlt.u32 v2, $0x1400;
	v1 =	vor.u32 $0x1400, v1  }
0x83: {  	v1 =	vsel vm4, v2, v1  }
0x84: {  	[tilespmem:$0x80B0] =	vst v1  }
0x85: {  	v1 =	vld [tilespmem:s5+$0x40C0];
	_ =	sdelay $0x4  }
0x86: {  	v2 =	vsub.s32 v1, v0;
	v1 =	vand.u32 $0xFF, v1  }
0x87: {  	vm5 =	vlt.u32 v2, $0x1400;
	v1 =	vor.u32 $0x1400, v1  }
0x88: {  	v1 =	vsel vm5, v2, v1  }
0x89: {  	s6 =	simm.s32 @!p0 $0x8;
	[tilespmem:$0x80C0] =	vst v1  }
0x8a: {  	[spmem:s2] =	stream.indirect.scatter.add.f32 [tilespmem:s17], [sflag:$0x6], $0x80, s22, s14, $0xb8;
	[tilespmem:$0x1CA00] =	vst v63  }
0x8b: {  	_ =	swait.ge @!p0 [sflag:s6], $0x2800  }
0x8c: {  	[sflag:s6] =	ssyncset.done @!p0 $0x0  }
0x8d: {  	[sflag:s6] =	ssyncadd.s32 @!p0 $0xFFFFD800;
	s6 =	sadd.s32 $0x180, s5  }
0x8e: {  	[tilespmem:s23], [sflag:$0x4] =	stream.indirect.gather [hbm4b:s4+s14], $0x80, s6, s14, $0xb8;
	[tilespmem:$0x1CA00] =	vst v63  }
0x8f: {  	_ =	swait.ge [sflag:s25], $0x2800  }
0x90: {  	[sflag:s25] =	ssyncset.done $0x0  }
0x91: {  	[sflag:s25] =	ssyncadd.s32 $0xFFFFD800  }
0x92: {  	v1 =	vld [tilespmem:s5+$0x4100];
	_ =	sdelay $0x4  }
0x93: {  	v2 =	vsub.s32 v1, v0;
	v1 =	vand.u32 $0xFF, v1  }
0x94: {  	vm6 =	vlt.u32 v2, $0x1400;
	v1 =	vor.u32 $0x1400, v1  }
0x95: {  	v1 =	vsel vm6, v2, v1  }
0x96: {  	[tilespmem:$0x8100] =	vst v1  }
0x97: {  	v1 =	vld [tilespmem:s5+$0x4110];
	_ =	sdelay $0x4  }
0x98: {  	v2 =	vsub.s32 v1, v0;
	v1 =	vand.u32 $0xFF, v1  }
0x99: {  	vm7 =	vlt.u32 v2, $0x1400;
	v1 =	vor.u32 $0x1400, v1  }
0x9a: {  	v1 =	vsel vm7, v2, v1  }
0x9b: {  	[tilespmem:$0x8110] =	vst v1  }
0x9c: {  	v1 =	vld [tilespmem:s5+$0x4120];
	_ =	sdelay $0x4  }
0x9d: {  	v2 =	vsub.s32 v1, v0;
	v1 =	vand.u32 $0xFF, v1  }
0x9e: {  	vm8 =	vlt.u32 v2, $0x1400;
	v1 =	vor.u32 $0x1400, v1  }
0x9f: {  	v1 =	vsel vm8, v2, v1  }
0xa0: {  	[tilespmem:$0x8120] =	vst v1  }
0xa1: {  	v1 =	vld [tilespmem:s5+$0x4130];
	_ =	sdelay $0x4  }
0xa2: {  	v2 =	vsub.s32 v1, v0;
	v1 =	vand.u32 $0xFF, v1  }
0xa3: {  	vm9 =	vlt.u32 v2, $0x1400;
	v1 =	vor.u32 $0x1400, v1  }
0xa4: {  	v1 =	vsel vm9, v2, v1  }
0xa5: {  	[tilespmem:$0x8130] =	vst v1  }
0xa6: {  	v1 =	vld [tilespmem:s5+$0x4140];
	_ =	sdelay $0x4  }
0xa7: {  	v2 =	vsub.s32 v1, v0;
	v1 =	vand.u32 $0xFF, v1  }
0xa8: {  	vm10 =	vlt.u32 v2, $0x1400;
	v1 =	vor.u32 $0x1400, v1  }
0xa9: {  	v1 =	vsel vm10, v2, v1  }
0xaa: {  	[tilespmem:$0x8140] =	vst v1  }
0xab: {  	[spmem:s2] =	stream.indirect.scatter.add.f32 [tilespmem:s20], [sflag:$0x7], $0x80, s26, s14, $0xb8;
	[tilespmem:$0x1CA00] =	vst v63  }
0xac: {  	_ =	swait.ge [sflag:s28], $0x2800  }
0xad: {  	[sflag:s28] =	ssyncset.done $0x0  }
0xae: {  	s6 =	sadd.s32 $0x200, s5;
	[sflag:s28] =	ssyncadd.s32 $0xFFFFD800  }
0xaf: {  	[tilespmem:s15], [sflag:$0x1] =	stream.indirect.gather [hbm4b:s4+s14], $0x80, s6, s14, $0xb8;
	[tilespmem:$0x1CA00] =	vst v63  }
0xb0: {  	_ =	swait.ge [sflag:s29], $0x2800  }
0xb1: {  	[sflag:s29] =	ssyncset.done $0x0  }
0xb2: {  	[sflag:s29] =	ssyncadd.s32 $0xFFFFD800  }
0xb3: {  	v1 =	vld [tilespmem:s5+$0x4180];
	_ =	sdelay $0x4  }
0xb4: {  	v2 =	vsub.s32 v1, v0;
	v1 =	vand.u32 $0xFF, v1  }
0xb5: {  	vm11 =	vlt.u32 v2, $0x1400;
	v1 =	vor.u32 $0x1400, v1  }
0xb6: {  	v1 =	vsel vm11, v2, v1  }
0xb7: {  	[tilespmem:$0x8180] =	vst v1  }
0xb8: {  	v1 =	vld [tilespmem:s5+$0x4190];
	_ =	sdelay $0x4  }
0xb9: {  	v2 =	vsub.s32 v1, v0;
	v1 =	vand.u32 $0xFF, v1  }
0xba: {  	vm12 =	vlt.u32 v2, $0x1400;
	v1 =	vor.u32 $0x1400, v1  }
0xbb: {  	v1 =	vsel vm12, v2, v1  }
0xbc: {  	[tilespmem:$0x8190] =	vst v1  }
0xbd: {  	v1 =	vld [tilespmem:s5+$0x41A0];
	_ =	sdelay $0x4  }
0xbe: {  	v2 =	vsub.s32 v1, v0;
	v1 =	vand.u32 $0xFF, v1  }
0xbf: {  	vm13 =	vlt.u32 v2, $0x1400;
	v1 =	vor.u32 $0x1400, v1  }
0xc0: {  	v1 =	vsel vm13, v2, v1  }
0xc1: {  	[tilespmem:$0x81A0] =	vst v1  }
0xc2: {  	v1 =	vld [tilespmem:s5+$0x41B0];
	_ =	sdelay $0x4  }
0xc3: {  	v2 =	vsub.s32 v1, v0;
	v1 =	vand.u32 $0xFF, v1  }
0xc4: {  	vm14 =	vlt.u32 v2, $0x1400;
	v1 =	vor.u32 $0x1400, v1  }
0xc5: {  	v1 =	vsel vm14, v2, v1  }
0xc6: {  	[tilespmem:$0x81B0] =	vst v1  }
0xc7: {  	v1 =	vld [tilespmem:s5+$0x41C0];
	_ =	sdelay $0x3  }
0xc8: {  	p0 =	seq.s32 s16, $0xF000  }
.Ltmp2:
0xc9: {  	v2 =	vsub.s32 v1, v0;
	v1 =	vand.u32 $0xFF, v1;
	(pc) =	sbr.rel @p0 .LBB2_4-.Ltmp2, $4  }
0xca: {  	vm15 =	vlt.u32 v2, $0x1400;
	v1 =	vor.u32 $0x1400, v1  }
0xcb: {  	v1 =	vsel vm15, v2, v1  }
0xcc: {  	[tilespmem:$0x81C0] =	vst v1  }
0xcd: {  	[spmem:s2] =	stream.indirect.scatter.add.f32 [tilespmem:s23], [sflag:$0x8], $0x80, s30, s14, $0xb8;
	[tilespmem:$0x1CA00] =	vst v63  }
.Ltmp3:
0xce: {  	(pc) =	sbr.rel .LBB2_2-.Ltmp3, $4  }
0xcf: {  	_ =	swait.ge [sflag:s31], $0x2800  }
0xd0: {  	[sflag:s31] =	ssyncset.done $0x0  }
0xd1: {  	s5 =	sadd.s32 $0x280, s5;
	s16 =	sadd.s32 $0x800, s16;
	[sflag:s31] =	ssyncadd.s32 $0xFFFFD800  }
0xd2: {  	[tilespmem:s17], [sflag:$0x2] =	stream.indirect.gather [hbm4b:s4+s14], $0x80, s5, s14, $0xb8;
	[tilespmem:$0x1CA00] =	vst v63  }
.LBB2_5:
0xd3: {  	_ =	sfence.sel $0x180000  }
0xd4: {  	[bflag:$0x0] =	sbarrier.arrive $0xFFFF  }
0xd5: {  	_ =	strace $0x9000004A  }
0xd6: {  	s0 =	stileid.u32;
	[bflag:$0x2] =	sbarrier.arrive $0xFFFF  }
0xd7: {  	p0 =	sne.s32 s0, $0x0;
	s0 =	rddreg [dreg:$0x2]  }
0xd8: {  	s0 =	sadd.s32 @!p0 $0x100000, s0  }
0xd9: {  	[sflag:s0] =	ssyncadd.tile.s32 @!p0 $0x1;
	_ =	shalt  }
.Lfunc_end2:
_tile_overlayer_lowered:
.L_overlay_start_2:
0xda: {  	(tag) =	ssettag $0x2  }
0xdb: {  	s0 =	rddreg [dreg:$0x0];
	s2 =	stileid.u32  }
0xdc: {  	s1 =	rddreg [dreg:$0x1];
	p0 =	sne.s32 s2, $0x0  }
0xdd: {  	s3 =	rddreg [dreg:$0x2];
	[bflag:$0x3] =	sbarrier.arrive $0xFFFF;
	s2 =	simm.s32 @!p0 $0x1C09  }
0xde: {  	[timem:s3], [sflag:s2] =	dma.local @!p0 [hbm:s0], s1  }
0xdf: {  	s0 =	simm.s32 @!p0 $0x9  }
0xe0: {  	_ =	swait.ge @!p0 [sflag:s0], s1  }
0xe1: {  	s1 =	ssub.s32 @!p0 $0x0, s1;
	[sflag:s0] =	ssyncset.done @!p0 $0x0  }
0xe2: {  	[sflag:s0] =	ssyncadd.s32 @!p0 s1  }
0xe3: {  	[bflag:$0x3] =	sbarrier.arrive $0xFFFF  }
0xe4: {  	_ =	shalt  }

// kernel: kernel.18.cloned.1.call-start
scs
__scs_entry_jumppad:
0x0: {  	(pc) =	sbr.rel $0x88, $3  }
0x1: {  	(tag) =	ssettag $0x0;
	lr =	simm.s32 $0x1  }
0x2: {  	[smem:$0x3F8D] =	sst lr;
	_ =	strace $0xD0000000  }
0x3: {  	_ = 	snop  }
0x4: {  	_ = 	snop  }
0x5: {  	_ = 	snop  }
0x6: {  	_ = 	snop  }
0x7: {  	_ = 	snop  }
__scs_overlays_trampoline_lowered:
0x8: {  	[smem:$0x3F9C] =	sst s0  }
0x9: {  	[smem:$0x3F9D] =	sst s1  }
0xa: {  	[smem:$0x3F9E] =	sst s2  }
0xb: {  	[smem:$0x3F9F] =	sst s3  }
0xc: {  	[smem:$0x3FA0] =	sst s4  }
0xd: {  	[smem:$0x3FA1] =	sst s5  }
0xe: {  	[smem:$0x3FA2] =	sst s6  }
0xf: {  	[smem:$0x3FA3] =	sst s7  }
0x10: {  	[smem:$0x3FA4] =	sst s8  }
0x11: {  	[smem:$0x3FA5] =	sst s9;
	s0 =	simm.s32 @!p0 $0x0  }
0x12: {  	s1 =	sld [smem:$0x3F8B];
	s0 =	simm.s32 @p0 $0x1  }
0x13: {  	[smem:$0x3FA6] =	sst s0;
	s0 =	simm.s32 @!p1 $0x0  }
0x14: {  	s2 =	sld [smem:$0x3F8A];
	s0 =	simm.s32 @p1 $0x1  }
0x15: {  	[smem:$0x3FA7] =	sst s0;
	s0 =	simm.s32 @!p2 $0x0  }
0x16: {  	s3 =	sld [smem:$0x3FDB];
	s0 =	simm.s32 @p2 $0x1  }
0x17: {  	s4 =	simm.s32 $0x1BF5;
	[smem:$0x3FA9] =	sst s0  }
0x18: {  	s0 =	sld [smem:$0x3F8C];
	_ =	swait.ge [sflag:s4], $0x0  }
0x19: {  	s7 =	sld [smem:$0x3F8D]  }
0x1a: {  	s8 =	sadd.s32 $0xFFFFE003, lr  }
0x1b: {  	s9 =	sadd.s32 $0xFFFFFEF7, lr;
	s5 =	simm.s32 $0xFFFFFFFF;
	p2 =	slt.u32 s8, $0xFFFFF086  }
0x1c: {  	p1 =	slt.u32 s9, $0xF7A;
	s5 =	simm.s32 @!p2 $0x0  }
0x1d: {  	s5 =	simm.s32 @p1 $0x1;
	p0 =	seq.s32 s7, s2  }
0x1e: {  	s7 =	smul.u32 @!p0 $0xF7A, s2;
	p2 =	seq.s32 @!p0 s5, $0x0  }
0x1f: {  	s9 =	smul.u32 $0xF7A, s1;
	s8 =	simm.s32 @!p0 $0x1BF5;
	p2 =	por !p2, p0  }
0x20: {  	[sflag:s8] =	ssyncset.s32 @!p0 $0xFFFFF086;
	s6 =	sadd.s32 @!p0 s3, s7;
	s7 =	simm.s32 @!p0 $0x108  }
0x21: {  	s3 =	sadd.s32 s3, s9;
	s6 =	sadd.s32 @!p0 $0x88, s6;
	s7 =	simm.s32 @p2 $0x1082  }
0x22: {  	[simem:s7], [sflag:s8] =	dma.local @!p0 [hbm:s6], $0xF7A  }
0x23: {  	s9 =	sor.u32 $0xD0000000, s2;
	s6 =	simm.s32 $0x108;
	_ =	swait.ge @!p0 [sflag:s8], $0x0  }
0x24: {  	s3 =	sadd.s32 $0x88, s3;
	s6 =	simm.s32 @!p1 $0x1082;
	[sflag:s4] =	ssyncset.s32 $0xFFFFF086  }
0x25: {  	[simem:s6], [sflag:s4] =	dma.local [hbm:s3], $0xF7A  }
0x26: {  	[smem:$0x3F8D] =	sst s1;
	(tag) =	ssettag s2;
	_ =	strace s9  }
0x27: {  	s1 =	sld [smem:$0x3F9D]  }
0x28: {  	s2 =	sld [smem:$0x3F9E]  }
0x29: {  	s4 =	sld [smem:$0x3FA0]  }
0x2a: {  	p0 =	seq.s32 s5, $0x0;
	s5 =	sld [smem:$0x3FA1]  }
0x2b: {  	s6 =	sld [smem:$0x3FA2]  }
0x2c: {  	s7 =	sld [smem:$0x3FA3]  }
0x2d: {  	s3 =	simm.s32 $0x108;
	s8 =	sld [smem:$0x3FA4]  }
0x2e: {  	s3 =	simm.s32 @!p0 $0x1082;
	s9 =	sld [smem:$0x3FA5]  }
0x2f: {  	lr =	sadd.s32 s0, s3;
	s0 =	sld [smem:$0x3F9C]  }
0x30: {  	s3 =	sld [smem:$0x3F9F]  }
0x31: {  	[smem:$0x3FA8] =	sst s10  }
0x32: {  	s10 =	sld [smem:$0x3FA6];
	_ =	sdelay $0x3  }
0x33: {  	p0 =	seq.s32 s10, $0x1;
	s10 =	sld [smem:$0x3FA8];
	_ =	sdelay $0x3  }
0x34: {  	[smem:$0x3FA8] =	sst s10  }
0x35: {  	s10 =	sld [smem:$0x3FA7];
	_ =	sdelay $0x3  }
0x36: {  	p1 =	seq.s32 s10, $0x1;
	s10 =	sld [smem:$0x3FA8];
	_ =	sdelay $0x3  }
0x37: {  	[smem:$0x3FA8] =	sst s10  }
0x38: {  	s10 =	sld [smem:$0x3FA9]  }
0x39: {  	_ = 	snop;
	(pc) =	sbr.ind lr, $3  }
0x3a: {  	_ = 	snop  }
0x3b: {  	_ = 	snop  }
0x3c: {  	p2 =	seq.s32 s10, $0x1;
	s10 =	sld [smem:$0x3FA8]  }
0x3d: {  	_ =	shalt  }
0x3e: {  	_ =	shalt  }
0x3f: {  	_ =	shalt  }
0x40: {  	_ =	shalt  }
0x41: {  	_ =	shalt  }
0x42: {  	_ =	shalt  }
0x43: {  	_ =	shalt  }
0x44: {  	_ =	shalt  }
0x45: {  	_ =	shalt  }
0x46: {  	_ =	shalt  }
0x47: {  	_ =	shalt  }
0x48: {  	_ =	shalt  }
0x49: {  	_ =	shalt  }
0x4a: {  	_ =	shalt  }
0x4b: {  	_ =	shalt  }
0x4c: {  	_ =	shalt  }
0x4d: {  	_ =	shalt  }
0x4e: {  	_ =	shalt  }
0x4f: {  	_ =	shalt  }
0x50: {  	_ =	shalt  }
0x51: {  	_ =	shalt  }
0x52: {  	_ =	shalt  }
0x53: {  	_ =	shalt  }
0x54: {  	_ =	shalt  }
0x55: {  	_ =	shalt  }
0x56: {  	_ =	shalt  }
0x57: {  	_ =	shalt  }
0x58: {  	_ =	shalt  }
0x59: {  	_ =	shalt  }
0x5a: {  	_ =	shalt  }
0x5b: {  	_ =	shalt  }
0x5c: {  	_ =	shalt  }
0x5d: {  	_ =	shalt  }
0x5e: {  	_ =	shalt  }
0x5f: {  	_ =	shalt  }
0x60: {  	_ =	shalt  }
0x61: {  	_ =	shalt  }
0x62: {  	_ =	shalt  }
0x63: {  	_ =	shalt  }
0x64: {  	_ =	shalt  }
0x65: {  	_ =	shalt  }
0x66: {  	_ =	shalt  }
0x67: {  	_ =	shalt  }
0x68: {  	_ =	shalt  }
0x69: {  	_ =	shalt  }
0x6a: {  	_ =	shalt  }
0x6b: {  	_ =	shalt  }
0x6c: {  	_ =	shalt  }
0x6d: {  	_ =	shalt  }
0x6e: {  	_ =	shalt  }
0x6f: {  	_ =	shalt  }
0x70: {  	_ =	shalt  }
0x71: {  	_ =	shalt  }
0x72: {  	_ =	shalt  }
0x73: {  	_ =	shalt  }
0x74: {  	_ =	shalt  }
0x75: {  	_ =	shalt  }
0x76: {  	_ =	shalt  }
0x77: {  	_ =	shalt  }
0x78: {  	_ =	shalt  }
0x79: {  	_ =	shalt  }
0x7a: {  	_ =	shalt  }
0x7b: {  	_ =	shalt  }
0x7c: {  	_ =	shalt  }
0x7d: {  	_ =	shalt  }
0x7e: {  	_ =	shalt  }
0x7f: {  	_ =	shalt  }
0x80: {  	_ =	shalt  }
0x81: {  	_ =	shalt  }
0x82: {  	_ =	shalt  }
0x83: {  	_ =	shalt  }
0x84: {  	_ =	shalt  }
0x85: {  	_ =	shalt  }
0x86: {  	_ =	shalt  }
0x87: {  	_ =	shalt  }
.Lfunc_end0:
.L_simem_size_0:
called_computation.2_lowered:
.L_overlay_start_0:
0x88: {  	s2 =	sld [smem:$0x3FD9]  }
0x89: {  	s3 =	sld [smem:$0x3FFE];
	_ =	sdelay $0x1  }
0x8a: {  	s1 =	srdreg.scid  }
0x8b: {  	s0 =	sand.u32 $0x1, s1  }
0x8c: {  	s16 =	sshll.u32 s0, $0xA;
	s2 =	sadd.s32 s3, s2  }
0x8d: {  	s2 =	sadd.s32 s2, s16  }
0x8e: {  	[smem:$0x3FB4] =	sst s2  }
0x8f: {  	_ = 	snop  }
0x90: {  	(tm) =	ssettm $0x1  }
0x91: {  	s17 =	sld [smem:$0x3FFB];
	_ =	sdelay $0x3  }
0x92: {  	_ =	strace s17  }
0x93: {  	s2 =	sld [smem:$0x3FFC];
	_ =	sdelay $0x3  }
0x94: {  	_ =	strace s2  }
0x95: {  	s2 =	sld [smem:$0x3FFD];
	_ =	sdelay $0x3  }
0x96: {  	_ =	strace s2  }
0x97: {  	_ =	strace $0x8FFFFFFF  }
0x98: {  	s18 =	sld [smem:$0x3FDB];
	_ =	sdelay $0x1  }
0x99: {  	s19 =	simm.s32 $_scs_section_size  }
0x9a: {  	s4 =	simm.s32 $_size__tile_overlayer_lowered;
	s5 =	simm.s32 $_tile_overlayer_lowered  }
0x9b: {  	s22 =	simm.s32 $0x1BFF;
	s21 =	sshll.u32 s5, $0x1;
	s2 =	sadd.s32 s19, s18  }
0x9c: {  	s6 =	simm.s32 $0x0;
	s20 =	sshll.u32 s4, $0x1;
	s4 =	sadd.s32 s21, s2  }
0x9d: {  	[timem:s6], [sflag:s22] =	dma.local [hbm:s4], s20  }
0x9e: {  	_ =	swait.ge [sflag:s22], s20  }
0x9f: {  	s3 =	ssub.s32 $0x0, s20;
	[sflag:s22] =	ssyncset.done $0x0  }
0xa0: {  	[sflag:s22] =	ssyncadd.s32 s3;
	_ =	sdelay $0x1  }
0xa1: {  	s23 =	simm.s32 $0x1B8B  }
0xa2: {  	_ =	swait.ge [sflag:s23], $0x1  }
0xa3: {  	[sflag:s23] =	ssyncset.done $0x0  }
0xa4: {  	s25 =	simm.s32 $0x1B8E;
	s24 =	sld [smem:$0x3FFE];
	[sflag:s23] =	ssyncadd.s32 $0xFFFFFFFF  }
0xa5: {  	s26 =	simm.s32 $execute0_lowered;
	[smem:$0x3FD2] =	sst s25  }
0xa6: {  	s4 =	sshll.u32 s26, $0x1;
	_ =	strace $0x8000004C;
	[dreg:$0x1] =	wrdreg $0xFFFFFFFF  }
0xa7: {  	s28 =	simm.s32 $_size_execute0_lowered;
	s2 =	sadd.s32 s2, s4;
	[dreg:$0x0] =	wrdreg $0x0  }
0xa8: {  	s4 =	sshll.u32 s28, $0x1;
	[dreg:$0x2] =	wrdreg s2  }
0xa9: {  	[dreg:$0x3] =	wrdreg s4  }
0xaa: {  	[dreg:$0x4] =	wrdreg $0xC0  }
0xab: {  	_ =	task [dreg:s6], $0x5FFFF  }
0xac: {  	[dreg:$0x1] =	wrdreg $0xFFFFFFFF  }
0xad: {  	[dreg:$0x0] =	wrdreg $0x60  }
0xae: {  	[dreg:$0x2] =	wrdreg s24  }
0xaf: {  	[dreg:$0x3] =	wrdreg $0x122000  }
0xb0: {  	[dreg:$0x4] =	wrdreg $0x9  }
0xb1: {  	_ =	task.clear_ibuf [dreg:s6], $0x5FFFF;
	_ =	strace $0x9000004C  }
0xb2: {  	s29 =	simm.s32 $0x9;
	_ =	strace $0x8000004E  }
0xb3: {  	_ =	swait.ge [sflag:s29], $0x1  }
0xb4: {  	[sflag:s29] =	ssyncadd.s32 $0xFFFFFFFF  }
0xb5: {  	_ =	strace $0x9000004E  }
0xb6: {  	_ =	sfence  }
0xb7: {  	s30 =	sld [smem:$0x0];
	_ =	sdelay $0x2  }
0xb8: {  	s31 =	sshll.u32 s1, $0xD;
	s1 =	sshrl.u32 s1, $0x2  }
0xb9: {  	s3 =	sand.u32 $0x4000, s31;
	s1 =	sadd.s32 s1, s30  }
0xba: {  	s0 =	sor.u32 s3, s0;
	s1 =	sshll.u32 s1, $0x11  }
0xbb: {  	s0 =	sor.u32 s1, s0  }
0xbc: {  	s0 =	sadd.s32 $0x8F2B, s0  }
0xbd: {  	[sflag:s0] =	ssyncadd.remote.s32 $0x1  }
0xbe: {  	_ =	sfence.sel $0xFFFF  }
0xbf: {  	[dreg:$0x0] =	wrdreg $0xFFFFFFFF;
	(pc) =	sbr.abs _section_cstart, $3  }
0xc0: {  	[dreg:$0x1] =	wrdreg $0xFFFFFFFF  }
0xc1: {  	_ =	task.clear_ibuf [dreg:s6], $0x2FFFF;
	_ =	strace $0x9FFFFFFF  }
0xc2: {  	(tm) =	ssettm $0x7FFFFFFF  }
0xc3: {  	_ =	shalt  }
tec
execute0_lowered:
.L_overlay_start_1:
0x0: {  	(tag) =	ssettag $0x1  }
0x1: {  	s0 =	rddreg [dreg:$0x0]  }
0x2: {  	s2 =	rddreg [dreg:$0x1]  }
0x3: {  	s12 =	stileid.u32;
	s1 =	srdreg.scid  }
0x4: {  	s3 =	simm.s32 $0x0;
	s14 =	simm.s32 $0x50;
	s15 =	simm.s32 $0x8200  }
0x5: {  	s17 =	simm.s32 $0xAA00;
	s18 =	simm.s32 $0x1;
	s19 =	simm.s32 $0x8000  }
0x6: {  	s20 =	simm.s32 $0xD200;
	s21 =	simm.s32 $0x2;
	s28 =	simm.s32 $0x5  }
0x7: {  	s29 =	simm.s32 $0x4;
	s30 =	simm.s32 $0x8180;
	s5 =	smul.u32 $0x1500, s12  }
0x8: {  	s31 =	simm.s32 $0x6;
	s1 =	sand.u32 $0x1, s1;
	s7 =	smul.u32 $0x140, s12  }
0x9: {  	[smem:$0x7FF] =	sst s3;
	s6 =	sshll.u32 s12, $0xB;
	s8 =	smul.u32 $0x2A000, s12  }
0xa: {  	s4 =	sadd.s32 $0x77600, s0;
	s10 =	smul.u32 $0x28000, s12;
	s26 =	sshll.u32 s12, $0x6  }
0xb: {  	s11 =	smul.u32 $0x1400, s1;
	_ =	strace $0x8000004D;
	s6 =	sadd.s32 s6, s0  }
0xc: {  	s1 =	ssub.s32 $0x2, s1;
	s12 =	sor.u32 $0x1C09, s26;
	s26 =	simm.s32 $0x8100  }
0xd: {  	s5 =	sadd.s32 s5, s0;
	s9 =	sshrl.u32 s1, $0x1;
	s22 =	sadd.s32 $0x52600, s6  }
0xe: {  	s6 =	sadd.s32 $0x5A600, s6;
	s23 =	sshrl.u32 s8, $0x2;
	s24 =	sshrl.u32 s10, $0x2  }
0xf: {  	s10 =	simm.s32 $0x9;
	s7 =	sadd.s32 s7, s11;
	[dreg:$0x3] =	wrdreg s22  }
0x10: {  	s1 =	ssub.s32 s1, s9;
	[dreg:$0x4] =	wrdreg s6;
	s13 =	sadd.s32 s23, s2  }
.Ltmp0:
0x11: {  	s25 =	sadd.s32 s24, s2;
	s22 =	simm.s32 $0x8080;
	(pc) =	sbr.rel .LBB2_1-.Ltmp0, $4  }
0x12: {  	s23 =	simm.s32 $0xFA00;
	v0 =	vmov s11;
	s11 =	simm.s32 $0x0;
	s7 =	sshll.u32 s7, $0x4  }
0x13: {  	s9 =	smax.u32 s1, $0x1;
	s13 =	sshrl.u32 s13, $0x3;
	s24 =	sshrl.u32 s25, $0x3  }
0x14: {  	s25 =	simm.s32 $0x3;
	s1 =	simm.s32 $0x8;
	s0 =	sadd.s32 s7, s0  }
0x15: {  	s7 =	sadd.s32 $0x62600, s5;
	s8 =	sadd.s32 $0xC5A00, s0;
	s0 =	simm.s32 $0x7  }
.LBB2_4:
0x16: {  	_ =	swait.ge [sflag:s18], $0x2800  }
0x17: {  	[sflag:s18] =	ssyncset.done $0x0  }
0x18: {  	[sflag:s18] =	ssyncadd.s32 $0xFFFFD800  }
0x19: {  	v1 =	vld [tilespmem:$0x7E00]  }
0x1a: {  	v2 =	vld [tilespmem:$0x7E10]  }
0x1b: {  	v3 =	vld [tilespmem:$0x7E20]  }
0x1c: {  	v5 =	vld [tilespmem:$0x7E30]  }
0x1d: {  	v7 =	vld [tilespmem:$0x7E40];
	_ =	sdelay $0x2  }
0x1e: {  	v4 =	vsub.s32 v1, v0;
	v1 =	vand.u32 $0xFF, v1;
	v6 =	vsub.s32 v2, v0  }
0x1f: {  	v2 =	vand.u32 $0xFF, v2;
	v61 =	vsub.s32 v3, v0;
	v3 =	vand.u32 $0xFF, v3  }
0x20: {  	v62 =	vsub.s32 v5, v0;
	v63 =	vand.u32 $0xFF, v7;
	vm0 =	vlt.u32 v4, $0x1400  }
0x21: {  	v1 =	vor.u32 $0x1400, v1;
	vm12 =	vlt.u32 v6, $0x1400;
	v2 =	vor.u32 $0x1400, v2  }
0x22: {  	vm13 =	vlt.u32 v61, $0x1400;
	v3 =	vor.u32 $0x1400, v3;
	v1 =	vsel vm0, v4, v1  }
0x23: {  	v2 =	vsel vm12, v6, v2;
	[tilespmem:$0x8000] =	vst v1;
	v1 =	vsel vm13, v61, v3;
	v3 =	vand.u32 $0xFF, v5  }
0x24: {  	vm14 =	vlt.u32 v62, $0x1400;
	[tilespmem:$0x8010] =	vst v2;
	v2 =	vor.u32 $0x1400, v3;
	v3 =	vsub.s32 v7, v0  }
0x25: {  	[tilespmem:$0x8020] =	vst v1;
	v1 =	vsel vm14, v62, v2;
	vm15 =	vlt.u32 v3, $0x1400;
	v2 =	vor.u32 $0x1400, v63  }
0x26: {  	[tilespmem:$0x8030] =	vst v1;
	v1 =	vsel vm15, v3, v2  }
0x27: {  	[tilespmem:$0x8040] =	vst v1  }
0x28: {  	[spmem:s2] =	stream.indirect.scatter.add.f32 [tilespmem:s15], [sflag:$0x5], $0x80, s19, s14, $0xb8;
	[tilespmem:$0x1CA00] =	vst v63  }
0x29: {  	_ =	swait.ge [sflag:s28], $0x2800  }
0x2a: {  	[sflag:s28] =	ssyncset.done $0x0  }
0x2b: {  	[sflag:s28] =	ssyncadd.s32 $0xFFFFD800  }
0x2c: {  	_ =	swait.ge [sflag:s31], $0x2800  }
0x2d: {  	[sflag:s31] =	ssyncset.done $0x0  }
0x2e: {  	[sflag:s31] =	ssyncadd.s32 $0xFFFFD800  }
0x2f: {  	_ =	swait.ge [sflag:s0], $0x2800  }
0x30: {  	[sflag:s0] =	ssyncset.done $0x0  }
0x31: {  	[sflag:s0] =	ssyncadd.s32 $0xFFFFD800  }
0x32: {  	_ =	swait.ge [sflag:s1], $0x2800  }
0x33: {  	[sflag:s1] =	ssyncset.done $0x0  }
0x34: {  	s11 =	sadd.s32 $0x1, s11;
	[sflag:s1] =	ssyncadd.s32 $0xFFFFD800  }
0x35: {  	p0 =	sne.s32 s11, s9;
	[bflag:$0x0] =	sbarrier.arrive $0xFFFF  }
0x36: {  	[hbm:s8], [sflag:s12] =	dma.local [spmem:s24], $0x1400  }
.Ltmp1:
0x37: {  	_ =	swait.ge [sflag:s10], $0x1400;
	(pc) =	sbr.rel @!p0 .LBB2_5-.Ltmp1, $3  }
0x38: {  	[sflag:s10] =	ssyncset.done $0x0  }
0x39: {  	[sflag:s10] =	ssyncadd.s32 $0xFFFFEC00  }
0x3a: {  	[bflag:$0x0] =	sbarrier.arrive $0xFFFF;
	_ =	sdelay $0x1  }
.LBB2_1:
0x3b: {  	s5 =	rddreg [dreg:$0x3]  }
0x3c: {  	[tilespmem:s3], [sflag:$0x9] =	stream.linear.gather [hbm4b:s5+s3], $0x3E80, $0x38;
	[tilespmem:$0x1CA00] =	vst v63  }
0x3d: {  	_ =	swait.ge [sflag:s10], $0x3E80  }
0x3e: {  	[sflag:s10] =	ssyncset.done $0x0  }
0x3f: {  	s6 =	simm.s32 $0x4000;
	s16 =	rddreg [dreg:$0x4];
	[sflag:s10] =	ssyncadd.s32 $0xFFFFC180  }
0x40: {  	[tilespmem:s6], [sflag:$0x9] =	stream.linear.gather [hbm4b:s16+s3], $0x3E80, $0x38;
	[tilespmem:$0x1CA00] =	vst v63  }
0x41: {  	_ =	swait.ge [sflag:s10], $0x3E80  }
0x42: {  	[sflag:s10] =	ssyncset.done $0x0  }
0x43: {  	[sflag:s10] =	ssyncadd.s32 $0xFFFFC180  }
0x44: {  	[spmem:s13], [sflag:s12] =	dma.local [hbm:s7], $0x1500  }
0x45: {  	_ =	swait.ge [sflag:s10], $0x1500  }
0x46: {  	[sflag:s10] =	ssyncset.done $0x0  }
0x47: {  	[sflag:s10] =	ssyncadd.s32 $0xFFFFEB00  }
0x48: {  	[bflag:$0x0] =	sbarrier.arrive $0xFFFF  }
0x49: {  	[tilespmem:s15], [sflag:$0x1] =	stream.indirect.gather [hbm4b:s4+s14], $0x80, s3, s14, $0xb8;
	[tilespmem:$0x1CA00] =	vst v63  }
0x4a: {  	s16 =	simm.s32 $0x80  }
0x4b: {  	[tilespmem:s17], [sflag:$0x2] =	stream.indirect.gather [hbm4b:s4+s14], $0x80, s16, s14, $0xb8;
	[tilespmem:$0x1CA00] =	vst v63  }
0x4c: {  	s16 =	simm.s32 $0x0  }
.LBB2_2:
0x4d: {  	_ =	swait.ge [sflag:s18], $0x2800  }
0x4e: {  	[sflag:s18] =	ssyncset.done $0x0  }
0x4f: {  	s5 =	sshra.s32 s16, $0x2;
	[sflag:s18] =	ssyncadd.s32 $0xFFFFD800  }
0x50: {  	v1 =	vld [tilespmem:s5+$0x4000];
	_ =	sdelay $0x4  }
0x51: {  	v2 =	vsub.s32 v1, v0;
	v1 =	vand.u32 $0xFF, v1  }
0x52: {  	vm0 =	vlt.u32 v2, $0x1400;
	v1 =	vor.u32 $0x1400, v1  }
0x53: {  	v1 =	vsel vm0, v2, v1  }
0x54: {  	[tilespmem:$0x8000] =	vst v1  }
0x55: {  	v1 =	vld [tilespmem:s5+$0x4010];
	_ =	sdelay $0x4  }
0x56: {  	v2 =	vsub.s32 v1, v0;
	v1 =	vand.u32 $0xFF, v1  }
0x57: {  	vm9 =	vlt.u32 v2, $0x1400;
	v1 =	vor.u32 $0x1400, v1  }
0x58: {  	v1 =	vsel vm9, v2, v1  }
0x59: {  	[tilespmem:$0x8010] =	vst v1  }
0x5a: {  	v1 =	vld [tilespmem:s5+$0x4020];
	_ =	sdelay $0x4  }
0x5b: {  	v2 =	vsub.s32 v1, v0;
	v1 =	vand.u32 $0xFF, v1  }
0x5c: {  	vm10 =	vlt.u32 v2, $0x1400;
	v1 =	vor.u32 $0x1400, v1  }
0x5d: {  	v1 =	vsel vm10, v2, v1  }
0x5e: {  	[tilespmem:$0x8020] =	vst v1  }
0x5f: {  	v1 =	vld [tilespmem:s5+$0x4030];
	_ =	sdelay $0x4  }
0x60: {  	v2 =	vsub.s32 v1, v0;
	v1 =	vand.u32 $0xFF, v1  }
0x61: {  	vm11 =	vlt.u32 v2, $0x1400;
	v1 =	vor.u32 $0x1400, v1  }
0x62: {  	v1 =	vsel vm11, v2, v1  }
0x63: {  	[tilespmem:$0x8030] =	vst v1  }
0x64: {  	v1 =	vld [tilespmem:s5+$0x4040];
	_ =	sdelay $0x4  }
0x65: {  	v2 =	vsub.s32 v1, v0;
	v1 =	vand.u32 $0xFF, v1  }
0x66: {  	vm12 =	vlt.u32 v2, $0x1400;
	v1 =	vor.u32 $0x1400, v1  }
0x67: {  	p0 =	seq.s32 s16, $0x0;
	v1 =	vsel vm12, v2, v1  }
0x68: {  	s6 =	simm.s32 @!p0 $0x7;
	[tilespmem:$0x8040] =	vst v1  }
0x69: {  	[spmem:s2] =	stream.indirect.scatter.add.f32 [tilespmem:s15], [sflag:$0x5], $0x80, s19, s14, $0xb8;
	[tilespmem:$0x1CA00] =	vst v63  }
0x6a: {  	_ =	swait.ge @!p0 [sflag:s6], $0x2800  }
0x6b: {  	[sflag:s6] =	ssyncset.done @!p0 $0x0  }
0x6c: {  	[sflag:s6] =	ssyncadd.s32 @!p0 $0xFFFFD800;
	s6 =	sadd.s32 $0x100, s5  }
0x6d: {  	[tilespmem:s20], [sflag:$0x3] =	stream.indirect.gather [hbm4b:s4+s14], $0x80, s6, s14, $0xb8;
	[tilespmem:$0x1CA00] =	vst v63  }
0x6e: {  	_ =	swait.ge [sflag:s21], $0x2800  }
0x6f: {  	[sflag:s21] =	ssyncset.done $0x0  }
0x70: {  	[sflag:s21] =	ssyncadd.s32 $0xFFFFD800  }
0x71: {  	v1 =	vld [tilespmem:s5+$0x4080];
	_ =	sdelay $0x4  }
0x72: {  	v2 =	vsub.s32 v1, v0;
	v1 =	vand.u32 $0xFF, v1  }
0x73: {  	vm13 =	vlt.u32 v2, $0x1400;
	v1 =	vor.u32 $0x1400, v1  }
0x74: {  	v1 =	vsel vm13, v2, v1  }
0x75: {  	[tilespmem:$0x8080] =	vst v1  }
0x76: {  	v1 =	vld [tilespmem:s5+$0x4090];
	_ =	sdelay $0x4  }
0x77: {  	v2 =	vsub.s32 v1, v0;
	v1 =	vand.u32 $0xFF, v1  }
0x78: {  	vm14 =	vlt.u32 v2, $0x1400;
	v1 =	vor.u32 $0x1400, v1  }
0x79: {  	v1 =	vsel vm14, v2, v1  }
0x7a: {  	[tilespmem:$0x8090] =	vst v1  }
0x7b: {  	v1 =	vld [tilespmem:s5+$0x40A0];
	_ =	sdelay $0x4  }
0x7c: {  	v2 =	vsub.s32 v1, v0;
	v1 =	vand.u32 $0xFF, v1  }
0x7d: {  	vm15 =	vlt.u32 v2, $0x1400;
	v1 =	vor.u32 $0x1400, v1  }
0x7e: {  	v1 =	vsel vm15, v2, v1  }
0x7f: {  	[tilespmem:$0x80A0] =	vst v1  }
0x80: {  	v1 =	vld [tilespmem:s5+$0x40B0];
	_ =	sdelay $0x4  }
0x81: {  	v2 =	vsub.s32 v1, v0;
	v1 =	vand.u32 $0xFF, v1  }
0x82: {  	vm4 =	vlt.u32 v2, $0x1400;
	v1 =	vor.u32 $0x1400, v1  }
0x83: {  	v1 =	vsel vm4, v2, v1  }
0x84: {  	[tilespmem:$0x80B0] =	vst v1  }
0x85: {  	v1 =	vld [tilespmem:s5+$0x40C0];
	_ =	sdelay $0x4  }
0x86: {  	v2 =	vsub.s32 v1, v0;
	v1 =	vand.u32 $0xFF, v1  }
0x87: {  	vm5 =	vlt.u32 v2, $0x1400;
	v1 =	vor.u32 $0x1400, v1  }
0x88: {  	v1 =	vsel vm5, v2, v1  }
0x89: {  	s6 =	simm.s32 @!p0 $0x8;
	[tilespmem:$0x80C0] =	vst v1  }
0x8a: {  	[spmem:s2] =	stream.indirect.scatter.add.f32 [tilespmem:s17], [sflag:$0x6], $0x80, s22, s14, $0xb8;
	[tilespmem:$0x1CA00] =	vst v63  }
0x8b: {  	_ =	swait.ge @!p0 [sflag:s6], $0x2800  }
0x8c: {  	[sflag:s6] =	ssyncset.done @!p0 $0x0  }
0x8d: {  	[sflag:s6] =	ssyncadd.s32 @!p0 $0xFFFFD800;
	s6 =	sadd.s32 $0x180, s5  }
0x8e: {  	[tilespmem:s23], [sflag:$0x4] =	stream.indirect.gather [hbm4b:s4+s14], $0x80, s6, s14, $0xb8;
	[tilespmem:$0x1CA00] =	vst v63  }
0x8f: {  	_ =	swait.ge [sflag:s25], $0x2800  }
0x90: {  	[sflag:s25] =	ssyncset.done $0x0  }
0x91: {  	[sflag:s25] =	ssyncadd.s32 $0xFFFFD800  }
0x92: {  	v1 =	vld [tilespmem:s5+$0x4100];
	_ =	sdelay $0x4  }
0x93: {  	v2 =	vsub.s32 v1, v0;
	v1 =	vand.u32 $0xFF, v1  }
0x94: {  	vm6 =	vlt.u32 v2, $0x1400;
	v1 =	vor.u32 $0x1400, v1  }
0x95: {  	v1 =	vsel vm6, v2, v1  }
0x96: {  	[tilespmem:$0x8100] =	vst v1  }
0x97: {  	v1 =	vld [tilespmem:s5+$0x4110];
	_ =	sdelay $0x4  }
0x98: {  	v2 =	vsub.s32 v1, v0;
	v1 =	vand.u32 $0xFF, v1  }
0x99: {  	vm7 =	vlt.u32 v2, $0x1400;
	v1 =	vor.u32 $0x1400, v1  }
0x9a: {  	v1 =	vsel vm7, v2, v1  }
0x9b: {  	[tilespmem:$0x8110] =	vst v1  }
0x9c: {  	v1 =	vld [tilespmem:s5+$0x4120];
	_ =	sdelay $0x4  }
0x9d: {  	v2 =	vsub.s32 v1, v0;
	v1 =	vand.u32 $0xFF, v1  }
0x9e: {  	vm8 =	vlt.u32 v2, $0x1400;
	v1 =	vor.u32 $0x1400, v1  }
0x9f: {  	v1 =	vsel vm8, v2, v1  }
0xa0: {  	[tilespmem:$0x8120] =	vst v1  }
0xa1: {  	v1 =	vld [tilespmem:s5+$0x4130];
	_ =	sdelay $0x4  }
0xa2: {  	v2 =	vsub.s32 v1, v0;
	v1 =	vand.u32 $0xFF, v1  }
0xa3: {  	vm9 =	vlt.u32 v2, $0x1400;
	v1 =	vor.u32 $0x1400, v1  }
0xa4: {  	v1 =	vsel vm9, v2, v1  }
0xa5: {  	[tilespmem:$0x8130] =	vst v1  }
0xa6: {  	v1 =	vld [tilespmem:s5+$0x4140];
	_ =	sdelay $0x4  }
0xa7: {  	v2 =	vsub.s32 v1, v0;
	v1 =	vand.u32 $0xFF, v1  }
0xa8: {  	vm10 =	vlt.u32 v2, $0x1400;
	v1 =	vor.u32 $0x1400, v1  }
0xa9: {  	v1 =	vsel vm10, v2, v1  }
0xaa: {  	[tilespmem:$0x8140] =	vst v1  }
0xab: {  	[spmem:s2] =	stream.indirect.scatter.add.f32 [tilespmem:s20], [sflag:$0x7], $0x80, s26, s14, $0xb8;
	[tilespmem:$0x1CA00] =	vst v63  }
0xac: {  	_ =	swait.ge [sflag:s28], $0x2800  }
0xad: {  	[sflag:s28] =	ssyncset.done $0x0  }
0xae: {  	s6 =	sadd.s32 $0x200, s5;
	[sflag:s28] =	ssyncadd.s32 $0xFFFFD800  }
0xaf: {  	[tilespmem:s15], [sflag:$0x1] =	stream.indirect.gather [hbm4b:s4+s14], $0x80, s6, s14, $0xb8;
	[tilespmem:$0x1CA00] =	vst v63  }
0xb0: {  	_ =	swait.ge [sflag:s29], $0x2800  }
0xb1: {  	[sflag:s29] =	ssyncset.done $0x0  }
0xb2: {  	[sflag:s29] =	ssyncadd.s32 $0xFFFFD800  }
0xb3: {  	v1 =	vld [tilespmem:s5+$0x4180];
	_ =	sdelay $0x4  }
0xb4: {  	v2 =	vsub.s32 v1, v0;
	v1 =	vand.u32 $0xFF, v1  }
0xb5: {  	vm11 =	vlt.u32 v2, $0x1400;
	v1 =	vor.u32 $0x1400, v1  }
0xb6: {  	v1 =	vsel vm11, v2, v1  }
0xb7: {  	[tilespmem:$0x8180] =	vst v1  }
0xb8: {  	v1 =	vld [tilespmem:s5+$0x4190];
	_ =	sdelay $0x4  }
0xb9: {  	v2 =	vsub.s32 v1, v0;
	v1 =	vand.u32 $0xFF, v1  }
0xba: {  	vm12 =	vlt.u32 v2, $0x1400;
	v1 =	vor.u32 $0x1400, v1  }
0xbb: {  	v1 =	vsel vm12, v2, v1  }
0xbc: {  	[tilespmem:$0x8190] =	vst v1  }
0xbd: {  	v1 =	vld [tilespmem:s5+$0x41A0];
	_ =	sdelay $0x4  }
0xbe: {  	v2 =	vsub.s32 v1, v0;
	v1 =	vand.u32 $0xFF, v1  }
0xbf: {  	vm13 =	vlt.u32 v2, $0x1400;
	v1 =	vor.u32 $0x1400, v1  }
0xc0: {  	v1 =	vsel vm13, v2, v1  }
0xc1: {  	[tilespmem:$0x81A0] =	vst v1  }
0xc2: {  	v1 =	vld [tilespmem:s5+$0x41B0];
	_ =	sdelay $0x4  }
0xc3: {  	v2 =	vsub.s32 v1, v0;
	v1 =	vand.u32 $0xFF, v1  }
0xc4: {  	vm14 =	vlt.u32 v2, $0x1400;
	v1 =	vor.u32 $0x1400, v1  }
0xc5: {  	v1 =	vsel vm14, v2, v1  }
0xc6: {  	[tilespmem:$0x81B0] =	vst v1  }
0xc7: {  	v1 =	vld [tilespmem:s5+$0x41C0];
	_ =	sdelay $0x3  }
0xc8: {  	p0 =	seq.s32 s16, $0xF000  }
.Ltmp2:
0xc9: {  	v2 =	vsub.s32 v1, v0;
	v1 =	vand.u32 $0xFF, v1;
	(pc) =	sbr.rel @p0 .LBB2_4-.Ltmp2, $4  }
0xca: {  	vm15 =	vlt.u32 v2, $0x1400;
	v1 =	vor.u32 $0x1400, v1  }
0xcb: {  	v1 =	vsel vm15, v2, v1  }
0xcc: {  	[tilespmem:$0x81C0] =	vst v1  }
0xcd: {  	[spmem:s2] =	stream.indirect.scatter.add.f32 [tilespmem:s23], [sflag:$0x8], $0x80, s30, s14, $0xb8;
	[tilespmem:$0x1CA00] =	vst v63  }
.Ltmp3:
0xce: {  	(pc) =	sbr.rel .LBB2_2-.Ltmp3, $4  }
0xcf: {  	_ =	swait.ge [sflag:s31], $0x2800  }
0xd0: {  	[sflag:s31] =	ssyncset.done $0x0  }
0xd1: {  	s5 =	sadd.s32 $0x280, s5;
	s16 =	sadd.s32 $0x800, s16;
	[sflag:s31] =	ssyncadd.s32 $0xFFFFD800  }
0xd2: {  	[tilespmem:s17], [sflag:$0x2] =	stream.indirect.gather [hbm4b:s4+s14], $0x80, s5, s14, $0xb8;
	[tilespmem:$0x1CA00] =	vst v63  }
.LBB2_5:
0xd3: {  	_ =	sfence.sel $0x180000  }
0xd4: {  	[bflag:$0x0] =	sbarrier.arrive $0xFFFF  }
0xd5: {  	_ =	strace $0x9000004D  }
0xd6: {  	s0 =	stileid.u32;
	[bflag:$0x2] =	sbarrier.arrive $0xFFFF  }
0xd7: {  	p0 =	sne.s32 s0, $0x0;
	s0 =	rddreg [dreg:$0x2]  }
0xd8: {  	s0 =	sadd.s32 @!p0 $0x100000, s0  }
0xd9: {  	[sflag:s0] =	ssyncadd.tile.s32 @!p0 $0x1;
	_ =	shalt  }
.Lfunc_end2:
_tile_overlayer_lowered:
.L_overlay_start_2:
0xda: {  	(tag) =	ssettag $0x2  }
0xdb: {  	s0 =	rddreg [dreg:$0x0];
	s2 =	stileid.u32  }
0xdc: {  	s1 =	rddreg [dreg:$0x1];
	p0 =	sne.s32 s2, $0x0  }
0xdd: {  	s3 =	rddreg [dreg:$0x2];
	[bflag:$0x3] =	sbarrier.arrive $0xFFFF;
	s2 =	simm.s32 @!p0 $0x1C09  }
0xde: {  	[timem:s3], [sflag:s2] =	dma.local @!p0 [hbm:s0], s1  }
0xdf: {  	s0 =	simm.s32 @!p0 $0x9  }
0xe0: {  	_ =	swait.ge @!p0 [sflag:s0], s1  }
0xe1: {  	s1 =	ssub.s32 @!p0 $0x0, s1;
	[sflag:s0] =	ssyncset.done @!p0 $0x0  }
0xe2: {  	[sflag:s0] =	ssyncadd.s32 @!p0 s1  }
0xe3: {  	[bflag:$0x3] =	sbarrier.arrive $0xFFFF  }
0xe4: {  	_ =	shalt  }

</sc_bundles>
